<compile_context>
chip_gen: v7x
topology: tpu7x:2x2x1
jax: 0.10.2.dev20260603
libtpu: 0.0.44.dev20260713+nightly
codegen_flags: <defaults>
</compile_context>

<pallas_src>
import jax
import jax.numpy as jnp
from jax import lax
from jax.experimental import pallas as pl
from jax.experimental.pallas import tpu as pltpu
from jax.experimental.pallas import tpu_sc as plsc

NUM_FIELDS = 26
FIELD_SIZE = 1000
EMBED_DIM = 64
PAD_DIM = 72
BATCH = 4096

NC, NS, LANES = 2, 16, 16
NW = NC * NS
B_PER_W = BATCH // NW
TOTAL = BATCH * NUM_FIELDS
DG = EMBED_DIM // 8


def _sc_body(xt_hbm, table_hbm, out_hbm, idx_v, gbuf0, gbuf1, gbuf2, gbuf3,
             tbuf0, tbuf1, semg0, semg1, semg2, semg3, semo0, semo1):
    wid = lax.axis_index("s") * NC + lax.axis_index("c")
    b0 = wid * B_PER_W

    pltpu.sync_copy(xt_hbm.at[:, pl.ds(b0, B_PER_W)], idx_v)

    def add_field(f, carry):
        off = f * FIELD_SIZE
        for g in range(B_PER_W // LANES):
            s = pl.ds(g * LANES, LANES)
            idx_v[f, s] = idx_v[f, s] + off
        return carry

    lax.fori_loop(0, NUM_FIELDS, add_field, 0)

    gbufs = (gbuf0, gbuf1, gbuf2, gbuf3)
    tbufs = (tbuf0, tbuf1)
    gsems = (semg0, semg1, semg2, semg3)
    osems = (semo0, semo1)
    lanes_iota = lax.iota(jnp.int32, LANES)

    def gather_field(f, p):
        return pltpu.async_copy(
            table_hbm.at[idx_v.at[f]], gbufs[p], gsems[p])

    def wait_gather(p):
        pltpu.make_async_copy(
            table_hbm.at[idx_v.at[0]], gbufs[p], gsems[p]).wait()

    row_vecs = [lanes_iota + (g * LANES) for g in range(B_PER_W // LANES)]

    def transpose_field_from(p, t):
        gbuf, tbuf = gbufs[p], tbufs[t]

        def body(d, carry):
            col = jnp.broadcast_to(d, (LANES,)).astype(jnp.int32)
            dg = d // 8
            dl = d % 8
            vs = [plsc.load_gather(gbuf, [row_vecs[g], col])
                  for g in range(B_PER_W // LANES)]
            for g, v in enumerate(vs):
                tbuf[dg, dl, pl.ds(g * LANES, LANES)] = v
            return carry

        lax.fori_loop(0, EMBED_DIM, body, 0, unroll=4)

    def out_field(f, p):
        return pltpu.async_copy(tbufs[p], out_hbm.at[f, :, wid], osems[p])

    def drain_out(p):
        pltpu.make_async_copy(tbufs[p], out_hbm.at[0, :, wid],
                              osems[p]).wait()

    for q in range(3):
        gather_field(q, q)

    def step(f, q):
        @pl.when(f + 3 < NUM_FIELDS)
        def _():
            gather_field(f + 3, (q + 3) % 4)

        wait_gather(q)

        @pl.when(f >= 2)
        def _():
            drain_out(q % 2)

        transpose_field_from(q, q % 2)
        out_field(f, q % 2)

    def group(g, carry):
        for q in range(4):
            step(4 * g + q, q)
        return carry

    lax.fori_loop(0, 24 // 4, group, 0)
    step(24, 0)
    step(25, 1)
    drain_out(0)
    drain_out(1)


@jax.jit
def _embed(x_t, table):
    mesh = plsc.VectorSubcoreMesh(
        core_axis_name="c", subcore_axis_name="s",
        num_cores=NC, num_subcores=NS)
    run = pl.kernel(
        _sc_body,
        out_type=jax.ShapeDtypeStruct((NUM_FIELDS, DG, NW, 8, 128),
                                      jnp.float32),
        mesh=mesh,
        scratch_types=[
            pltpu.VMEM((NUM_FIELDS, B_PER_W), jnp.int32),
            pltpu.VMEM((B_PER_W, PAD_DIM), jnp.float32),
            pltpu.VMEM((B_PER_W, PAD_DIM), jnp.float32),
            pltpu.VMEM((B_PER_W, PAD_DIM), jnp.float32),
            pltpu.VMEM((B_PER_W, PAD_DIM), jnp.float32),
            pltpu.VMEM((DG, 8, B_PER_W), jnp.float32),
            pltpu.VMEM((DG, 8, B_PER_W), jnp.float32),
            pltpu.SemaphoreType.DMA,
            pltpu.SemaphoreType.DMA,
            pltpu.SemaphoreType.DMA,
            pltpu.SemaphoreType.DMA,
            pltpu.SemaphoreType.DMA,
            pltpu.SemaphoreType.DMA,
        ],
        compiler_params=pltpu.CompilerParams(
            use_tc_tiling_on_sc=False, needs_layout_passes=False,
            disable_bounds_checks=True),
    )
    return run(x_t, table)


def kernel(x, table):
    out_phys = _embed(x.T, jnp.pad(table, ((0, 0), (0, PAD_DIM - EMBED_DIM))))
    return out_phys.transpose(2, 4, 0, 1, 3).reshape(
        BATCH, NUM_FIELDS, EMBED_DIM)

# --- scband reference (transcript-rebuilt; emitter-appended) ---
"""Pipeline reference for scband-features-embedding-33346126086767 (READ-ONLY COPY).

The authoritative reference and input builder live on the scoring server;
editing this copy changes nothing except your own understanding.
"""

import jax, jax.numpy as jnp
import numpy as np

FIELD_DIMS = [1000] * 26
EMBED_DIM = 64
OFFSETS = np.array((0, *np.cumsum(FIELD_DIMS)[:-1]), dtype=np.int32)


def setup_inputs(seed: int = 0) -> dict:
    key = jax.random.key(seed)
    k1, k2 = jax.random.split(key)
    x = jax.random.randint(k1, (4096, 26), 0, 1000, dtype=jnp.int32)
    n_rows = int(sum(FIELD_DIMS))
    # torch.nn.init.xavier_uniform_: bound = sqrt(6 / (fan_in + fan_out))
    bound = float(np.sqrt(6.0 / (n_rows + EMBED_DIM)))
    table = jax.random.uniform(k2, (n_rows, EMBED_DIM), minval=-bound, maxval=bound, dtype=jnp.float32)
    return {"x": x, "table": table}


def reference(x, table):
    # x: int[batch, num_fields]; add per-field offsets then embed
    idx = x + jnp.asarray(OFFSETS, dtype=x.dtype)[None, :]
    return jnp.take(table, idx, axis=0)

if __name__ == "__main__":
    import jax
    _d = setup_inputs()
    print(jax.jit(kernel)(*tuple(_d.values())))

</pallas_src>

<mosaic_0001>
#map = affine_map<(d0, d1) -> (0, 0)>
#map1 = affine_map<(d0, d1) -> (0, 0, 0, 0, 0)>
module attributes {stable_mosaic.version = 14 : i64} {
  func.func @_sc_body(%arg0: i32, %arg1: i32, %arg2: memref<26x4096xi32, #tpu.memory_space<hbm>>, %arg3: memref<26000x72xf32, #tpu.memory_space<hbm>>, %arg4: memref<26x8x32x8x128xf32, #tpu.memory_space<hbm>>, %arg5: memref<26x128xi32, #tpu.memory_space<vmem>>, %arg6: memref<128x72xf32, #tpu.memory_space<vmem>>, %arg7: memref<128x72xf32, #tpu.memory_space<vmem>>, %arg8: memref<128x72xf32, #tpu.memory_space<vmem>>, %arg9: memref<128x72xf32, #tpu.memory_space<vmem>>, %arg10: memref<8x8x128xf32, #tpu.memory_space<vmem>>, %arg11: memref<8x8x128xf32, #tpu.memory_space<vmem>>, %arg12: memref<!tpu.dma_semaphore, #tpu.memory_space<semaphore_mem>>, %arg13: memref<!tpu.dma_semaphore, #tpu.memory_space<semaphore_mem>>, %arg14: memref<!tpu.dma_semaphore, #tpu.memory_space<semaphore_mem>>, %arg15: memref<!tpu.dma_semaphore, #tpu.memory_space<semaphore_mem>>, %arg16: memref<!tpu.dma_semaphore, #tpu.memory_space<semaphore_mem>>, %arg17: memref<!tpu.dma_semaphore, #tpu.memory_space<semaphore_mem>>) attributes {dimension_semantics = [#tpu.dimension_semantics<core_parallel>, #tpu.dimension_semantics<subcore_parallel>], iteration_bounds = array<i64: 2, 16>, scalar_prefetch = 0 : i64, scratch_operands = 13 : i64, tpu.core_type = #tpu.core_type<sc_vector_subcore>, window_params = [{transform_indices = #map}, {transform_indices = #map}, {transform_indices = #map1}]} {
    %mul3A = arith.constant 2 : i32
    %mul3A_0 = arith.muli %arg1, %mul3A : i32
    %add3A = arith.addi %mul3A_0, %arg0 : i32
    %mul3A_1 = arith.constant 128 : i32
    %mul3A_2 = arith.muli %add3A, %mul3A_1 : i32
    "tpu.region"() ({
      %run_scoped3A = tpu.sem_alloc : memref<!tpu.dma_semaphore, #tpu.memory_space<semaphore_mem>>
      %dma_start3A_149 = arith.constant 0 : i32
      %dma_start3A_150 = tpu.memref_slice %arg2[%dma_start3A_149, %mul3A_2] : memref<26x4096xi32, #tpu.memory_space<hbm>> -> memref<26x128xi32, #tpu.memory_space<hbm>>
      %dma_start3A_151 = arith.constant 0 : i32
      %dma_start3A_152 = tpu.memref_slice %arg2[%dma_start3A_151, %mul3A_2] : memref<26x4096xi32, #tpu.memory_space<hbm>> -> memref<26x128xi32, #tpu.memory_space<hbm>>
      tpu.enqueue_dma source(%dma_start3A_152 : memref<26x128xi32, #tpu.memory_space<hbm>>) target(%arg5 : memref<26x128xi32, #tpu.memory_space<vmem>>) target_semaphore(%run_scoped3A : memref<!tpu.dma_semaphore, #tpu.memory_space<semaphore_mem>>)
      %dma_wait3A_153 = arith.constant 0 : i32
      %dma_wait3A_154 = tpu.memref_slice %arg2[%dma_wait3A_153, %mul3A_2] : memref<26x4096xi32, #tpu.memory_space<hbm>> -> memref<26x128xi32, #tpu.memory_space<hbm>>
      %dma_wait3A_155 = arith.constant 0 : i32
      %dma_wait3A_156 = tpu.memref_slice %arg2[%dma_wait3A_155, %mul3A_2] : memref<26x4096xi32, #tpu.memory_space<hbm>> -> memref<26x128xi32, #tpu.memory_space<hbm>>
      tpu.wait_dma2 semaphore(%run_scoped3A : memref<!tpu.dma_semaphore, #tpu.memory_space<semaphore_mem>>) src(%dma_wait3A_156 : memref<26x128xi32, #tpu.memory_space<hbm>>) dst(%arg5 : memref<26x128xi32, #tpu.memory_space<vmem>>)
      tpu.yield
    }) : () -> ()
    %scan3A = arith.constant 0 : i32
    %scan3A_3 = arith.constant 0 : i32
    %scan3A_4 = arith.constant 26 : i32
    %scan3A_5 = arith.addi %scan3A_3, %scan3A_4 : i32
    %scan3A_6 = arith.constant 1 : i32
    scf.for %scan3A_149 = %scan3A_3 to %scan3A_5 step %scan3A_6  : i32 {
      %mul3A_150 = arith.constant 1000 : i32
      %mul3A_151 = arith.muli %scan3A_149, %mul3A_150 : i32
      %get3A = arith.index_cast %scan3A_149 : i32 to index
      %get3A_152 = arith.constant 0 : index
      %get3A_153 = tpu.vector_load %arg5[%get3A, %get3A_152] {strides = array<i32>} : memref<26x128xi32, #tpu.memory_space<vmem>>, vector<16xi32>,
      %add3A_154 = vector.broadcast %mul3A_151 : i32 to vector<16xi32>
      %add3A_155 = arith.addi %get3A_153, %add3A_154 : vector<16xi32>
      %swap3A = arith.index_cast %scan3A_149 : i32 to index
      %swap3A_156 = arith.constant 0 : index
      %swap3A_157 = tpu.vector_load %arg5[%swap3A, %swap3A_156] {strides = array<i32>} : memref<26x128xi32, #tpu.memory_space<vmem>>, vector<16xi32>,
      tpu.vector_store %arg5[%swap3A, %swap3A_156], %add3A_155 {strides = array<i32>} : memref<26x128xi32, #tpu.memory_space<vmem>>, vector<16xi32>,
      %get3A_158 = arith.index_cast %scan3A_149 : i32 to index
      %get3A_159 = arith.constant 16 : index
      %get3A_160 = tpu.vector_load %arg5[%get3A_158, %get3A_159] {strides = array<i32>} : memref<26x128xi32, #tpu.memory_space<vmem>>, vector<16xi32>,
      %add3A_161 = vector.broadcast %mul3A_151 : i32 to vector<16xi32>
      %add3A_162 = arith.addi %get3A_160, %add3A_161 : vector<16xi32>
      %swap3A_163 = arith.index_cast %scan3A_149 : i32 to index
      %swap3A_164 = arith.constant 16 : index
      %swap3A_165 = tpu.vector_load %arg5[%swap3A_163, %swap3A_164] {strides = array<i32>} : memref<26x128xi32, #tpu.memory_space<vmem>>, vector<16xi32>,
      tpu.vector_store %arg5[%swap3A_163, %swap3A_164], %add3A_162 {strides = array<i32>} : memref<26x128xi32, #tpu.memory_space<vmem>>, vector<16xi32>,
      %get3A_166 = arith.index_cast %scan3A_149 : i32 to index
      %get3A_167 = arith.constant 32 : index
      %get3A_168 = tpu.vector_load %arg5[%get3A_166, %get3A_167] {strides = array<i32>} : memref<26x128xi32, #tpu.memory_space<vmem>>, vector<16xi32>,
      %add3A_169 = vector.broadcast %mul3A_151 : i32 to vector<16xi32>
      %add3A_170 = arith.addi %get3A_168, %add3A_169 : vector<16xi32>
      %swap3A_171 = arith.index_cast %scan3A_149 : i32 to index
      %swap3A_172 = arith.constant 32 : index
      %swap3A_173 = tpu.vector_load %arg5[%swap3A_171, %swap3A_172] {strides = array<i32>} : memref<26x128xi32, #tpu.memory_space<vmem>>, vector<16xi32>,
      tpu.vector_store %arg5[%swap3A_171, %swap3A_172], %add3A_170 {strides = array<i32>} : memref<26x128xi32, #tpu.memory_space<vmem>>, vector<16xi32>,
      %get3A_174 = arith.index_cast %scan3A_149 : i32 to index
      %get3A_175 = arith.constant 48 : index
      %get3A_176 = tpu.vector_load %arg5[%get3A_174, %get3A_175] {strides = array<i32>} : memref<26x128xi32, #tpu.memory_space<vmem>>, vector<16xi32>,
      %add3A_177 = vector.broadcast %mul3A_151 : i32 to vector<16xi32>
      %add3A_178 = arith.addi %get3A_176, %add3A_177 : vector<16xi32>
      %swap3A_179 = arith.index_cast %scan3A_149 : i32 to index
      %swap3A_180 = arith.constant 48 : index
      %swap3A_181 = tpu.vector_load %arg5[%swap3A_179, %swap3A_180] {strides = array<i32>} : memref<26x128xi32, #tpu.memory_space<vmem>>, vector<16xi32>,
      tpu.vector_store %arg5[%swap3A_179, %swap3A_180], %add3A_178 {strides = array<i32>} : memref<26x128xi32, #tpu.memory_space<vmem>>, vector<16xi32>,
      %get3A_182 = arith.index_cast %scan3A_149 : i32 to index
      %get3A_183 = arith.constant 64 : index
      %get3A_184 = tpu.vector_load %arg5[%get3A_182, %get3A_183] {strides = array<i32>} : memref<26x128xi32, #tpu.memory_space<vmem>>, vector<16xi32>,
      %add3A_185 = vector.broadcast %mul3A_151 : i32 to vector<16xi32>
      %add3A_186 = arith.addi %get3A_184, %add3A_185 : vector<16xi32>
      %swap3A_187 = arith.index_cast %scan3A_149 : i32 to index
      %swap3A_188 = arith.constant 64 : index
      %swap3A_189 = tpu.vector_load %arg5[%swap3A_187, %swap3A_188] {strides = array<i32>} : memref<26x128xi32, #tpu.memory_space<vmem>>, vector<16xi32>,
      tpu.vector_store %arg5[%swap3A_187, %swap3A_188], %add3A_186 {strides = array<i32>} : memref<26x128xi32, #tpu.memory_space<vmem>>, vector<16xi32>,
      %get3A_190 = arith.index_cast %scan3A_149 : i32 to index
      %get3A_191 = arith.constant 80 : index
      %get3A_192 = tpu.vector_load %arg5[%get3A_190, %get3A_191] {strides = array<i32>} : memref<26x128xi32, #tpu.memory_space<vmem>>, vector<16xi32>,
      %add3A_193 = vector.broadcast %mul3A_151 : i32 to vector<16xi32>
      %add3A_194 = arith.addi %get3A_192, %add3A_193 : vector<16xi32>
      %swap3A_195 = arith.index_cast %scan3A_149 : i32 to index
      %swap3A_196 = arith.constant 80 : index
      %swap3A_197 = tpu.vector_load %arg5[%swap3A_195, %swap3A_196] {strides = array<i32>} : memref<26x128xi32, #tpu.memory_space<vmem>>, vector<16xi32>,
      tpu.vector_store %arg5[%swap3A_195, %swap3A_196], %add3A_194 {strides = array<i32>} : memref<26x128xi32, #tpu.memory_space<vmem>>, vector<16xi32>,
      %get3A_198 = arith.index_cast %scan3A_149 : i32 to index
      %get3A_199 = arith.constant 96 : index
      %get3A_200 = tpu.vector_load %arg5[%get3A_198, %get3A_199] {strides = array<i32>} : memref<26x128xi32, #tpu.memory_space<vmem>>, vector<16xi32>,
      %add3A_201 = vector.broadcast %mul3A_151 : i32 to vector<16xi32>
      %add3A_202 = arith.addi %get3A_200, %add3A_201 : vector<16xi32>
      %swap3A_203 = arith.index_cast %scan3A_149 : i32 to index
      %swap3A_204 = arith.constant 96 : index
      %swap3A_205 = tpu.vector_load %arg5[%swap3A_203, %swap3A_204] {strides = array<i32>} : memref<26x128xi32, #tpu.memory_space<vmem>>, vector<16xi32>,
      tpu.vector_store %arg5[%swap3A_203, %swap3A_204], %add3A_202 {strides = array<i32>} : memref<26x128xi32, #tpu.memory_space<vmem>>, vector<16xi32>,
      %get3A_206 = arith.index_cast %scan3A_149 : i32 to index
      %get3A_207 = arith.constant 112 : index
      %get3A_208 = tpu.vector_load %arg5[%get3A_206, %get3A_207] {strides = array<i32>} : memref<26x128xi32, #tpu.memory_space<vmem>>, vector<16xi32>,
      %add3A_209 = vector.broadcast %mul3A_151 : i32 to vector<16xi32>
      %add3A_210 = arith.addi %get3A_208, %add3A_209 : vector<16xi32>
      %swap3A_211 = arith.index_cast %scan3A_149 : i32 to index
      %swap3A_212 = arith.constant 112 : index
      %swap3A_213 = tpu.vector_load %arg5[%swap3A_211, %swap3A_212] {strides = array<i32>} : memref<26x128xi32, #tpu.memory_space<vmem>>, vector<16xi32>,
      tpu.vector_store %arg5[%swap3A_211, %swap3A_212], %add3A_210 {strides = array<i32>} : memref<26x128xi32, #tpu.memory_space<vmem>>, vector<16xi32>,
    }
    %scan3A_7 = arith.constant 26 : i32
    %iota3A = tpu.iota {dimensions = array<i32: 0>} : vector<16xi32>
    %add3A_8 = arith.constant 0 : i32
    %add3A_9 = vector.broadcast %add3A_8 : i32 to vector<16xi32>
    %add3A_10 = arith.addi %iota3A, %add3A_9 : vector<16xi32>
    %add3A_11 = arith.constant 16 : i32
    %add3A_12 = vector.broadcast %add3A_11 : i32 to vector<16xi32>
    %add3A_13 = arith.addi %iota3A, %add3A_12 : vector<16xi32>
    %add3A_14 = arith.constant 32 : i32
    %add3A_15 = vector.broadcast %add3A_14 : i32 to vector<16xi32>
    %add3A_16 = arith.addi %iota3A, %add3A_15 : vector<16xi32>
    %add3A_17 = arith.constant 48 : i32
    %add3A_18 = vector.broadcast %add3A_17 : i32 to vector<16xi32>
    %add3A_19 = arith.addi %iota3A, %add3A_18 : vector<16xi32>
    %add3A_20 = arith.constant 64 : i32
    %add3A_21 = vector.broadcast %add3A_20 : i32 to vector<16xi32>
    %add3A_22 = arith.addi %iota3A, %add3A_21 : vector<16xi32>
    %add3A_23 = arith.constant 80 : i32
    %add3A_24 = vector.broadcast %add3A_23 : i32 to vector<16xi32>
    %add3A_25 = arith.addi %iota3A, %add3A_24 : vector<16xi32>
    %add3A_26 = arith.constant 96 : i32
    %add3A_27 = vector.broadcast %add3A_26 : i32 to vector<16xi32>
    %add3A_28 = arith.addi %iota3A, %add3A_27 : vector<16xi32>
    %add3A_29 = arith.constant 112 : i32
    %add3A_30 = vector.broadcast %add3A_29 : i32 to vector<16xi32>
    %add3A_31 = arith.addi %iota3A, %add3A_30 : vector<16xi32>
    %dma_start3A = arith.constant 0 : i32
    %dma_start3A_32 = arith.constant 0 : i32
    %dma_start3A_33 = tpu.memref_slice %arg5[%dma_start3A, %dma_start3A_32] : memref<26x128xi32, #tpu.memory_space<vmem>> -> memref<1x128xi32, #tpu.memory_space<vmem>>
    %dma_start3A_34 = tpu.memref_squeeze %dma_start3A_33 : memref<1x128xi32, #tpu.memory_space<vmem>> -> memref<128xi32, #tpu.memory_space<vmem>>
    %dma_start3A_35 = arith.constant 0 : i32
    %dma_start3A_36 = arith.constant 0 : i32
    %dma_start3A_37 = tpu.memref_slice %arg3[%dma_start3A_35, %dma_start3A_36] : memref<26000x72xf32, #tpu.memory_space<hbm>> -> memref<26000x72xf32, #tpu.memory_space<hbm>>
    tpu.enqueue_indirect_dma source(%dma_start3A_37 : memref<26000x72xf32, #tpu.memory_space<hbm>>) target(%arg6 : memref<128x72xf32, #tpu.memory_space<vmem>>) offsets(%dma_start3A_34 : memref<128xi32, #tpu.memory_space<vmem>>) semaphore(%arg12 : memref<!tpu.dma_semaphore, #tpu.memory_space<semaphore_mem>>)
    %dma_start3A_38 = arith.constant 1 : i32
    %dma_start3A_39 = arith.constant 0 : i32
    %dma_start3A_40 = tpu.memref_slice %arg5[%dma_start3A_38, %dma_start3A_39] : memref<26x128xi32, #tpu.memory_space<vmem>> -> memref<1x128xi32, #tpu.memory_space<vmem>>
    %dma_start3A_41 = tpu.memref_squeeze %dma_start3A_40 : memref<1x128xi32, #tpu.memory_space<vmem>> -> memref<128xi32, #tpu.memory_space<vmem>>
    %dma_start3A_42 = arith.constant 0 : i32
    %dma_start3A_43 = arith.constant 0 : i32
    %dma_start3A_44 = tpu.memref_slice %arg3[%dma_start3A_42, %dma_start3A_43] : memref<26000x72xf32, #tpu.memory_space<hbm>> -> memref<26000x72xf32, #tpu.memory_space<hbm>>
    tpu.enqueue_indirect_dma source(%dma_start3A_44 : memref<26000x72xf32, #tpu.memory_space<hbm>>) target(%arg7 : memref<128x72xf32, #tpu.memory_space<vmem>>) offsets(%dma_start3A_41 : memref<128xi32, #tpu.memory_space<vmem>>) semaphore(%arg13 : memref<!tpu.dma_semaphore, #tpu.memory_space<semaphore_mem>>)
    %dma_start3A_45 = arith.constant 2 : i32
    %dma_start3A_46 = arith.constant 0 : i32
    %dma_start3A_47 = tpu.memref_slice %arg5[%dma_start3A_45, %dma_start3A_46] : memref<26x128xi32, #tpu.memory_space<vmem>> -> memref<1x128xi32, #tpu.memory_space<vmem>>
    %dma_start3A_48 = tpu.memref_squeeze %dma_start3A_47 : memref<1x128xi32, #tpu.memory_space<vmem>> -> memref<128xi32, #tpu.memory_space<vmem>>
    %dma_start3A_49 = arith.constant 0 : i32
    %dma_start3A_50 = arith.constant 0 : i32
    %dma_start3A_51 = tpu.memref_slice %arg3[%dma_start3A_49, %dma_start3A_50] : memref<26000x72xf32, #tpu.memory_space<hbm>> -> memref<26000x72xf32, #tpu.memory_space<hbm>>
    tpu.enqueue_indirect_dma source(%dma_start3A_51 : memref<26000x72xf32, #tpu.memory_space<hbm>>) target(%arg8 : memref<128x72xf32, #tpu.memory_space<vmem>>) offsets(%dma_start3A_48 : memref<128xi32, #tpu.memory_space<vmem>>) semaphore(%arg14 : memref<!tpu.dma_semaphore, #tpu.memory_space<semaphore_mem>>)
    %scan3A_52 = arith.constant 0 : i32
    %scan3A_53 = arith.constant 0 : i32
    %scan3A_54 = arith.constant 6 : i32
    %scan3A_55 = arith.addi %scan3A_53, %scan3A_54 : i32
    %scan3A_56 = arith.constant 1 : i32
    scf.for %scan3A_149 = %scan3A_53 to %scan3A_55 step %scan3A_56  : i32 {
      %mul3A_150 = arith.constant 4 : i32
      %mul3A_151 = arith.muli %mul3A_150, %scan3A_149 : i32
      %add3A_152 = arith.constant 0 : i32
      %add3A_153 = arith.addi %mul3A_151, %add3A_152 : i32
      %add3A_154 = arith.constant 3 : i32
      %add3A_155 = arith.addi %add3A_153, %add3A_154 : i32
      %lt3A = arith.constant 26 : i32
      %lt3A_156 = arith.cmpi slt, %add3A_155, %lt3A : i32
      %convert_element_type3A = arith.extui %lt3A_156 : i1 to i32
      %cond3A = arith.constant 0 : i32
      %cond3A_157 = arith.cmpi ne, %convert_element_type3A, %cond3A : i32
      scf.if %cond3A_157 {
        %add3A_302 = arith.constant 3 : i32
        %add3A_303 = arith.addi %add3A_153, %add3A_302 : i32
        %dma_start3A_304 = arith.constant 0 : i32
        %dma_start3A_305 = tpu.memref_slice %arg5[%add3A_303, %dma_start3A_304] : memref<26x128xi32, #tpu.memory_space<vmem>> -> memref<1x128xi32, #tpu.memory_space<vmem>>
        %dma_start3A_306 = tpu.memref_squeeze %dma_start3A_305 : memref<1x128xi32, #tpu.memory_space<vmem>> -> memref<128xi32, #tpu.memory_space<vmem>>
        %dma_start3A_307 = arith.constant 0 : i32
        %dma_start3A_308 = arith.constant 0 : i32
        %dma_start3A_309 = tpu.memref_slice %arg3[%dma_start3A_307, %dma_start3A_308] : memref<26000x72xf32, #tpu.memory_space<hbm>> -> memref<26000x72xf32, #tpu.memory_space<hbm>>
        tpu.enqueue_indirect_dma source(%dma_start3A_309 : memref<26000x72xf32, #tpu.memory_space<hbm>>) target(%arg9 : memref<128x72xf32, #tpu.memory_space<vmem>>) offsets(%dma_start3A_306 : memref<128xi32, #tpu.memory_space<vmem>>) semaphore(%arg15 : memref<!tpu.dma_semaphore, #tpu.memory_space<semaphore_mem>>)
      } else {
      }
      %dma_wait3A_158 = arith.constant 0 : i32
      %dma_wait3A_159 = arith.constant 0 : i32
      %dma_wait3A_160 = tpu.memref_slice %arg5[%dma_wait3A_158, %dma_wait3A_159] : memref<26x128xi32, #tpu.memory_space<vmem>> -> memref<1x128xi32, #tpu.memory_space<vmem>>
      %dma_wait3A_161 = tpu.memref_squeeze %dma_wait3A_160 : memref<1x128xi32, #tpu.memory_space<vmem>> -> memref<128xi32, #tpu.memory_space<vmem>>
      %dma_wait3A_162 = arith.constant 0 : i32
      %dma_wait3A_163 = arith.constant 0 : i32
      %dma_wait3A_164 = tpu.memref_slice %arg3[%dma_wait3A_162, %dma_wait3A_163] : memref<26000x72xf32, #tpu.memory_space<hbm>> -> memref<26000x72xf32, #tpu.memory_space<hbm>>
      tpu.wait_indirect_dma semaphore(%arg12 : memref<!tpu.dma_semaphore, #tpu.memory_space<semaphore_mem>>) src(%dma_wait3A_164 : memref<26000x72xf32, #tpu.memory_space<hbm>>) dst(%arg6 : memref<128x72xf32, #tpu.memory_space<vmem>>)
      %ge3A = arith.constant 2 : i32
      %ge3A_165 = arith.cmpi sge, %add3A_153, %ge3A : i32
      %convert_element_type3A_166 = arith.extui %ge3A_165 : i1 to i32
      %cond3A_167 = arith.constant 0 : i32
      %cond3A_168 = arith.cmpi ne, %convert_element_type3A_166, %cond3A_167 : i32
      scf.if %cond3A_168 {
        %dma_wait3A_302 = arith.constant 0 : i32
        %dma_wait3A_303 = arith.constant 0 : i32
        %dma_wait3A_304 = arith.constant 0 : i32
        %dma_wait3A_305 = arith.constant 0 : i32
        %dma_wait3A_306 = tpu.memref_slice %arg4[%dma_wait3A_302, %dma_wait3A_303, %add3A, %dma_wait3A_304, %dma_wait3A_305] : memref<26x8x32x8x128xf32, #tpu.memory_space<hbm>> -> memref<1x8x1x8x128xf32, #tpu.memory_space<hbm>>
        %dma_wait3A_307 = tpu.memref_squeeze %dma_wait3A_306 : memref<1x8x1x8x128xf32, #tpu.memory_space<hbm>> -> memref<8x8x128xf32, #tpu.memory_space<hbm>>
        %dma_wait3A_308 = arith.constant 0 : i32
        %dma_wait3A_309 = arith.constant 0 : i32
        %dma_wait3A_310 = arith.constant 0 : i32
        %dma_wait3A_311 = tpu.memref_slice %arg4[%dma_wait3A_302, %dma_wait3A_308, %add3A, %dma_wait3A_309, %dma_wait3A_310] : memref<26x8x32x8x128xf32, #tpu.memory_space<hbm>> -> memref<1x8x1x8x128xf32, #tpu.memory_space<hbm>>
        %dma_wait3A_312 = tpu.memref_squeeze %dma_wait3A_311 : memref<1x8x1x8x128xf32, #tpu.memory_space<hbm>> -> memref<8x8x128xf32, #tpu.memory_space<hbm>>
        tpu.wait_dma2 semaphore(%arg16 : memref<!tpu.dma_semaphore, #tpu.memory_space<semaphore_mem>>) src(%arg10 : memref<8x8x128xf32, #tpu.memory_space<vmem>>) dst(%dma_wait3A_312 : memref<8x8x128xf32, #tpu.memory_space<hbm>>)
      } else {
      }
      %scan3A_169 = arith.constant 0 : i32
      %scan3A_170 = arith.constant 0 : i32
      %scan3A_171 = arith.constant 64 : i32
      %scan3A_172 = arith.addi %scan3A_170, %scan3A_171 : i32
      %scan3A_173 = arith.constant 4 : i32
      scf.for %scan3A_302 = %scan3A_170 to %scan3A_172 step %scan3A_173  : i32 {
        %broadcast_in_dim3A = vector.broadcast %scan3A_302 : i32 to vector<16xi32>
        %jit3A = arith.constant 8 : i32
        %div3A = arith.divsi %scan3A_302, %jit3A : i32
        %sign3A = arith.constant 0 : i32
        %sign3A_303 = arith.cmpi sgt, %scan3A_302, %sign3A : i32
        %sign3A_304 = arith.extui %sign3A_303 : i1 to i32
        %sign3A_305 = arith.constant 0 : i32
        %sign3A_306 = arith.cmpi slt, %scan3A_302, %sign3A_305 : i32
        %sign3A_307 = arith.extui %sign3A_306 : i1 to i32
        %sign3A_308 = arith.subi %sign3A_304, %sign3A_307 : i32
        %sign3A_309 = arith.constant 0 : i32
        %sign3A_310 = arith.cmpi sgt, %jit3A, %sign3A_309 : i32
        %sign3A_311 = arith.extui %sign3A_310 : i1 to i32
        %sign3A_312 = arith.constant 0 : i32
        %sign3A_313 = arith.cmpi slt, %jit3A, %sign3A_312 : i32
        %sign3A_314 = arith.extui %sign3A_313 : i1 to i32
        %sign3A_315 = arith.subi %sign3A_311, %sign3A_314 : i32
        %ne3A = arith.cmpi ne, %sign3A_308, %sign3A_315 : i32
        %rem3A = arith.remsi %scan3A_302, %jit3A : i32
        %ne3A_316 = arith.constant 0 : i32
        %ne3A_317 = arith.cmpi ne, %rem3A, %ne3A_316 : i32
        %and3A = arith.andi %ne3A, %ne3A_317 : i1
        %sub3A = arith.constant 1 : i32
        %sub3A_318 = arith.subi %div3A, %sub3A : i32
        %select_n3A = arith.select %and3A, %sub3A_318, %div3A : i32
        %jit3A_319 = arith.constant 8 : i32
        %eq3A = arith.constant 0 : i32
        %eq3A_320 = arith.cmpi eq, %jit3A_319, %eq3A : i32
        %jit3A_321 = arith.constant 1 : i32
        %select_n3A_322 = arith.select %eq3A_320, %jit3A_321, %jit3A_319 : i32
        %rem3A_323 = arith.remsi %scan3A_302, %select_n3A_322 : i32
        %ne3A_324 = arith.constant 0 : i32
        %ne3A_325 = arith.cmpi ne, %rem3A_323, %ne3A_324 : i32
        %lt3A_326 = arith.constant 0 : i32
        %lt3A_327 = arith.cmpi slt, %rem3A_323, %lt3A_326 : i32
        %lt3A_328 = arith.constant 0 : i32
        %lt3A_329 = arith.cmpi slt, %select_n3A_322, %lt3A_328 : i32
        %ne3A_330 = arith.xori %lt3A_327, %lt3A_329 : i1
        %and3A_331 = arith.andi %ne3A_330, %ne3A_325 : i1
        %add3A_332 = arith.addi %rem3A_323, %select_n3A_322 : i32
        %select_n3A_333 = arith.select %and3A_331, %add3A_332, %rem3A_323 : i32
        %gather3A = tpu.vector_load_idx %arg6[%add3A_10, %broadcast_in_dim3A] : memref<128x72xf32, #tpu.memory_space<vmem>>[vector<16xi32>, vector<16xi32>], vector<16xf32>,
        %gather3A_334 = tpu.vector_load_idx %arg6[%add3A_13, %broadcast_in_dim3A] : memref<128x72xf32, #tpu.memory_space<vmem>>[vector<16xi32>, vector<16xi32>], vector<16xf32>,
        %gather3A_335 = tpu.vector_load_idx %arg6[%add3A_16, %broadcast_in_dim3A] : memref<128x72xf32, #tpu.memory_space<vmem>>[vector<16xi32>, vector<16xi32>], vector<16xf32>,
        %gather3A_336 = tpu.vector_load_idx %arg6[%add3A_19, %broadcast_in_dim3A] : memref<128x72xf32, #tpu.memory_space<vmem>>[vector<16xi32>, vector<16xi32>], vector<16xf32>,
        %gather3A_337 = tpu.vector_load_idx %arg6[%add3A_22, %broadcast_in_dim3A] : memref<128x72xf32, #tpu.memory_space<vmem>>[vector<16xi32>, vector<16xi32>], vector<16xf32>,
        %gather3A_338 = tpu.vector_load_idx %arg6[%add3A_25, %broadcast_in_dim3A] : memref<128x72xf32, #tpu.memory_space<vmem>>[vector<16xi32>, vector<16xi32>], vector<16xf32>,
        %gather3A_339 = tpu.vector_load_idx %arg6[%add3A_28, %broadcast_in_dim3A] : memref<128x72xf32, #tpu.memory_space<vmem>>[vector<16xi32>, vector<16xi32>], vector<16xf32>,
        %gather3A_340 = tpu.vector_load_idx %arg6[%add3A_31, %broadcast_in_dim3A] : memref<128x72xf32, #tpu.memory_space<vmem>>[vector<16xi32>, vector<16xi32>], vector<16xf32>,
        %swap3A = arith.index_cast %select_n3A : i32 to index
        %swap3A_341 = arith.index_cast %select_n3A_333 : i32 to index
        %swap3A_342 = arith.constant 0 : index
        %swap3A_343 = tpu.vector_load %arg10[%swap3A, %swap3A_341, %swap3A_342] {strides = array<i32>} : memref<8x8x128xf32, #tpu.memory_space<vmem>>, vector<16xf32>,
        tpu.vector_store %arg10[%swap3A, %swap3A_341, %swap3A_342], %gather3A {strides = array<i32>} : memref<8x8x128xf32, #tpu.memory_space<vmem>>, vector<16xf32>,
        %swap3A_344 = arith.index_cast %select_n3A : i32 to index
        %swap3A_345 = arith.index_cast %select_n3A_333 : i32 to index
        %swap3A_346 = arith.constant 16 : index
        %swap3A_347 = tpu.vector_load %arg10[%swap3A_344, %swap3A_345, %swap3A_346] {strides = array<i32>} : memref<8x8x128xf32, #tpu.memory_space<vmem>>, vector<16xf32>,
        tpu.vector_store %arg10[%swap3A_344, %swap3A_345, %swap3A_346], %gather3A_334 {strides = array<i32>} : memref<8x8x128xf32, #tpu.memory_space<vmem>>, vector<16xf32>,
        %swap3A_348 = arith.index_cast %select_n3A : i32 to index
        %swap3A_349 = arith.index_cast %select_n3A_333 : i32 to index
        %swap3A_350 = arith.constant 32 : index
        %swap3A_351 = tpu.vector_load %arg10[%swap3A_348, %swap3A_349, %swap3A_350] {strides = array<i32>} : memref<8x8x128xf32, #tpu.memory_space<vmem>>, vector<16xf32>,
        tpu.vector_store %arg10[%swap3A_348, %swap3A_349, %swap3A_350], %gather3A_335 {strides = array<i32>} : memref<8x8x128xf32, #tpu.memory_space<vmem>>, vector<16xf32>,
        %swap3A_352 = arith.index_cast %select_n3A : i32 to index
        %swap3A_353 = arith.index_cast %select_n3A_333 : i32 to index
        %swap3A_354 = arith.constant 48 : index
        %swap3A_355 = tpu.vector_load %arg10[%swap3A_352, %swap3A_353, %swap3A_354] {strides = array<i32>} : memref<8x8x128xf32, #tpu.memory_space<vmem>>, vector<16xf32>,
        tpu.vector_store %arg10[%swap3A_352, %swap3A_353, %swap3A_354], %gather3A_336 {strides = array<i32>} : memref<8x8x128xf32, #tpu.memory_space<vmem>>, vector<16xf32>,
        %swap3A_356 = arith.index_cast %select_n3A : i32 to index
        %swap3A_357 = arith.index_cast %select_n3A_333 : i32 to index
        %swap3A_358 = arith.constant 64 : index
        %swap3A_359 = tpu.vector_load %arg10[%swap3A_356, %swap3A_357, %swap3A_358] {strides = array<i32>} : memref<8x8x128xf32, #tpu.memory_space<vmem>>, vector<16xf32>,
        tpu.vector_store %arg10[%swap3A_356, %swap3A_357, %swap3A_358], %gather3A_337 {strides = array<i32>} : memref<8x8x128xf32, #tpu.memory_space<vmem>>, vector<16xf32>,
        %swap3A_360 = arith.index_cast %select_n3A : i32 to index
        %swap3A_361 = arith.index_cast %select_n3A_333 : i32 to index
        %swap3A_362 = arith.constant 80 : index
        %swap3A_363 = tpu.vector_load %arg10[%swap3A_360, %swap3A_361, %swap3A_362] {strides = array<i32>} : memref<8x8x128xf32, #tpu.memory_space<vmem>>, vector<16xf32>,
        tpu.vector_store %arg10[%swap3A_360, %swap3A_361, %swap3A_362], %gather3A_338 {strides = array<i32>} : memref<8x8x128xf32, #tpu.memory_space<vmem>>, vector<16xf32>,
        %swap3A_364 = arith.index_cast %select_n3A : i32 to index
        %swap3A_365 = arith.index_cast %select_n3A_333 : i32 to index
        %swap3A_366 = arith.constant 96 : index
        %swap3A_367 = tpu.vector_load %arg10[%swap3A_364, %swap3A_365, %swap3A_366] {strides = array<i32>} : memref<8x8x128xf32, #tpu.memory_space<vmem>>, vector<16xf32>,
        tpu.vector_store %arg10[%swap3A_364, %swap3A_365, %swap3A_366], %gather3A_339 {strides = array<i32>} : memref<8x8x128xf32, #tpu.memory_space<vmem>>, vector<16xf32>,
        %swap3A_368 = arith.index_cast %select_n3A : i32 to index
        %swap3A_369 = arith.index_cast %select_n3A_333 : i32 to index
        %swap3A_370 = arith.constant 112 : index
        %swap3A_371 = tpu.vector_load %arg10[%swap3A_368, %swap3A_369, %swap3A_370] {strides = array<i32>} : memref<8x8x128xf32, #tpu.memory_space<vmem>>, vector<16xf32>,
        tpu.vector_store %arg10[%swap3A_368, %swap3A_369, %swap3A_370], %gather3A_340 {strides = array<i32>} : memref<8x8x128xf32, #tpu.memory_space<vmem>>, vector<16xf32>,
        %scan3A_372 = arith.constant 1 : i32
        %scan3A_373 = arith.addi %scan3A_302, %scan3A_372 : i32
        %broadcast_in_dim3A_374 = vector.broadcast %scan3A_373 : i32 to vector<16xi32>
        %jit3A_375 = arith.constant 8 : i32
        %div3A_376 = arith.divsi %scan3A_373, %jit3A_375 : i32
        %sign3A_377 = arith.constant 0 : i32
        %sign3A_378 = arith.cmpi sgt, %scan3A_373, %sign3A_377 : i32
        %sign3A_379 = arith.extui %sign3A_378 : i1 to i32
        %sign3A_380 = arith.constant 0 : i32
        %sign3A_381 = arith.cmpi slt, %scan3A_373, %sign3A_380 : i32
        %sign3A_382 = arith.extui %sign3A_381 : i1 to i32
        %sign3A_383 = arith.subi %sign3A_379, %sign3A_382 : i32
        %sign3A_384 = arith.constant 0 : i32
        %sign3A_385 = arith.cmpi sgt, %jit3A_375, %sign3A_384 : i32
        %sign3A_386 = arith.extui %sign3A_385 : i1 to i32
        %sign3A_387 = arith.constant 0 : i32
        %sign3A_388 = arith.cmpi slt, %jit3A_375, %sign3A_387 : i32
        %sign3A_389 = arith.extui %sign3A_388 : i1 to i32
        %sign3A_390 = arith.subi %sign3A_386, %sign3A_389 : i32
        %ne3A_391 = arith.cmpi ne, %sign3A_383, %sign3A_390 : i32
        %rem3A_392 = arith.remsi %scan3A_373, %jit3A_375 : i32
        %ne3A_393 = arith.constant 0 : i32
        %ne3A_394 = arith.cmpi ne, %rem3A_392, %ne3A_393 : i32
        %and3A_395 = arith.andi %ne3A_391, %ne3A_394 : i1
        %sub3A_396 = arith.constant 1 : i32
        %sub3A_397 = arith.subi %div3A_376, %sub3A_396 : i32
        %select_n3A_398 = arith.select %and3A_395, %sub3A_397, %div3A_376 : i32
        %jit3A_399 = arith.constant 8 : i32
        %eq3A_400 = arith.constant 0 : i32
        %eq3A_401 = arith.cmpi eq, %jit3A_399, %eq3A_400 : i32
        %jit3A_402 = arith.constant 1 : i32
        %select_n3A_403 = arith.select %eq3A_401, %jit3A_402, %jit3A_399 : i32
        %rem3A_404 = arith.remsi %scan3A_373, %select_n3A_403 : i32
        %ne3A_405 = arith.constant 0 : i32
        %ne3A_406 = arith.cmpi ne, %rem3A_404, %ne3A_405 : i32
        %lt3A_407 = arith.constant 0 : i32
        %lt3A_408 = arith.cmpi slt, %rem3A_404, %lt3A_407 : i32
        %lt3A_409 = arith.constant 0 : i32
        %lt3A_410 = arith.cmpi slt, %select_n3A_403, %lt3A_409 : i32
        %ne3A_411 = arith.xori %lt3A_408, %lt3A_410 : i1
        %and3A_412 = arith.andi %ne3A_411, %ne3A_406 : i1
        %add3A_413 = arith.addi %rem3A_404, %select_n3A_403 : i32
        %select_n3A_414 = arith.select %and3A_412, %add3A_413, %rem3A_404 : i32
        %gather3A_415 = tpu.vector_load_idx %arg6[%add3A_10, %broadcast_in_dim3A_374] : memref<128x72xf32, #tpu.memory_space<vmem>>[vector<16xi32>, vector<16xi32>], vector<16xf32>,
        %gather3A_416 = tpu.vector_load_idx %arg6[%add3A_13, %broadcast_in_dim3A_374] : memref<128x72xf32, #tpu.memory_space<vmem>>[vector<16xi32>, vector<16xi32>], vector<16xf32>,
        %gather3A_417 = tpu.vector_load_idx %arg6[%add3A_16, %broadcast_in_dim3A_374] : memref<128x72xf32, #tpu.memory_space<vmem>>[vector<16xi32>, vector<16xi32>], vector<16xf32>,
        %gather3A_418 = tpu.vector_load_idx %arg6[%add3A_19, %broadcast_in_dim3A_374] : memref<128x72xf32, #tpu.memory_space<vmem>>[vector<16xi32>, vector<16xi32>], vector<16xf32>,
        %gather3A_419 = tpu.vector_load_idx %arg6[%add3A_22, %broadcast_in_dim3A_374] : memref<128x72xf32, #tpu.memory_space<vmem>>[vector<16xi32>, vector<16xi32>], vector<16xf32>,
        %gather3A_420 = tpu.vector_load_idx %arg6[%add3A_25, %broadcast_in_dim3A_374] : memref<128x72xf32, #tpu.memory_space<vmem>>[vector<16xi32>, vector<16xi32>], vector<16xf32>,
        %gather3A_421 = tpu.vector_load_idx %arg6[%add3A_28, %broadcast_in_dim3A_374] : memref<128x72xf32, #tpu.memory_space<vmem>>[vector<16xi32>, vector<16xi32>], vector<16xf32>,
        %gather3A_422 = tpu.vector_load_idx %arg6[%add3A_31, %broadcast_in_dim3A_374] : memref<128x72xf32, #tpu.memory_space<vmem>>[vector<16xi32>, vector<16xi32>], vector<16xf32>,
        %swap3A_423 = arith.index_cast %select_n3A_398 : i32 to index
        %swap3A_424 = arith.index_cast %select_n3A_414 : i32 to index
        %swap3A_425 = arith.constant 0 : index
        %swap3A_426 = tpu.vector_load %arg10[%swap3A_423, %swap3A_424, %swap3A_425] {strides = array<i32>} : memref<8x8x128xf32, #tpu.memory_space<vmem>>, vector<16xf32>,
        tpu.vector_store %arg10[%swap3A_423, %swap3A_424, %swap3A_425], %gather3A_415 {strides = array<i32>} : memref<8x8x128xf32, #tpu.memory_space<vmem>>, vector<16xf32>,
        %swap3A_427 = arith.index_cast %select_n3A_398 : i32 to index
        %swap3A_428 = arith.index_cast %select_n3A_414 : i32 to index
        %swap3A_429 = arith.constant 16 : index
        %swap3A_430 = tpu.vector_load %arg10[%swap3A_427, %swap3A_428, %swap3A_429] {strides = array<i32>} : memref<8x8x128xf32, #tpu.memory_space<vmem>>, vector<16xf32>,
        tpu.vector_store %arg10[%swap3A_427, %swap3A_428, %swap3A_429], %gather3A_416 {strides = array<i32>} : memref<8x8x128xf32, #tpu.memory_space<vmem>>, vector<16xf32>,
        %swap3A_431 = arith.index_cast %select_n3A_398 : i32 to index
        %swap3A_432 = arith.index_cast %select_n3A_414 : i32 to index
        %swap3A_433 = arith.constant 32 : index
        %swap3A_434 = tpu.vector_load %arg10[%swap3A_431, %swap3A_432, %swap3A_433] {strides = array<i32>} : memref<8x8x128xf32, #tpu.memory_space<vmem>>, vector<16xf32>,
        tpu.vector_store %arg10[%swap3A_431, %swap3A_432, %swap3A_433], %gather3A_417 {strides = array<i32>} : memref<8x8x128xf32, #tpu.memory_space<vmem>>, vector<16xf32>,
        %swap3A_435 = arith.index_cast %select_n3A_398 : i32 to index
        %swap3A_436 = arith.index_cast %select_n3A_414 : i32 to index
        %swap3A_437 = arith.constant 48 : index
        %swap3A_438 = tpu.vector_load %arg10[%swap3A_435, %swap3A_436, %swap3A_437] {strides = array<i32>} : memref<8x8x128xf32, #tpu.memory_space<vmem>>, vector<16xf32>,
        tpu.vector_store %arg10[%swap3A_435, %swap3A_436, %swap3A_437], %gather3A_418 {strides = array<i32>} : memref<8x8x128xf32, #tpu.memory_space<vmem>>, vector<16xf32>,
        %swap3A_439 = arith.index_cast %select_n3A_398 : i32 to index
        %swap3A_440 = arith.index_cast %select_n3A_414 : i32 to index
        %swap3A_441 = arith.constant 64 : index
        %swap3A_442 = tpu.vector_load %arg10[%swap3A_439, %swap3A_440, %swap3A_441] {strides = array<i32>} : memref<8x8x128xf32, #tpu.memory_space<vmem>>, vector<16xf32>,
        tpu.vector_store %arg10[%swap3A_439, %swap3A_440, %swap3A_441], %gather3A_419 {strides = array<i32>} : memref<8x8x128xf32, #tpu.memory_space<vmem>>, vector<16xf32>,
        %swap3A_443 = arith.index_cast %select_n3A_398 : i32 to index
        %swap3A_444 = arith.index_cast %select_n3A_414 : i32 to index
        %swap3A_445 = arith.constant 80 : index
        %swap3A_446 = tpu.vector_load %arg10[%swap3A_443, %swap3A_444, %swap3A_445] {strides = array<i32>} : memref<8x8x128xf32, #tpu.memory_space<vmem>>, vector<16xf32>,
        tpu.vector_store %arg10[%swap3A_443, %swap3A_444, %swap3A_445], %gather3A_420 {strides = array<i32>} : memref<8x8x128xf32, #tpu.memory_space<vmem>>, vector<16xf32>,
        %swap3A_447 = arith.index_cast %select_n3A_398 : i32 to index
        %swap3A_448 = arith.index_cast %select_n3A_414 : i32 to index
        %swap3A_449 = arith.constant 96 : index
        %swap3A_450 = tpu.vector_load %arg10[%swap3A_447, %swap3A_448, %swap3A_449] {strides = array<i32>} : memref<8x8x128xf32, #tpu.memory_space<vmem>>, vector<16xf32>,
        tpu.vector_store %arg10[%swap3A_447, %swap3A_448, %swap3A_449], %gather3A_421 {strides = array<i32>} : memref<8x8x128xf32, #tpu.memory_space<vmem>>, vector<16xf32>,
        %swap3A_451 = arith.index_cast %select_n3A_398 : i32 to index
        %swap3A_452 = arith.index_cast %select_n3A_414 : i32 to index
        %swap3A_453 = arith.constant 112 : index
        %swap3A_454 = tpu.vector_load %arg10[%swap3A_451, %swap3A_452, %swap3A_453] {strides = array<i32>} : memref<8x8x128xf32, #tpu.memory_space<vmem>>, vector<16xf32>,
        tpu.vector_store %arg10[%swap3A_451, %swap3A_452, %swap3A_453], %gather3A_422 {strides = array<i32>} : memref<8x8x128xf32, #tpu.memory_space<vmem>>, vector<16xf32>,
        %scan3A_455 = arith.constant 2 : i32
        %scan3A_456 = arith.addi %scan3A_302, %scan3A_455 : i32
        %broadcast_in_dim3A_457 = vector.broadcast %scan3A_456 : i32 to vector<16xi32>
        %jit3A_458 = arith.constant 8 : i32
        %div3A_459 = arith.divsi %scan3A_456, %jit3A_458 : i32
        %sign3A_460 = arith.constant 0 : i32
        %sign3A_461 = arith.cmpi sgt, %scan3A_456, %sign3A_460 : i32
        %sign3A_462 = arith.extui %sign3A_461 : i1 to i32
        %sign3A_463 = arith.constant 0 : i32
        %sign3A_464 = arith.cmpi slt, %scan3A_456, %sign3A_463 : i32
        %sign3A_465 = arith.extui %sign3A_464 : i1 to i32
        %sign3A_466 = arith.subi %sign3A_462, %sign3A_465 : i32
        %sign3A_467 = arith.constant 0 : i32
        %sign3A_468 = arith.cmpi sgt, %jit3A_458, %sign3A_467 : i32
        %sign3A_469 = arith.extui %sign3A_468 : i1 to i32
        %sign3A_470 = arith.constant 0 : i32
        %sign3A_471 = arith.cmpi slt, %jit3A_458, %sign3A_470 : i32
        %sign3A_472 = arith.extui %sign3A_471 : i1 to i32
        %sign3A_473 = arith.subi %sign3A_469, %sign3A_472 : i32
        %ne3A_474 = arith.cmpi ne, %sign3A_466, %sign3A_473 : i32
        %rem3A_475 = arith.remsi %scan3A_456, %jit3A_458 : i32
        %ne3A_476 = arith.constant 0 : i32
        %ne3A_477 = arith.cmpi ne, %rem3A_475, %ne3A_476 : i32
        %and3A_478 = arith.andi %ne3A_474, %ne3A_477 : i1
        %sub3A_479 = arith.constant 1 : i32
        %sub3A_480 = arith.subi %div3A_459, %sub3A_479 : i32
        %select_n3A_481 = arith.select %and3A_478, %sub3A_480, %div3A_459 : i32
        %jit3A_482 = arith.constant 8 : i32
        %eq3A_483 = arith.constant 0 : i32
        %eq3A_484 = arith.cmpi eq, %jit3A_482, %eq3A_483 : i32
        %jit3A_485 = arith.constant 1 : i32
        %select_n3A_486 = arith.select %eq3A_484, %jit3A_485, %jit3A_482 : i32
        %rem3A_487 = arith.remsi %scan3A_456, %select_n3A_486 : i32
        %ne3A_488 = arith.constant 0 : i32
        %ne3A_489 = arith.cmpi ne, %rem3A_487, %ne3A_488 : i32
        %lt3A_490 = arith.constant 0 : i32
        %lt3A_491 = arith.cmpi slt, %rem3A_487, %lt3A_490 : i32
        %lt3A_492 = arith.constant 0 : i32
        %lt3A_493 = arith.cmpi slt, %select_n3A_486, %lt3A_492 : i32
        %ne3A_494 = arith.xori %lt3A_491, %lt3A_493 : i1
        %and3A_495 = arith.andi %ne3A_494, %ne3A_489 : i1
        %add3A_496 = arith.addi %rem3A_487, %select_n3A_486 : i32
        %select_n3A_497 = arith.select %and3A_495, %add3A_496, %rem3A_487 : i32
        %gather3A_498 = tpu.vector_load_idx %arg6[%add3A_10, %broadcast_in_dim3A_457] : memref<128x72xf32, #tpu.memory_space<vmem>>[vector<16xi32>, vector<16xi32>], vector<16xf32>,
        %gather3A_499 = tpu.vector_load_idx %arg6[%add3A_13, %broadcast_in_dim3A_457] : memref<128x72xf32, #tpu.memory_space<vmem>>[vector<16xi32>, vector<16xi32>], vector<16xf32>,
        %gather3A_500 = tpu.vector_load_idx %arg6[%add3A_16, %broadcast_in_dim3A_457] : memref<128x72xf32, #tpu.memory_space<vmem>>[vector<16xi32>, vector<16xi32>], vector<16xf32>,
        %gather3A_501 = tpu.vector_load_idx %arg6[%add3A_19, %broadcast_in_dim3A_457] : memref<128x72xf32, #tpu.memory_space<vmem>>[vector<16xi32>, vector<16xi32>], vector<16xf32>,
        %gather3A_502 = tpu.vector_load_idx %arg6[%add3A_22, %broadcast_in_dim3A_457] : memref<128x72xf32, #tpu.memory_space<vmem>>[vector<16xi32>, vector<16xi32>], vector<16xf32>,
        %gather3A_503 = tpu.vector_load_idx %arg6[%add3A_25, %broadcast_in_dim3A_457] : memref<128x72xf32, #tpu.memory_space<vmem>>[vector<16xi32>, vector<16xi32>], vector<16xf32>,
        %gather3A_504 = tpu.vector_load_idx %arg6[%add3A_28, %broadcast_in_dim3A_457] : memref<128x72xf32, #tpu.memory_space<vmem>>[vector<16xi32>, vector<16xi32>], vector<16xf32>,
        %gather3A_505 = tpu.vector_load_idx %arg6[%add3A_31, %broadcast_in_dim3A_457] : memref<128x72xf32, #tpu.memory_space<vmem>>[vector<16xi32>, vector<16xi32>], vector<16xf32>,
        %swap3A_506 = arith.index_cast %select_n3A_481 : i32 to index
        %swap3A_507 = arith.index_cast %select_n3A_497 : i32 to index
        %swap3A_508 = arith.constant 0 : index
        %swap3A_509 = tpu.vector_load %arg10[%swap3A_506, %swap3A_507, %swap3A_508] {strides = array<i32>} : memref<8x8x128xf32, #tpu.memory_space<vmem>>, vector<16xf32>,
        tpu.vector_store %arg10[%swap3A_506, %swap3A_507, %swap3A_508], %gather3A_498 {strides = array<i32>} : memref<8x8x128xf32, #tpu.memory_space<vmem>>, vector<16xf32>,
        %swap3A_510 = arith.index_cast %select_n3A_481 : i32 to index
        %swap3A_511 = arith.index_cast %select_n3A_497 : i32 to index
        %swap3A_512 = arith.constant 16 : index
        %swap3A_513 = tpu.vector_load %arg10[%swap3A_510, %swap3A_511, %swap3A_512] {strides = array<i32>} : memref<8x8x128xf32, #tpu.memory_space<vmem>>, vector<16xf32>,
        tpu.vector_store %arg10[%swap3A_510, %swap3A_511, %swap3A_512], %gather3A_499 {strides = array<i32>} : memref<8x8x128xf32, #tpu.memory_space<vmem>>, vector<16xf32>,
        %swap3A_514 = arith.index_cast %select_n3A_481 : i32 to index
        %swap3A_515 = arith.index_cast %select_n3A_497 : i32 to index
        %swap3A_516 = arith.constant 32 : index
        %swap3A_517 = tpu.vector_load %arg10[%swap3A_514, %swap3A_515, %swap3A_516] {strides = array<i32>} : memref<8x8x128xf32, #tpu.memory_space<vmem>>, vector<16xf32>,
        tpu.vector_store %arg10[%swap3A_514, %swap3A_515, %swap3A_516], %gather3A_500 {strides = array<i32>} : memref<8x8x128xf32, #tpu.memory_space<vmem>>, vector<16xf32>,
        %swap3A_518 = arith.index_cast %select_n3A_481 : i32 to index
        %swap3A_519 = arith.index_cast %select_n3A_497 : i32 to index
        %swap3A_520 = arith.constant 48 : index
        %swap3A_521 = tpu.vector_load %arg10[%swap3A_518, %swap3A_519, %swap3A_520] {strides = array<i32>} : memref<8x8x128xf32, #tpu.memory_space<vmem>>, vector<16xf32>,
        tpu.vector_store %arg10[%swap3A_518, %swap3A_519, %swap3A_520], %gather3A_501 {strides = array<i32>} : memref<8x8x128xf32, #tpu.memory_space<vmem>>, vector<16xf32>,
        %swap3A_522 = arith.index_cast %select_n3A_481 : i32 to index
        %swap3A_523 = arith.index_cast %select_n3A_497 : i32 to index
        %swap3A_524 = arith.constant 64 : index
        %swap3A_525 = tpu.vector_load %arg10[%swap3A_522, %swap3A_523, %swap3A_524] {strides = array<i32>} : memref<8x8x128xf32, #tpu.memory_space<vmem>>, vector<16xf32>,
        tpu.vector_store %arg10[%swap3A_522, %swap3A_523, %swap3A_524], %gather3A_502 {strides = array<i32>} : memref<8x8x128xf32, #tpu.memory_space<vmem>>, vector<16xf32>,
        %swap3A_526 = arith.index_cast %select_n3A_481 : i32 to index
        %swap3A_527 = arith.index_cast %select_n3A_497 : i32 to index
        %swap3A_528 = arith.constant 80 : index
        %swap3A_529 = tpu.vector_load %arg10[%swap3A_526, %swap3A_527, %swap3A_528] {strides = array<i32>} : memref<8x8x128xf32, #tpu.memory_space<vmem>>, vector<16xf32>,
        tpu.vector_store %arg10[%swap3A_526, %swap3A_527, %swap3A_528], %gather3A_503 {strides = array<i32>} : memref<8x8x128xf32, #tpu.memory_space<vmem>>, vector<16xf32>,
        %swap3A_530 = arith.index_cast %select_n3A_481 : i32 to index
        %swap3A_531 = arith.index_cast %select_n3A_497 : i32 to index
        %swap3A_532 = arith.constant 96 : index
        %swap3A_533 = tpu.vector_load %arg10[%swap3A_530, %swap3A_531, %swap3A_532] {strides = array<i32>} : memref<8x8x128xf32, #tpu.memory_space<vmem>>, vector<16xf32>,
        tpu.vector_store %arg10[%swap3A_530, %swap3A_531, %swap3A_532], %gather3A_504 {strides = array<i32>} : memref<8x8x128xf32, #tpu.memory_space<vmem>>, vector<16xf32>,
        %swap3A_534 = arith.index_cast %select_n3A_481 : i32 to index
        %swap3A_535 = arith.index_cast %select_n3A_497 : i32 to index
        %swap3A_536 = arith.constant 112 : index
        %swap3A_537 = tpu.vector_load %arg10[%swap3A_534, %swap3A_535, %swap3A_536] {strides = array<i32>} : memref<8x8x128xf32, #tpu.memory_space<vmem>>, vector<16xf32>,
        tpu.vector_store %arg10[%swap3A_534, %swap3A_535, %swap3A_536], %gather3A_505 {strides = array<i32>} : memref<8x8x128xf32, #tpu.memory_space<vmem>>, vector<16xf32>,
        %scan3A_538 = arith.constant 3 : i32
        %scan3A_539 = arith.addi %scan3A_302, %scan3A_538 : i32
        %broadcast_in_dim3A_540 = vector.broadcast %scan3A_539 : i32 to vector<16xi32>
        %jit3A_541 = arith.constant 8 : i32
        %div3A_542 = arith.divsi %scan3A_539, %jit3A_541 : i32
        %sign3A_543 = arith.constant 0 : i32
        %sign3A_544 = arith.cmpi sgt, %scan3A_539, %sign3A_543 : i32
        %sign3A_545 = arith.extui %sign3A_544 : i1 to i32
        %sign3A_546 = arith.constant 0 : i32
        %sign3A_547 = arith.cmpi slt, %scan3A_539, %sign3A_546 : i32
        %sign3A_548 = arith.extui %sign3A_547 : i1 to i32
        %sign3A_549 = arith.subi %sign3A_545, %sign3A_548 : i32
        %sign3A_550 = arith.constant 0 : i32
        %sign3A_551 = arith.cmpi sgt, %jit3A_541, %sign3A_550 : i32
        %sign3A_552 = arith.extui %sign3A_551 : i1 to i32
        %sign3A_553 = arith.constant 0 : i32
        %sign3A_554 = arith.cmpi slt, %jit3A_541, %sign3A_553 : i32
        %sign3A_555 = arith.extui %sign3A_554 : i1 to i32
        %sign3A_556 = arith.subi %sign3A_552, %sign3A_555 : i32
        %ne3A_557 = arith.cmpi ne, %sign3A_549, %sign3A_556 : i32
        %rem3A_558 = arith.remsi %scan3A_539, %jit3A_541 : i32
        %ne3A_559 = arith.constant 0 : i32
        %ne3A_560 = arith.cmpi ne, %rem3A_558, %ne3A_559 : i32
        %and3A_561 = arith.andi %ne3A_557, %ne3A_560 : i1
        %sub3A_562 = arith.constant 1 : i32
        %sub3A_563 = arith.subi %div3A_542, %sub3A_562 : i32
        %select_n3A_564 = arith.select %and3A_561, %sub3A_563, %div3A_542 : i32
        %jit3A_565 = arith.constant 8 : i32
        %eq3A_566 = arith.constant 0 : i32
        %eq3A_567 = arith.cmpi eq, %jit3A_565, %eq3A_566 : i32
        %jit3A_568 = arith.constant 1 : i32
        %select_n3A_569 = arith.select %eq3A_567, %jit3A_568, %jit3A_565 : i32
        %rem3A_570 = arith.remsi %scan3A_539, %select_n3A_569 : i32
        %ne3A_571 = arith.constant 0 : i32
        %ne3A_572 = arith.cmpi ne, %rem3A_570, %ne3A_571 : i32
        %lt3A_573 = arith.constant 0 : i32
        %lt3A_574 = arith.cmpi slt, %rem3A_570, %lt3A_573 : i32
        %lt3A_575 = arith.constant 0 : i32
        %lt3A_576 = arith.cmpi slt, %select_n3A_569, %lt3A_575 : i32
        %ne3A_577 = arith.xori %lt3A_574, %lt3A_576 : i1
        %and3A_578 = arith.andi %ne3A_577, %ne3A_572 : i1
        %add3A_579 = arith.addi %rem3A_570, %select_n3A_569 : i32
        %select_n3A_580 = arith.select %and3A_578, %add3A_579, %rem3A_570 : i32
        %gather3A_581 = tpu.vector_load_idx %arg6[%add3A_10, %broadcast_in_dim3A_540] : memref<128x72xf32, #tpu.memory_space<vmem>>[vector<16xi32>, vector<16xi32>], vector<16xf32>,
        %gather3A_582 = tpu.vector_load_idx %arg6[%add3A_13, %broadcast_in_dim3A_540] : memref<128x72xf32, #tpu.memory_space<vmem>>[vector<16xi32>, vector<16xi32>], vector<16xf32>,
        %gather3A_583 = tpu.vector_load_idx %arg6[%add3A_16, %broadcast_in_dim3A_540] : memref<128x72xf32, #tpu.memory_space<vmem>>[vector<16xi32>, vector<16xi32>], vector<16xf32>,
        %gather3A_584 = tpu.vector_load_idx %arg6[%add3A_19, %broadcast_in_dim3A_540] : memref<128x72xf32, #tpu.memory_space<vmem>>[vector<16xi32>, vector<16xi32>], vector<16xf32>,
        %gather3A_585 = tpu.vector_load_idx %arg6[%add3A_22, %broadcast_in_dim3A_540] : memref<128x72xf32, #tpu.memory_space<vmem>>[vector<16xi32>, vector<16xi32>], vector<16xf32>,
        %gather3A_586 = tpu.vector_load_idx %arg6[%add3A_25, %broadcast_in_dim3A_540] : memref<128x72xf32, #tpu.memory_space<vmem>>[vector<16xi32>, vector<16xi32>], vector<16xf32>,
        %gather3A_587 = tpu.vector_load_idx %arg6[%add3A_28, %broadcast_in_dim3A_540] : memref<128x72xf32, #tpu.memory_space<vmem>>[vector<16xi32>, vector<16xi32>], vector<16xf32>,
        %gather3A_588 = tpu.vector_load_idx %arg6[%add3A_31, %broadcast_in_dim3A_540] : memref<128x72xf32, #tpu.memory_space<vmem>>[vector<16xi32>, vector<16xi32>], vector<16xf32>,
        %swap3A_589 = arith.index_cast %select_n3A_564 : i32 to index
        %swap3A_590 = arith.index_cast %select_n3A_580 : i32 to index
        %swap3A_591 = arith.constant 0 : index
        %swap3A_592 = tpu.vector_load %arg10[%swap3A_589, %swap3A_590, %swap3A_591] {strides = array<i32>} : memref<8x8x128xf32, #tpu.memory_space<vmem>>, vector<16xf32>,
        tpu.vector_store %arg10[%swap3A_589, %swap3A_590, %swap3A_591], %gather3A_581 {strides = array<i32>} : memref<8x8x128xf32, #tpu.memory_space<vmem>>, vector<16xf32>,
        %swap3A_593 = arith.index_cast %select_n3A_564 : i32 to index
        %swap3A_594 = arith.index_cast %select_n3A_580 : i32 to index
        %swap3A_595 = arith.constant 16 : index
        %swap3A_596 = tpu.vector_load %arg10[%swap3A_593, %swap3A_594, %swap3A_595] {strides = array<i32>} : memref<8x8x128xf32, #tpu.memory_space<vmem>>, vector<16xf32>,
        tpu.vector_store %arg10[%swap3A_593, %swap3A_594, %swap3A_595], %gather3A_582 {strides = array<i32>} : memref<8x8x128xf32, #tpu.memory_space<vmem>>, vector<16xf32>,
        %swap3A_597 = arith.index_cast %select_n3A_564 : i32 to index
        %swap3A_598 = arith.index_cast %select_n3A_580 : i32 to index
        %swap3A_599 = arith.constant 32 : index
        %swap3A_600 = tpu.vector_load %arg10[%swap3A_597, %swap3A_598, %swap3A_599] {strides = array<i32>} : memref<8x8x128xf32, #tpu.memory_space<vmem>>, vector<16xf32>,
        tpu.vector_store %arg10[%swap3A_597, %swap3A_598, %swap3A_599], %gather3A_583 {strides = array<i32>} : memref<8x8x128xf32, #tpu.memory_space<vmem>>, vector<16xf32>,
        %swap3A_601 = arith.index_cast %select_n3A_564 : i32 to index
        %swap3A_602 = arith.index_cast %select_n3A_580 : i32 to index
        %swap3A_603 = arith.constant 48 : index
        %swap3A_604 = tpu.vector_load %arg10[%swap3A_601, %swap3A_602, %swap3A_603] {strides = array<i32>} : memref<8x8x128xf32, #tpu.memory_space<vmem>>, vector<16xf32>,
        tpu.vector_store %arg10[%swap3A_601, %swap3A_602, %swap3A_603], %gather3A_584 {strides = array<i32>} : memref<8x8x128xf32, #tpu.memory_space<vmem>>, vector<16xf32>,
        %swap3A_605 = arith.index_cast %select_n3A_564 : i32 to index
        %swap3A_606 = arith.index_cast %select_n3A_580 : i32 to index
        %swap3A_607 = arith.constant 64 : index
        %swap3A_608 = tpu.vector_load %arg10[%swap3A_605, %swap3A_606, %swap3A_607] {strides = array<i32>} : memref<8x8x128xf32, #tpu.memory_space<vmem>>, vector<16xf32>,
        tpu.vector_store %arg10[%swap3A_605, %swap3A_606, %swap3A_607], %gather3A_585 {strides = array<i32>} : memref<8x8x128xf32, #tpu.memory_space<vmem>>, vector<16xf32>,
        %swap3A_609 = arith.index_cast %select_n3A_564 : i32 to index
        %swap3A_610 = arith.index_cast %select_n3A_580 : i32 to index
        %swap3A_611 = arith.constant 80 : index
        %swap3A_612 = tpu.vector_load %arg10[%swap3A_609, %swap3A_610, %swap3A_611] {strides = array<i32>} : memref<8x8x128xf32, #tpu.memory_space<vmem>>, vector<16xf32>,
        tpu.vector_store %arg10[%swap3A_609, %swap3A_610, %swap3A_611], %gather3A_586 {strides = array<i32>} : memref<8x8x128xf32, #tpu.memory_space<vmem>>, vector<16xf32>,
        %swap3A_613 = arith.index_cast %select_n3A_564 : i32 to index
        %swap3A_614 = arith.index_cast %select_n3A_580 : i32 to index
        %swap3A_615 = arith.constant 96 : index
        %swap3A_616 = tpu.vector_load %arg10[%swap3A_613, %swap3A_614, %swap3A_615] {strides = array<i32>} : memref<8x8x128xf32, #tpu.memory_space<vmem>>, vector<16xf32>,
        tpu.vector_store %arg10[%swap3A_613, %swap3A_614, %swap3A_615], %gather3A_587 {strides = array<i32>} : memref<8x8x128xf32, #tpu.memory_space<vmem>>, vector<16xf32>,
        %swap3A_617 = arith.index_cast %select_n3A_564 : i32 to index
        %swap3A_618 = arith.index_cast %select_n3A_580 : i32 to index
        %swap3A_619 = arith.constant 112 : index
        %swap3A_620 = tpu.vector_load %arg10[%swap3A_617, %swap3A_618, %swap3A_619] {strides = array<i32>} : memref<8x8x128xf32, #tpu.memory_space<vmem>>, vector<16xf32>,
        tpu.vector_store %arg10[%swap3A_617, %swap3A_618, %swap3A_619], %gather3A_588 {strides = array<i32>} : memref<8x8x128xf32, #tpu.memory_space<vmem>>, vector<16xf32>,
      }
      %scan3A_174 = arith.constant 64 : i32
      %dma_start3A_175 = arith.constant 0 : i32
      %dma_start3A_176 = arith.constant 0 : i32
      %dma_start3A_177 = arith.constant 0 : i32
      %dma_start3A_178 = tpu.memref_slice %arg4[%add3A_153, %dma_start3A_175, %add3A, %dma_start3A_176, %dma_start3A_177] : memref<26x8x32x8x128xf32, #tpu.memory_space<hbm>> -> memref<1x8x1x8x128xf32, #tpu.memory_space<hbm>>
      %dma_start3A_179 = tpu.memref_squeeze %dma_start3A_178 : memref<1x8x1x8x128xf32, #tpu.memory_space<hbm>> -> memref<8x8x128xf32, #tpu.memory_space<hbm>>
      %dma_start3A_180 = arith.constant 0 : i32
      %dma_start3A_181 = arith.constant 0 : i32
      %dma_start3A_182 = arith.constant 0 : i32
      %dma_start3A_183 = tpu.memref_slice %arg4[%add3A_153, %dma_start3A_180, %add3A, %dma_start3A_181, %dma_start3A_182] : memref<26x8x32x8x128xf32, #tpu.memory_space<hbm>> -> memref<1x8x1x8x128xf32, #tpu.memory_space<hbm>>
      %dma_start3A_184 = tpu.memref_squeeze %dma_start3A_183 : memref<1x8x1x8x128xf32, #tpu.memory_space<hbm>> -> memref<8x8x128xf32, #tpu.memory_space<hbm>>
      tpu.enqueue_dma source(%arg10 : memref<8x8x128xf32, #tpu.memory_space<vmem>>) target(%dma_start3A_184 : memref<8x8x128xf32, #tpu.memory_space<hbm>>) target_semaphore(%arg16 : memref<!tpu.dma_semaphore, #tpu.memory_space<semaphore_mem>>)
      %mul3A_185 = arith.constant 4 : i32
      %mul3A_186 = arith.muli %mul3A_185, %scan3A_149 : i32
      %add3A_187 = arith.constant 1 : i32
      %add3A_188 = arith.addi %mul3A_186, %add3A_187 : i32
      %add3A_189 = arith.constant 3 : i32
      %add3A_190 = arith.addi %add3A_188, %add3A_189 : i32
      %lt3A_191 = arith.constant 26 : i32
      %lt3A_192 = arith.cmpi slt, %add3A_190, %lt3A_191 : i32
      %convert_element_type3A_193 = arith.extui %lt3A_192 : i1 to i32
      %cond3A_194 = arith.constant 0 : i32
      %cond3A_195 = arith.cmpi ne, %convert_element_type3A_193, %cond3A_194 : i32
      scf.if %cond3A_195 {
        %add3A_302 = arith.constant 3 : i32
        %add3A_303 = arith.addi %add3A_188, %add3A_302 : i32
        %dma_start3A_304 = arith.constant 0 : i32
        %dma_start3A_305 = tpu.memref_slice %arg5[%add3A_303, %dma_start3A_304] : memref<26x128xi32, #tpu.memory_space<vmem>> -> memref<1x128xi32, #tpu.memory_space<vmem>>
        %dma_start3A_306 = tpu.memref_squeeze %dma_start3A_305 : memref<1x128xi32, #tpu.memory_space<vmem>> -> memref<128xi32, #tpu.memory_space<vmem>>
        %dma_start3A_307 = arith.constant 0 : i32
        %dma_start3A_308 = arith.constant 0 : i32
        %dma_start3A_309 = tpu.memref_slice %arg3[%dma_start3A_307, %dma_start3A_308] : memref<26000x72xf32, #tpu.memory_space<hbm>> -> memref<26000x72xf32, #tpu.memory_space<hbm>>
        tpu.enqueue_indirect_dma source(%dma_start3A_309 : memref<26000x72xf32, #tpu.memory_space<hbm>>) target(%arg6 : memref<128x72xf32, #tpu.memory_space<vmem>>) offsets(%dma_start3A_306 : memref<128xi32, #tpu.memory_space<vmem>>) semaphore(%arg12 : memref<!tpu.dma_semaphore, #tpu.memory_space<semaphore_mem>>)
      } else {
      }
      %dma_wait3A_196 = arith.constant 0 : i32
      %dma_wait3A_197 = arith.constant 0 : i32
      %dma_wait3A_198 = tpu.memref_slice %arg5[%dma_wait3A_196, %dma_wait3A_197] : memref<26x128xi32, #tpu.memory_space<vmem>> -> memref<1x128xi32, #tpu.memory_space<vmem>>
      %dma_wait3A_199 = tpu.memref_squeeze %dma_wait3A_198 : memref<1x128xi32, #tpu.memory_space<vmem>> -> memref<128xi32, #tpu.memory_space<vmem>>
      %dma_wait3A_200 = arith.constant 0 : i32
      %dma_wait3A_201 = arith.constant 0 : i32
      %dma_wait3A_202 = tpu.memref_slice %arg3[%dma_wait3A_200, %dma_wait3A_201] : memref<26000x72xf32, #tpu.memory_space<hbm>> -> memref<26000x72xf32, #tpu.memory_space<hbm>>
      tpu.wait_indirect_dma semaphore(%arg13 : memref<!tpu.dma_semaphore, #tpu.memory_space<semaphore_mem>>) src(%dma_wait3A_202 : memref<26000x72xf32, #tpu.memory_space<hbm>>) dst(%arg7 : memref<128x72xf32, #tpu.memory_space<vmem>>)
      %ge3A_203 = arith.constant 2 : i32
      %ge3A_204 = arith.cmpi sge, %add3A_188, %ge3A_203 : i32
      %convert_element_type3A_205 = arith.extui %ge3A_204 : i1 to i32
      %cond3A_206 = arith.constant 0 : i32
      %cond3A_207 = arith.cmpi ne, %convert_element_type3A_205, %cond3A_206 : i32
      scf.if %cond3A_207 {
        %dma_wait3A_302 = arith.constant 0 : i32
        %dma_wait3A_303 = arith.constant 0 : i32
        %dma_wait3A_304 = arith.constant 0 : i32
        %dma_wait3A_305 = arith.constant 0 : i32
        %dma_wait3A_306 = tpu.memref_slice %arg4[%dma_wait3A_302, %dma_wait3A_303, %add3A, %dma_wait3A_304, %dma_wait3A_305] : memref<26x8x32x8x128xf32, #tpu.memory_space<hbm>> -> memref<1x8x1x8x128xf32, #tpu.memory_space<hbm>>
        %dma_wait3A_307 = tpu.memref_squeeze %dma_wait3A_306 : memref<1x8x1x8x128xf32, #tpu.memory_space<hbm>> -> memref<8x8x128xf32, #tpu.memory_space<hbm>>
        %dma_wait3A_308 = arith.constant 0 : i32
        %dma_wait3A_309 = arith.constant 0 : i32
        %dma_wait3A_310 = arith.constant 0 : i32
        %dma_wait3A_311 = tpu.memref_slice %arg4[%dma_wait3A_302, %dma_wait3A_308, %add3A, %dma_wait3A_309, %dma_wait3A_310] : memref<26x8x32x8x128xf32, #tpu.memory_space<hbm>> -> memref<1x8x1x8x128xf32, #tpu.memory_space<hbm>>
        %dma_wait3A_312 = tpu.memref_squeeze %dma_wait3A_311 : memref<1x8x1x8x128xf32, #tpu.memory_space<hbm>> -> memref<8x8x128xf32, #tpu.memory_space<hbm>>
        tpu.wait_dma2 semaphore(%arg17 : memref<!tpu.dma_semaphore, #tpu.memory_space<semaphore_mem>>) src(%arg11 : memref<8x8x128xf32, #tpu.memory_space<vmem>>) dst(%dma_wait3A_312 : memref<8x8x128xf32, #tpu.memory_space<hbm>>)
      } else {
      }
      %scan3A_208 = arith.constant 0 : i32
      %scan3A_209 = arith.constant 0 : i32
      %scan3A_210 = arith.constant 64 : i32
      %scan3A_211 = arith.addi %scan3A_209, %scan3A_210 : i32
      %scan3A_212 = arith.constant 4 : i32
      scf.for %scan3A_302 = %scan3A_209 to %scan3A_211 step %scan3A_212  : i32 {
        %broadcast_in_dim3A = vector.broadcast %scan3A_302 : i32 to vector<16xi32>
        %jit3A = arith.constant 8 : i32
        %div3A = arith.divsi %scan3A_302, %jit3A : i32
        %sign3A = arith.constant 0 : i32
        %sign3A_303 = arith.cmpi sgt, %scan3A_302, %sign3A : i32
        %sign3A_304 = arith.extui %sign3A_303 : i1 to i32
        %sign3A_305 = arith.constant 0 : i32
        %sign3A_306 = arith.cmpi slt, %scan3A_302, %sign3A_305 : i32
        %sign3A_307 = arith.extui %sign3A_306 : i1 to i32
        %sign3A_308 = arith.subi %sign3A_304, %sign3A_307 : i32
        %sign3A_309 = arith.constant 0 : i32
        %sign3A_310 = arith.cmpi sgt, %jit3A, %sign3A_309 : i32
        %sign3A_311 = arith.extui %sign3A_310 : i1 to i32
        %sign3A_312 = arith.constant 0 : i32
        %sign3A_313 = arith.cmpi slt, %jit3A, %sign3A_312 : i32
        %sign3A_314 = arith.extui %sign3A_313 : i1 to i32
        %sign3A_315 = arith.subi %sign3A_311, %sign3A_314 : i32
        %ne3A = arith.cmpi ne, %sign3A_308, %sign3A_315 : i32
        %rem3A = arith.remsi %scan3A_302, %jit3A : i32
        %ne3A_316 = arith.constant 0 : i32
        %ne3A_317 = arith.cmpi ne, %rem3A, %ne3A_316 : i32
        %and3A = arith.andi %ne3A, %ne3A_317 : i1
        %sub3A = arith.constant 1 : i32
        %sub3A_318 = arith.subi %div3A, %sub3A : i32
        %select_n3A = arith.select %and3A, %sub3A_318, %div3A : i32
        %jit3A_319 = arith.constant 8 : i32
        %eq3A = arith.constant 0 : i32
        %eq3A_320 = arith.cmpi eq, %jit3A_319, %eq3A : i32
        %jit3A_321 = arith.constant 1 : i32
        %select_n3A_322 = arith.select %eq3A_320, %jit3A_321, %jit3A_319 : i32
        %rem3A_323 = arith.remsi %scan3A_302, %select_n3A_322 : i32
        %ne3A_324 = arith.constant 0 : i32
        %ne3A_325 = arith.cmpi ne, %rem3A_323, %ne3A_324 : i32
        %lt3A_326 = arith.constant 0 : i32
        %lt3A_327 = arith.cmpi slt, %rem3A_323, %lt3A_326 : i32
        %lt3A_328 = arith.constant 0 : i32
        %lt3A_329 = arith.cmpi slt, %select_n3A_322, %lt3A_328 : i32
        %ne3A_330 = arith.xori %lt3A_327, %lt3A_329 : i1
        %and3A_331 = arith.andi %ne3A_330, %ne3A_325 : i1
        %add3A_332 = arith.addi %rem3A_323, %select_n3A_322 : i32
        %select_n3A_333 = arith.select %and3A_331, %add3A_332, %rem3A_323 : i32
        %gather3A = tpu.vector_load_idx %arg7[%add3A_10, %broadcast_in_dim3A] : memref<128x72xf32, #tpu.memory_space<vmem>>[vector<16xi32>, vector<16xi32>], vector<16xf32>,
        %gather3A_334 = tpu.vector_load_idx %arg7[%add3A_13, %broadcast_in_dim3A] : memref<128x72xf32, #tpu.memory_space<vmem>>[vector<16xi32>, vector<16xi32>], vector<16xf32>,
        %gather3A_335 = tpu.vector_load_idx %arg7[%add3A_16, %broadcast_in_dim3A] : memref<128x72xf32, #tpu.memory_space<vmem>>[vector<16xi32>, vector<16xi32>], vector<16xf32>,
        %gather3A_336 = tpu.vector_load_idx %arg7[%add3A_19, %broadcast_in_dim3A] : memref<128x72xf32, #tpu.memory_space<vmem>>[vector<16xi32>, vector<16xi32>], vector<16xf32>,
        %gather3A_337 = tpu.vector_load_idx %arg7[%add3A_22, %broadcast_in_dim3A] : memref<128x72xf32, #tpu.memory_space<vmem>>[vector<16xi32>, vector<16xi32>], vector<16xf32>,
        %gather3A_338 = tpu.vector_load_idx %arg7[%add3A_25, %broadcast_in_dim3A] : memref<128x72xf32, #tpu.memory_space<vmem>>[vector<16xi32>, vector<16xi32>], vector<16xf32>,
        %gather3A_339 = tpu.vector_load_idx %arg7[%add3A_28, %broadcast_in_dim3A] : memref<128x72xf32, #tpu.memory_space<vmem>>[vector<16xi32>, vector<16xi32>], vector<16xf32>,
        %gather3A_340 = tpu.vector_load_idx %arg7[%add3A_31, %broadcast_in_dim3A] : memref<128x72xf32, #tpu.memory_space<vmem>>[vector<16xi32>, vector<16xi32>], vector<16xf32>,
        %swap3A = arith.index_cast %select_n3A : i32 to index
        %swap3A_341 = arith.index_cast %select_n3A_333 : i32 to index
        %swap3A_342 = arith.constant 0 : index
        %swap3A_343 = tpu.vector_load %arg11[%swap3A, %swap3A_341, %swap3A_342] {strides = array<i32>} : memref<8x8x128xf32, #tpu.memory_space<vmem>>, vector<16xf32>,
        tpu.vector_store %arg11[%swap3A, %swap3A_341, %swap3A_342], %gather3A {strides = array<i32>} : memref<8x8x128xf32, #tpu.memory_space<vmem>>, vector<16xf32>,
        %swap3A_344 = arith.index_cast %select_n3A : i32 to index
        %swap3A_345 = arith.index_cast %select_n3A_333 : i32 to index
        %swap3A_346 = arith.constant 16 : index
        %swap3A_347 = tpu.vector_load %arg11[%swap3A_344, %swap3A_345, %swap3A_346] {strides = array<i32>} : memref<8x8x128xf32, #tpu.memory_space<vmem>>, vector<16xf32>,
        tpu.vector_store %arg11[%swap3A_344, %swap3A_345, %swap3A_346], %gather3A_334 {strides = array<i32>} : memref<8x8x128xf32, #tpu.memory_space<vmem>>, vector<16xf32>,
        %swap3A_348 = arith.index_cast %select_n3A : i32 to index
        %swap3A_349 = arith.index_cast %select_n3A_333 : i32 to index
        %swap3A_350 = arith.constant 32 : index
        %swap3A_351 = tpu.vector_load %arg11[%swap3A_348, %swap3A_349, %swap3A_350] {strides = array<i32>} : memref<8x8x128xf32, #tpu.memory_space<vmem>>, vector<16xf32>,
        tpu.vector_store %arg11[%swap3A_348, %swap3A_349, %swap3A_350], %gather3A_335 {strides = array<i32>} : memref<8x8x128xf32, #tpu.memory_space<vmem>>, vector<16xf32>,
        %swap3A_352 = arith.index_cast %select_n3A : i32 to index
        %swap3A_353 = arith.index_cast %select_n3A_333 : i32 to index
        %swap3A_354 = arith.constant 48 : index
        %swap3A_355 = tpu.vector_load %arg11[%swap3A_352, %swap3A_353, %swap3A_354] {strides = array<i32>} : memref<8x8x128xf32, #tpu.memory_space<vmem>>, vector<16xf32>,
        tpu.vector_store %arg11[%swap3A_352, %swap3A_353, %swap3A_354], %gather3A_336 {strides = array<i32>} : memref<8x8x128xf32, #tpu.memory_space<vmem>>, vector<16xf32>,
        %swap3A_356 = arith.index_cast %select_n3A : i32 to index
        %swap3A_357 = arith.index_cast %select_n3A_333 : i32 to index
        %swap3A_358 = arith.constant 64 : index
        %swap3A_359 = tpu.vector_load %arg11[%swap3A_356, %swap3A_357, %swap3A_358] {strides = array<i32>} : memref<8x8x128xf32, #tpu.memory_space<vmem>>, vector<16xf32>,
        tpu.vector_store %arg11[%swap3A_356, %swap3A_357, %swap3A_358], %gather3A_337 {strides = array<i32>} : memref<8x8x128xf32, #tpu.memory_space<vmem>>, vector<16xf32>,
        %swap3A_360 = arith.index_cast %select_n3A : i32 to index
        %swap3A_361 = arith.index_cast %select_n3A_333 : i32 to index
        %swap3A_362 = arith.constant 80 : index
        %swap3A_363 = tpu.vector_load %arg11[%swap3A_360, %swap3A_361, %swap3A_362] {strides = array<i32>} : memref<8x8x128xf32, #tpu.memory_space<vmem>>, vector<16xf32>,
        tpu.vector_store %arg11[%swap3A_360, %swap3A_361, %swap3A_362], %gather3A_338 {strides = array<i32>} : memref<8x8x128xf32, #tpu.memory_space<vmem>>, vector<16xf32>,
        %swap3A_364 = arith.index_cast %select_n3A : i32 to index
        %swap3A_365 = arith.index_cast %select_n3A_333 : i32 to index
        %swap3A_366 = arith.constant 96 : index
        %swap3A_367 = tpu.vector_load %arg11[%swap3A_364, %swap3A_365, %swap3A_366] {strides = array<i32>} : memref<8x8x128xf32, #tpu.memory_space<vmem>>, vector<16xf32>,
        tpu.vector_store %arg11[%swap3A_364, %swap3A_365, %swap3A_366], %gather3A_339 {strides = array<i32>} : memref<8x8x128xf32, #tpu.memory_space<vmem>>, vector<16xf32>,
        %swap3A_368 = arith.index_cast %select_n3A : i32 to index
        %swap3A_369 = arith.index_cast %select_n3A_333 : i32 to index
        %swap3A_370 = arith.constant 112 : index
        %swap3A_371 = tpu.vector_load %arg11[%swap3A_368, %swap3A_369, %swap3A_370] {strides = array<i32>} : memref<8x8x128xf32, #tpu.memory_space<vmem>>, vector<16xf32>,
        tpu.vector_store %arg11[%swap3A_368, %swap3A_369, %swap3A_370], %gather3A_340 {strides = array<i32>} : memref<8x8x128xf32, #tpu.memory_space<vmem>>, vector<16xf32>,
        %scan3A_372 = arith.constant 1 : i32
        %scan3A_373 = arith.addi %scan3A_302, %scan3A_372 : i32
        %broadcast_in_dim3A_374 = vector.broadcast %scan3A_373 : i32 to vector<16xi32>
        %jit3A_375 = arith.constant 8 : i32
        %div3A_376 = arith.divsi %scan3A_373, %jit3A_375 : i32
        %sign3A_377 = arith.constant 0 : i32
        %sign3A_378 = arith.cmpi sgt, %scan3A_373, %sign3A_377 : i32
        %sign3A_379 = arith.extui %sign3A_378 : i1 to i32
        %sign3A_380 = arith.constant 0 : i32
        %sign3A_381 = arith.cmpi slt, %scan3A_373, %sign3A_380 : i32
        %sign3A_382 = arith.extui %sign3A_381 : i1 to i32
        %sign3A_383 = arith.subi %sign3A_379, %sign3A_382 : i32
        %sign3A_384 = arith.constant 0 : i32
        %sign3A_385 = arith.cmpi sgt, %jit3A_375, %sign3A_384 : i32
        %sign3A_386 = arith.extui %sign3A_385 : i1 to i32
        %sign3A_387 = arith.constant 0 : i32
        %sign3A_388 = arith.cmpi slt, %jit3A_375, %sign3A_387 : i32
        %sign3A_389 = arith.extui %sign3A_388 : i1 to i32
        %sign3A_390 = arith.subi %sign3A_386, %sign3A_389 : i32
        %ne3A_391 = arith.cmpi ne, %sign3A_383, %sign3A_390 : i32
        %rem3A_392 = arith.remsi %scan3A_373, %jit3A_375 : i32
        %ne3A_393 = arith.constant 0 : i32
        %ne3A_394 = arith.cmpi ne, %rem3A_392, %ne3A_393 : i32
        %and3A_395 = arith.andi %ne3A_391, %ne3A_394 : i1
        %sub3A_396 = arith.constant 1 : i32
        %sub3A_397 = arith.subi %div3A_376, %sub3A_396 : i32
        %select_n3A_398 = arith.select %and3A_395, %sub3A_397, %div3A_376 : i32
        %jit3A_399 = arith.constant 8 : i32
        %eq3A_400 = arith.constant 0 : i32
        %eq3A_401 = arith.cmpi eq, %jit3A_399, %eq3A_400 : i32
        %jit3A_402 = arith.constant 1 : i32
        %select_n3A_403 = arith.select %eq3A_401, %jit3A_402, %jit3A_399 : i32
        %rem3A_404 = arith.remsi %scan3A_373, %select_n3A_403 : i32
        %ne3A_405 = arith.constant 0 : i32
        %ne3A_406 = arith.cmpi ne, %rem3A_404, %ne3A_405 : i32
        %lt3A_407 = arith.constant 0 : i32
        %lt3A_408 = arith.cmpi slt, %rem3A_404, %lt3A_407 : i32
        %lt3A_409 = arith.constant 0 : i32
        %lt3A_410 = arith.cmpi slt, %select_n3A_403, %lt3A_409 : i32
        %ne3A_411 = arith.xori %lt3A_408, %lt3A_410 : i1
        %and3A_412 = arith.andi %ne3A_411, %ne3A_406 : i1
        %add3A_413 = arith.addi %rem3A_404, %select_n3A_403 : i32
        %select_n3A_414 = arith.select %and3A_412, %add3A_413, %rem3A_404 : i32
        %gather3A_415 = tpu.vector_load_idx %arg7[%add3A_10, %broadcast_in_dim3A_374] : memref<128x72xf32, #tpu.memory_space<vmem>>[vector<16xi32>, vector<16xi32>], vector<16xf32>,
        %gather3A_416 = tpu.vector_load_idx %arg7[%add3A_13, %broadcast_in_dim3A_374] : memref<128x72xf32, #tpu.memory_space<vmem>>[vector<16xi32>, vector<16xi32>], vector<16xf32>,
        %gather3A_417 = tpu.vector_load_idx %arg7[%add3A_16, %broadcast_in_dim3A_374] : memref<128x72xf32, #tpu.memory_space<vmem>>[vector<16xi32>, vector<16xi32>], vector<16xf32>,
        %gather3A_418 = tpu.vector_load_idx %arg7[%add3A_19, %broadcast_in_dim3A_374] : memref<128x72xf32, #tpu.memory_space<vmem>>[vector<16xi32>, vector<16xi32>], vector<16xf32>,
        %gather3A_419 = tpu.vector_load_idx %arg7[%add3A_22, %broadcast_in_dim3A_374] : memref<128x72xf32, #tpu.memory_space<vmem>>[vector<16xi32>, vector<16xi32>], vector<16xf32>,
        %gather3A_420 = tpu.vector_load_idx %arg7[%add3A_25, %broadcast_in_dim3A_374] : memref<128x72xf32, #tpu.memory_space<vmem>>[vector<16xi32>, vector<16xi32>], vector<16xf32>,
        %gather3A_421 = tpu.vector_load_idx %arg7[%add3A_28, %broadcast_in_dim3A_374] : memref<128x72xf32, #tpu.memory_space<vmem>>[vector<16xi32>, vector<16xi32>], vector<16xf32>,
        %gather3A_422 = tpu.vector_load_idx %arg7[%add3A_31, %broadcast_in_dim3A_374] : memref<128x72xf32, #tpu.memory_space<vmem>>[vector<16xi32>, vector<16xi32>], vector<16xf32>,
        %swap3A_423 = arith.index_cast %select_n3A_398 : i32 to index
        %swap3A_424 = arith.index_cast %select_n3A_414 : i32 to index
        %swap3A_425 = arith.constant 0 : index
        %swap3A_426 = tpu.vector_load %arg11[%swap3A_423, %swap3A_424, %swap3A_425] {strides = array<i32>} : memref<8x8x128xf32, #tpu.memory_space<vmem>>, vector<16xf32>,
        tpu.vector_store %arg11[%swap3A_423, %swap3A_424, %swap3A_425], %gather3A_415 {strides = array<i32>} : memref<8x8x128xf32, #tpu.memory_space<vmem>>, vector<16xf32>,
        %swap3A_427 = arith.index_cast %select_n3A_398 : i32 to index
        %swap3A_428 = arith.index_cast %select_n3A_414 : i32 to index
        %swap3A_429 = arith.constant 16 : index
        %swap3A_430 = tpu.vector_load %arg11[%swap3A_427, %swap3A_428, %swap3A_429] {strides = array<i32>} : memref<8x8x128xf32, #tpu.memory_space<vmem>>, vector<16xf32>,
        tpu.vector_store %arg11[%swap3A_427, %swap3A_428, %swap3A_429], %gather3A_416 {strides = array<i32>} : memref<8x8x128xf32, #tpu.memory_space<vmem>>, vector<16xf32>,
        %swap3A_431 = arith.index_cast %select_n3A_398 : i32 to index
        %swap3A_432 = arith.index_cast %select_n3A_414 : i32 to index
        %swap3A_433 = arith.constant 32 : index
        %swap3A_434 = tpu.vector_load %arg11[%swap3A_431, %swap3A_432, %swap3A_433] {strides = array<i32>} : memref<8x8x128xf32, #tpu.memory_space<vmem>>, vector<16xf32>,
        tpu.vector_store %arg11[%swap3A_431, %swap3A_432, %swap3A_433], %gather3A_417 {strides = array<i32>} : memref<8x8x128xf32, #tpu.memory_space<vmem>>, vector<16xf32>,
        %swap3A_435 = arith.index_cast %select_n3A_398 : i32 to index
        %swap3A_436 = arith.index_cast %select_n3A_414 : i32 to index
        %swap3A_437 = arith.constant 48 : index
        %swap3A_438 = tpu.vector_load %arg11[%swap3A_435, %swap3A_436, %swap3A_437] {strides = array<i32>} : memref<8x8x128xf32, #tpu.memory_space<vmem>>, vector<16xf32>,
        tpu.vector_store %arg11[%swap3A_435, %swap3A_436, %swap3A_437], %gather3A_418 {strides = array<i32>} : memref<8x8x128xf32, #tpu.memory_space<vmem>>, vector<16xf32>,
        %swap3A_439 = arith.index_cast %select_n3A_398 : i32 to index
        %swap3A_440 = arith.index_cast %select_n3A_414 : i32 to index
        %swap3A_441 = arith.constant 64 : index
        %swap3A_442 = tpu.vector_load %arg11[%swap3A_439, %swap3A_440, %swap3A_441] {strides = array<i32>} : memref<8x8x128xf32, #tpu.memory_space<vmem>>, vector<16xf32>,
        tpu.vector_store %arg11[%swap3A_439, %swap3A_440, %swap3A_441], %gather3A_419 {strides = array<i32>} : memref<8x8x128xf32, #tpu.memory_space<vmem>>, vector<16xf32>,
        %swap3A_443 = arith.index_cast %select_n3A_398 : i32 to index
        %swap3A_444 = arith.index_cast %select_n3A_414 : i32 to index
        %swap3A_445 = arith.constant 80 : index
        %swap3A_446 = tpu.vector_load %arg11[%swap3A_443, %swap3A_444, %swap3A_445] {strides = array<i32>} : memref<8x8x128xf32, #tpu.memory_space<vmem>>, vector<16xf32>,
        tpu.vector_store %arg11[%swap3A_443, %swap3A_444, %swap3A_445], %gather3A_420 {strides = array<i32>} : memref<8x8x128xf32, #tpu.memory_space<vmem>>, vector<16xf32>,
        %swap3A_447 = arith.index_cast %select_n3A_398 : i32 to index
        %swap3A_448 = arith.index_cast %select_n3A_414 : i32 to index
        %swap3A_449 = arith.constant 96 : index
        %swap3A_450 = tpu.vector_load %arg11[%swap3A_447, %swap3A_448, %swap3A_449] {strides = array<i32>} : memref<8x8x128xf32, #tpu.memory_space<vmem>>, vector<16xf32>,
        tpu.vector_store %arg11[%swap3A_447, %swap3A_448, %swap3A_449], %gather3A_421 {strides = array<i32>} : memref<8x8x128xf32, #tpu.memory_space<vmem>>, vector<16xf32>,
        %swap3A_451 = arith.index_cast %select_n3A_398 : i32 to index
        %swap3A_452 = arith.index_cast %select_n3A_414 : i32 to index
        %swap3A_453 = arith.constant 112 : index
        %swap3A_454 = tpu.vector_load %arg11[%swap3A_451, %swap3A_452, %swap3A_453] {strides = array<i32>} : memref<8x8x128xf32, #tpu.memory_space<vmem>>, vector<16xf32>,
        tpu.vector_store %arg11[%swap3A_451, %swap3A_452, %swap3A_453], %gather3A_422 {strides = array<i32>} : memref<8x8x128xf32, #tpu.memory_space<vmem>>, vector<16xf32>,
        %scan3A_455 = arith.constant 2 : i32
        %scan3A_456 = arith.addi %scan3A_302, %scan3A_455 : i32
        %broadcast_in_dim3A_457 = vector.broadcast %scan3A_456 : i32 to vector<16xi32>
        %jit3A_458 = arith.constant 8 : i32
        %div3A_459 = arith.divsi %scan3A_456, %jit3A_458 : i32
        %sign3A_460 = arith.constant 0 : i32
        %sign3A_461 = arith.cmpi sgt, %scan3A_456, %sign3A_460 : i32
        %sign3A_462 = arith.extui %sign3A_461 : i1 to i32
        %sign3A_463 = arith.constant 0 : i32
        %sign3A_464 = arith.cmpi slt, %scan3A_456, %sign3A_463 : i32
        %sign3A_465 = arith.extui %sign3A_464 : i1 to i32
        %sign3A_466 = arith.subi %sign3A_462, %sign3A_465 : i32
        %sign3A_467 = arith.constant 0 : i32
        %sign3A_468 = arith.cmpi sgt, %jit3A_458, %sign3A_467 : i32
        %sign3A_469 = arith.extui %sign3A_468 : i1 to i32
        %sign3A_470 = arith.constant 0 : i32
        %sign3A_471 = arith.cmpi slt, %jit3A_458, %sign3A_470 : i32
        %sign3A_472 = arith.extui %sign3A_471 : i1 to i32
        %sign3A_473 = arith.subi %sign3A_469, %sign3A_472 : i32
        %ne3A_474 = arith.cmpi ne, %sign3A_466, %sign3A_473 : i32
        %rem3A_475 = arith.remsi %scan3A_456, %jit3A_458 : i32
        %ne3A_476 = arith.constant 0 : i32
        %ne3A_477 = arith.cmpi ne, %rem3A_475, %ne3A_476 : i32
        %and3A_478 = arith.andi %ne3A_474, %ne3A_477 : i1
        %sub3A_479 = arith.constant 1 : i32
        %sub3A_480 = arith.subi %div3A_459, %sub3A_479 : i32
        %select_n3A_481 = arith.select %and3A_478, %sub3A_480, %div3A_459 : i32
        %jit3A_482 = arith.constant 8 : i32
        %eq3A_483 = arith.constant 0 : i32
        %eq3A_484 = arith.cmpi eq, %jit3A_482, %eq3A_483 : i32
        %jit3A_485 = arith.constant 1 : i32
        %select_n3A_486 = arith.select %eq3A_484, %jit3A_485, %jit3A_482 : i32
        %rem3A_487 = arith.remsi %scan3A_456, %select_n3A_486 : i32
        %ne3A_488 = arith.constant 0 : i32
        %ne3A_489 = arith.cmpi ne, %rem3A_487, %ne3A_488 : i32
        %lt3A_490 = arith.constant 0 : i32
        %lt3A_491 = arith.cmpi slt, %rem3A_487, %lt3A_490 : i32
        %lt3A_492 = arith.constant 0 : i32
        %lt3A_493 = arith.cmpi slt, %select_n3A_486, %lt3A_492 : i32
        %ne3A_494 = arith.xori %lt3A_491, %lt3A_493 : i1
        %and3A_495 = arith.andi %ne3A_494, %ne3A_489 : i1
        %add3A_496 = arith.addi %rem3A_487, %select_n3A_486 : i32
        %select_n3A_497 = arith.select %and3A_495, %add3A_496, %rem3A_487 : i32
        %gather3A_498 = tpu.vector_load_idx %arg7[%add3A_10, %broadcast_in_dim3A_457] : memref<128x72xf32, #tpu.memory_space<vmem>>[vector<16xi32>, vector<16xi32>], vector<16xf32>,
        %gather3A_499 = tpu.vector_load_idx %arg7[%add3A_13, %broadcast_in_dim3A_457] : memref<128x72xf32, #tpu.memory_space<vmem>>[vector<16xi32>, vector<16xi32>], vector<16xf32>,
        %gather3A_500 = tpu.vector_load_idx %arg7[%add3A_16, %broadcast_in_dim3A_457] : memref<128x72xf32, #tpu.memory_space<vmem>>[vector<16xi32>, vector<16xi32>], vector<16xf32>,
        %gather3A_501 = tpu.vector_load_idx %arg7[%add3A_19, %broadcast_in_dim3A_457] : memref<128x72xf32, #tpu.memory_space<vmem>>[vector<16xi32>, vector<16xi32>], vector<16xf32>,
        %gather3A_502 = tpu.vector_load_idx %arg7[%add3A_22, %broadcast_in_dim3A_457] : memref<128x72xf32, #tpu.memory_space<vmem>>[vector<16xi32>, vector<16xi32>], vector<16xf32>,
        %gather3A_503 = tpu.vector_load_idx %arg7[%add3A_25, %broadcast_in_dim3A_457] : memref<128x72xf32, #tpu.memory_space<vmem>>[vector<16xi32>, vector<16xi32>], vector<16xf32>,
        %gather3A_504 = tpu.vector_load_idx %arg7[%add3A_28, %broadcast_in_dim3A_457] : memref<128x72xf32, #tpu.memory_space<vmem>>[vector<16xi32>, vector<16xi32>], vector<16xf32>,
        %gather3A_505 = tpu.vector_load_idx %arg7[%add3A_31, %broadcast_in_dim3A_457] : memref<128x72xf32, #tpu.memory_space<vmem>>[vector<16xi32>, vector<16xi32>], vector<16xf32>,
        %swap3A_506 = arith.index_cast %select_n3A_481 : i32 to index
        %swap3A_507 = arith.index_cast %select_n3A_497 : i32 to index
        %swap3A_508 = arith.constant 0 : index
        %swap3A_509 = tpu.vector_load %arg11[%swap3A_506, %swap3A_507, %swap3A_508] {strides = array<i32>} : memref<8x8x128xf32, #tpu.memory_space<vmem>>, vector<16xf32>,
        tpu.vector_store %arg11[%swap3A_506, %swap3A_507, %swap3A_508], %gather3A_498 {strides = array<i32>} : memref<8x8x128xf32, #tpu.memory_space<vmem>>, vector<16xf32>,
        %swap3A_510 = arith.index_cast %select_n3A_481 : i32 to index
        %swap3A_511 = arith.index_cast %select_n3A_497 : i32 to index
        %swap3A_512 = arith.constant 16 : index
        %swap3A_513 = tpu.vector_load %arg11[%swap3A_510, %swap3A_511, %swap3A_512] {strides = array<i32>} : memref<8x8x128xf32, #tpu.memory_space<vmem>>, vector<16xf32>,
        tpu.vector_store %arg11[%swap3A_510, %swap3A_511, %swap3A_512], %gather3A_499 {strides = array<i32>} : memref<8x8x128xf32, #tpu.memory_space<vmem>>, vector<16xf32>,
        %swap3A_514 = arith.index_cast %select_n3A_481 : i32 to index
        %swap3A_515 = arith.index_cast %select_n3A_497 : i32 to index
        %swap3A_516 = arith.constant 32 : index
        %swap3A_517 = tpu.vector_load %arg11[%swap3A_514, %swap3A_515, %swap3A_516] {strides = array<i32>} : memref<8x8x128xf32, #tpu.memory_space<vmem>>, vector<16xf32>,
        tpu.vector_store %arg11[%swap3A_514, %swap3A_515, %swap3A_516], %gather3A_500 {strides = array<i32>} : memref<8x8x128xf32, #tpu.memory_space<vmem>>, vector<16xf32>,
        %swap3A_518 = arith.index_cast %select_n3A_481 : i32 to index
        %swap3A_519 = arith.index_cast %select_n3A_497 : i32 to index
        %swap3A_520 = arith.constant 48 : index
        %swap3A_521 = tpu.vector_load %arg11[%swap3A_518, %swap3A_519, %swap3A_520] {strides = array<i32>} : memref<8x8x128xf32, #tpu.memory_space<vmem>>, vector<16xf32>,
        tpu.vector_store %arg11[%swap3A_518, %swap3A_519, %swap3A_520], %gather3A_501 {strides = array<i32>} : memref<8x8x128xf32, #tpu.memory_space<vmem>>, vector<16xf32>,
        %swap3A_522 = arith.index_cast %select_n3A_481 : i32 to index
        %swap3A_523 = arith.index_cast %select_n3A_497 : i32 to index
        %swap3A_524 = arith.constant 64 : index
        %swap3A_525 = tpu.vector_load %arg11[%swap3A_522, %swap3A_523, %swap3A_524] {strides = array<i32>} : memref<8x8x128xf32, #tpu.memory_space<vmem>>, vector<16xf32>,
        tpu.vector_store %arg11[%swap3A_522, %swap3A_523, %swap3A_524], %gather3A_502 {strides = array<i32>} : memref<8x8x128xf32, #tpu.memory_space<vmem>>, vector<16xf32>,
        %swap3A_526 = arith.index_cast %select_n3A_481 : i32 to index
        %swap3A_527 = arith.index_cast %select_n3A_497 : i32 to index
        %swap3A_528 = arith.constant 80 : index
        %swap3A_529 = tpu.vector_load %arg11[%swap3A_526, %swap3A_527, %swap3A_528] {strides = array<i32>} : memref<8x8x128xf32, #tpu.memory_space<vmem>>, vector<16xf32>,
        tpu.vector_store %arg11[%swap3A_526, %swap3A_527, %swap3A_528], %gather3A_503 {strides = array<i32>} : memref<8x8x128xf32, #tpu.memory_space<vmem>>, vector<16xf32>,
        %swap3A_530 = arith.index_cast %select_n3A_481 : i32 to index
        %swap3A_531 = arith.index_cast %select_n3A_497 : i32 to index
        %swap3A_532 = arith.constant 96 : index
        %swap3A_533 = tpu.vector_load %arg11[%swap3A_530, %swap3A_531, %swap3A_532] {strides = array<i32>} : memref<8x8x128xf32, #tpu.memory_space<vmem>>, vector<16xf32>,
        tpu.vector_store %arg11[%swap3A_530, %swap3A_531, %swap3A_532], %gather3A_504 {strides = array<i32>} : memref<8x8x128xf32, #tpu.memory_space<vmem>>, vector<16xf32>,
        %swap3A_534 = arith.index_cast %select_n3A_481 : i32 to index
        %swap3A_535 = arith.index_cast %select_n3A_497 : i32 to index
        %swap3A_536 = arith.constant 112 : index
        %swap3A_537 = tpu.vector_load %arg11[%swap3A_534, %swap3A_535, %swap3A_536] {strides = array<i32>} : memref<8x8x128xf32, #tpu.memory_space<vmem>>, vector<16xf32>,
        tpu.vector_store %arg11[%swap3A_534, %swap3A_535, %swap3A_536], %gather3A_505 {strides = array<i32>} : memref<8x8x128xf32, #tpu.memory_space<vmem>>, vector<16xf32>,
        %scan3A_538 = arith.constant 3 : i32
        %scan3A_539 = arith.addi %scan3A_302, %scan3A_538 : i32
        %broadcast_in_dim3A_540 = vector.broadcast %scan3A_539 : i32 to vector<16xi32>
        %jit3A_541 = arith.constant 8 : i32
        %div3A_542 = arith.divsi %scan3A_539, %jit3A_541 : i32
        %sign3A_543 = arith.constant 0 : i32
        %sign3A_544 = arith.cmpi sgt, %scan3A_539, %sign3A_543 : i32
        %sign3A_545 = arith.extui %sign3A_544 : i1 to i32
        %sign3A_546 = arith.constant 0 : i32
        %sign3A_547 = arith.cmpi slt, %scan3A_539, %sign3A_546 : i32
        %sign3A_548 = arith.extui %sign3A_547 : i1 to i32
        %sign3A_549 = arith.subi %sign3A_545, %sign3A_548 : i32
        %sign3A_550 = arith.constant 0 : i32
        %sign3A_551 = arith.cmpi sgt, %jit3A_541, %sign3A_550 : i32
        %sign3A_552 = arith.extui %sign3A_551 : i1 to i32
        %sign3A_553 = arith.constant 0 : i32
        %sign3A_554 = arith.cmpi slt, %jit3A_541, %sign3A_553 : i32
        %sign3A_555 = arith.extui %sign3A_554 : i1 to i32
        %sign3A_556 = arith.subi %sign3A_552, %sign3A_555 : i32
        %ne3A_557 = arith.cmpi ne, %sign3A_549, %sign3A_556 : i32
        %rem3A_558 = arith.remsi %scan3A_539, %jit3A_541 : i32
        %ne3A_559 = arith.constant 0 : i32
        %ne3A_560 = arith.cmpi ne, %rem3A_558, %ne3A_559 : i32
        %and3A_561 = arith.andi %ne3A_557, %ne3A_560 : i1
        %sub3A_562 = arith.constant 1 : i32
        %sub3A_563 = arith.subi %div3A_542, %sub3A_562 : i32
        %select_n3A_564 = arith.select %and3A_561, %sub3A_563, %div3A_542 : i32
        %jit3A_565 = arith.constant 8 : i32
        %eq3A_566 = arith.constant 0 : i32
        %eq3A_567 = arith.cmpi eq, %jit3A_565, %eq3A_566 : i32
        %jit3A_568 = arith.constant 1 : i32
        %select_n3A_569 = arith.select %eq3A_567, %jit3A_568, %jit3A_565 : i32
        %rem3A_570 = arith.remsi %scan3A_539, %select_n3A_569 : i32
        %ne3A_571 = arith.constant 0 : i32
        %ne3A_572 = arith.cmpi ne, %rem3A_570, %ne3A_571 : i32
        %lt3A_573 = arith.constant 0 : i32
        %lt3A_574 = arith.cmpi slt, %rem3A_570, %lt3A_573 : i32
        %lt3A_575 = arith.constant 0 : i32
        %lt3A_576 = arith.cmpi slt, %select_n3A_569, %lt3A_575 : i32
        %ne3A_577 = arith.xori %lt3A_574, %lt3A_576 : i1
        %and3A_578 = arith.andi %ne3A_577, %ne3A_572 : i1
        %add3A_579 = arith.addi %rem3A_570, %select_n3A_569 : i32
        %select_n3A_580 = arith.select %and3A_578, %add3A_579, %rem3A_570 : i32
        %gather3A_581 = tpu.vector_load_idx %arg7[%add3A_10, %broadcast_in_dim3A_540] : memref<128x72xf32, #tpu.memory_space<vmem>>[vector<16xi32>, vector<16xi32>], vector<16xf32>,
        %gather3A_582 = tpu.vector_load_idx %arg7[%add3A_13, %broadcast_in_dim3A_540] : memref<128x72xf32, #tpu.memory_space<vmem>>[vector<16xi32>, vector<16xi32>], vector<16xf32>,
        %gather3A_583 = tpu.vector_load_idx %arg7[%add3A_16, %broadcast_in_dim3A_540] : memref<128x72xf32, #tpu.memory_space<vmem>>[vector<16xi32>, vector<16xi32>], vector<16xf32>,
        %gather3A_584 = tpu.vector_load_idx %arg7[%add3A_19, %broadcast_in_dim3A_540] : memref<128x72xf32, #tpu.memory_space<vmem>>[vector<16xi32>, vector<16xi32>], vector<16xf32>,
        %gather3A_585 = tpu.vector_load_idx %arg7[%add3A_22, %broadcast_in_dim3A_540] : memref<128x72xf32, #tpu.memory_space<vmem>>[vector<16xi32>, vector<16xi32>], vector<16xf32>,
        %gather3A_586 = tpu.vector_load_idx %arg7[%add3A_25, %broadcast_in_dim3A_540] : memref<128x72xf32, #tpu.memory_space<vmem>>[vector<16xi32>, vector<16xi32>], vector<16xf32>,
        %gather3A_587 = tpu.vector_load_idx %arg7[%add3A_28, %broadcast_in_dim3A_540] : memref<128x72xf32, #tpu.memory_space<vmem>>[vector<16xi32>, vector<16xi32>], vector<16xf32>,
        %gather3A_588 = tpu.vector_load_idx %arg7[%add3A_31, %broadcast_in_dim3A_540] : memref<128x72xf32, #tpu.memory_space<vmem>>[vector<16xi32>, vector<16xi32>], vector<16xf32>,
        %swap3A_589 = arith.index_cast %select_n3A_564 : i32 to index
        %swap3A_590 = arith.index_cast %select_n3A_580 : i32 to index
        %swap3A_591 = arith.constant 0 : index
        %swap3A_592 = tpu.vector_load %arg11[%swap3A_589, %swap3A_590, %swap3A_591] {strides = array<i32>} : memref<8x8x128xf32, #tpu.memory_space<vmem>>, vector<16xf32>,
        tpu.vector_store %arg11[%swap3A_589, %swap3A_590, %swap3A_591], %gather3A_581 {strides = array<i32>} : memref<8x8x128xf32, #tpu.memory_space<vmem>>, vector<16xf32>,
        %swap3A_593 = arith.index_cast %select_n3A_564 : i32 to index
        %swap3A_594 = arith.index_cast %select_n3A_580 : i32 to index
        %swap3A_595 = arith.constant 16 : index
        %swap3A_596 = tpu.vector_load %arg11[%swap3A_593, %swap3A_594, %swap3A_595] {strides = array<i32>} : memref<8x8x128xf32, #tpu.memory_space<vmem>>, vector<16xf32>,
        tpu.vector_store %arg11[%swap3A_593, %swap3A_594, %swap3A_595], %gather3A_582 {strides = array<i32>} : memref<8x8x128xf32, #tpu.memory_space<vmem>>, vector<16xf32>,
        %swap3A_597 = arith.index_cast %select_n3A_564 : i32 to index
        %swap3A_598 = arith.index_cast %select_n3A_580 : i32 to index
        %swap3A_599 = arith.constant 32 : index
        %swap3A_600 = tpu.vector_load %arg11[%swap3A_597, %swap3A_598, %swap3A_599] {strides = array<i32>} : memref<8x8x128xf32, #tpu.memory_space<vmem>>, vector<16xf32>,
        tpu.vector_store %arg11[%swap3A_597, %swap3A_598, %swap3A_599], %gather3A_583 {strides = array<i32>} : memref<8x8x128xf32, #tpu.memory_space<vmem>>, vector<16xf32>,
        %swap3A_601 = arith.index_cast %select_n3A_564 : i32 to index
        %swap3A_602 = arith.index_cast %select_n3A_580 : i32 to index
        %swap3A_603 = arith.constant 48 : index
        %swap3A_604 = tpu.vector_load %arg11[%swap3A_601, %swap3A_602, %swap3A_603] {strides = array<i32>} : memref<8x8x128xf32, #tpu.memory_space<vmem>>, vector<16xf32>,
        tpu.vector_store %arg11[%swap3A_601, %swap3A_602, %swap3A_603], %gather3A_584 {strides = array<i32>} : memref<8x8x128xf32, #tpu.memory_space<vmem>>, vector<16xf32>,
        %swap3A_605 = arith.index_cast %select_n3A_564 : i32 to index
        %swap3A_606 = arith.index_cast %select_n3A_580 : i32 to index
        %swap3A_607 = arith.constant 64 : index
        %swap3A_608 = tpu.vector_load %arg11[%swap3A_605, %swap3A_606, %swap3A_607] {strides = array<i32>} : memref<8x8x128xf32, #tpu.memory_space<vmem>>, vector<16xf32>,
        tpu.vector_store %arg11[%swap3A_605, %swap3A_606, %swap3A_607], %gather3A_585 {strides = array<i32>} : memref<8x8x128xf32, #tpu.memory_space<vmem>>, vector<16xf32>,
        %swap3A_609 = arith.index_cast %select_n3A_564 : i32 to index
        %swap3A_610 = arith.index_cast %select_n3A_580 : i32 to index
        %swap3A_611 = arith.constant 80 : index
        %swap3A_612 = tpu.vector_load %arg11[%swap3A_609, %swap3A_610, %swap3A_611] {strides = array<i32>} : memref<8x8x128xf32, #tpu.memory_space<vmem>>, vector<16xf32>,
        tpu.vector_store %arg11[%swap3A_609, %swap3A_610, %swap3A_611], %gather3A_586 {strides = array<i32>} : memref<8x8x128xf32, #tpu.memory_space<vmem>>, vector<16xf32>,
        %swap3A_613 = arith.index_cast %select_n3A_564 : i32 to index
        %swap3A_614 = arith.index_cast %select_n3A_580 : i32 to index
        %swap3A_615 = arith.constant 96 : index
        %swap3A_616 = tpu.vector_load %arg11[%swap3A_613, %swap3A_614, %swap3A_615] {strides = array<i32>} : memref<8x8x128xf32, #tpu.memory_space<vmem>>, vector<16xf32>,
        tpu.vector_store %arg11[%swap3A_613, %swap3A_614, %swap3A_615], %gather3A_587 {strides = array<i32>} : memref<8x8x128xf32, #tpu.memory_space<vmem>>, vector<16xf32>,
        %swap3A_617 = arith.index_cast %select_n3A_564 : i32 to index
        %swap3A_618 = arith.index_cast %select_n3A_580 : i32 to index
        %swap3A_619 = arith.constant 112 : index
        %swap3A_620 = tpu.vector_load %arg11[%swap3A_617, %swap3A_618, %swap3A_619] {strides = array<i32>} : memref<8x8x128xf32, #tpu.memory_space<vmem>>, vector<16xf32>,
        tpu.vector_store %arg11[%swap3A_617, %swap3A_618, %swap3A_619], %gather3A_588 {strides = array<i32>} : memref<8x8x128xf32, #tpu.memory_space<vmem>>, vector<16xf32>,
      }
      %scan3A_213 = arith.constant 64 : i32
      %dma_start3A_214 = arith.constant 0 : i32
      %dma_start3A_215 = arith.constant 0 : i32
      %dma_start3A_216 = arith.constant 0 : i32
      %dma_start3A_217 = tpu.memref_slice %arg4[%add3A_188, %dma_start3A_214, %add3A, %dma_start3A_215, %dma_start3A_216] : memref<26x8x32x8x128xf32, #tpu.memory_space<hbm>> -> memref<1x8x1x8x128xf32, #tpu.memory_space<hbm>>
      %dma_start3A_218 = tpu.memref_squeeze %dma_start3A_217 : memref<1x8x1x8x128xf32, #tpu.memory_space<hbm>> -> memref<8x8x128xf32, #tpu.memory_space<hbm>>
      %dma_start3A_219 = arith.constant 0 : i32
      %dma_start3A_220 = arith.constant 0 : i32
      %dma_start3A_221 = arith.constant 0 : i32
      %dma_start3A_222 = tpu.memref_slice %arg4[%add3A_188, %dma_start3A_219, %add3A, %dma_start3A_220, %dma_start3A_221] : memref<26x8x32x8x128xf32, #tpu.memory_space<hbm>> -> memref<1x8x1x8x128xf32, #tpu.memory_space<hbm>>
      %dma_start3A_223 = tpu.memref_squeeze %dma_start3A_222 : memref<1x8x1x8x128xf32, #tpu.memory_space<hbm>> -> memref<8x8x128xf32, #tpu.memory_space<hbm>>
      tpu.enqueue_dma source(%arg11 : memref<8x8x128xf32, #tpu.memory_space<vmem>>) target(%dma_start3A_223 : memref<8x8x128xf32, #tpu.memory_space<hbm>>) target_semaphore(%arg17 : memref<!tpu.dma_semaphore, #tpu.memory_space<semaphore_mem>>)
      %mul3A_224 = arith.constant 4 : i32
      %mul3A_225 = arith.muli %mul3A_224, %scan3A_149 : i32
      %add3A_226 = arith.constant 2 : i32
      %add3A_227 = arith.addi %mul3A_225, %add3A_226 : i32
      %add3A_228 = arith.constant 3 : i32
      %add3A_229 = arith.addi %add3A_227, %add3A_228 : i32
      %lt3A_230 = arith.constant 26 : i32
      %lt3A_231 = arith.cmpi slt, %add3A_229, %lt3A_230 : i32
      %convert_element_type3A_232 = arith.extui %lt3A_231 : i1 to i32
      %cond3A_233 = arith.constant 0 : i32
      %cond3A_234 = arith.cmpi ne, %convert_element_type3A_232, %cond3A_233 : i32
      scf.if %cond3A_234 {
        %add3A_302 = arith.constant 3 : i32
        %add3A_303 = arith.addi %add3A_227, %add3A_302 : i32
        %dma_start3A_304 = arith.constant 0 : i32
        %dma_start3A_305 = tpu.memref_slice %arg5[%add3A_303, %dma_start3A_304] : memref<26x128xi32, #tpu.memory_space<vmem>> -> memref<1x128xi32, #tpu.memory_space<vmem>>
        %dma_start3A_306 = tpu.memref_squeeze %dma_start3A_305 : memref<1x128xi32, #tpu.memory_space<vmem>> -> memref<128xi32, #tpu.memory_space<vmem>>
        %dma_start3A_307 = arith.constant 0 : i32
        %dma_start3A_308 = arith.constant 0 : i32
        %dma_start3A_309 = tpu.memref_slice %arg3[%dma_start3A_307, %dma_start3A_308] : memref<26000x72xf32, #tpu.memory_space<hbm>> -> memref<26000x72xf32, #tpu.memory_space<hbm>>
        tpu.enqueue_indirect_dma source(%dma_start3A_309 : memref<26000x72xf32, #tpu.memory_space<hbm>>) target(%arg7 : memref<128x72xf32, #tpu.memory_space<vmem>>) offsets(%dma_start3A_306 : memref<128xi32, #tpu.memory_space<vmem>>) semaphore(%arg13 : memref<!tpu.dma_semaphore, #tpu.memory_space<semaphore_mem>>)
      } else {
      }
      %dma_wait3A_235 = arith.constant 0 : i32
      %dma_wait3A_236 = arith.constant 0 : i32
      %dma_wait3A_237 = tpu.memref_slice %arg5[%dma_wait3A_235, %dma_wait3A_236] : memref<26x128xi32, #tpu.memory_space<vmem>> -> memref<1x128xi32, #tpu.memory_space<vmem>>
      %dma_wait3A_238 = tpu.memref_squeeze %dma_wait3A_237 : memref<1x128xi32, #tpu.memory_space<vmem>> -> memref<128xi32, #tpu.memory_space<vmem>>
      %dma_wait3A_239 = arith.constant 0 : i32
      %dma_wait3A_240 = arith.constant 0 : i32
      %dma_wait3A_241 = tpu.memref_slice %arg3[%dma_wait3A_239, %dma_wait3A_240] : memref<26000x72xf32, #tpu.memory_space<hbm>> -> memref<26000x72xf32, #tpu.memory_space<hbm>>
      tpu.wait_indirect_dma semaphore(%arg14 : memref<!tpu.dma_semaphore, #tpu.memory_space<semaphore_mem>>) src(%dma_wait3A_241 : memref<26000x72xf32, #tpu.memory_space<hbm>>) dst(%arg8 : memref<128x72xf32, #tpu.memory_space<vmem>>)
      %ge3A_242 = arith.constant 2 : i32
      %ge3A_243 = arith.cmpi sge, %add3A_227, %ge3A_242 : i32
      %convert_element_type3A_244 = arith.extui %ge3A_243 : i1 to i32
      %cond3A_245 = arith.constant 0 : i32
      %cond3A_246 = arith.cmpi ne, %convert_element_type3A_244, %cond3A_245 : i32
      scf.if %cond3A_246 {
        %dma_wait3A_302 = arith.constant 0 : i32
        %dma_wait3A_303 = arith.constant 0 : i32
        %dma_wait3A_304 = arith.constant 0 : i32
        %dma_wait3A_305 = arith.constant 0 : i32
        %dma_wait3A_306 = tpu.memref_slice %arg4[%dma_wait3A_302, %dma_wait3A_303, %add3A, %dma_wait3A_304, %dma_wait3A_305] : memref<26x8x32x8x128xf32, #tpu.memory_space<hbm>> -> memref<1x8x1x8x128xf32, #tpu.memory_space<hbm>>
        %dma_wait3A_307 = tpu.memref_squeeze %dma_wait3A_306 : memref<1x8x1x8x128xf32, #tpu.memory_space<hbm>> -> memref<8x8x128xf32, #tpu.memory_space<hbm>>
        %dma_wait3A_308 = arith.constant 0 : i32
        %dma_wait3A_309 = arith.constant 0 : i32
        %dma_wait3A_310 = arith.constant 0 : i32
        %dma_wait3A_311 = tpu.memref_slice %arg4[%dma_wait3A_302, %dma_wait3A_308, %add3A, %dma_wait3A_309, %dma_wait3A_310] : memref<26x8x32x8x128xf32, #tpu.memory_space<hbm>> -> memref<1x8x1x8x128xf32, #tpu.memory_space<hbm>>
        %dma_wait3A_312 = tpu.memref_squeeze %dma_wait3A_311 : memref<1x8x1x8x128xf32, #tpu.memory_space<hbm>> -> memref<8x8x128xf32, #tpu.memory_space<hbm>>
        tpu.wait_dma2 semaphore(%arg16 : memref<!tpu.dma_semaphore, #tpu.memory_space<semaphore_mem>>) src(%arg10 : memref<8x8x128xf32, #tpu.memory_space<vmem>>) dst(%dma_wait3A_312 : memref<8x8x128xf32, #tpu.memory_space<hbm>>)
      } else {
      }
      %scan3A_247 = arith.constant 0 : i32
      %scan3A_248 = arith.constant 0 : i32
      %scan3A_249 = arith.constant 64 : i32
      %scan3A_250 = arith.addi %scan3A_248, %scan3A_249 : i32
      %scan3A_251 = arith.constant 4 : i32
      scf.for %scan3A_302 = %scan3A_248 to %scan3A_250 step %scan3A_251  : i32 {
        %broadcast_in_dim3A = vector.broadcast %scan3A_302 : i32 to vector<16xi32>
        %jit3A = arith.constant 8 : i32
        %div3A = arith.divsi %scan3A_302, %jit3A : i32
        %sign3A = arith.constant 0 : i32
        %sign3A_303 = arith.cmpi sgt, %scan3A_302, %sign3A : i32
        %sign3A_304 = arith.extui %sign3A_303 : i1 to i32
        %sign3A_305 = arith.constant 0 : i32
        %sign3A_306 = arith.cmpi slt, %scan3A_302, %sign3A_305 : i32
        %sign3A_307 = arith.extui %sign3A_306 : i1 to i32
        %sign3A_308 = arith.subi %sign3A_304, %sign3A_307 : i32
        %sign3A_309 = arith.constant 0 : i32
        %sign3A_310 = arith.cmpi sgt, %jit3A, %sign3A_309 : i32
        %sign3A_311 = arith.extui %sign3A_310 : i1 to i32
        %sign3A_312 = arith.constant 0 : i32
        %sign3A_313 = arith.cmpi slt, %jit3A, %sign3A_312 : i32
        %sign3A_314 = arith.extui %sign3A_313 : i1 to i32
        %sign3A_315 = arith.subi %sign3A_311, %sign3A_314 : i32
        %ne3A = arith.cmpi ne, %sign3A_308, %sign3A_315 : i32
        %rem3A = arith.remsi %scan3A_302, %jit3A : i32
        %ne3A_316 = arith.constant 0 : i32
        %ne3A_317 = arith.cmpi ne, %rem3A, %ne3A_316 : i32
        %and3A = arith.andi %ne3A, %ne3A_317 : i1
        %sub3A = arith.constant 1 : i32
        %sub3A_318 = arith.subi %div3A, %sub3A : i32
        %select_n3A = arith.select %and3A, %sub3A_318, %div3A : i32
        %jit3A_319 = arith.constant 8 : i32
        %eq3A = arith.constant 0 : i32
        %eq3A_320 = arith.cmpi eq, %jit3A_319, %eq3A : i32
        %jit3A_321 = arith.constant 1 : i32
        %select_n3A_322 = arith.select %eq3A_320, %jit3A_321, %jit3A_319 : i32
        %rem3A_323 = arith.remsi %scan3A_302, %select_n3A_322 : i32
        %ne3A_324 = arith.constant 0 : i32
        %ne3A_325 = arith.cmpi ne, %rem3A_323, %ne3A_324 : i32
        %lt3A_326 = arith.constant 0 : i32
        %lt3A_327 = arith.cmpi slt, %rem3A_323, %lt3A_326 : i32
        %lt3A_328 = arith.constant 0 : i32
        %lt3A_329 = arith.cmpi slt, %select_n3A_322, %lt3A_328 : i32
        %ne3A_330 = arith.xori %lt3A_327, %lt3A_329 : i1
        %and3A_331 = arith.andi %ne3A_330, %ne3A_325 : i1
        %add3A_332 = arith.addi %rem3A_323, %select_n3A_322 : i32
        %select_n3A_333 = arith.select %and3A_331, %add3A_332, %rem3A_323 : i32
        %gather3A = tpu.vector_load_idx %arg8[%add3A_10, %broadcast_in_dim3A] : memref<128x72xf32, #tpu.memory_space<vmem>>[vector<16xi32>, vector<16xi32>], vector<16xf32>,
        %gather3A_334 = tpu.vector_load_idx %arg8[%add3A_13, %broadcast_in_dim3A] : memref<128x72xf32, #tpu.memory_space<vmem>>[vector<16xi32>, vector<16xi32>], vector<16xf32>,
        %gather3A_335 = tpu.vector_load_idx %arg8[%add3A_16, %broadcast_in_dim3A] : memref<128x72xf32, #tpu.memory_space<vmem>>[vector<16xi32>, vector<16xi32>], vector<16xf32>,
        %gather3A_336 = tpu.vector_load_idx %arg8[%add3A_19, %broadcast_in_dim3A] : memref<128x72xf32, #tpu.memory_space<vmem>>[vector<16xi32>, vector<16xi32>], vector<16xf32>,
        %gather3A_337 = tpu.vector_load_idx %arg8[%add3A_22, %broadcast_in_dim3A] : memref<128x72xf32, #tpu.memory_space<vmem>>[vector<16xi32>, vector<16xi32>], vector<16xf32>,
        %gather3A_338 = tpu.vector_load_idx %arg8[%add3A_25, %broadcast_in_dim3A] : memref<128x72xf32, #tpu.memory_space<vmem>>[vector<16xi32>, vector<16xi32>], vector<16xf32>,
        %gather3A_339 = tpu.vector_load_idx %arg8[%add3A_28, %broadcast_in_dim3A] : memref<128x72xf32, #tpu.memory_space<vmem>>[vector<16xi32>, vector<16xi32>], vector<16xf32>,
        %gather3A_340 = tpu.vector_load_idx %arg8[%add3A_31, %broadcast_in_dim3A] : memref<128x72xf32, #tpu.memory_space<vmem>>[vector<16xi32>, vector<16xi32>], vector<16xf32>,
        %swap3A = arith.index_cast %select_n3A : i32 to index
        %swap3A_341 = arith.index_cast %select_n3A_333 : i32 to index
        %swap3A_342 = arith.constant 0 : index
        %swap3A_343 = tpu.vector_load %arg10[%swap3A, %swap3A_341, %swap3A_342] {strides = array<i32>} : memref<8x8x128xf32, #tpu.memory_space<vmem>>, vector<16xf32>,
        tpu.vector_store %arg10[%swap3A, %swap3A_341, %swap3A_342], %gather3A {strides = array<i32>} : memref<8x8x128xf32, #tpu.memory_space<vmem>>, vector<16xf32>,
        %swap3A_344 = arith.index_cast %select_n3A : i32 to index
        %swap3A_345 = arith.index_cast %select_n3A_333 : i32 to index
        %swap3A_346 = arith.constant 16 : index
        %swap3A_347 = tpu.vector_load %arg10[%swap3A_344, %swap3A_345, %swap3A_346] {strides = array<i32>} : memref<8x8x128xf32, #tpu.memory_space<vmem>>, vector<16xf32>,
        tpu.vector_store %arg10[%swap3A_344, %swap3A_345, %swap3A_346], %gather3A_334 {strides = array<i32>} : memref<8x8x128xf32, #tpu.memory_space<vmem>>, vector<16xf32>,
        %swap3A_348 = arith.index_cast %select_n3A : i32 to index
        %swap3A_349 = arith.index_cast %select_n3A_333 : i32 to index
        %swap3A_350 = arith.constant 32 : index
        %swap3A_351 = tpu.vector_load %arg10[%swap3A_348, %swap3A_349, %swap3A_350] {strides = array<i32>} : memref<8x8x128xf32, #tpu.memory_space<vmem>>, vector<16xf32>,
        tpu.vector_store %arg10[%swap3A_348, %swap3A_349, %swap3A_350], %gather3A_335 {strides = array<i32>} : memref<8x8x128xf32, #tpu.memory_space<vmem>>, vector<16xf32>,
        %swap3A_352 = arith.index_cast %select_n3A : i32 to index
        %swap3A_353 = arith.index_cast %select_n3A_333 : i32 to index
        %swap3A_354 = arith.constant 48 : index
        %swap3A_355 = tpu.vector_load %arg10[%swap3A_352, %swap3A_353, %swap3A_354] {strides = array<i32>} : memref<8x8x128xf32, #tpu.memory_space<vmem>>, vector<16xf32>,
        tpu.vector_store %arg10[%swap3A_352, %swap3A_353, %swap3A_354], %gather3A_336 {strides = array<i32>} : memref<8x8x128xf32, #tpu.memory_space<vmem>>, vector<16xf32>,
        %swap3A_356 = arith.index_cast %select_n3A : i32 to index
        %swap3A_357 = arith.index_cast %select_n3A_333 : i32 to index
        %swap3A_358 = arith.constant 64 : index
        %swap3A_359 = tpu.vector_load %arg10[%swap3A_356, %swap3A_357, %swap3A_358] {strides = array<i32>} : memref<8x8x128xf32, #tpu.memory_space<vmem>>, vector<16xf32>,
        tpu.vector_store %arg10[%swap3A_356, %swap3A_357, %swap3A_358], %gather3A_337 {strides = array<i32>} : memref<8x8x128xf32, #tpu.memory_space<vmem>>, vector<16xf32>,
        %swap3A_360 = arith.index_cast %select_n3A : i32 to index
        %swap3A_361 = arith.index_cast %select_n3A_333 : i32 to index
        %swap3A_362 = arith.constant 80 : index
        %swap3A_363 = tpu.vector_load %arg10[%swap3A_360, %swap3A_361, %swap3A_362] {strides = array<i32>} : memref<8x8x128xf32, #tpu.memory_space<vmem>>, vector<16xf32>,
        tpu.vector_store %arg10[%swap3A_360, %swap3A_361, %swap3A_362], %gather3A_338 {strides = array<i32>} : memref<8x8x128xf32, #tpu.memory_space<vmem>>, vector<16xf32>,
        %swap3A_364 = arith.index_cast %select_n3A : i32 to index
        %swap3A_365 = arith.index_cast %select_n3A_333 : i32 to index
        %swap3A_366 = arith.constant 96 : index
        %swap3A_367 = tpu.vector_load %arg10[%swap3A_364, %swap3A_365, %swap3A_366] {strides = array<i32>} : memref<8x8x128xf32, #tpu.memory_space<vmem>>, vector<16xf32>,
        tpu.vector_store %arg10[%swap3A_364, %swap3A_365, %swap3A_366], %gather3A_339 {strides = array<i32>} : memref<8x8x128xf32, #tpu.memory_space<vmem>>, vector<16xf32>,
        %swap3A_368 = arith.index_cast %select_n3A : i32 to index
        %swap3A_369 = arith.index_cast %select_n3A_333 : i32 to index
        %swap3A_370 = arith.constant 112 : index
        %swap3A_371 = tpu.vector_load %arg10[%swap3A_368, %swap3A_369, %swap3A_370] {strides = array<i32>} : memref<8x8x128xf32, #tpu.memory_space<vmem>>, vector<16xf32>,
        tpu.vector_store %arg10[%swap3A_368, %swap3A_369, %swap3A_370], %gather3A_340 {strides = array<i32>} : memref<8x8x128xf32, #tpu.memory_space<vmem>>, vector<16xf32>,
        %scan3A_372 = arith.constant 1 : i32
        %scan3A_373 = arith.addi %scan3A_302, %scan3A_372 : i32
        %broadcast_in_dim3A_374 = vector.broadcast %scan3A_373 : i32 to vector<16xi32>
        %jit3A_375 = arith.constant 8 : i32
        %div3A_376 = arith.divsi %scan3A_373, %jit3A_375 : i32
        %sign3A_377 = arith.constant 0 : i32
        %sign3A_378 = arith.cmpi sgt, %scan3A_373, %sign3A_377 : i32
        %sign3A_379 = arith.extui %sign3A_378 : i1 to i32
        %sign3A_380 = arith.constant 0 : i32
        %sign3A_381 = arith.cmpi slt, %scan3A_373, %sign3A_380 : i32
        %sign3A_382 = arith.extui %sign3A_381 : i1 to i32
        %sign3A_383 = arith.subi %sign3A_379, %sign3A_382 : i32
        %sign3A_384 = arith.constant 0 : i32
        %sign3A_385 = arith.cmpi sgt, %jit3A_375, %sign3A_384 : i32
        %sign3A_386 = arith.extui %sign3A_385 : i1 to i32
        %sign3A_387 = arith.constant 0 : i32
        %sign3A_388 = arith.cmpi slt, %jit3A_375, %sign3A_387 : i32
        %sign3A_389 = arith.extui %sign3A_388 : i1 to i32
        %sign3A_390 = arith.subi %sign3A_386, %sign3A_389 : i32
        %ne3A_391 = arith.cmpi ne, %sign3A_383, %sign3A_390 : i32
        %rem3A_392 = arith.remsi %scan3A_373, %jit3A_375 : i32
        %ne3A_393 = arith.constant 0 : i32
        %ne3A_394 = arith.cmpi ne, %rem3A_392, %ne3A_393 : i32
        %and3A_395 = arith.andi %ne3A_391, %ne3A_394 : i1
        %sub3A_396 = arith.constant 1 : i32
        %sub3A_397 = arith.subi %div3A_376, %sub3A_396 : i32
        %select_n3A_398 = arith.select %and3A_395, %sub3A_397, %div3A_376 : i32
        %jit3A_399 = arith.constant 8 : i32
        %eq3A_400 = arith.constant 0 : i32
        %eq3A_401 = arith.cmpi eq, %jit3A_399, %eq3A_400 : i32
        %jit3A_402 = arith.constant 1 : i32
        %select_n3A_403 = arith.select %eq3A_401, %jit3A_402, %jit3A_399 : i32
        %rem3A_404 = arith.remsi %scan3A_373, %select_n3A_403 : i32
        %ne3A_405 = arith.constant 0 : i32
        %ne3A_406 = arith.cmpi ne, %rem3A_404, %ne3A_405 : i32
        %lt3A_407 = arith.constant 0 : i32
        %lt3A_408 = arith.cmpi slt, %rem3A_404, %lt3A_407 : i32
        %lt3A_409 = arith.constant 0 : i32
        %lt3A_410 = arith.cmpi slt, %select_n3A_403, %lt3A_409 : i32
        %ne3A_411 = arith.xori %lt3A_408, %lt3A_410 : i1
        %and3A_412 = arith.andi %ne3A_411, %ne3A_406 : i1
        %add3A_413 = arith.addi %rem3A_404, %select_n3A_403 : i32
        %select_n3A_414 = arith.select %and3A_412, %add3A_413, %rem3A_404 : i32
        %gather3A_415 = tpu.vector_load_idx %arg8[%add3A_10, %broadcast_in_dim3A_374] : memref<128x72xf32, #tpu.memory_space<vmem>>[vector<16xi32>, vector<16xi32>], vector<16xf32>,
        %gather3A_416 = tpu.vector_load_idx %arg8[%add3A_13, %broadcast_in_dim3A_374] : memref<128x72xf32, #tpu.memory_space<vmem>>[vector<16xi32>, vector<16xi32>], vector<16xf32>,
        %gather3A_417 = tpu.vector_load_idx %arg8[%add3A_16, %broadcast_in_dim3A_374] : memref<128x72xf32, #tpu.memory_space<vmem>>[vector<16xi32>, vector<16xi32>], vector<16xf32>,
        %gather3A_418 = tpu.vector_load_idx %arg8[%add3A_19, %broadcast_in_dim3A_374] : memref<128x72xf32, #tpu.memory_space<vmem>>[vector<16xi32>, vector<16xi32>], vector<16xf32>,
        %gather3A_419 = tpu.vector_load_idx %arg8[%add3A_22, %broadcast_in_dim3A_374] : memref<128x72xf32, #tpu.memory_space<vmem>>[vector<16xi32>, vector<16xi32>], vector<16xf32>,
        %gather3A_420 = tpu.vector_load_idx %arg8[%add3A_25, %broadcast_in_dim3A_374] : memref<128x72xf32, #tpu.memory_space<vmem>>[vector<16xi32>, vector<16xi32>], vector<16xf32>,
        %gather3A_421 = tpu.vector_load_idx %arg8[%add3A_28, %broadcast_in_dim3A_374] : memref<128x72xf32, #tpu.memory_space<vmem>>[vector<16xi32>, vector<16xi32>], vector<16xf32>,
        %gather3A_422 = tpu.vector_load_idx %arg8[%add3A_31, %broadcast_in_dim3A_374] : memref<128x72xf32, #tpu.memory_space<vmem>>[vector<16xi32>, vector<16xi32>], vector<16xf32>,
        %swap3A_423 = arith.index_cast %select_n3A_398 : i32 to index
        %swap3A_424 = arith.index_cast %select_n3A_414 : i32 to index
        %swap3A_425 = arith.constant 0 : index
        %swap3A_426 = tpu.vector_load %arg10[%swap3A_423, %swap3A_424, %swap3A_425] {strides = array<i32>} : memref<8x8x128xf32, #tpu.memory_space<vmem>>, vector<16xf32>,
        tpu.vector_store %arg10[%swap3A_423, %swap3A_424, %swap3A_425], %gather3A_415 {strides = array<i32>} : memref<8x8x128xf32, #tpu.memory_space<vmem>>, vector<16xf32>,
        %swap3A_427 = arith.index_cast %select_n3A_398 : i32 to index
        %swap3A_428 = arith.index_cast %select_n3A_414 : i32 to index
        %swap3A_429 = arith.constant 16 : index
        %swap3A_430 = tpu.vector_load %arg10[%swap3A_427, %swap3A_428, %swap3A_429] {strides = array<i32>} : memref<8x8x128xf32, #tpu.memory_space<vmem>>, vector<16xf32>,
        tpu.vector_store %arg10[%swap3A_427, %swap3A_428, %swap3A_429], %gather3A_416 {strides = array<i32>} : memref<8x8x128xf32, #tpu.memory_space<vmem>>, vector<16xf32>,
        %swap3A_431 = arith.index_cast %select_n3A_398 : i32 to index
        %swap3A_432 = arith.index_cast %select_n3A_414 : i32 to index
        %swap3A_433 = arith.constant 32 : index
        %swap3A_434 = tpu.vector_load %arg10[%swap3A_431, %swap3A_432, %swap3A_433] {strides = array<i32>} : memref<8x8x128xf32, #tpu.memory_space<vmem>>, vector<16xf32>,
        tpu.vector_store %arg10[%swap3A_431, %swap3A_432, %swap3A_433], %gather3A_417 {strides = array<i32>} : memref<8x8x128xf32, #tpu.memory_space<vmem>>, vector<16xf32>,
        %swap3A_435 = arith.index_cast %select_n3A_398 : i32 to index
        %swap3A_436 = arith.index_cast %select_n3A_414 : i32 to index
        %swap3A_437 = arith.constant 48 : index
        %swap3A_438 = tpu.vector_load %arg10[%swap3A_435, %swap3A_436, %swap3A_437] {strides = array<i32>} : memref<8x8x128xf32, #tpu.memory_space<vmem>>, vector<16xf32>,
        tpu.vector_store %arg10[%swap3A_435, %swap3A_436, %swap3A_437], %gather3A_418 {strides = array<i32>} : memref<8x8x128xf32, #tpu.memory_space<vmem>>, vector<16xf32>,
        %swap3A_439 = arith.index_cast %select_n3A_398 : i32 to index
        %swap3A_440 = arith.index_cast %select_n3A_414 : i32 to index
        %swap3A_441 = arith.constant 64 : index
        %swap3A_442 = tpu.vector_load %arg10[%swap3A_439, %swap3A_440, %swap3A_441] {strides = array<i32>} : memref<8x8x128xf32, #tpu.memory_space<vmem>>, vector<16xf32>,
        tpu.vector_store %arg10[%swap3A_439, %swap3A_440, %swap3A_441], %gather3A_419 {strides = array<i32>} : memref<8x8x128xf32, #tpu.memory_space<vmem>>, vector<16xf32>,
        %swap3A_443 = arith.index_cast %select_n3A_398 : i32 to index
        %swap3A_444 = arith.index_cast %select_n3A_414 : i32 to index
        %swap3A_445 = arith.constant 80 : index
        %swap3A_446 = tpu.vector_load %arg10[%swap3A_443, %swap3A_444, %swap3A_445] {strides = array<i32>} : memref<8x8x128xf32, #tpu.memory_space<vmem>>, vector<16xf32>,
        tpu.vector_store %arg10[%swap3A_443, %swap3A_444, %swap3A_445], %gather3A_420 {strides = array<i32>} : memref<8x8x128xf32, #tpu.memory_space<vmem>>, vector<16xf32>,
        %swap3A_447 = arith.index_cast %select_n3A_398 : i32 to index
        %swap3A_448 = arith.index_cast %select_n3A_414 : i32 to index
        %swap3A_449 = arith.constant 96 : index
        %swap3A_450 = tpu.vector_load %arg10[%swap3A_447, %swap3A_448, %swap3A_449] {strides = array<i32>} : memref<8x8x128xf32, #tpu.memory_space<vmem>>, vector<16xf32>,
        tpu.vector_store %arg10[%swap3A_447, %swap3A_448, %swap3A_449], %gather3A_421 {strides = array<i32>} : memref<8x8x128xf32, #tpu.memory_space<vmem>>, vector<16xf32>,
        %swap3A_451 = arith.index_cast %select_n3A_398 : i32 to index
        %swap3A_452 = arith.index_cast %select_n3A_414 : i32 to index
        %swap3A_453 = arith.constant 112 : index
        %swap3A_454 = tpu.vector_load %arg10[%swap3A_451, %swap3A_452, %swap3A_453] {strides = array<i32>} : memref<8x8x128xf32, #tpu.memory_space<vmem>>, vector<16xf32>,
        tpu.vector_store %arg10[%swap3A_451, %swap3A_452, %swap3A_453], %gather3A_422 {strides = array<i32>} : memref<8x8x128xf32, #tpu.memory_space<vmem>>, vector<16xf32>,
        %scan3A_455 = arith.constant 2 : i32
        %scan3A_456 = arith.addi %scan3A_302, %scan3A_455 : i32
        %broadcast_in_dim3A_457 = vector.broadcast %scan3A_456 : i32 to vector<16xi32>
        %jit3A_458 = arith.constant 8 : i32
        %div3A_459 = arith.divsi %scan3A_456, %jit3A_458 : i32
        %sign3A_460 = arith.constant 0 : i32
        %sign3A_461 = arith.cmpi sgt, %scan3A_456, %sign3A_460 : i32
        %sign3A_462 = arith.extui %sign3A_461 : i1 to i32
        %sign3A_463 = arith.constant 0 : i32
        %sign3A_464 = arith.cmpi slt, %scan3A_456, %sign3A_463 : i32
        %sign3A_465 = arith.extui %sign3A_464 : i1 to i32
        %sign3A_466 = arith.subi %sign3A_462, %sign3A_465 : i32
        %sign3A_467 = arith.constant 0 : i32
        %sign3A_468 = arith.cmpi sgt, %jit3A_458, %sign3A_467 : i32
        %sign3A_469 = arith.extui %sign3A_468 : i1 to i32
        %sign3A_470 = arith.constant 0 : i32
        %sign3A_471 = arith.cmpi slt, %jit3A_458, %sign3A_470 : i32
        %sign3A_472 = arith.extui %sign3A_471 : i1 to i32
        %sign3A_473 = arith.subi %sign3A_469, %sign3A_472 : i32
        %ne3A_474 = arith.cmpi ne, %sign3A_466, %sign3A_473 : i32
        %rem3A_475 = arith.remsi %scan3A_456, %jit3A_458 : i32
        %ne3A_476 = arith.constant 0 : i32
        %ne3A_477 = arith.cmpi ne, %rem3A_475, %ne3A_476 : i32
        %and3A_478 = arith.andi %ne3A_474, %ne3A_477 : i1
        %sub3A_479 = arith.constant 1 : i32
        %sub3A_480 = arith.subi %div3A_459, %sub3A_479 : i32
        %select_n3A_481 = arith.select %and3A_478, %sub3A_480, %div3A_459 : i32
        %jit3A_482 = arith.constant 8 : i32
        %eq3A_483 = arith.constant 0 : i32
        %eq3A_484 = arith.cmpi eq, %jit3A_482, %eq3A_483 : i32
        %jit3A_485 = arith.constant 1 : i32
        %select_n3A_486 = arith.select %eq3A_484, %jit3A_485, %jit3A_482 : i32
        %rem3A_487 = arith.remsi %scan3A_456, %select_n3A_486 : i32
        %ne3A_488 = arith.constant 0 : i32
        %ne3A_489 = arith.cmpi ne, %rem3A_487, %ne3A_488 : i32
        %lt3A_490 = arith.constant 0 : i32
        %lt3A_491 = arith.cmpi slt, %rem3A_487, %lt3A_490 : i32
        %lt3A_492 = arith.constant 0 : i32
        %lt3A_493 = arith.cmpi slt, %select_n3A_486, %lt3A_492 : i32
        %ne3A_494 = arith.xori %lt3A_491, %lt3A_493 : i1
        %and3A_495 = arith.andi %ne3A_494, %ne3A_489 : i1
        %add3A_496 = arith.addi %rem3A_487, %select_n3A_486 : i32
        %select_n3A_497 = arith.select %and3A_495, %add3A_496, %rem3A_487 : i32
        %gather3A_498 = tpu.vector_load_idx %arg8[%add3A_10, %broadcast_in_dim3A_457] : memref<128x72xf32, #tpu.memory_space<vmem>>[vector<16xi32>, vector<16xi32>], vector<16xf32>,
        %gather3A_499 = tpu.vector_load_idx %arg8[%add3A_13, %broadcast_in_dim3A_457] : memref<128x72xf32, #tpu.memory_space<vmem>>[vector<16xi32>, vector<16xi32>], vector<16xf32>,
        %gather3A_500 = tpu.vector_load_idx %arg8[%add3A_16, %broadcast_in_dim3A_457] : memref<128x72xf32, #tpu.memory_space<vmem>>[vector<16xi32>, vector<16xi32>], vector<16xf32>,
        %gather3A_501 = tpu.vector_load_idx %arg8[%add3A_19, %broadcast_in_dim3A_457] : memref<128x72xf32, #tpu.memory_space<vmem>>[vector<16xi32>, vector<16xi32>], vector<16xf32>,
        %gather3A_502 = tpu.vector_load_idx %arg8[%add3A_22, %broadcast_in_dim3A_457] : memref<128x72xf32, #tpu.memory_space<vmem>>[vector<16xi32>, vector<16xi32>], vector<16xf32>,
        %gather3A_503 = tpu.vector_load_idx %arg8[%add3A_25, %broadcast_in_dim3A_457] : memref<128x72xf32, #tpu.memory_space<vmem>>[vector<16xi32>, vector<16xi32>], vector<16xf32>,
        %gather3A_504 = tpu.vector_load_idx %arg8[%add3A_28, %broadcast_in_dim3A_457] : memref<128x72xf32, #tpu.memory_space<vmem>>[vector<16xi32>, vector<16xi32>], vector<16xf32>,
        %gather3A_505 = tpu.vector_load_idx %arg8[%add3A_31, %broadcast_in_dim3A_457] : memref<128x72xf32, #tpu.memory_space<vmem>>[vector<16xi32>, vector<16xi32>], vector<16xf32>,
        %swap3A_506 = arith.index_cast %select_n3A_481 : i32 to index
        %swap3A_507 = arith.index_cast %select_n3A_497 : i32 to index
        %swap3A_508 = arith.constant 0 : index
        %swap3A_509 = tpu.vector_load %arg10[%swap3A_506, %swap3A_507, %swap3A_508] {strides = array<i32>} : memref<8x8x128xf32, #tpu.memory_space<vmem>>, vector<16xf32>,
        tpu.vector_store %arg10[%swap3A_506, %swap3A_507, %swap3A_508], %gather3A_498 {strides = array<i32>} : memref<8x8x128xf32, #tpu.memory_space<vmem>>, vector<16xf32>,
        %swap3A_510 = arith.index_cast %select_n3A_481 : i32 to index
        %swap3A_511 = arith.index_cast %select_n3A_497 : i32 to index
        %swap3A_512 = arith.constant 16 : index
        %swap3A_513 = tpu.vector_load %arg10[%swap3A_510, %swap3A_511, %swap3A_512] {strides = array<i32>} : memref<8x8x128xf32, #tpu.memory_space<vmem>>, vector<16xf32>,
        tpu.vector_store %arg10[%swap3A_510, %swap3A_511, %swap3A_512], %gather3A_499 {strides = array<i32>} : memref<8x8x128xf32, #tpu.memory_space<vmem>>, vector<16xf32>,
        %swap3A_514 = arith.index_cast %select_n3A_481 : i32 to index
        %swap3A_515 = arith.index_cast %select_n3A_497 : i32 to index
        %swap3A_516 = arith.constant 32 : index
        %swap3A_517 = tpu.vector_load %arg10[%swap3A_514, %swap3A_515, %swap3A_516] {strides = array<i32>} : memref<8x8x128xf32, #tpu.memory_space<vmem>>, vector<16xf32>,
        tpu.vector_store %arg10[%swap3A_514, %swap3A_515, %swap3A_516], %gather3A_500 {strides = array<i32>} : memref<8x8x128xf32, #tpu.memory_space<vmem>>, vector<16xf32>,
        %swap3A_518 = arith.index_cast %select_n3A_481 : i32 to index
        %swap3A_519 = arith.index_cast %select_n3A_497 : i32 to index
        %swap3A_520 = arith.constant 48 : index
        %swap3A_521 = tpu.vector_load %arg10[%swap3A_518, %swap3A_519, %swap3A_520] {strides = array<i32>} : memref<8x8x128xf32, #tpu.memory_space<vmem>>, vector<16xf32>,
        tpu.vector_store %arg10[%swap3A_518, %swap3A_519, %swap3A_520], %gather3A_501 {strides = array<i32>} : memref<8x8x128xf32, #tpu.memory_space<vmem>>, vector<16xf32>,
        %swap3A_522 = arith.index_cast %select_n3A_481 : i32 to index
        %swap3A_523 = arith.index_cast %select_n3A_497 : i32 to index
        %swap3A_524 = arith.constant 64 : index
        %swap3A_525 = tpu.vector_load %arg10[%swap3A_522, %swap3A_523, %swap3A_524] {strides = array<i32>} : memref<8x8x128xf32, #tpu.memory_space<vmem>>, vector<16xf32>,
        tpu.vector_store %arg10[%swap3A_522, %swap3A_523, %swap3A_524], %gather3A_502 {strides = array<i32>} : memref<8x8x128xf32, #tpu.memory_space<vmem>>, vector<16xf32>,
        %swap3A_526 = arith.index_cast %select_n3A_481 : i32 to index
        %swap3A_527 = arith.index_cast %select_n3A_497 : i32 to index
        %swap3A_528 = arith.constant 80 : index
        %swap3A_529 = tpu.vector_load %arg10[%swap3A_526, %swap3A_527, %swap3A_528] {strides = array<i32>} : memref<8x8x128xf32, #tpu.memory_space<vmem>>, vector<16xf32>,
        tpu.vector_store %arg10[%swap3A_526, %swap3A_527, %swap3A_528], %gather3A_503 {strides = array<i32>} : memref<8x8x128xf32, #tpu.memory_space<vmem>>, vector<16xf32>,
        %swap3A_530 = arith.index_cast %select_n3A_481 : i32 to index
        %swap3A_531 = arith.index_cast %select_n3A_497 : i32 to index
        %swap3A_532 = arith.constant 96 : index
        %swap3A_533 = tpu.vector_load %arg10[%swap3A_530, %swap3A_531, %swap3A_532] {strides = array<i32>} : memref<8x8x128xf32, #tpu.memory_space<vmem>>, vector<16xf32>,
        tpu.vector_store %arg10[%swap3A_530, %swap3A_531, %swap3A_532], %gather3A_504 {strides = array<i32>} : memref<8x8x128xf32, #tpu.memory_space<vmem>>, vector<16xf32>,
        %swap3A_534 = arith.index_cast %select_n3A_481 : i32 to index
        %swap3A_535 = arith.index_cast %select_n3A_497 : i32 to index
        %swap3A_536 = arith.constant 112 : index
        %swap3A_537 = tpu.vector_load %arg10[%swap3A_534, %swap3A_535, %swap3A_536] {strides = array<i32>} : memref<8x8x128xf32, #tpu.memory_space<vmem>>, vector<16xf32>,
        tpu.vector_store %arg10[%swap3A_534, %swap3A_535, %swap3A_536], %gather3A_505 {strides = array<i32>} : memref<8x8x128xf32, #tpu.memory_space<vmem>>, vector<16xf32>,
        %scan3A_538 = arith.constant 3 : i32
        %scan3A_539 = arith.addi %scan3A_302, %scan3A_538 : i32
        %broadcast_in_dim3A_540 = vector.broadcast %scan3A_539 : i32 to vector<16xi32>
        %jit3A_541 = arith.constant 8 : i32
        %div3A_542 = arith.divsi %scan3A_539, %jit3A_541 : i32
        %sign3A_543 = arith.constant 0 : i32
        %sign3A_544 = arith.cmpi sgt, %scan3A_539, %sign3A_543 : i32
        %sign3A_545 = arith.extui %sign3A_544 : i1 to i32
        %sign3A_546 = arith.constant 0 : i32
        %sign3A_547 = arith.cmpi slt, %scan3A_539, %sign3A_546 : i32
        %sign3A_548 = arith.extui %sign3A_547 : i1 to i32
        %sign3A_549 = arith.subi %sign3A_545, %sign3A_548 : i32
        %sign3A_550 = arith.constant 0 : i32
        %sign3A_551 = arith.cmpi sgt, %jit3A_541, %sign3A_550 : i32
        %sign3A_552 = arith.extui %sign3A_551 : i1 to i32
        %sign3A_553 = arith.constant 0 : i32
        %sign3A_554 = arith.cmpi slt, %jit3A_541, %sign3A_553 : i32
        %sign3A_555 = arith.extui %sign3A_554 : i1 to i32
        %sign3A_556 = arith.subi %sign3A_552, %sign3A_555 : i32
        %ne3A_557 = arith.cmpi ne, %sign3A_549, %sign3A_556 : i32
        %rem3A_558 = arith.remsi %scan3A_539, %jit3A_541 : i32
        %ne3A_559 = arith.constant 0 : i32
        %ne3A_560 = arith.cmpi ne, %rem3A_558, %ne3A_559 : i32
        %and3A_561 = arith.andi %ne3A_557, %ne3A_560 : i1
        %sub3A_562 = arith.constant 1 : i32
        %sub3A_563 = arith.subi %div3A_542, %sub3A_562 : i32
        %select_n3A_564 = arith.select %and3A_561, %sub3A_563, %div3A_542 : i32
        %jit3A_565 = arith.constant 8 : i32
        %eq3A_566 = arith.constant 0 : i32
        %eq3A_567 = arith.cmpi eq, %jit3A_565, %eq3A_566 : i32
        %jit3A_568 = arith.constant 1 : i32
        %select_n3A_569 = arith.select %eq3A_567, %jit3A_568, %jit3A_565 : i32
        %rem3A_570 = arith.remsi %scan3A_539, %select_n3A_569 : i32
        %ne3A_571 = arith.constant 0 : i32
        %ne3A_572 = arith.cmpi ne, %rem3A_570, %ne3A_571 : i32
        %lt3A_573 = arith.constant 0 : i32
        %lt3A_574 = arith.cmpi slt, %rem3A_570, %lt3A_573 : i32
        %lt3A_575 = arith.constant 0 : i32
        %lt3A_576 = arith.cmpi slt, %select_n3A_569, %lt3A_575 : i32
        %ne3A_577 = arith.xori %lt3A_574, %lt3A_576 : i1
        %and3A_578 = arith.andi %ne3A_577, %ne3A_572 : i1
        %add3A_579 = arith.addi %rem3A_570, %select_n3A_569 : i32
        %select_n3A_580 = arith.select %and3A_578, %add3A_579, %rem3A_570 : i32
        %gather3A_581 = tpu.vector_load_idx %arg8[%add3A_10, %broadcast_in_dim3A_540] : memref<128x72xf32, #tpu.memory_space<vmem>>[vector<16xi32>, vector<16xi32>], vector<16xf32>,
        %gather3A_582 = tpu.vector_load_idx %arg8[%add3A_13, %broadcast_in_dim3A_540] : memref<128x72xf32, #tpu.memory_space<vmem>>[vector<16xi32>, vector<16xi32>], vector<16xf32>,
        %gather3A_583 = tpu.vector_load_idx %arg8[%add3A_16, %broadcast_in_dim3A_540] : memref<128x72xf32, #tpu.memory_space<vmem>>[vector<16xi32>, vector<16xi32>], vector<16xf32>,
        %gather3A_584 = tpu.vector_load_idx %arg8[%add3A_19, %broadcast_in_dim3A_540] : memref<128x72xf32, #tpu.memory_space<vmem>>[vector<16xi32>, vector<16xi32>], vector<16xf32>,
        %gather3A_585 = tpu.vector_load_idx %arg8[%add3A_22, %broadcast_in_dim3A_540] : memref<128x72xf32, #tpu.memory_space<vmem>>[vector<16xi32>, vector<16xi32>], vector<16xf32>,
        %gather3A_586 = tpu.vector_load_idx %arg8[%add3A_25, %broadcast_in_dim3A_540] : memref<128x72xf32, #tpu.memory_space<vmem>>[vector<16xi32>, vector<16xi32>], vector<16xf32>,
        %gather3A_587 = tpu.vector_load_idx %arg8[%add3A_28, %broadcast_in_dim3A_540] : memref<128x72xf32, #tpu.memory_space<vmem>>[vector<16xi32>, vector<16xi32>], vector<16xf32>,
        %gather3A_588 = tpu.vector_load_idx %arg8[%add3A_31, %broadcast_in_dim3A_540] : memref<128x72xf32, #tpu.memory_space<vmem>>[vector<16xi32>, vector<16xi32>], vector<16xf32>,
        %swap3A_589 = arith.index_cast %select_n3A_564 : i32 to index
        %swap3A_590 = arith.index_cast %select_n3A_580 : i32 to index
        %swap3A_591 = arith.constant 0 : index
        %swap3A_592 = tpu.vector_load %arg10[%swap3A_589, %swap3A_590, %swap3A_591] {strides = array<i32>} : memref<8x8x128xf32, #tpu.memory_space<vmem>>, vector<16xf32>,
        tpu.vector_store %arg10[%swap3A_589, %swap3A_590, %swap3A_591], %gather3A_581 {strides = array<i32>} : memref<8x8x128xf32, #tpu.memory_space<vmem>>, vector<16xf32>,
        %swap3A_593 = arith.index_cast %select_n3A_564 : i32 to index
        %swap3A_594 = arith.index_cast %select_n3A_580 : i32 to index
        %swap3A_595 = arith.constant 16 : index
        %swap3A_596 = tpu.vector_load %arg10[%swap3A_593, %swap3A_594, %swap3A_595] {strides = array<i32>} : memref<8x8x128xf32, #tpu.memory_space<vmem>>, vector<16xf32>,
        tpu.vector_store %arg10[%swap3A_593, %swap3A_594, %swap3A_595], %gather3A_582 {strides = array<i32>} : memref<8x8x128xf32, #tpu.memory_space<vmem>>, vector<16xf32>,
        %swap3A_597 = arith.index_cast %select_n3A_564 : i32 to index
        %swap3A_598 = arith.index_cast %select_n3A_580 : i32 to index
        %swap3A_599 = arith.constant 32 : index
        %swap3A_600 = tpu.vector_load %arg10[%swap3A_597, %swap3A_598, %swap3A_599] {strides = array<i32>} : memref<8x8x128xf32, #tpu.memory_space<vmem>>, vector<16xf32>,
        tpu.vector_store %arg10[%swap3A_597, %swap3A_598, %swap3A_599], %gather3A_583 {strides = array<i32>} : memref<8x8x128xf32, #tpu.memory_space<vmem>>, vector<16xf32>,
        %swap3A_601 = arith.index_cast %select_n3A_564 : i32 to index
        %swap3A_602 = arith.index_cast %select_n3A_580 : i32 to index
        %swap3A_603 = arith.constant 48 : index
        %swap3A_604 = tpu.vector_load %arg10[%swap3A_601, %swap3A_602, %swap3A_603] {strides = array<i32>} : memref<8x8x128xf32, #tpu.memory_space<vmem>>, vector<16xf32>,
        tpu.vector_store %arg10[%swap3A_601, %swap3A_602, %swap3A_603], %gather3A_584 {strides = array<i32>} : memref<8x8x128xf32, #tpu.memory_space<vmem>>, vector<16xf32>,
        %swap3A_605 = arith.index_cast %select_n3A_564 : i32 to index
        %swap3A_606 = arith.index_cast %select_n3A_580 : i32 to index
        %swap3A_607 = arith.constant 64 : index
        %swap3A_608 = tpu.vector_load %arg10[%swap3A_605, %swap3A_606, %swap3A_607] {strides = array<i32>} : memref<8x8x128xf32, #tpu.memory_space<vmem>>, vector<16xf32>,
        tpu.vector_store %arg10[%swap3A_605, %swap3A_606, %swap3A_607], %gather3A_585 {strides = array<i32>} : memref<8x8x128xf32, #tpu.memory_space<vmem>>, vector<16xf32>,
        %swap3A_609 = arith.index_cast %select_n3A_564 : i32 to index
        %swap3A_610 = arith.index_cast %select_n3A_580 : i32 to index
        %swap3A_611 = arith.constant 80 : index
        %swap3A_612 = tpu.vector_load %arg10[%swap3A_609, %swap3A_610, %swap3A_611] {strides = array<i32>} : memref<8x8x128xf32, #tpu.memory_space<vmem>>, vector<16xf32>,
        tpu.vector_store %arg10[%swap3A_609, %swap3A_610, %swap3A_611], %gather3A_586 {strides = array<i32>} : memref<8x8x128xf32, #tpu.memory_space<vmem>>, vector<16xf32>,
        %swap3A_613 = arith.index_cast %select_n3A_564 : i32 to index
        %swap3A_614 = arith.index_cast %select_n3A_580 : i32 to index
        %swap3A_615 = arith.constant 96 : index
        %swap3A_616 = tpu.vector_load %arg10[%swap3A_613, %swap3A_614, %swap3A_615] {strides = array<i32>} : memref<8x8x128xf32, #tpu.memory_space<vmem>>, vector<16xf32>,
        tpu.vector_store %arg10[%swap3A_613, %swap3A_614, %swap3A_615], %gather3A_587 {strides = array<i32>} : memref<8x8x128xf32, #tpu.memory_space<vmem>>, vector<16xf32>,
        %swap3A_617 = arith.index_cast %select_n3A_564 : i32 to index
        %swap3A_618 = arith.index_cast %select_n3A_580 : i32 to index
        %swap3A_619 = arith.constant 112 : index
        %swap3A_620 = tpu.vector_load %arg10[%swap3A_617, %swap3A_618, %swap3A_619] {strides = array<i32>} : memref<8x8x128xf32, #tpu.memory_space<vmem>>, vector<16xf32>,
        tpu.vector_store %arg10[%swap3A_617, %swap3A_618, %swap3A_619], %gather3A_588 {strides = array<i32>} : memref<8x8x128xf32, #tpu.memory_space<vmem>>, vector<16xf32>,
      }
      %scan3A_252 = arith.constant 64 : i32
      %dma_start3A_253 = arith.constant 0 : i32
      %dma_start3A_254 = arith.constant 0 : i32
      %dma_start3A_255 = arith.constant 0 : i32
      %dma_start3A_256 = tpu.memref_slice %arg4[%add3A_227, %dma_start3A_253, %add3A, %dma_start3A_254, %dma_start3A_255] : memref<26x8x32x8x128xf32, #tpu.memory_space<hbm>> -> memref<1x8x1x8x128xf32, #tpu.memory_space<hbm>>
      %dma_start3A_257 = tpu.memref_squeeze %dma_start3A_256 : memref<1x8x1x8x128xf32, #tpu.memory_space<hbm>> -> memref<8x8x128xf32, #tpu.memory_space<hbm>>
      %dma_start3A_258 = arith.constant 0 : i32
      %dma_start3A_259 = arith.constant 0 : i32
      %dma_start3A_260 = arith.constant 0 : i32
      %dma_start3A_261 = tpu.memref_slice %arg4[%add3A_227, %dma_start3A_258, %add3A, %dma_start3A_259, %dma_start3A_260] : memref<26x8x32x8x128xf32, #tpu.memory_space<hbm>> -> memref<1x8x1x8x128xf32, #tpu.memory_space<hbm>>
      %dma_start3A_262 = tpu.memref_squeeze %dma_start3A_261 : memref<1x8x1x8x128xf32, #tpu.memory_space<hbm>> -> memref<8x8x128xf32, #tpu.memory_space<hbm>>
      tpu.enqueue_dma source(%arg10 : memref<8x8x128xf32, #tpu.memory_space<vmem>>) target(%dma_start3A_262 : memref<8x8x128xf32, #tpu.memory_space<hbm>>) target_semaphore(%arg16 : memref<!tpu.dma_semaphore, #tpu.memory_space<semaphore_mem>>)
      %mul3A_263 = arith.constant 4 : i32
      %mul3A_264 = arith.muli %mul3A_263, %scan3A_149 : i32
      %add3A_265 = arith.constant 3 : i32
      %add3A_266 = arith.addi %mul3A_264, %add3A_265 : i32
      %add3A_267 = arith.constant 3 : i32
      %add3A_268 = arith.addi %add3A_266, %add3A_267 : i32
      %lt3A_269 = arith.constant 26 : i32
      %lt3A_270 = arith.cmpi slt, %add3A_268, %lt3A_269 : i32
      %convert_element_type3A_271 = arith.extui %lt3A_270 : i1 to i32
      %cond3A_272 = arith.constant 0 : i32
      %cond3A_273 = arith.cmpi ne, %convert_element_type3A_271, %cond3A_272 : i32
      scf.if %cond3A_273 {
        %add3A_302 = arith.constant 3 : i32
        %add3A_303 = arith.addi %add3A_266, %add3A_302 : i32
        %dma_start3A_304 = arith.constant 0 : i32
        %dma_start3A_305 = tpu.memref_slice %arg5[%add3A_303, %dma_start3A_304] : memref<26x128xi32, #tpu.memory_space<vmem>> -> memref<1x128xi32, #tpu.memory_space<vmem>>
        %dma_start3A_306 = tpu.memref_squeeze %dma_start3A_305 : memref<1x128xi32, #tpu.memory_space<vmem>> -> memref<128xi32, #tpu.memory_space<vmem>>
        %dma_start3A_307 = arith.constant 0 : i32
        %dma_start3A_308 = arith.constant 0 : i32
        %dma_start3A_309 = tpu.memref_slice %arg3[%dma_start3A_307, %dma_start3A_308] : memref<26000x72xf32, #tpu.memory_space<hbm>> -> memref<26000x72xf32, #tpu.memory_space<hbm>>
        tpu.enqueue_indirect_dma source(%dma_start3A_309 : memref<26000x72xf32, #tpu.memory_space<hbm>>) target(%arg8 : memref<128x72xf32, #tpu.memory_space<vmem>>) offsets(%dma_start3A_306 : memref<128xi32, #tpu.memory_space<vmem>>) semaphore(%arg14 : memref<!tpu.dma_semaphore, #tpu.memory_space<semaphore_mem>>)
      } else {
      }
      %dma_wait3A_274 = arith.constant 0 : i32
      %dma_wait3A_275 = arith.constant 0 : i32
      %dma_wait3A_276 = tpu.memref_slice %arg5[%dma_wait3A_274, %dma_wait3A_275] : memref<26x128xi32, #tpu.memory_space<vmem>> -> memref<1x128xi32, #tpu.memory_space<vmem>>
      %dma_wait3A_277 = tpu.memref_squeeze %dma_wait3A_276 : memref<1x128xi32, #tpu.memory_space<vmem>> -> memref<128xi32, #tpu.memory_space<vmem>>
      %dma_wait3A_278 = arith.constant 0 : i32
      %dma_wait3A_279 = arith.constant 0 : i32
      %dma_wait3A_280 = tpu.memref_slice %arg3[%dma_wait3A_278, %dma_wait3A_279] : memref<26000x72xf32, #tpu.memory_space<hbm>> -> memref<26000x72xf32, #tpu.memory_space<hbm>>
      tpu.wait_indirect_dma semaphore(%arg15 : memref<!tpu.dma_semaphore, #tpu.memory_space<semaphore_mem>>) src(%dma_wait3A_280 : memref<26000x72xf32, #tpu.memory_space<hbm>>) dst(%arg9 : memref<128x72xf32, #tpu.memory_space<vmem>>)
      %ge3A_281 = arith.constant 2 : i32
      %ge3A_282 = arith.cmpi sge, %add3A_266, %ge3A_281 : i32
      %convert_element_type3A_283 = arith.extui %ge3A_282 : i1 to i32
      %cond3A_284 = arith.constant 0 : i32
      %cond3A_285 = arith.cmpi ne, %convert_element_type3A_283, %cond3A_284 : i32
      scf.if %cond3A_285 {
        %dma_wait3A_302 = arith.constant 0 : i32
        %dma_wait3A_303 = arith.constant 0 : i32
        %dma_wait3A_304 = arith.constant 0 : i32
        %dma_wait3A_305 = arith.constant 0 : i32
        %dma_wait3A_306 = tpu.memref_slice %arg4[%dma_wait3A_302, %dma_wait3A_303, %add3A, %dma_wait3A_304, %dma_wait3A_305] : memref<26x8x32x8x128xf32, #tpu.memory_space<hbm>> -> memref<1x8x1x8x128xf32, #tpu.memory_space<hbm>>
        %dma_wait3A_307 = tpu.memref_squeeze %dma_wait3A_306 : memref<1x8x1x8x128xf32, #tpu.memory_space<hbm>> -> memref<8x8x128xf32, #tpu.memory_space<hbm>>
        %dma_wait3A_308 = arith.constant 0 : i32
        %dma_wait3A_309 = arith.constant 0 : i32
        %dma_wait3A_310 = arith.constant 0 : i32
        %dma_wait3A_311 = tpu.memref_slice %arg4[%dma_wait3A_302, %dma_wait3A_308, %add3A, %dma_wait3A_309, %dma_wait3A_310] : memref<26x8x32x8x128xf32, #tpu.memory_space<hbm>> -> memref<1x8x1x8x128xf32, #tpu.memory_space<hbm>>
        %dma_wait3A_312 = tpu.memref_squeeze %dma_wait3A_311 : memref<1x8x1x8x128xf32, #tpu.memory_space<hbm>> -> memref<8x8x128xf32, #tpu.memory_space<hbm>>
        tpu.wait_dma2 semaphore(%arg17 : memref<!tpu.dma_semaphore, #tpu.memory_space<semaphore_mem>>) src(%arg11 : memref<8x8x128xf32, #tpu.memory_space<vmem>>) dst(%dma_wait3A_312 : memref<8x8x128xf32, #tpu.memory_space<hbm>>)
      } else {
      }
      %scan3A_286 = arith.constant 0 : i32
      %scan3A_287 = arith.constant 0 : i32
      %scan3A_288 = arith.constant 64 : i32
      %scan3A_289 = arith.addi %scan3A_287, %scan3A_288 : i32
      %scan3A_290 = arith.constant 4 : i32
      scf.for %scan3A_302 = %scan3A_287 to %scan3A_289 step %scan3A_290  : i32 {
        %broadcast_in_dim3A = vector.broadcast %scan3A_302 : i32 to vector<16xi32>
        %jit3A = arith.constant 8 : i32
        %div3A = arith.divsi %scan3A_302, %jit3A : i32
        %sign3A = arith.constant 0 : i32
        %sign3A_303 = arith.cmpi sgt, %scan3A_302, %sign3A : i32
        %sign3A_304 = arith.extui %sign3A_303 : i1 to i32
        %sign3A_305 = arith.constant 0 : i32
        %sign3A_306 = arith.cmpi slt, %scan3A_302, %sign3A_305 : i32
        %sign3A_307 = arith.extui %sign3A_306 : i1 to i32
        %sign3A_308 = arith.subi %sign3A_304, %sign3A_307 : i32
        %sign3A_309 = arith.constant 0 : i32
        %sign3A_310 = arith.cmpi sgt, %jit3A, %sign3A_309 : i32
        %sign3A_311 = arith.extui %sign3A_310 : i1 to i32
        %sign3A_312 = arith.constant 0 : i32
        %sign3A_313 = arith.cmpi slt, %jit3A, %sign3A_312 : i32
        %sign3A_314 = arith.extui %sign3A_313 : i1 to i32
        %sign3A_315 = arith.subi %sign3A_311, %sign3A_314 : i32
        %ne3A = arith.cmpi ne, %sign3A_308, %sign3A_315 : i32
        %rem3A = arith.remsi %scan3A_302, %jit3A : i32
        %ne3A_316 = arith.constant 0 : i32
        %ne3A_317 = arith.cmpi ne, %rem3A, %ne3A_316 : i32
        %and3A = arith.andi %ne3A, %ne3A_317 : i1
        %sub3A = arith.constant 1 : i32
        %sub3A_318 = arith.subi %div3A, %sub3A : i32
        %select_n3A = arith.select %and3A, %sub3A_318, %div3A : i32
        %jit3A_319 = arith.constant 8 : i32
        %eq3A = arith.constant 0 : i32
        %eq3A_320 = arith.cmpi eq, %jit3A_319, %eq3A : i32
        %jit3A_321 = arith.constant 1 : i32
        %select_n3A_322 = arith.select %eq3A_320, %jit3A_321, %jit3A_319 : i32
        %rem3A_323 = arith.remsi %scan3A_302, %select_n3A_322 : i32
        %ne3A_324 = arith.constant 0 : i32
        %ne3A_325 = arith.cmpi ne, %rem3A_323, %ne3A_324 : i32
        %lt3A_326 = arith.constant 0 : i32
        %lt3A_327 = arith.cmpi slt, %rem3A_323, %lt3A_326 : i32
        %lt3A_328 = arith.constant 0 : i32
        %lt3A_329 = arith.cmpi slt, %select_n3A_322, %lt3A_328 : i32
        %ne3A_330 = arith.xori %lt3A_327, %lt3A_329 : i1
        %and3A_331 = arith.andi %ne3A_330, %ne3A_325 : i1
        %add3A_332 = arith.addi %rem3A_323, %select_n3A_322 : i32
        %select_n3A_333 = arith.select %and3A_331, %add3A_332, %rem3A_323 : i32
        %gather3A = tpu.vector_load_idx %arg9[%add3A_10, %broadcast_in_dim3A] : memref<128x72xf32, #tpu.memory_space<vmem>>[vector<16xi32>, vector<16xi32>], vector<16xf32>,
        %gather3A_334 = tpu.vector_load_idx %arg9[%add3A_13, %broadcast_in_dim3A] : memref<128x72xf32, #tpu.memory_space<vmem>>[vector<16xi32>, vector<16xi32>], vector<16xf32>,
        %gather3A_335 = tpu.vector_load_idx %arg9[%add3A_16, %broadcast_in_dim3A] : memref<128x72xf32, #tpu.memory_space<vmem>>[vector<16xi32>, vector<16xi32>], vector<16xf32>,
        %gather3A_336 = tpu.vector_load_idx %arg9[%add3A_19, %broadcast_in_dim3A] : memref<128x72xf32, #tpu.memory_space<vmem>>[vector<16xi32>, vector<16xi32>], vector<16xf32>,
        %gather3A_337 = tpu.vector_load_idx %arg9[%add3A_22, %broadcast_in_dim3A] : memref<128x72xf32, #tpu.memory_space<vmem>>[vector<16xi32>, vector<16xi32>], vector<16xf32>,
        %gather3A_338 = tpu.vector_load_idx %arg9[%add3A_25, %broadcast_in_dim3A] : memref<128x72xf32, #tpu.memory_space<vmem>>[vector<16xi32>, vector<16xi32>], vector<16xf32>,
        %gather3A_339 = tpu.vector_load_idx %arg9[%add3A_28, %broadcast_in_dim3A] : memref<128x72xf32, #tpu.memory_space<vmem>>[vector<16xi32>, vector<16xi32>], vector<16xf32>,
        %gather3A_340 = tpu.vector_load_idx %arg9[%add3A_31, %broadcast_in_dim3A] : memref<128x72xf32, #tpu.memory_space<vmem>>[vector<16xi32>, vector<16xi32>], vector<16xf32>,
        %swap3A = arith.index_cast %select_n3A : i32 to index
        %swap3A_341 = arith.index_cast %select_n3A_333 : i32 to index
        %swap3A_342 = arith.constant 0 : index
        %swap3A_343 = tpu.vector_load %arg11[%swap3A, %swap3A_341, %swap3A_342] {strides = array<i32>} : memref<8x8x128xf32, #tpu.memory_space<vmem>>, vector<16xf32>,
        tpu.vector_store %arg11[%swap3A, %swap3A_341, %swap3A_342], %gather3A {strides = array<i32>} : memref<8x8x128xf32, #tpu.memory_space<vmem>>, vector<16xf32>,
        %swap3A_344 = arith.index_cast %select_n3A : i32 to index
        %swap3A_345 = arith.index_cast %select_n3A_333 : i32 to index
        %swap3A_346 = arith.constant 16 : index
        %swap3A_347 = tpu.vector_load %arg11[%swap3A_344, %swap3A_345, %swap3A_346] {strides = array<i32>} : memref<8x8x128xf32, #tpu.memory_space<vmem>>, vector<16xf32>,
        tpu.vector_store %arg11[%swap3A_344, %swap3A_345, %swap3A_346], %gather3A_334 {strides = array<i32>} : memref<8x8x128xf32, #tpu.memory_space<vmem>>, vector<16xf32>,
        %swap3A_348 = arith.index_cast %select_n3A : i32 to index
        %swap3A_349 = arith.index_cast %select_n3A_333 : i32 to index
        %swap3A_350 = arith.constant 32 : index
        %swap3A_351 = tpu.vector_load %arg11[%swap3A_348, %swap3A_349, %swap3A_350] {strides = array<i32>} : memref<8x8x128xf32, #tpu.memory_space<vmem>>, vector<16xf32>,
        tpu.vector_store %arg11[%swap3A_348, %swap3A_349, %swap3A_350], %gather3A_335 {strides = array<i32>} : memref<8x8x128xf32, #tpu.memory_space<vmem>>, vector<16xf32>,
        %swap3A_352 = arith.index_cast %select_n3A : i32 to index
        %swap3A_353 = arith.index_cast %select_n3A_333 : i32 to index
        %swap3A_354 = arith.constant 48 : index
        %swap3A_355 = tpu.vector_load %arg11[%swap3A_352, %swap3A_353, %swap3A_354] {strides = array<i32>} : memref<8x8x128xf32, #tpu.memory_space<vmem>>, vector<16xf32>,
        tpu.vector_store %arg11[%swap3A_352, %swap3A_353, %swap3A_354], %gather3A_336 {strides = array<i32>} : memref<8x8x128xf32, #tpu.memory_space<vmem>>, vector<16xf32>,
        %swap3A_356 = arith.index_cast %select_n3A : i32 to index
        %swap3A_357 = arith.index_cast %select_n3A_333 : i32 to index
        %swap3A_358 = arith.constant 64 : index
        %swap3A_359 = tpu.vector_load %arg11[%swap3A_356, %swap3A_357, %swap3A_358] {strides = array<i32>} : memref<8x8x128xf32, #tpu.memory_space<vmem>>, vector<16xf32>,
        tpu.vector_store %arg11[%swap3A_356, %swap3A_357, %swap3A_358], %gather3A_337 {strides = array<i32>} : memref<8x8x128xf32, #tpu.memory_space<vmem>>, vector<16xf32>,
        %swap3A_360 = arith.index_cast %select_n3A : i32 to index
        %swap3A_361 = arith.index_cast %select_n3A_333 : i32 to index
        %swap3A_362 = arith.constant 80 : index
        %swap3A_363 = tpu.vector_load %arg11[%swap3A_360, %swap3A_361, %swap3A_362] {strides = array<i32>} : memref<8x8x128xf32, #tpu.memory_space<vmem>>, vector<16xf32>,
        tpu.vector_store %arg11[%swap3A_360, %swap3A_361, %swap3A_362], %gather3A_338 {strides = array<i32>} : memref<8x8x128xf32, #tpu.memory_space<vmem>>, vector<16xf32>,
        %swap3A_364 = arith.index_cast %select_n3A : i32 to index
        %swap3A_365 = arith.index_cast %select_n3A_333 : i32 to index
        %swap3A_366 = arith.constant 96 : index
        %swap3A_367 = tpu.vector_load %arg11[%swap3A_364, %swap3A_365, %swap3A_366] {strides = array<i32>} : memref<8x8x128xf32, #tpu.memory_space<vmem>>, vector<16xf32>,
        tpu.vector_store %arg11[%swap3A_364, %swap3A_365, %swap3A_366], %gather3A_339 {strides = array<i32>} : memref<8x8x128xf32, #tpu.memory_space<vmem>>, vector<16xf32>,
        %swap3A_368 = arith.index_cast %select_n3A : i32 to index
        %swap3A_369 = arith.index_cast %select_n3A_333 : i32 to index
        %swap3A_370 = arith.constant 112 : index
        %swap3A_371 = tpu.vector_load %arg11[%swap3A_368, %swap3A_369, %swap3A_370] {strides = array<i32>} : memref<8x8x128xf32, #tpu.memory_space<vmem>>, vector<16xf32>,
        tpu.vector_store %arg11[%swap3A_368, %swap3A_369, %swap3A_370], %gather3A_340 {strides = array<i32>} : memref<8x8x128xf32, #tpu.memory_space<vmem>>, vector<16xf32>,
        %scan3A_372 = arith.constant 1 : i32
        %scan3A_373 = arith.addi %scan3A_302, %scan3A_372 : i32
        %broadcast_in_dim3A_374 = vector.broadcast %scan3A_373 : i32 to vector<16xi32>
        %jit3A_375 = arith.constant 8 : i32
        %div3A_376 = arith.divsi %scan3A_373, %jit3A_375 : i32
        %sign3A_377 = arith.constant 0 : i32
        %sign3A_378 = arith.cmpi sgt, %scan3A_373, %sign3A_377 : i32
        %sign3A_379 = arith.extui %sign3A_378 : i1 to i32
        %sign3A_380 = arith.constant 0 : i32
        %sign3A_381 = arith.cmpi slt, %scan3A_373, %sign3A_380 : i32
        %sign3A_382 = arith.extui %sign3A_381 : i1 to i32
        %sign3A_383 = arith.subi %sign3A_379, %sign3A_382 : i32
        %sign3A_384 = arith.constant 0 : i32
        %sign3A_385 = arith.cmpi sgt, %jit3A_375, %sign3A_384 : i32
        %sign3A_386 = arith.extui %sign3A_385 : i1 to i32
        %sign3A_387 = arith.constant 0 : i32
        %sign3A_388 = arith.cmpi slt, %jit3A_375, %sign3A_387 : i32
        %sign3A_389 = arith.extui %sign3A_388 : i1 to i32
        %sign3A_390 = arith.subi %sign3A_386, %sign3A_389 : i32
        %ne3A_391 = arith.cmpi ne, %sign3A_383, %sign3A_390 : i32
        %rem3A_392 = arith.remsi %scan3A_373, %jit3A_375 : i32
        %ne3A_393 = arith.constant 0 : i32
        %ne3A_394 = arith.cmpi ne, %rem3A_392, %ne3A_393 : i32
        %and3A_395 = arith.andi %ne3A_391, %ne3A_394 : i1
        %sub3A_396 = arith.constant 1 : i32
        %sub3A_397 = arith.subi %div3A_376, %sub3A_396 : i32
        %select_n3A_398 = arith.select %and3A_395, %sub3A_397, %div3A_376 : i32
        %jit3A_399 = arith.constant 8 : i32
        %eq3A_400 = arith.constant 0 : i32
        %eq3A_401 = arith.cmpi eq, %jit3A_399, %eq3A_400 : i32
        %jit3A_402 = arith.constant 1 : i32
        %select_n3A_403 = arith.select %eq3A_401, %jit3A_402, %jit3A_399 : i32
        %rem3A_404 = arith.remsi %scan3A_373, %select_n3A_403 : i32
        %ne3A_405 = arith.constant 0 : i32
        %ne3A_406 = arith.cmpi ne, %rem3A_404, %ne3A_405 : i32
        %lt3A_407 = arith.constant 0 : i32
        %lt3A_408 = arith.cmpi slt, %rem3A_404, %lt3A_407 : i32
        %lt3A_409 = arith.constant 0 : i32
        %lt3A_410 = arith.cmpi slt, %select_n3A_403, %lt3A_409 : i32
        %ne3A_411 = arith.xori %lt3A_408, %lt3A_410 : i1
        %and3A_412 = arith.andi %ne3A_411, %ne3A_406 : i1
        %add3A_413 = arith.addi %rem3A_404, %select_n3A_403 : i32
        %select_n3A_414 = arith.select %and3A_412, %add3A_413, %rem3A_404 : i32
        %gather3A_415 = tpu.vector_load_idx %arg9[%add3A_10, %broadcast_in_dim3A_374] : memref<128x72xf32, #tpu.memory_space<vmem>>[vector<16xi32>, vector<16xi32>], vector<16xf32>,
        %gather3A_416 = tpu.vector_load_idx %arg9[%add3A_13, %broadcast_in_dim3A_374] : memref<128x72xf32, #tpu.memory_space<vmem>>[vector<16xi32>, vector<16xi32>], vector<16xf32>,
        %gather3A_417 = tpu.vector_load_idx %arg9[%add3A_16, %broadcast_in_dim3A_374] : memref<128x72xf32, #tpu.memory_space<vmem>>[vector<16xi32>, vector<16xi32>], vector<16xf32>,
        %gather3A_418 = tpu.vector_load_idx %arg9[%add3A_19, %broadcast_in_dim3A_374] : memref<128x72xf32, #tpu.memory_space<vmem>>[vector<16xi32>, vector<16xi32>], vector<16xf32>,
        %gather3A_419 = tpu.vector_load_idx %arg9[%add3A_22, %broadcast_in_dim3A_374] : memref<128x72xf32, #tpu.memory_space<vmem>>[vector<16xi32>, vector<16xi32>], vector<16xf32>,
        %gather3A_420 = tpu.vector_load_idx %arg9[%add3A_25, %broadcast_in_dim3A_374] : memref<128x72xf32, #tpu.memory_space<vmem>>[vector<16xi32>, vector<16xi32>], vector<16xf32>,
        %gather3A_421 = tpu.vector_load_idx %arg9[%add3A_28, %broadcast_in_dim3A_374] : memref<128x72xf32, #tpu.memory_space<vmem>>[vector<16xi32>, vector<16xi32>], vector<16xf32>,
        %gather3A_422 = tpu.vector_load_idx %arg9[%add3A_31, %broadcast_in_dim3A_374] : memref<128x72xf32, #tpu.memory_space<vmem>>[vector<16xi32>, vector<16xi32>], vector<16xf32>,
        %swap3A_423 = arith.index_cast %select_n3A_398 : i32 to index
        %swap3A_424 = arith.index_cast %select_n3A_414 : i32 to index
        %swap3A_425 = arith.constant 0 : index
        %swap3A_426 = tpu.vector_load %arg11[%swap3A_423, %swap3A_424, %swap3A_425] {strides = array<i32>} : memref<8x8x128xf32, #tpu.memory_space<vmem>>, vector<16xf32>,
        tpu.vector_store %arg11[%swap3A_423, %swap3A_424, %swap3A_425], %gather3A_415 {strides = array<i32>} : memref<8x8x128xf32, #tpu.memory_space<vmem>>, vector<16xf32>,
        %swap3A_427 = arith.index_cast %select_n3A_398 : i32 to index
        %swap3A_428 = arith.index_cast %select_n3A_414 : i32 to index
        %swap3A_429 = arith.constant 16 : index
        %swap3A_430 = tpu.vector_load %arg11[%swap3A_427, %swap3A_428, %swap3A_429] {strides = array<i32>} : memref<8x8x128xf32, #tpu.memory_space<vmem>>, vector<16xf32>,
        tpu.vector_store %arg11[%swap3A_427, %swap3A_428, %swap3A_429], %gather3A_416 {strides = array<i32>} : memref<8x8x128xf32, #tpu.memory_space<vmem>>, vector<16xf32>,
        %swap3A_431 = arith.index_cast %select_n3A_398 : i32 to index
        %swap3A_432 = arith.index_cast %select_n3A_414 : i32 to index
        %swap3A_433 = arith.constant 32 : index
        %swap3A_434 = tpu.vector_load %arg11[%swap3A_431, %swap3A_432, %swap3A_433] {strides = array<i32>} : memref<8x8x128xf32, #tpu.memory_space<vmem>>, vector<16xf32>,
        tpu.vector_store %arg11[%swap3A_431, %swap3A_432, %swap3A_433], %gather3A_417 {strides = array<i32>} : memref<8x8x128xf32, #tpu.memory_space<vmem>>, vector<16xf32>,
        %swap3A_435 = arith.index_cast %select_n3A_398 : i32 to index
        %swap3A_436 = arith.index_cast %select_n3A_414 : i32 to index
        %swap3A_437 = arith.constant 48 : index
        %swap3A_438 = tpu.vector_load %arg11[%swap3A_435, %swap3A_436, %swap3A_437] {strides = array<i32>} : memref<8x8x128xf32, #tpu.memory_space<vmem>>, vector<16xf32>,
        tpu.vector_store %arg11[%swap3A_435, %swap3A_436, %swap3A_437], %gather3A_418 {strides = array<i32>} : memref<8x8x128xf32, #tpu.memory_space<vmem>>, vector<16xf32>,
        %swap3A_439 = arith.index_cast %select_n3A_398 : i32 to index
        %swap3A_440 = arith.index_cast %select_n3A_414 : i32 to index
        %swap3A_441 = arith.constant 64 : index
        %swap3A_442 = tpu.vector_load %arg11[%swap3A_439, %swap3A_440, %swap3A_441] {strides = array<i32>} : memref<8x8x128xf32, #tpu.memory_space<vmem>>, vector<16xf32>,
        tpu.vector_store %arg11[%swap3A_439, %swap3A_440, %swap3A_441], %gather3A_419 {strides = array<i32>} : memref<8x8x128xf32, #tpu.memory_space<vmem>>, vector<16xf32>,
        %swap3A_443 = arith.index_cast %select_n3A_398 : i32 to index
        %swap3A_444 = arith.index_cast %select_n3A_414 : i32 to index
        %swap3A_445 = arith.constant 80 : index
        %swap3A_446 = tpu.vector_load %arg11[%swap3A_443, %swap3A_444, %swap3A_445] {strides = array<i32>} : memref<8x8x128xf32, #tpu.memory_space<vmem>>, vector<16xf32>,
        tpu.vector_store %arg11[%swap3A_443, %swap3A_444, %swap3A_445], %gather3A_420 {strides = array<i32>} : memref<8x8x128xf32, #tpu.memory_space<vmem>>, vector<16xf32>,
        %swap3A_447 = arith.index_cast %select_n3A_398 : i32 to index
        %swap3A_448 = arith.index_cast %select_n3A_414 : i32 to index
        %swap3A_449 = arith.constant 96 : index
        %swap3A_450 = tpu.vector_load %arg11[%swap3A_447, %swap3A_448, %swap3A_449] {strides = array<i32>} : memref<8x8x128xf32, #tpu.memory_space<vmem>>, vector<16xf32>,
        tpu.vector_store %arg11[%swap3A_447, %swap3A_448, %swap3A_449], %gather3A_421 {strides = array<i32>} : memref<8x8x128xf32, #tpu.memory_space<vmem>>, vector<16xf32>,
        %swap3A_451 = arith.index_cast %select_n3A_398 : i32 to index
        %swap3A_452 = arith.index_cast %select_n3A_414 : i32 to index
        %swap3A_453 = arith.constant 112 : index
        %swap3A_454 = tpu.vector_load %arg11[%swap3A_451, %swap3A_452, %swap3A_453] {strides = array<i32>} : memref<8x8x128xf32, #tpu.memory_space<vmem>>, vector<16xf32>,
        tpu.vector_store %arg11[%swap3A_451, %swap3A_452, %swap3A_453], %gather3A_422 {strides = array<i32>} : memref<8x8x128xf32, #tpu.memory_space<vmem>>, vector<16xf32>,
        %scan3A_455 = arith.constant 2 : i32
        %scan3A_456 = arith.addi %scan3A_302, %scan3A_455 : i32
        %broadcast_in_dim3A_457 = vector.broadcast %scan3A_456 : i32 to vector<16xi32>
        %jit3A_458 = arith.constant 8 : i32
        %div3A_459 = arith.divsi %scan3A_456, %jit3A_458 : i32
        %sign3A_460 = arith.constant 0 : i32
        %sign3A_461 = arith.cmpi sgt, %scan3A_456, %sign3A_460 : i32
        %sign3A_462 = arith.extui %sign3A_461 : i1 to i32
        %sign3A_463 = arith.constant 0 : i32
        %sign3A_464 = arith.cmpi slt, %scan3A_456, %sign3A_463 : i32
        %sign3A_465 = arith.extui %sign3A_464 : i1 to i32
        %sign3A_466 = arith.subi %sign3A_462, %sign3A_465 : i32
        %sign3A_467 = arith.constant 0 : i32
        %sign3A_468 = arith.cmpi sgt, %jit3A_458, %sign3A_467 : i32
        %sign3A_469 = arith.extui %sign3A_468 : i1 to i32
        %sign3A_470 = arith.constant 0 : i32
        %sign3A_471 = arith.cmpi slt, %jit3A_458, %sign3A_470 : i32
        %sign3A_472 = arith.extui %sign3A_471 : i1 to i32
        %sign3A_473 = arith.subi %sign3A_469, %sign3A_472 : i32
        %ne3A_474 = arith.cmpi ne, %sign3A_466, %sign3A_473 : i32
        %rem3A_475 = arith.remsi %scan3A_456, %jit3A_458 : i32
        %ne3A_476 = arith.constant 0 : i32
        %ne3A_477 = arith.cmpi ne, %rem3A_475, %ne3A_476 : i32
        %and3A_478 = arith.andi %ne3A_474, %ne3A_477 : i1
        %sub3A_479 = arith.constant 1 : i32
        %sub3A_480 = arith.subi %div3A_459, %sub3A_479 : i32
        %select_n3A_481 = arith.select %and3A_478, %sub3A_480, %div3A_459 : i32
        %jit3A_482 = arith.constant 8 : i32
        %eq3A_483 = arith.constant 0 : i32
        %eq3A_484 = arith.cmpi eq, %jit3A_482, %eq3A_483 : i32
        %jit3A_485 = arith.constant 1 : i32
        %select_n3A_486 = arith.select %eq3A_484, %jit3A_485, %jit3A_482 : i32
        %rem3A_487 = arith.remsi %scan3A_456, %select_n3A_486 : i32
        %ne3A_488 = arith.constant 0 : i32
        %ne3A_489 = arith.cmpi ne, %rem3A_487, %ne3A_488 : i32
        %lt3A_490 = arith.constant 0 : i32
        %lt3A_491 = arith.cmpi slt, %rem3A_487, %lt3A_490 : i32
        %lt3A_492 = arith.constant 0 : i32
        %lt3A_493 = arith.cmpi slt, %select_n3A_486, %lt3A_492 : i32
        %ne3A_494 = arith.xori %lt3A_491, %lt3A_493 : i1
        %and3A_495 = arith.andi %ne3A_494, %ne3A_489 : i1
        %add3A_496 = arith.addi %rem3A_487, %select_n3A_486 : i32
        %select_n3A_497 = arith.select %and3A_495, %add3A_496, %rem3A_487 : i32
        %gather3A_498 = tpu.vector_load_idx %arg9[%add3A_10, %broadcast_in_dim3A_457] : memref<128x72xf32, #tpu.memory_space<vmem>>[vector<16xi32>, vector<16xi32>], vector<16xf32>,
        %gather3A_499 = tpu.vector_load_idx %arg9[%add3A_13, %broadcast_in_dim3A_457] : memref<128x72xf32, #tpu.memory_space<vmem>>[vector<16xi32>, vector<16xi32>], vector<16xf32>,
        %gather3A_500 = tpu.vector_load_idx %arg9[%add3A_16, %broadcast_in_dim3A_457] : memref<128x72xf32, #tpu.memory_space<vmem>>[vector<16xi32>, vector<16xi32>], vector<16xf32>,
        %gather3A_501 = tpu.vector_load_idx %arg9[%add3A_19, %broadcast_in_dim3A_457] : memref<128x72xf32, #tpu.memory_space<vmem>>[vector<16xi32>, vector<16xi32>], vector<16xf32>,
        %gather3A_502 = tpu.vector_load_idx %arg9[%add3A_22, %broadcast_in_dim3A_457] : memref<128x72xf32, #tpu.memory_space<vmem>>[vector<16xi32>, vector<16xi32>], vector<16xf32>,
        %gather3A_503 = tpu.vector_load_idx %arg9[%add3A_25, %broadcast_in_dim3A_457] : memref<128x72xf32, #tpu.memory_space<vmem>>[vector<16xi32>, vector<16xi32>], vector<16xf32>,
        %gather3A_504 = tpu.vector_load_idx %arg9[%add3A_28, %broadcast_in_dim3A_457] : memref<128x72xf32, #tpu.memory_space<vmem>>[vector<16xi32>, vector<16xi32>], vector<16xf32>,
        %gather3A_505 = tpu.vector_load_idx %arg9[%add3A_31, %broadcast_in_dim3A_457] : memref<128x72xf32, #tpu.memory_space<vmem>>[vector<16xi32>, vector<16xi32>], vector<16xf32>,
        %swap3A_506 = arith.index_cast %select_n3A_481 : i32 to index
        %swap3A_507 = arith.index_cast %select_n3A_497 : i32 to index
        %swap3A_508 = arith.constant 0 : index
        %swap3A_509 = tpu.vector_load %arg11[%swap3A_506, %swap3A_507, %swap3A_508] {strides = array<i32>} : memref<8x8x128xf32, #tpu.memory_space<vmem>>, vector<16xf32>,
        tpu.vector_store %arg11[%swap3A_506, %swap3A_507, %swap3A_508], %gather3A_498 {strides = array<i32>} : memref<8x8x128xf32, #tpu.memory_space<vmem>>, vector<16xf32>,
        %swap3A_510 = arith.index_cast %select_n3A_481 : i32 to index
        %swap3A_511 = arith.index_cast %select_n3A_497 : i32 to index
        %swap3A_512 = arith.constant 16 : index
        %swap3A_513 = tpu.vector_load %arg11[%swap3A_510, %swap3A_511, %swap3A_512] {strides = array<i32>} : memref<8x8x128xf32, #tpu.memory_space<vmem>>, vector<16xf32>,
        tpu.vector_store %arg11[%swap3A_510, %swap3A_511, %swap3A_512], %gather3A_499 {strides = array<i32>} : memref<8x8x128xf32, #tpu.memory_space<vmem>>, vector<16xf32>,
        %swap3A_514 = arith.index_cast %select_n3A_481 : i32 to index
        %swap3A_515 = arith.index_cast %select_n3A_497 : i32 to index
        %swap3A_516 = arith.constant 32 : index
        %swap3A_517 = tpu.vector_load %arg11[%swap3A_514, %swap3A_515, %swap3A_516] {strides = array<i32>} : memref<8x8x128xf32, #tpu.memory_space<vmem>>, vector<16xf32>,
        tpu.vector_store %arg11[%swap3A_514, %swap3A_515, %swap3A_516], %gather3A_500 {strides = array<i32>} : memref<8x8x128xf32, #tpu.memory_space<vmem>>, vector<16xf32>,
        %swap3A_518 = arith.index_cast %select_n3A_481 : i32 to index
        %swap3A_519 = arith.index_cast %select_n3A_497 : i32 to index
        %swap3A_520 = arith.constant 48 : index
        %swap3A_521 = tpu.vector_load %arg11[%swap3A_518, %swap3A_519, %swap3A_520] {strides = array<i32>} : memref<8x8x128xf32, #tpu.memory_space<vmem>>, vector<16xf32>,
        tpu.vector_store %arg11[%swap3A_518, %swap3A_519, %swap3A_520], %gather3A_501 {strides = array<i32>} : memref<8x8x128xf32, #tpu.memory_space<vmem>>, vector<16xf32>,
        %swap3A_522 = arith.index_cast %select_n3A_481 : i32 to index
        %swap3A_523 = arith.index_cast %select_n3A_497 : i32 to index
        %swap3A_524 = arith.constant 64 : index
        %swap3A_525 = tpu.vector_load %arg11[%swap3A_522, %swap3A_523, %swap3A_524] {strides = array<i32>} : memref<8x8x128xf32, #tpu.memory_space<vmem>>, vector<16xf32>,
        tpu.vector_store %arg11[%swap3A_522, %swap3A_523, %swap3A_524], %gather3A_502 {strides = array<i32>} : memref<8x8x128xf32, #tpu.memory_space<vmem>>, vector<16xf32>,
        %swap3A_526 = arith.index_cast %select_n3A_481 : i32 to index
        %swap3A_527 = arith.index_cast %select_n3A_497 : i32 to index
        %swap3A_528 = arith.constant 80 : index
        %swap3A_529 = tpu.vector_load %arg11[%swap3A_526, %swap3A_527, %swap3A_528] {strides = array<i32>} : memref<8x8x128xf32, #tpu.memory_space<vmem>>, vector<16xf32>,
        tpu.vector_store %arg11[%swap3A_526, %swap3A_527, %swap3A_528], %gather3A_503 {strides = array<i32>} : memref<8x8x128xf32, #tpu.memory_space<vmem>>, vector<16xf32>,
        %swap3A_530 = arith.index_cast %select_n3A_481 : i32 to index
        %swap3A_531 = arith.index_cast %select_n3A_497 : i32 to index
        %swap3A_532 = arith.constant 96 : index
        %swap3A_533 = tpu.vector_load %arg11[%swap3A_530, %swap3A_531, %swap3A_532] {strides = array<i32>} : memref<8x8x128xf32, #tpu.memory_space<vmem>>, vector<16xf32>,
        tpu.vector_store %arg11[%swap3A_530, %swap3A_531, %swap3A_532], %gather3A_504 {strides = array<i32>} : memref<8x8x128xf32, #tpu.memory_space<vmem>>, vector<16xf32>,
        %swap3A_534 = arith.index_cast %select_n3A_481 : i32 to index
        %swap3A_535 = arith.index_cast %select_n3A_497 : i32 to index
        %swap3A_536 = arith.constant 112 : index
        %swap3A_537 = tpu.vector_load %arg11[%swap3A_534, %swap3A_535, %swap3A_536] {strides = array<i32>} : memref<8x8x128xf32, #tpu.memory_space<vmem>>, vector<16xf32>,
        tpu.vector_store %arg11[%swap3A_534, %swap3A_535, %swap3A_536], %gather3A_505 {strides = array<i32>} : memref<8x8x128xf32, #tpu.memory_space<vmem>>, vector<16xf32>,
        %scan3A_538 = arith.constant 3 : i32
        %scan3A_539 = arith.addi %scan3A_302, %scan3A_538 : i32
        %broadcast_in_dim3A_540 = vector.broadcast %scan3A_539 : i32 to vector<16xi32>
        %jit3A_541 = arith.constant 8 : i32
        %div3A_542 = arith.divsi %scan3A_539, %jit3A_541 : i32
        %sign3A_543 = arith.constant 0 : i32
        %sign3A_544 = arith.cmpi sgt, %scan3A_539, %sign3A_543 : i32
        %sign3A_545 = arith.extui %sign3A_544 : i1 to i32
        %sign3A_546 = arith.constant 0 : i32
        %sign3A_547 = arith.cmpi slt, %scan3A_539, %sign3A_546 : i32
        %sign3A_548 = arith.extui %sign3A_547 : i1 to i32
        %sign3A_549 = arith.subi %sign3A_545, %sign3A_548 : i32
        %sign3A_550 = arith.constant 0 : i32
        %sign3A_551 = arith.cmpi sgt, %jit3A_541, %sign3A_550 : i32
        %sign3A_552 = arith.extui %sign3A_551 : i1 to i32
        %sign3A_553 = arith.constant 0 : i32
        %sign3A_554 = arith.cmpi slt, %jit3A_541, %sign3A_553 : i32
        %sign3A_555 = arith.extui %sign3A_554 : i1 to i32
        %sign3A_556 = arith.subi %sign3A_552, %sign3A_555 : i32
        %ne3A_557 = arith.cmpi ne, %sign3A_549, %sign3A_556 : i32
        %rem3A_558 = arith.remsi %scan3A_539, %jit3A_541 : i32
        %ne3A_559 = arith.constant 0 : i32
        %ne3A_560 = arith.cmpi ne, %rem3A_558, %ne3A_559 : i32
        %and3A_561 = arith.andi %ne3A_557, %ne3A_560 : i1
        %sub3A_562 = arith.constant 1 : i32
        %sub3A_563 = arith.subi %div3A_542, %sub3A_562 : i32
        %select_n3A_564 = arith.select %and3A_561, %sub3A_563, %div3A_542 : i32
        %jit3A_565 = arith.constant 8 : i32
        %eq3A_566 = arith.constant 0 : i32
        %eq3A_567 = arith.cmpi eq, %jit3A_565, %eq3A_566 : i32
        %jit3A_568 = arith.constant 1 : i32
        %select_n3A_569 = arith.select %eq3A_567, %jit3A_568, %jit3A_565 : i32
        %rem3A_570 = arith.remsi %scan3A_539, %select_n3A_569 : i32
        %ne3A_571 = arith.constant 0 : i32
        %ne3A_572 = arith.cmpi ne, %rem3A_570, %ne3A_571 : i32
        %lt3A_573 = arith.constant 0 : i32
        %lt3A_574 = arith.cmpi slt, %rem3A_570, %lt3A_573 : i32
        %lt3A_575 = arith.constant 0 : i32
        %lt3A_576 = arith.cmpi slt, %select_n3A_569, %lt3A_575 : i32
        %ne3A_577 = arith.xori %lt3A_574, %lt3A_576 : i1
        %and3A_578 = arith.andi %ne3A_577, %ne3A_572 : i1
        %add3A_579 = arith.addi %rem3A_570, %select_n3A_569 : i32
        %select_n3A_580 = arith.select %and3A_578, %add3A_579, %rem3A_570 : i32
        %gather3A_581 = tpu.vector_load_idx %arg9[%add3A_10, %broadcast_in_dim3A_540] : memref<128x72xf32, #tpu.memory_space<vmem>>[vector<16xi32>, vector<16xi32>], vector<16xf32>,
        %gather3A_582 = tpu.vector_load_idx %arg9[%add3A_13, %broadcast_in_dim3A_540] : memref<128x72xf32, #tpu.memory_space<vmem>>[vector<16xi32>, vector<16xi32>], vector<16xf32>,
        %gather3A_583 = tpu.vector_load_idx %arg9[%add3A_16, %broadcast_in_dim3A_540] : memref<128x72xf32, #tpu.memory_space<vmem>>[vector<16xi32>, vector<16xi32>], vector<16xf32>,
        %gather3A_584 = tpu.vector_load_idx %arg9[%add3A_19, %broadcast_in_dim3A_540] : memref<128x72xf32, #tpu.memory_space<vmem>>[vector<16xi32>, vector<16xi32>], vector<16xf32>,
        %gather3A_585 = tpu.vector_load_idx %arg9[%add3A_22, %broadcast_in_dim3A_540] : memref<128x72xf32, #tpu.memory_space<vmem>>[vector<16xi32>, vector<16xi32>], vector<16xf32>,
        %gather3A_586 = tpu.vector_load_idx %arg9[%add3A_25, %broadcast_in_dim3A_540] : memref<128x72xf32, #tpu.memory_space<vmem>>[vector<16xi32>, vector<16xi32>], vector<16xf32>,
        %gather3A_587 = tpu.vector_load_idx %arg9[%add3A_28, %broadcast_in_dim3A_540] : memref<128x72xf32, #tpu.memory_space<vmem>>[vector<16xi32>, vector<16xi32>], vector<16xf32>,
        %gather3A_588 = tpu.vector_load_idx %arg9[%add3A_31, %broadcast_in_dim3A_540] : memref<128x72xf32, #tpu.memory_space<vmem>>[vector<16xi32>, vector<16xi32>], vector<16xf32>,
        %swap3A_589 = arith.index_cast %select_n3A_564 : i32 to index
        %swap3A_590 = arith.index_cast %select_n3A_580 : i32 to index
        %swap3A_591 = arith.constant 0 : index
        %swap3A_592 = tpu.vector_load %arg11[%swap3A_589, %swap3A_590, %swap3A_591] {strides = array<i32>} : memref<8x8x128xf32, #tpu.memory_space<vmem>>, vector<16xf32>,
        tpu.vector_store %arg11[%swap3A_589, %swap3A_590, %swap3A_591], %gather3A_581 {strides = array<i32>} : memref<8x8x128xf32, #tpu.memory_space<vmem>>, vector<16xf32>,
        %swap3A_593 = arith.index_cast %select_n3A_564 : i32 to index
        %swap3A_594 = arith.index_cast %select_n3A_580 : i32 to index
        %swap3A_595 = arith.constant 16 : index
        %swap3A_596 = tpu.vector_load %arg11[%swap3A_593, %swap3A_594, %swap3A_595] {strides = array<i32>} : memref<8x8x128xf32, #tpu.memory_space<vmem>>, vector<16xf32>,
        tpu.vector_store %arg11[%swap3A_593, %swap3A_594, %swap3A_595], %gather3A_582 {strides = array<i32>} : memref<8x8x128xf32, #tpu.memory_space<vmem>>, vector<16xf32>,
        %swap3A_597 = arith.index_cast %select_n3A_564 : i32 to index
        %swap3A_598 = arith.index_cast %select_n3A_580 : i32 to index
        %swap3A_599 = arith.constant 32 : index
        %swap3A_600 = tpu.vector_load %arg11[%swap3A_597, %swap3A_598, %swap3A_599] {strides = array<i32>} : memref<8x8x128xf32, #tpu.memory_space<vmem>>, vector<16xf32>,
        tpu.vector_store %arg11[%swap3A_597, %swap3A_598, %swap3A_599], %gather3A_583 {strides = array<i32>} : memref<8x8x128xf32, #tpu.memory_space<vmem>>, vector<16xf32>,
        %swap3A_601 = arith.index_cast %select_n3A_564 : i32 to index
        %swap3A_602 = arith.index_cast %select_n3A_580 : i32 to index
        %swap3A_603 = arith.constant 48 : index
        %swap3A_604 = tpu.vector_load %arg11[%swap3A_601, %swap3A_602, %swap3A_603] {strides = array<i32>} : memref<8x8x128xf32, #tpu.memory_space<vmem>>, vector<16xf32>,
        tpu.vector_store %arg11[%swap3A_601, %swap3A_602, %swap3A_603], %gather3A_584 {strides = array<i32>} : memref<8x8x128xf32, #tpu.memory_space<vmem>>, vector<16xf32>,
        %swap3A_605 = arith.index_cast %select_n3A_564 : i32 to index
        %swap3A_606 = arith.index_cast %select_n3A_580 : i32 to index
        %swap3A_607 = arith.constant 64 : index
        %swap3A_608 = tpu.vector_load %arg11[%swap3A_605, %swap3A_606, %swap3A_607] {strides = array<i32>} : memref<8x8x128xf32, #tpu.memory_space<vmem>>, vector<16xf32>,
        tpu.vector_store %arg11[%swap3A_605, %swap3A_606, %swap3A_607], %gather3A_585 {strides = array<i32>} : memref<8x8x128xf32, #tpu.memory_space<vmem>>, vector<16xf32>,
        %swap3A_609 = arith.index_cast %select_n3A_564 : i32 to index
        %swap3A_610 = arith.index_cast %select_n3A_580 : i32 to index
        %swap3A_611 = arith.constant 80 : index
        %swap3A_612 = tpu.vector_load %arg11[%swap3A_609, %swap3A_610, %swap3A_611] {strides = array<i32>} : memref<8x8x128xf32, #tpu.memory_space<vmem>>, vector<16xf32>,
        tpu.vector_store %arg11[%swap3A_609, %swap3A_610, %swap3A_611], %gather3A_586 {strides = array<i32>} : memref<8x8x128xf32, #tpu.memory_space<vmem>>, vector<16xf32>,
        %swap3A_613 = arith.index_cast %select_n3A_564 : i32 to index
        %swap3A_614 = arith.index_cast %select_n3A_580 : i32 to index
        %swap3A_615 = arith.constant 96 : index
        %swap3A_616 = tpu.vector_load %arg11[%swap3A_613, %swap3A_614, %swap3A_615] {strides = array<i32>} : memref<8x8x128xf32, #tpu.memory_space<vmem>>, vector<16xf32>,
        tpu.vector_store %arg11[%swap3A_613, %swap3A_614, %swap3A_615], %gather3A_587 {strides = array<i32>} : memref<8x8x128xf32, #tpu.memory_space<vmem>>, vector<16xf32>,
        %swap3A_617 = arith.index_cast %select_n3A_564 : i32 to index
        %swap3A_618 = arith.index_cast %select_n3A_580 : i32 to index
        %swap3A_619 = arith.constant 112 : index
        %swap3A_620 = tpu.vector_load %arg11[%swap3A_617, %swap3A_618, %swap3A_619] {strides = array<i32>} : memref<8x8x128xf32, #tpu.memory_space<vmem>>, vector<16xf32>,
        tpu.vector_store %arg11[%swap3A_617, %swap3A_618, %swap3A_619], %gather3A_588 {strides = array<i32>} : memref<8x8x128xf32, #tpu.memory_space<vmem>>, vector<16xf32>,
      }
      %scan3A_291 = arith.constant 64 : i32
      %dma_start3A_292 = arith.constant 0 : i32
      %dma_start3A_293 = arith.constant 0 : i32
      %dma_start3A_294 = arith.constant 0 : i32
      %dma_start3A_295 = tpu.memref_slice %arg4[%add3A_266, %dma_start3A_292, %add3A, %dma_start3A_293, %dma_start3A_294] : memref<26x8x32x8x128xf32, #tpu.memory_space<hbm>> -> memref<1x8x1x8x128xf32, #tpu.memory_space<hbm>>
      %dma_start3A_296 = tpu.memref_squeeze %dma_start3A_295 : memref<1x8x1x8x128xf32, #tpu.memory_space<hbm>> -> memref<8x8x128xf32, #tpu.memory_space<hbm>>
      %dma_start3A_297 = arith.constant 0 : i32
      %dma_start3A_298 = arith.constant 0 : i32
      %dma_start3A_299 = arith.constant 0 : i32
      %dma_start3A_300 = tpu.memref_slice %arg4[%add3A_266, %dma_start3A_297, %add3A, %dma_start3A_298, %dma_start3A_299] : memref<26x8x32x8x128xf32, #tpu.memory_space<hbm>> -> memref<1x8x1x8x128xf32, #tpu.memory_space<hbm>>
      %dma_start3A_301 = tpu.memref_squeeze %dma_start3A_300 : memref<1x8x1x8x128xf32, #tpu.memory_space<hbm>> -> memref<8x8x128xf32, #tpu.memory_space<hbm>>
      tpu.enqueue_dma source(%arg11 : memref<8x8x128xf32, #tpu.memory_space<vmem>>) target(%dma_start3A_301 : memref<8x8x128xf32, #tpu.memory_space<hbm>>) target_semaphore(%arg17 : memref<!tpu.dma_semaphore, #tpu.memory_space<semaphore_mem>>)
    }
    %scan3A_57 = arith.constant 6 : i32
    %dma_wait3A = arith.constant 0 : i32
    %dma_wait3A_58 = arith.constant 0 : i32
    %dma_wait3A_59 = tpu.memref_slice %arg5[%dma_wait3A, %dma_wait3A_58] : memref<26x128xi32, #tpu.memory_space<vmem>> -> memref<1x128xi32, #tpu.memory_space<vmem>>
    %dma_wait3A_60 = tpu.memref_squeeze %dma_wait3A_59 : memref<1x128xi32, #tpu.memory_space<vmem>> -> memref<128xi32, #tpu.memory_space<vmem>>
    %dma_wait3A_61 = arith.constant 0 : i32
    %dma_wait3A_62 = arith.constant 0 : i32
    %dma_wait3A_63 = tpu.memref_slice %arg3[%dma_wait3A_61, %dma_wait3A_62] : memref<26000x72xf32, #tpu.memory_space<hbm>> -> memref<26000x72xf32, #tpu.memory_space<hbm>>
    tpu.wait_indirect_dma semaphore(%arg12 : memref<!tpu.dma_semaphore, #tpu.memory_space<semaphore_mem>>) src(%dma_wait3A_63 : memref<26000x72xf32, #tpu.memory_space<hbm>>) dst(%arg6 : memref<128x72xf32, #tpu.memory_space<vmem>>)
    %dma_wait3A_64 = arith.constant 0 : i32
    %dma_wait3A_65 = arith.constant 0 : i32
    %dma_wait3A_66 = arith.constant 0 : i32
    %dma_wait3A_67 = arith.constant 0 : i32
    %dma_wait3A_68 = tpu.memref_slice %arg4[%dma_wait3A_64, %dma_wait3A_65, %add3A, %dma_wait3A_66, %dma_wait3A_67] : memref<26x8x32x8x128xf32, #tpu.memory_space<hbm>> -> memref<1x8x1x8x128xf32, #tpu.memory_space<hbm>>
    %dma_wait3A_69 = tpu.memref_squeeze %dma_wait3A_68 : memref<1x8x1x8x128xf32, #tpu.memory_space<hbm>> -> memref<8x8x128xf32, #tpu.memory_space<hbm>>
    %dma_wait3A_70 = arith.constant 0 : i32
    %dma_wait3A_71 = arith.constant 0 : i32
    %dma_wait3A_72 = arith.constant 0 : i32
    %dma_wait3A_73 = tpu.memref_slice %arg4[%dma_wait3A_64, %dma_wait3A_70, %add3A, %dma_wait3A_71, %dma_wait3A_72] : memref<26x8x32x8x128xf32, #tpu.memory_space<hbm>> -> memref<1x8x1x8x128xf32, #tpu.memory_space<hbm>>
    %dma_wait3A_74 = tpu.memref_squeeze %dma_wait3A_73 : memref<1x8x1x8x128xf32, #tpu.memory_space<hbm>> -> memref<8x8x128xf32, #tpu.memory_space<hbm>>
    tpu.wait_dma2 semaphore(%arg16 : memref<!tpu.dma_semaphore, #tpu.memory_space<semaphore_mem>>) src(%arg10 : memref<8x8x128xf32, #tpu.memory_space<vmem>>) dst(%dma_wait3A_74 : memref<8x8x128xf32, #tpu.memory_space<hbm>>)
    %scan3A_75 = arith.constant 0 : i32
    %scan3A_76 = arith.constant 0 : i32
    %scan3A_77 = arith.constant 64 : i32
    %scan3A_78 = arith.addi %scan3A_76, %scan3A_77 : i32
    %scan3A_79 = arith.constant 4 : i32
    scf.for %scan3A_149 = %scan3A_76 to %scan3A_78 step %scan3A_79  : i32 {
      %broadcast_in_dim3A = vector.broadcast %scan3A_149 : i32 to vector<16xi32>
      %jit3A = arith.constant 8 : i32
      %div3A = arith.divsi %scan3A_149, %jit3A : i32
      %sign3A = arith.constant 0 : i32
      %sign3A_150 = arith.cmpi sgt, %scan3A_149, %sign3A : i32
      %sign3A_151 = arith.extui %sign3A_150 : i1 to i32
      %sign3A_152 = arith.constant 0 : i32
      %sign3A_153 = arith.cmpi slt, %scan3A_149, %sign3A_152 : i32
      %sign3A_154 = arith.extui %sign3A_153 : i1 to i32
      %sign3A_155 = arith.subi %sign3A_151, %sign3A_154 : i32
      %sign3A_156 = arith.constant 0 : i32
      %sign3A_157 = arith.cmpi sgt, %jit3A, %sign3A_156 : i32
      %sign3A_158 = arith.extui %sign3A_157 : i1 to i32
      %sign3A_159 = arith.constant 0 : i32
      %sign3A_160 = arith.cmpi slt, %jit3A, %sign3A_159 : i32
      %sign3A_161 = arith.extui %sign3A_160 : i1 to i32
      %sign3A_162 = arith.subi %sign3A_158, %sign3A_161 : i32
      %ne3A = arith.cmpi ne, %sign3A_155, %sign3A_162 : i32
      %rem3A = arith.remsi %scan3A_149, %jit3A : i32
      %ne3A_163 = arith.constant 0 : i32
      %ne3A_164 = arith.cmpi ne, %rem3A, %ne3A_163 : i32
      %and3A = arith.andi %ne3A, %ne3A_164 : i1
      %sub3A = arith.constant 1 : i32
      %sub3A_165 = arith.subi %div3A, %sub3A : i32
      %select_n3A = arith.select %and3A, %sub3A_165, %div3A : i32
      %jit3A_166 = arith.constant 8 : i32
      %eq3A = arith.constant 0 : i32
      %eq3A_167 = arith.cmpi eq, %jit3A_166, %eq3A : i32
      %jit3A_168 = arith.constant 1 : i32
      %select_n3A_169 = arith.select %eq3A_167, %jit3A_168, %jit3A_166 : i32
      %rem3A_170 = arith.remsi %scan3A_149, %select_n3A_169 : i32
      %ne3A_171 = arith.constant 0 : i32
      %ne3A_172 = arith.cmpi ne, %rem3A_170, %ne3A_171 : i32
      %lt3A = arith.constant 0 : i32
      %lt3A_173 = arith.cmpi slt, %rem3A_170, %lt3A : i32
      %lt3A_174 = arith.constant 0 : i32
      %lt3A_175 = arith.cmpi slt, %select_n3A_169, %lt3A_174 : i32
      %ne3A_176 = arith.xori %lt3A_173, %lt3A_175 : i1
      %and3A_177 = arith.andi %ne3A_176, %ne3A_172 : i1
      %add3A_178 = arith.addi %rem3A_170, %select_n3A_169 : i32
      %select_n3A_179 = arith.select %and3A_177, %add3A_178, %rem3A_170 : i32
      %gather3A = tpu.vector_load_idx %arg6[%add3A_10, %broadcast_in_dim3A] : memref<128x72xf32, #tpu.memory_space<vmem>>[vector<16xi32>, vector<16xi32>], vector<16xf32>,
      %gather3A_180 = tpu.vector_load_idx %arg6[%add3A_13, %broadcast_in_dim3A] : memref<128x72xf32, #tpu.memory_space<vmem>>[vector<16xi32>, vector<16xi32>], vector<16xf32>,
      %gather3A_181 = tpu.vector_load_idx %arg6[%add3A_16, %broadcast_in_dim3A] : memref<128x72xf32, #tpu.memory_space<vmem>>[vector<16xi32>, vector<16xi32>], vector<16xf32>,
      %gather3A_182 = tpu.vector_load_idx %arg6[%add3A_19, %broadcast_in_dim3A] : memref<128x72xf32, #tpu.memory_space<vmem>>[vector<16xi32>, vector<16xi32>], vector<16xf32>,
      %gather3A_183 = tpu.vector_load_idx %arg6[%add3A_22, %broadcast_in_dim3A] : memref<128x72xf32, #tpu.memory_space<vmem>>[vector<16xi32>, vector<16xi32>], vector<16xf32>,
      %gather3A_184 = tpu.vector_load_idx %arg6[%add3A_25, %broadcast_in_dim3A] : memref<128x72xf32, #tpu.memory_space<vmem>>[vector<16xi32>, vector<16xi32>], vector<16xf32>,
      %gather3A_185 = tpu.vector_load_idx %arg6[%add3A_28, %broadcast_in_dim3A] : memref<128x72xf32, #tpu.memory_space<vmem>>[vector<16xi32>, vector<16xi32>], vector<16xf32>,
      %gather3A_186 = tpu.vector_load_idx %arg6[%add3A_31, %broadcast_in_dim3A] : memref<128x72xf32, #tpu.memory_space<vmem>>[vector<16xi32>, vector<16xi32>], vector<16xf32>,
      %swap3A = arith.index_cast %select_n3A : i32 to index
      %swap3A_187 = arith.index_cast %select_n3A_179 : i32 to index
      %swap3A_188 = arith.constant 0 : index
      %swap3A_189 = tpu.vector_load %arg10[%swap3A, %swap3A_187, %swap3A_188] {strides = array<i32>} : memref<8x8x128xf32, #tpu.memory_space<vmem>>, vector<16xf32>,
      tpu.vector_store %arg10[%swap3A, %swap3A_187, %swap3A_188], %gather3A {strides = array<i32>} : memref<8x8x128xf32, #tpu.memory_space<vmem>>, vector<16xf32>,
      %swap3A_190 = arith.index_cast %select_n3A : i32 to index
      %swap3A_191 = arith.index_cast %select_n3A_179 : i32 to index
      %swap3A_192 = arith.constant 16 : index
      %swap3A_193 = tpu.vector_load %arg10[%swap3A_190, %swap3A_191, %swap3A_192] {strides = array<i32>} : memref<8x8x128xf32, #tpu.memory_space<vmem>>, vector<16xf32>,
      tpu.vector_store %arg10[%swap3A_190, %swap3A_191, %swap3A_192], %gather3A_180 {strides = array<i32>} : memref<8x8x128xf32, #tpu.memory_space<vmem>>, vector<16xf32>,
      %swap3A_194 = arith.index_cast %select_n3A : i32 to index
      %swap3A_195 = arith.index_cast %select_n3A_179 : i32 to index
      %swap3A_196 = arith.constant 32 : index
      %swap3A_197 = tpu.vector_load %arg10[%swap3A_194, %swap3A_195, %swap3A_196] {strides = array<i32>} : memref<8x8x128xf32, #tpu.memory_space<vmem>>, vector<16xf32>,
      tpu.vector_store %arg10[%swap3A_194, %swap3A_195, %swap3A_196], %gather3A_181 {strides = array<i32>} : memref<8x8x128xf32, #tpu.memory_space<vmem>>, vector<16xf32>,
      %swap3A_198 = arith.index_cast %select_n3A : i32 to index
      %swap3A_199 = arith.index_cast %select_n3A_179 : i32 to index
      %swap3A_200 = arith.constant 48 : index
      %swap3A_201 = tpu.vector_load %arg10[%swap3A_198, %swap3A_199, %swap3A_200] {strides = array<i32>} : memref<8x8x128xf32, #tpu.memory_space<vmem>>, vector<16xf32>,
      tpu.vector_store %arg10[%swap3A_198, %swap3A_199, %swap3A_200], %gather3A_182 {strides = array<i32>} : memref<8x8x128xf32, #tpu.memory_space<vmem>>, vector<16xf32>,
      %swap3A_202 = arith.index_cast %select_n3A : i32 to index
      %swap3A_203 = arith.index_cast %select_n3A_179 : i32 to index
      %swap3A_204 = arith.constant 64 : index
      %swap3A_205 = tpu.vector_load %arg10[%swap3A_202, %swap3A_203, %swap3A_204] {strides = array<i32>} : memref<8x8x128xf32, #tpu.memory_space<vmem>>, vector<16xf32>,
      tpu.vector_store %arg10[%swap3A_202, %swap3A_203, %swap3A_204], %gather3A_183 {strides = array<i32>} : memref<8x8x128xf32, #tpu.memory_space<vmem>>, vector<16xf32>,
      %swap3A_206 = arith.index_cast %select_n3A : i32 to index
      %swap3A_207 = arith.index_cast %select_n3A_179 : i32 to index
      %swap3A_208 = arith.constant 80 : index
      %swap3A_209 = tpu.vector_load %arg10[%swap3A_206, %swap3A_207, %swap3A_208] {strides = array<i32>} : memref<8x8x128xf32, #tpu.memory_space<vmem>>, vector<16xf32>,
      tpu.vector_store %arg10[%swap3A_206, %swap3A_207, %swap3A_208], %gather3A_184 {strides = array<i32>} : memref<8x8x128xf32, #tpu.memory_space<vmem>>, vector<16xf32>,
      %swap3A_210 = arith.index_cast %select_n3A : i32 to index
      %swap3A_211 = arith.index_cast %select_n3A_179 : i32 to index
      %swap3A_212 = arith.constant 96 : index
      %swap3A_213 = tpu.vector_load %arg10[%swap3A_210, %swap3A_211, %swap3A_212] {strides = array<i32>} : memref<8x8x128xf32, #tpu.memory_space<vmem>>, vector<16xf32>,
      tpu.vector_store %arg10[%swap3A_210, %swap3A_211, %swap3A_212], %gather3A_185 {strides = array<i32>} : memref<8x8x128xf32, #tpu.memory_space<vmem>>, vector<16xf32>,
      %swap3A_214 = arith.index_cast %select_n3A : i32 to index
      %swap3A_215 = arith.index_cast %select_n3A_179 : i32 to index
      %swap3A_216 = arith.constant 112 : index
      %swap3A_217 = tpu.vector_load %arg10[%swap3A_214, %swap3A_215, %swap3A_216] {strides = array<i32>} : memref<8x8x128xf32, #tpu.memory_space<vmem>>, vector<16xf32>,
      tpu.vector_store %arg10[%swap3A_214, %swap3A_215, %swap3A_216], %gather3A_186 {strides = array<i32>} : memref<8x8x128xf32, #tpu.memory_space<vmem>>, vector<16xf32>,
      %scan3A_218 = arith.constant 1 : i32
      %scan3A_219 = arith.addi %scan3A_149, %scan3A_218 : i32
      %broadcast_in_dim3A_220 = vector.broadcast %scan3A_219 : i32 to vector<16xi32>
      %jit3A_221 = arith.constant 8 : i32
      %div3A_222 = arith.divsi %scan3A_219, %jit3A_221 : i32
      %sign3A_223 = arith.constant 0 : i32
      %sign3A_224 = arith.cmpi sgt, %scan3A_219, %sign3A_223 : i32
      %sign3A_225 = arith.extui %sign3A_224 : i1 to i32
      %sign3A_226 = arith.constant 0 : i32
      %sign3A_227 = arith.cmpi slt, %scan3A_219, %sign3A_226 : i32
      %sign3A_228 = arith.extui %sign3A_227 : i1 to i32
      %sign3A_229 = arith.subi %sign3A_225, %sign3A_228 : i32
      %sign3A_230 = arith.constant 0 : i32
      %sign3A_231 = arith.cmpi sgt, %jit3A_221, %sign3A_230 : i32
      %sign3A_232 = arith.extui %sign3A_231 : i1 to i32
      %sign3A_233 = arith.constant 0 : i32
      %sign3A_234 = arith.cmpi slt, %jit3A_221, %sign3A_233 : i32
      %sign3A_235 = arith.extui %sign3A_234 : i1 to i32
      %sign3A_236 = arith.subi %sign3A_232, %sign3A_235 : i32
      %ne3A_237 = arith.cmpi ne, %sign3A_229, %sign3A_236 : i32
      %rem3A_238 = arith.remsi %scan3A_219, %jit3A_221 : i32
      %ne3A_239 = arith.constant 0 : i32
      %ne3A_240 = arith.cmpi ne, %rem3A_238, %ne3A_239 : i32
      %and3A_241 = arith.andi %ne3A_237, %ne3A_240 : i1
      %sub3A_242 = arith.constant 1 : i32
      %sub3A_243 = arith.subi %div3A_222, %sub3A_242 : i32
      %select_n3A_244 = arith.select %and3A_241, %sub3A_243, %div3A_222 : i32
      %jit3A_245 = arith.constant 8 : i32
      %eq3A_246 = arith.constant 0 : i32
      %eq3A_247 = arith.cmpi eq, %jit3A_245, %eq3A_246 : i32
      %jit3A_248 = arith.constant 1 : i32
      %select_n3A_249 = arith.select %eq3A_247, %jit3A_248, %jit3A_245 : i32
      %rem3A_250 = arith.remsi %scan3A_219, %select_n3A_249 : i32
      %ne3A_251 = arith.constant 0 : i32
      %ne3A_252 = arith.cmpi ne, %rem3A_250, %ne3A_251 : i32
      %lt3A_253 = arith.constant 0 : i32
      %lt3A_254 = arith.cmpi slt, %rem3A_250, %lt3A_253 : i32
      %lt3A_255 = arith.constant 0 : i32
      %lt3A_256 = arith.cmpi slt, %select_n3A_249, %lt3A_255 : i32
      %ne3A_257 = arith.xori %lt3A_254, %lt3A_256 : i1
      %and3A_258 = arith.andi %ne3A_257, %ne3A_252 : i1
      %add3A_259 = arith.addi %rem3A_250, %select_n3A_249 : i32
      %select_n3A_260 = arith.select %and3A_258, %add3A_259, %rem3A_250 : i32
      %gather3A_261 = tpu.vector_load_idx %arg6[%add3A_10, %broadcast_in_dim3A_220] : memref<128x72xf32, #tpu.memory_space<vmem>>[vector<16xi32>, vector<16xi32>], vector<16xf32>,
      %gather3A_262 = tpu.vector_load_idx %arg6[%add3A_13, %broadcast_in_dim3A_220] : memref<128x72xf32, #tpu.memory_space<vmem>>[vector<16xi32>, vector<16xi32>], vector<16xf32>,
      %gather3A_263 = tpu.vector_load_idx %arg6[%add3A_16, %broadcast_in_dim3A_220] : memref<128x72xf32, #tpu.memory_space<vmem>>[vector<16xi32>, vector<16xi32>], vector<16xf32>,
      %gather3A_264 = tpu.vector_load_idx %arg6[%add3A_19, %broadcast_in_dim3A_220] : memref<128x72xf32, #tpu.memory_space<vmem>>[vector<16xi32>, vector<16xi32>], vector<16xf32>,
      %gather3A_265 = tpu.vector_load_idx %arg6[%add3A_22, %broadcast_in_dim3A_220] : memref<128x72xf32, #tpu.memory_space<vmem>>[vector<16xi32>, vector<16xi32>], vector<16xf32>,
      %gather3A_266 = tpu.vector_load_idx %arg6[%add3A_25, %broadcast_in_dim3A_220] : memref<128x72xf32, #tpu.memory_space<vmem>>[vector<16xi32>, vector<16xi32>], vector<16xf32>,
      %gather3A_267 = tpu.vector_load_idx %arg6[%add3A_28, %broadcast_in_dim3A_220] : memref<128x72xf32, #tpu.memory_space<vmem>>[vector<16xi32>, vector<16xi32>], vector<16xf32>,
      %gather3A_268 = tpu.vector_load_idx %arg6[%add3A_31, %broadcast_in_dim3A_220] : memref<128x72xf32, #tpu.memory_space<vmem>>[vector<16xi32>, vector<16xi32>], vector<16xf32>,
      %swap3A_269 = arith.index_cast %select_n3A_244 : i32 to index
      %swap3A_270 = arith.index_cast %select_n3A_260 : i32 to index
      %swap3A_271 = arith.constant 0 : index
      %swap3A_272 = tpu.vector_load %arg10[%swap3A_269, %swap3A_270, %swap3A_271] {strides = array<i32>} : memref<8x8x128xf32, #tpu.memory_space<vmem>>, vector<16xf32>,
      tpu.vector_store %arg10[%swap3A_269, %swap3A_270, %swap3A_271], %gather3A_261 {strides = array<i32>} : memref<8x8x128xf32, #tpu.memory_space<vmem>>, vector<16xf32>,
      %swap3A_273 = arith.index_cast %select_n3A_244 : i32 to index
      %swap3A_274 = arith.index_cast %select_n3A_260 : i32 to index
      %swap3A_275 = arith.constant 16 : index
      %swap3A_276 = tpu.vector_load %arg10[%swap3A_273, %swap3A_274, %swap3A_275] {strides = array<i32>} : memref<8x8x128xf32, #tpu.memory_space<vmem>>, vector<16xf32>,
      tpu.vector_store %arg10[%swap3A_273, %swap3A_274, %swap3A_275], %gather3A_262 {strides = array<i32>} : memref<8x8x128xf32, #tpu.memory_space<vmem>>, vector<16xf32>,
      %swap3A_277 = arith.index_cast %select_n3A_244 : i32 to index
      %swap3A_278 = arith.index_cast %select_n3A_260 : i32 to index
      %swap3A_279 = arith.constant 32 : index
      %swap3A_280 = tpu.vector_load %arg10[%swap3A_277, %swap3A_278, %swap3A_279] {strides = array<i32>} : memref<8x8x128xf32, #tpu.memory_space<vmem>>, vector<16xf32>,
      tpu.vector_store %arg10[%swap3A_277, %swap3A_278, %swap3A_279], %gather3A_263 {strides = array<i32>} : memref<8x8x128xf32, #tpu.memory_space<vmem>>, vector<16xf32>,
      %swap3A_281 = arith.index_cast %select_n3A_244 : i32 to index
      %swap3A_282 = arith.index_cast %select_n3A_260 : i32 to index
      %swap3A_283 = arith.constant 48 : index
      %swap3A_284 = tpu.vector_load %arg10[%swap3A_281, %swap3A_282, %swap3A_283] {strides = array<i32>} : memref<8x8x128xf32, #tpu.memory_space<vmem>>, vector<16xf32>,
      tpu.vector_store %arg10[%swap3A_281, %swap3A_282, %swap3A_283], %gather3A_264 {strides = array<i32>} : memref<8x8x128xf32, #tpu.memory_space<vmem>>, vector<16xf32>,
      %swap3A_285 = arith.index_cast %select_n3A_244 : i32 to index
      %swap3A_286 = arith.index_cast %select_n3A_260 : i32 to index
      %swap3A_287 = arith.constant 64 : index
      %swap3A_288 = tpu.vector_load %arg10[%swap3A_285, %swap3A_286, %swap3A_287] {strides = array<i32>} : memref<8x8x128xf32, #tpu.memory_space<vmem>>, vector<16xf32>,
      tpu.vector_store %arg10[%swap3A_285, %swap3A_286, %swap3A_287], %gather3A_265 {strides = array<i32>} : memref<8x8x128xf32, #tpu.memory_space<vmem>>, vector<16xf32>,
      %swap3A_289 = arith.index_cast %select_n3A_244 : i32 to index
      %swap3A_290 = arith.index_cast %select_n3A_260 : i32 to index
      %swap3A_291 = arith.constant 80 : index
      %swap3A_292 = tpu.vector_load %arg10[%swap3A_289, %swap3A_290, %swap3A_291] {strides = array<i32>} : memref<8x8x128xf32, #tpu.memory_space<vmem>>, vector<16xf32>,
      tpu.vector_store %arg10[%swap3A_289, %swap3A_290, %swap3A_291], %gather3A_266 {strides = array<i32>} : memref<8x8x128xf32, #tpu.memory_space<vmem>>, vector<16xf32>,
      %swap3A_293 = arith.index_cast %select_n3A_244 : i32 to index
      %swap3A_294 = arith.index_cast %select_n3A_260 : i32 to index
      %swap3A_295 = arith.constant 96 : index
      %swap3A_296 = tpu.vector_load %arg10[%swap3A_293, %swap3A_294, %swap3A_295] {strides = array<i32>} : memref<8x8x128xf32, #tpu.memory_space<vmem>>, vector<16xf32>,
      tpu.vector_store %arg10[%swap3A_293, %swap3A_294, %swap3A_295], %gather3A_267 {strides = array<i32>} : memref<8x8x128xf32, #tpu.memory_space<vmem>>, vector<16xf32>,
      %swap3A_297 = arith.index_cast %select_n3A_244 : i32 to index
      %swap3A_298 = arith.index_cast %select_n3A_260 : i32 to index
      %swap3A_299 = arith.constant 112 : index
      %swap3A_300 = tpu.vector_load %arg10[%swap3A_297, %swap3A_298, %swap3A_299] {strides = array<i32>} : memref<8x8x128xf32, #tpu.memory_space<vmem>>, vector<16xf32>,
      tpu.vector_store %arg10[%swap3A_297, %swap3A_298, %swap3A_299], %gather3A_268 {strides = array<i32>} : memref<8x8x128xf32, #tpu.memory_space<vmem>>, vector<16xf32>,
      %scan3A_301 = arith.constant 2 : i32
      %scan3A_302 = arith.addi %scan3A_149, %scan3A_301 : i32
      %broadcast_in_dim3A_303 = vector.broadcast %scan3A_302 : i32 to vector<16xi32>
      %jit3A_304 = arith.constant 8 : i32
      %div3A_305 = arith.divsi %scan3A_302, %jit3A_304 : i32
      %sign3A_306 = arith.constant 0 : i32
      %sign3A_307 = arith.cmpi sgt, %scan3A_302, %sign3A_306 : i32
      %sign3A_308 = arith.extui %sign3A_307 : i1 to i32
      %sign3A_309 = arith.constant 0 : i32
      %sign3A_310 = arith.cmpi slt, %scan3A_302, %sign3A_309 : i32
      %sign3A_311 = arith.extui %sign3A_310 : i1 to i32
      %sign3A_312 = arith.subi %sign3A_308, %sign3A_311 : i32
      %sign3A_313 = arith.constant 0 : i32
      %sign3A_314 = arith.cmpi sgt, %jit3A_304, %sign3A_313 : i32
      %sign3A_315 = arith.extui %sign3A_314 : i1 to i32
      %sign3A_316 = arith.constant 0 : i32
      %sign3A_317 = arith.cmpi slt, %jit3A_304, %sign3A_316 : i32
      %sign3A_318 = arith.extui %sign3A_317 : i1 to i32
      %sign3A_319 = arith.subi %sign3A_315, %sign3A_318 : i32
      %ne3A_320 = arith.cmpi ne, %sign3A_312, %sign3A_319 : i32
      %rem3A_321 = arith.remsi %scan3A_302, %jit3A_304 : i32
      %ne3A_322 = arith.constant 0 : i32
      %ne3A_323 = arith.cmpi ne, %rem3A_321, %ne3A_322 : i32
      %and3A_324 = arith.andi %ne3A_320, %ne3A_323 : i1
      %sub3A_325 = arith.constant 1 : i32
      %sub3A_326 = arith.subi %div3A_305, %sub3A_325 : i32
      %select_n3A_327 = arith.select %and3A_324, %sub3A_326, %div3A_305 : i32
      %jit3A_328 = arith.constant 8 : i32
      %eq3A_329 = arith.constant 0 : i32
      %eq3A_330 = arith.cmpi eq, %jit3A_328, %eq3A_329 : i32
      %jit3A_331 = arith.constant 1 : i32
      %select_n3A_332 = arith.select %eq3A_330, %jit3A_331, %jit3A_328 : i32
      %rem3A_333 = arith.remsi %scan3A_302, %select_n3A_332 : i32
      %ne3A_334 = arith.constant 0 : i32
      %ne3A_335 = arith.cmpi ne, %rem3A_333, %ne3A_334 : i32
      %lt3A_336 = arith.constant 0 : i32
      %lt3A_337 = arith.cmpi slt, %rem3A_333, %lt3A_336 : i32
      %lt3A_338 = arith.constant 0 : i32
      %lt3A_339 = arith.cmpi slt, %select_n3A_332, %lt3A_338 : i32
      %ne3A_340 = arith.xori %lt3A_337, %lt3A_339 : i1
      %and3A_341 = arith.andi %ne3A_340, %ne3A_335 : i1
      %add3A_342 = arith.addi %rem3A_333, %select_n3A_332 : i32
      %select_n3A_343 = arith.select %and3A_341, %add3A_342, %rem3A_333 : i32
      %gather3A_344 = tpu.vector_load_idx %arg6[%add3A_10, %broadcast_in_dim3A_303] : memref<128x72xf32, #tpu.memory_space<vmem>>[vector<16xi32>, vector<16xi32>], vector<16xf32>,
      %gather3A_345 = tpu.vector_load_idx %arg6[%add3A_13, %broadcast_in_dim3A_303] : memref<128x72xf32, #tpu.memory_space<vmem>>[vector<16xi32>, vector<16xi32>], vector<16xf32>,
      %gather3A_346 = tpu.vector_load_idx %arg6[%add3A_16, %broadcast_in_dim3A_303] : memref<128x72xf32, #tpu.memory_space<vmem>>[vector<16xi32>, vector<16xi32>], vector<16xf32>,
      %gather3A_347 = tpu.vector_load_idx %arg6[%add3A_19, %broadcast_in_dim3A_303] : memref<128x72xf32, #tpu.memory_space<vmem>>[vector<16xi32>, vector<16xi32>], vector<16xf32>,
      %gather3A_348 = tpu.vector_load_idx %arg6[%add3A_22, %broadcast_in_dim3A_303] : memref<128x72xf32, #tpu.memory_space<vmem>>[vector<16xi32>, vector<16xi32>], vector<16xf32>,
      %gather3A_349 = tpu.vector_load_idx %arg6[%add3A_25, %broadcast_in_dim3A_303] : memref<128x72xf32, #tpu.memory_space<vmem>>[vector<16xi32>, vector<16xi32>], vector<16xf32>,
      %gather3A_350 = tpu.vector_load_idx %arg6[%add3A_28, %broadcast_in_dim3A_303] : memref<128x72xf32, #tpu.memory_space<vmem>>[vector<16xi32>, vector<16xi32>], vector<16xf32>,
      %gather3A_351 = tpu.vector_load_idx %arg6[%add3A_31, %broadcast_in_dim3A_303] : memref<128x72xf32, #tpu.memory_space<vmem>>[vector<16xi32>, vector<16xi32>], vector<16xf32>,
      %swap3A_352 = arith.index_cast %select_n3A_327 : i32 to index
      %swap3A_353 = arith.index_cast %select_n3A_343 : i32 to index
      %swap3A_354 = arith.constant 0 : index
      %swap3A_355 = tpu.vector_load %arg10[%swap3A_352, %swap3A_353, %swap3A_354] {strides = array<i32>} : memref<8x8x128xf32, #tpu.memory_space<vmem>>, vector<16xf32>,
      tpu.vector_store %arg10[%swap3A_352, %swap3A_353, %swap3A_354], %gather3A_344 {strides = array<i32>} : memref<8x8x128xf32, #tpu.memory_space<vmem>>, vector<16xf32>,
      %swap3A_356 = arith.index_cast %select_n3A_327 : i32 to index
      %swap3A_357 = arith.index_cast %select_n3A_343 : i32 to index
      %swap3A_358 = arith.constant 16 : index
      %swap3A_359 = tpu.vector_load %arg10[%swap3A_356, %swap3A_357, %swap3A_358] {strides = array<i32>} : memref<8x8x128xf32, #tpu.memory_space<vmem>>, vector<16xf32>,
      tpu.vector_store %arg10[%swap3A_356, %swap3A_357, %swap3A_358], %gather3A_345 {strides = array<i32>} : memref<8x8x128xf32, #tpu.memory_space<vmem>>, vector<16xf32>,
      %swap3A_360 = arith.index_cast %select_n3A_327 : i32 to index
      %swap3A_361 = arith.index_cast %select_n3A_343 : i32 to index
      %swap3A_362 = arith.constant 32 : index
      %swap3A_363 = tpu.vector_load %arg10[%swap3A_360, %swap3A_361, %swap3A_362] {strides = array<i32>} : memref<8x8x128xf32, #tpu.memory_space<vmem>>, vector<16xf32>,
      tpu.vector_store %arg10[%swap3A_360, %swap3A_361, %swap3A_362], %gather3A_346 {strides = array<i32>} : memref<8x8x128xf32, #tpu.memory_space<vmem>>, vector<16xf32>,
      %swap3A_364 = arith.index_cast %select_n3A_327 : i32 to index
      %swap3A_365 = arith.index_cast %select_n3A_343 : i32 to index
      %swap3A_366 = arith.constant 48 : index
      %swap3A_367 = tpu.vector_load %arg10[%swap3A_364, %swap3A_365, %swap3A_366] {strides = array<i32>} : memref<8x8x128xf32, #tpu.memory_space<vmem>>, vector<16xf32>,
      tpu.vector_store %arg10[%swap3A_364, %swap3A_365, %swap3A_366], %gather3A_347 {strides = array<i32>} : memref<8x8x128xf32, #tpu.memory_space<vmem>>, vector<16xf32>,
      %swap3A_368 = arith.index_cast %select_n3A_327 : i32 to index
      %swap3A_369 = arith.index_cast %select_n3A_343 : i32 to index
      %swap3A_370 = arith.constant 64 : index
      %swap3A_371 = tpu.vector_load %arg10[%swap3A_368, %swap3A_369, %swap3A_370] {strides = array<i32>} : memref<8x8x128xf32, #tpu.memory_space<vmem>>, vector<16xf32>,
      tpu.vector_store %arg10[%swap3A_368, %swap3A_369, %swap3A_370], %gather3A_348 {strides = array<i32>} : memref<8x8x128xf32, #tpu.memory_space<vmem>>, vector<16xf32>,
      %swap3A_372 = arith.index_cast %select_n3A_327 : i32 to index
      %swap3A_373 = arith.index_cast %select_n3A_343 : i32 to index
      %swap3A_374 = arith.constant 80 : index
      %swap3A_375 = tpu.vector_load %arg10[%swap3A_372, %swap3A_373, %swap3A_374] {strides = array<i32>} : memref<8x8x128xf32, #tpu.memory_space<vmem>>, vector<16xf32>,
      tpu.vector_store %arg10[%swap3A_372, %swap3A_373, %swap3A_374], %gather3A_349 {strides = array<i32>} : memref<8x8x128xf32, #tpu.memory_space<vmem>>, vector<16xf32>,
      %swap3A_376 = arith.index_cast %select_n3A_327 : i32 to index
      %swap3A_377 = arith.index_cast %select_n3A_343 : i32 to index
      %swap3A_378 = arith.constant 96 : index
      %swap3A_379 = tpu.vector_load %arg10[%swap3A_376, %swap3A_377, %swap3A_378] {strides = array<i32>} : memref<8x8x128xf32, #tpu.memory_space<vmem>>, vector<16xf32>,
      tpu.vector_store %arg10[%swap3A_376, %swap3A_377, %swap3A_378], %gather3A_350 {strides = array<i32>} : memref<8x8x128xf32, #tpu.memory_space<vmem>>, vector<16xf32>,
      %swap3A_380 = arith.index_cast %select_n3A_327 : i32 to index
      %swap3A_381 = arith.index_cast %select_n3A_343 : i32 to index
      %swap3A_382 = arith.constant 112 : index
      %swap3A_383 = tpu.vector_load %arg10[%swap3A_380, %swap3A_381, %swap3A_382] {strides = array<i32>} : memref<8x8x128xf32, #tpu.memory_space<vmem>>, vector<16xf32>,
      tpu.vector_store %arg10[%swap3A_380, %swap3A_381, %swap3A_382], %gather3A_351 {strides = array<i32>} : memref<8x8x128xf32, #tpu.memory_space<vmem>>, vector<16xf32>,
      %scan3A_384 = arith.constant 3 : i32
      %scan3A_385 = arith.addi %scan3A_149, %scan3A_384 : i32
      %broadcast_in_dim3A_386 = vector.broadcast %scan3A_385 : i32 to vector<16xi32>
      %jit3A_387 = arith.constant 8 : i32
      %div3A_388 = arith.divsi %scan3A_385, %jit3A_387 : i32
      %sign3A_389 = arith.constant 0 : i32
      %sign3A_390 = arith.cmpi sgt, %scan3A_385, %sign3A_389 : i32
      %sign3A_391 = arith.extui %sign3A_390 : i1 to i32
      %sign3A_392 = arith.constant 0 : i32
      %sign3A_393 = arith.cmpi slt, %scan3A_385, %sign3A_392 : i32
      %sign3A_394 = arith.extui %sign3A_393 : i1 to i32
      %sign3A_395 = arith.subi %sign3A_391, %sign3A_394 : i32
      %sign3A_396 = arith.constant 0 : i32
      %sign3A_397 = arith.cmpi sgt, %jit3A_387, %sign3A_396 : i32
      %sign3A_398 = arith.extui %sign3A_397 : i1 to i32
      %sign3A_399 = arith.constant 0 : i32
      %sign3A_400 = arith.cmpi slt, %jit3A_387, %sign3A_399 : i32
      %sign3A_401 = arith.extui %sign3A_400 : i1 to i32
      %sign3A_402 = arith.subi %sign3A_398, %sign3A_401 : i32
      %ne3A_403 = arith.cmpi ne, %sign3A_395, %sign3A_402 : i32
      %rem3A_404 = arith.remsi %scan3A_385, %jit3A_387 : i32
      %ne3A_405 = arith.constant 0 : i32
      %ne3A_406 = arith.cmpi ne, %rem3A_404, %ne3A_405 : i32
      %and3A_407 = arith.andi %ne3A_403, %ne3A_406 : i1
      %sub3A_408 = arith.constant 1 : i32
      %sub3A_409 = arith.subi %div3A_388, %sub3A_408 : i32
      %select_n3A_410 = arith.select %and3A_407, %sub3A_409, %div3A_388 : i32
      %jit3A_411 = arith.constant 8 : i32
      %eq3A_412 = arith.constant 0 : i32
      %eq3A_413 = arith.cmpi eq, %jit3A_411, %eq3A_412 : i32
      %jit3A_414 = arith.constant 1 : i32
      %select_n3A_415 = arith.select %eq3A_413, %jit3A_414, %jit3A_411 : i32
      %rem3A_416 = arith.remsi %scan3A_385, %select_n3A_415 : i32
      %ne3A_417 = arith.constant 0 : i32
      %ne3A_418 = arith.cmpi ne, %rem3A_416, %ne3A_417 : i32
      %lt3A_419 = arith.constant 0 : i32
      %lt3A_420 = arith.cmpi slt, %rem3A_416, %lt3A_419 : i32
      %lt3A_421 = arith.constant 0 : i32
      %lt3A_422 = arith.cmpi slt, %select_n3A_415, %lt3A_421 : i32
      %ne3A_423 = arith.xori %lt3A_420, %lt3A_422 : i1
      %and3A_424 = arith.andi %ne3A_423, %ne3A_418 : i1
      %add3A_425 = arith.addi %rem3A_416, %select_n3A_415 : i32
      %select_n3A_426 = arith.select %and3A_424, %add3A_425, %rem3A_416 : i32
      %gather3A_427 = tpu.vector_load_idx %arg6[%add3A_10, %broadcast_in_dim3A_386] : memref<128x72xf32, #tpu.memory_space<vmem>>[vector<16xi32>, vector<16xi32>], vector<16xf32>,
      %gather3A_428 = tpu.vector_load_idx %arg6[%add3A_13, %broadcast_in_dim3A_386] : memref<128x72xf32, #tpu.memory_space<vmem>>[vector<16xi32>, vector<16xi32>], vector<16xf32>,
      %gather3A_429 = tpu.vector_load_idx %arg6[%add3A_16, %broadcast_in_dim3A_386] : memref<128x72xf32, #tpu.memory_space<vmem>>[vector<16xi32>, vector<16xi32>], vector<16xf32>,
      %gather3A_430 = tpu.vector_load_idx %arg6[%add3A_19, %broadcast_in_dim3A_386] : memref<128x72xf32, #tpu.memory_space<vmem>>[vector<16xi32>, vector<16xi32>], vector<16xf32>,
      %gather3A_431 = tpu.vector_load_idx %arg6[%add3A_22, %broadcast_in_dim3A_386] : memref<128x72xf32, #tpu.memory_space<vmem>>[vector<16xi32>, vector<16xi32>], vector<16xf32>,
      %gather3A_432 = tpu.vector_load_idx %arg6[%add3A_25, %broadcast_in_dim3A_386] : memref<128x72xf32, #tpu.memory_space<vmem>>[vector<16xi32>, vector<16xi32>], vector<16xf32>,
      %gather3A_433 = tpu.vector_load_idx %arg6[%add3A_28, %broadcast_in_dim3A_386] : memref<128x72xf32, #tpu.memory_space<vmem>>[vector<16xi32>, vector<16xi32>], vector<16xf32>,
      %gather3A_434 = tpu.vector_load_idx %arg6[%add3A_31, %broadcast_in_dim3A_386] : memref<128x72xf32, #tpu.memory_space<vmem>>[vector<16xi32>, vector<16xi32>], vector<16xf32>,
      %swap3A_435 = arith.index_cast %select_n3A_410 : i32 to index
      %swap3A_436 = arith.index_cast %select_n3A_426 : i32 to index
      %swap3A_437 = arith.constant 0 : index
      %swap3A_438 = tpu.vector_load %arg10[%swap3A_435, %swap3A_436, %swap3A_437] {strides = array<i32>} : memref<8x8x128xf32, #tpu.memory_space<vmem>>, vector<16xf32>,
      tpu.vector_store %arg10[%swap3A_435, %swap3A_436, %swap3A_437], %gather3A_427 {strides = array<i32>} : memref<8x8x128xf32, #tpu.memory_space<vmem>>, vector<16xf32>,
      %swap3A_439 = arith.index_cast %select_n3A_410 : i32 to index
      %swap3A_440 = arith.index_cast %select_n3A_426 : i32 to index
      %swap3A_441 = arith.constant 16 : index
      %swap3A_442 = tpu.vector_load %arg10[%swap3A_439, %swap3A_440, %swap3A_441] {strides = array<i32>} : memref<8x8x128xf32, #tpu.memory_space<vmem>>, vector<16xf32>,
      tpu.vector_store %arg10[%swap3A_439, %swap3A_440, %swap3A_441], %gather3A_428 {strides = array<i32>} : memref<8x8x128xf32, #tpu.memory_space<vmem>>, vector<16xf32>,
      %swap3A_443 = arith.index_cast %select_n3A_410 : i32 to index
      %swap3A_444 = arith.index_cast %select_n3A_426 : i32 to index
      %swap3A_445 = arith.constant 32 : index
      %swap3A_446 = tpu.vector_load %arg10[%swap3A_443, %swap3A_444, %swap3A_445] {strides = array<i32>} : memref<8x8x128xf32, #tpu.memory_space<vmem>>, vector<16xf32>,
      tpu.vector_store %arg10[%swap3A_443, %swap3A_444, %swap3A_445], %gather3A_429 {strides = array<i32>} : memref<8x8x128xf32, #tpu.memory_space<vmem>>, vector<16xf32>,
      %swap3A_447 = arith.index_cast %select_n3A_410 : i32 to index
      %swap3A_448 = arith.index_cast %select_n3A_426 : i32 to index
      %swap3A_449 = arith.constant 48 : index
      %swap3A_450 = tpu.vector_load %arg10[%swap3A_447, %swap3A_448, %swap3A_449] {strides = array<i32>} : memref<8x8x128xf32, #tpu.memory_space<vmem>>, vector<16xf32>,
      tpu.vector_store %arg10[%swap3A_447, %swap3A_448, %swap3A_449], %gather3A_430 {strides = array<i32>} : memref<8x8x128xf32, #tpu.memory_space<vmem>>, vector<16xf32>,
      %swap3A_451 = arith.index_cast %select_n3A_410 : i32 to index
      %swap3A_452 = arith.index_cast %select_n3A_426 : i32 to index
      %swap3A_453 = arith.constant 64 : index
      %swap3A_454 = tpu.vector_load %arg10[%swap3A_451, %swap3A_452, %swap3A_453] {strides = array<i32>} : memref<8x8x128xf32, #tpu.memory_space<vmem>>, vector<16xf32>,
      tpu.vector_store %arg10[%swap3A_451, %swap3A_452, %swap3A_453], %gather3A_431 {strides = array<i32>} : memref<8x8x128xf32, #tpu.memory_space<vmem>>, vector<16xf32>,
      %swap3A_455 = arith.index_cast %select_n3A_410 : i32 to index
      %swap3A_456 = arith.index_cast %select_n3A_426 : i32 to index
      %swap3A_457 = arith.constant 80 : index
      %swap3A_458 = tpu.vector_load %arg10[%swap3A_455, %swap3A_456, %swap3A_457] {strides = array<i32>} : memref<8x8x128xf32, #tpu.memory_space<vmem>>, vector<16xf32>,
      tpu.vector_store %arg10[%swap3A_455, %swap3A_456, %swap3A_457], %gather3A_432 {strides = array<i32>} : memref<8x8x128xf32, #tpu.memory_space<vmem>>, vector<16xf32>,
      %swap3A_459 = arith.index_cast %select_n3A_410 : i32 to index
      %swap3A_460 = arith.index_cast %select_n3A_426 : i32 to index
      %swap3A_461 = arith.constant 96 : index
      %swap3A_462 = tpu.vector_load %arg10[%swap3A_459, %swap3A_460, %swap3A_461] {strides = array<i32>} : memref<8x8x128xf32, #tpu.memory_space<vmem>>, vector<16xf32>,
      tpu.vector_store %arg10[%swap3A_459, %swap3A_460, %swap3A_461], %gather3A_433 {strides = array<i32>} : memref<8x8x128xf32, #tpu.memory_space<vmem>>, vector<16xf32>,
      %swap3A_463 = arith.index_cast %select_n3A_410 : i32 to index
      %swap3A_464 = arith.index_cast %select_n3A_426 : i32 to index
      %swap3A_465 = arith.constant 112 : index
      %swap3A_466 = tpu.vector_load %arg10[%swap3A_463, %swap3A_464, %swap3A_465] {strides = array<i32>} : memref<8x8x128xf32, #tpu.memory_space<vmem>>, vector<16xf32>,
      tpu.vector_store %arg10[%swap3A_463, %swap3A_464, %swap3A_465], %gather3A_434 {strides = array<i32>} : memref<8x8x128xf32, #tpu.memory_space<vmem>>, vector<16xf32>,
    }
    %scan3A_80 = arith.constant 64 : i32
    %dma_start3A_81 = arith.constant 24 : i32
    %dma_start3A_82 = arith.constant 0 : i32
    %dma_start3A_83 = arith.constant 0 : i32
    %dma_start3A_84 = arith.constant 0 : i32
    %dma_start3A_85 = tpu.memref_slice %arg4[%dma_start3A_81, %dma_start3A_82, %add3A, %dma_start3A_83, %dma_start3A_84] : memref<26x8x32x8x128xf32, #tpu.memory_space<hbm>> -> memref<1x8x1x8x128xf32, #tpu.memory_space<hbm>>
    %dma_start3A_86 = tpu.memref_squeeze %dma_start3A_85 : memref<1x8x1x8x128xf32, #tpu.memory_space<hbm>> -> memref<8x8x128xf32, #tpu.memory_space<hbm>>
    %dma_start3A_87 = arith.constant 0 : i32
    %dma_start3A_88 = arith.constant 0 : i32
    %dma_start3A_89 = arith.constant 0 : i32
    %dma_start3A_90 = tpu.memref_slice %arg4[%dma_start3A_81, %dma_start3A_87, %add3A, %dma_start3A_88, %dma_start3A_89] : memref<26x8x32x8x128xf32, #tpu.memory_space<hbm>> -> memref<1x8x1x8x128xf32, #tpu.memory_space<hbm>>
    %dma_start3A_91 = tpu.memref_squeeze %dma_start3A_90 : memref<1x8x1x8x128xf32, #tpu.memory_space<hbm>> -> memref<8x8x128xf32, #tpu.memory_space<hbm>>
    tpu.enqueue_dma source(%arg10 : memref<8x8x128xf32, #tpu.memory_space<vmem>>) target(%dma_start3A_91 : memref<8x8x128xf32, #tpu.memory_space<hbm>>) target_semaphore(%arg16 : memref<!tpu.dma_semaphore, #tpu.memory_space<semaphore_mem>>)
    %dma_wait3A_92 = arith.constant 0 : i32
    %dma_wait3A_93 = arith.constant 0 : i32
    %dma_wait3A_94 = tpu.memref_slice %arg5[%dma_wait3A_92, %dma_wait3A_93] : memref<26x128xi32, #tpu.memory_space<vmem>> -> memref<1x128xi32, #tpu.memory_space<vmem>>
    %dma_wait3A_95 = tpu.memref_squeeze %dma_wait3A_94 : memref<1x128xi32, #tpu.memory_space<vmem>> -> memref<128xi32, #tpu.memory_space<vmem>>
    %dma_wait3A_96 = arith.constant 0 : i32
    %dma_wait3A_97 = arith.constant 0 : i32
    %dma_wait3A_98 = tpu.memref_slice %arg3[%dma_wait3A_96, %dma_wait3A_97] : memref<26000x72xf32, #tpu.memory_space<hbm>> -> memref<26000x72xf32, #tpu.memory_space<hbm>>
    tpu.wait_indirect_dma semaphore(%arg13 : memref<!tpu.dma_semaphore, #tpu.memory_space<semaphore_mem>>) src(%dma_wait3A_98 : memref<26000x72xf32, #tpu.memory_space<hbm>>) dst(%arg7 : memref<128x72xf32, #tpu.memory_space<vmem>>)
    %dma_wait3A_99 = arith.constant 0 : i32
    %dma_wait3A_100 = arith.constant 0 : i32
    %dma_wait3A_101 = arith.constant 0 : i32
    %dma_wait3A_102 = arith.constant 0 : i32
    %dma_wait3A_103 = tpu.memref_slice %arg4[%dma_wait3A_99, %dma_wait3A_100, %add3A, %dma_wait3A_101, %dma_wait3A_102] : memref<26x8x32x8x128xf32, #tpu.memory_space<hbm>> -> memref<1x8x1x8x128xf32, #tpu.memory_space<hbm>>
    %dma_wait3A_104 = tpu.memref_squeeze %dma_wait3A_103 : memref<1x8x1x8x128xf32, #tpu.memory_space<hbm>> -> memref<8x8x128xf32, #tpu.memory_space<hbm>>
    %dma_wait3A_105 = arith.constant 0 : i32
    %dma_wait3A_106 = arith.constant 0 : i32
    %dma_wait3A_107 = arith.constant 0 : i32
    %dma_wait3A_108 = tpu.memref_slice %arg4[%dma_wait3A_99, %dma_wait3A_105, %add3A, %dma_wait3A_106, %dma_wait3A_107] : memref<26x8x32x8x128xf32, #tpu.memory_space<hbm>> -> memref<1x8x1x8x128xf32, #tpu.memory_space<hbm>>
    %dma_wait3A_109 = tpu.memref_squeeze %dma_wait3A_108 : memref<1x8x1x8x128xf32, #tpu.memory_space<hbm>> -> memref<8x8x128xf32, #tpu.memory_space<hbm>>
    tpu.wait_dma2 semaphore(%arg17 : memref<!tpu.dma_semaphore, #tpu.memory_space<semaphore_mem>>) src(%arg11 : memref<8x8x128xf32, #tpu.memory_space<vmem>>) dst(%dma_wait3A_109 : memref<8x8x128xf32, #tpu.memory_space<hbm>>)
    %scan3A_110 = arith.constant 0 : i32
    %scan3A_111 = arith.constant 0 : i32
    %scan3A_112 = arith.constant 64 : i32
    %scan3A_113 = arith.addi %scan3A_111, %scan3A_112 : i32
    %scan3A_114 = arith.constant 4 : i32
    scf.for %scan3A_149 = %scan3A_111 to %scan3A_113 step %scan3A_114  : i32 {
      %broadcast_in_dim3A = vector.broadcast %scan3A_149 : i32 to vector<16xi32>
      %jit3A = arith.constant 8 : i32
      %div3A = arith.divsi %scan3A_149, %jit3A : i32
      %sign3A = arith.constant 0 : i32
      %sign3A_150 = arith.cmpi sgt, %scan3A_149, %sign3A : i32
      %sign3A_151 = arith.extui %sign3A_150 : i1 to i32
      %sign3A_152 = arith.constant 0 : i32
      %sign3A_153 = arith.cmpi slt, %scan3A_149, %sign3A_152 : i32
      %sign3A_154 = arith.extui %sign3A_153 : i1 to i32
      %sign3A_155 = arith.subi %sign3A_151, %sign3A_154 : i32
      %sign3A_156 = arith.constant 0 : i32
      %sign3A_157 = arith.cmpi sgt, %jit3A, %sign3A_156 : i32
      %sign3A_158 = arith.extui %sign3A_157 : i1 to i32
      %sign3A_159 = arith.constant 0 : i32
      %sign3A_160 = arith.cmpi slt, %jit3A, %sign3A_159 : i32
      %sign3A_161 = arith.extui %sign3A_160 : i1 to i32
      %sign3A_162 = arith.subi %sign3A_158, %sign3A_161 : i32
      %ne3A = arith.cmpi ne, %sign3A_155, %sign3A_162 : i32
      %rem3A = arith.remsi %scan3A_149, %jit3A : i32
      %ne3A_163 = arith.constant 0 : i32
      %ne3A_164 = arith.cmpi ne, %rem3A, %ne3A_163 : i32
      %and3A = arith.andi %ne3A, %ne3A_164 : i1
      %sub3A = arith.constant 1 : i32
      %sub3A_165 = arith.subi %div3A, %sub3A : i32
      %select_n3A = arith.select %and3A, %sub3A_165, %div3A : i32
      %jit3A_166 = arith.constant 8 : i32
      %eq3A = arith.constant 0 : i32
      %eq3A_167 = arith.cmpi eq, %jit3A_166, %eq3A : i32
      %jit3A_168 = arith.constant 1 : i32
      %select_n3A_169 = arith.select %eq3A_167, %jit3A_168, %jit3A_166 : i32
      %rem3A_170 = arith.remsi %scan3A_149, %select_n3A_169 : i32
      %ne3A_171 = arith.constant 0 : i32
      %ne3A_172 = arith.cmpi ne, %rem3A_170, %ne3A_171 : i32
      %lt3A = arith.constant 0 : i32
      %lt3A_173 = arith.cmpi slt, %rem3A_170, %lt3A : i32
      %lt3A_174 = arith.constant 0 : i32
      %lt3A_175 = arith.cmpi slt, %select_n3A_169, %lt3A_174 : i32
      %ne3A_176 = arith.xori %lt3A_173, %lt3A_175 : i1
      %and3A_177 = arith.andi %ne3A_176, %ne3A_172 : i1
      %add3A_178 = arith.addi %rem3A_170, %select_n3A_169 : i32
      %select_n3A_179 = arith.select %and3A_177, %add3A_178, %rem3A_170 : i32
      %gather3A = tpu.vector_load_idx %arg7[%add3A_10, %broadcast_in_dim3A] : memref<128x72xf32, #tpu.memory_space<vmem>>[vector<16xi32>, vector<16xi32>], vector<16xf32>,
      %gather3A_180 = tpu.vector_load_idx %arg7[%add3A_13, %broadcast_in_dim3A] : memref<128x72xf32, #tpu.memory_space<vmem>>[vector<16xi32>, vector<16xi32>], vector<16xf32>,
      %gather3A_181 = tpu.vector_load_idx %arg7[%add3A_16, %broadcast_in_dim3A] : memref<128x72xf32, #tpu.memory_space<vmem>>[vector<16xi32>, vector<16xi32>], vector<16xf32>,
      %gather3A_182 = tpu.vector_load_idx %arg7[%add3A_19, %broadcast_in_dim3A] : memref<128x72xf32, #tpu.memory_space<vmem>>[vector<16xi32>, vector<16xi32>], vector<16xf32>,
      %gather3A_183 = tpu.vector_load_idx %arg7[%add3A_22, %broadcast_in_dim3A] : memref<128x72xf32, #tpu.memory_space<vmem>>[vector<16xi32>, vector<16xi32>], vector<16xf32>,
      %gather3A_184 = tpu.vector_load_idx %arg7[%add3A_25, %broadcast_in_dim3A] : memref<128x72xf32, #tpu.memory_space<vmem>>[vector<16xi32>, vector<16xi32>], vector<16xf32>,
      %gather3A_185 = tpu.vector_load_idx %arg7[%add3A_28, %broadcast_in_dim3A] : memref<128x72xf32, #tpu.memory_space<vmem>>[vector<16xi32>, vector<16xi32>], vector<16xf32>,
      %gather3A_186 = tpu.vector_load_idx %arg7[%add3A_31, %broadcast_in_dim3A] : memref<128x72xf32, #tpu.memory_space<vmem>>[vector<16xi32>, vector<16xi32>], vector<16xf32>,
      %swap3A = arith.index_cast %select_n3A : i32 to index
      %swap3A_187 = arith.index_cast %select_n3A_179 : i32 to index
      %swap3A_188 = arith.constant 0 : index
      %swap3A_189 = tpu.vector_load %arg11[%swap3A, %swap3A_187, %swap3A_188] {strides = array<i32>} : memref<8x8x128xf32, #tpu.memory_space<vmem>>, vector<16xf32>,
      tpu.vector_store %arg11[%swap3A, %swap3A_187, %swap3A_188], %gather3A {strides = array<i32>} : memref<8x8x128xf32, #tpu.memory_space<vmem>>, vector<16xf32>,
      %swap3A_190 = arith.index_cast %select_n3A : i32 to index
      %swap3A_191 = arith.index_cast %select_n3A_179 : i32 to index
      %swap3A_192 = arith.constant 16 : index
      %swap3A_193 = tpu.vector_load %arg11[%swap3A_190, %swap3A_191, %swap3A_192] {strides = array<i32>} : memref<8x8x128xf32, #tpu.memory_space<vmem>>, vector<16xf32>,
      tpu.vector_store %arg11[%swap3A_190, %swap3A_191, %swap3A_192], %gather3A_180 {strides = array<i32>} : memref<8x8x128xf32, #tpu.memory_space<vmem>>, vector<16xf32>,
      %swap3A_194 = arith.index_cast %select_n3A : i32 to index
      %swap3A_195 = arith.index_cast %select_n3A_179 : i32 to index
      %swap3A_196 = arith.constant 32 : index
      %swap3A_197 = tpu.vector_load %arg11[%swap3A_194, %swap3A_195, %swap3A_196] {strides = array<i32>} : memref<8x8x128xf32, #tpu.memory_space<vmem>>, vector<16xf32>,
      tpu.vector_store %arg11[%swap3A_194, %swap3A_195, %swap3A_196], %gather3A_181 {strides = array<i32>} : memref<8x8x128xf32, #tpu.memory_space<vmem>>, vector<16xf32>,
      %swap3A_198 = arith.index_cast %select_n3A : i32 to index
      %swap3A_199 = arith.index_cast %select_n3A_179 : i32 to index
      %swap3A_200 = arith.constant 48 : index
      %swap3A_201 = tpu.vector_load %arg11[%swap3A_198, %swap3A_199, %swap3A_200] {strides = array<i32>} : memref<8x8x128xf32, #tpu.memory_space<vmem>>, vector<16xf32>,
      tpu.vector_store %arg11[%swap3A_198, %swap3A_199, %swap3A_200], %gather3A_182 {strides = array<i32>} : memref<8x8x128xf32, #tpu.memory_space<vmem>>, vector<16xf32>,
      %swap3A_202 = arith.index_cast %select_n3A : i32 to index
      %swap3A_203 = arith.index_cast %select_n3A_179 : i32 to index
      %swap3A_204 = arith.constant 64 : index
      %swap3A_205 = tpu.vector_load %arg11[%swap3A_202, %swap3A_203, %swap3A_204] {strides = array<i32>} : memref<8x8x128xf32, #tpu.memory_space<vmem>>, vector<16xf32>,
      tpu.vector_store %arg11[%swap3A_202, %swap3A_203, %swap3A_204], %gather3A_183 {strides = array<i32>} : memref<8x8x128xf32, #tpu.memory_space<vmem>>, vector<16xf32>,
      %swap3A_206 = arith.index_cast %select_n3A : i32 to index
      %swap3A_207 = arith.index_cast %select_n3A_179 : i32 to index
      %swap3A_208 = arith.constant 80 : index
      %swap3A_209 = tpu.vector_load %arg11[%swap3A_206, %swap3A_207, %swap3A_208] {strides = array<i32>} : memref<8x8x128xf32, #tpu.memory_space<vmem>>, vector<16xf32>,
      tpu.vector_store %arg11[%swap3A_206, %swap3A_207, %swap3A_208], %gather3A_184 {strides = array<i32>} : memref<8x8x128xf32, #tpu.memory_space<vmem>>, vector<16xf32>,
      %swap3A_210 = arith.index_cast %select_n3A : i32 to index
      %swap3A_211 = arith.index_cast %select_n3A_179 : i32 to index
      %swap3A_212 = arith.constant 96 : index
      %swap3A_213 = tpu.vector_load %arg11[%swap3A_210, %swap3A_211, %swap3A_212] {strides = array<i32>} : memref<8x8x128xf32, #tpu.memory_space<vmem>>, vector<16xf32>,
      tpu.vector_store %arg11[%swap3A_210, %swap3A_211, %swap3A_212], %gather3A_185 {strides = array<i32>} : memref<8x8x128xf32, #tpu.memory_space<vmem>>, vector<16xf32>,
      %swap3A_214 = arith.index_cast %select_n3A : i32 to index
      %swap3A_215 = arith.index_cast %select_n3A_179 : i32 to index
      %swap3A_216 = arith.constant 112 : index
      %swap3A_217 = tpu.vector_load %arg11[%swap3A_214, %swap3A_215, %swap3A_216] {strides = array<i32>} : memref<8x8x128xf32, #tpu.memory_space<vmem>>, vector<16xf32>,
      tpu.vector_store %arg11[%swap3A_214, %swap3A_215, %swap3A_216], %gather3A_186 {strides = array<i32>} : memref<8x8x128xf32, #tpu.memory_space<vmem>>, vector<16xf32>,
      %scan3A_218 = arith.constant 1 : i32
      %scan3A_219 = arith.addi %scan3A_149, %scan3A_218 : i32
      %broadcast_in_dim3A_220 = vector.broadcast %scan3A_219 : i32 to vector<16xi32>
      %jit3A_221 = arith.constant 8 : i32
      %div3A_222 = arith.divsi %scan3A_219, %jit3A_221 : i32
      %sign3A_223 = arith.constant 0 : i32
      %sign3A_224 = arith.cmpi sgt, %scan3A_219, %sign3A_223 : i32
      %sign3A_225 = arith.extui %sign3A_224 : i1 to i32
      %sign3A_226 = arith.constant 0 : i32
      %sign3A_227 = arith.cmpi slt, %scan3A_219, %sign3A_226 : i32
      %sign3A_228 = arith.extui %sign3A_227 : i1 to i32
      %sign3A_229 = arith.subi %sign3A_225, %sign3A_228 : i32
      %sign3A_230 = arith.constant 0 : i32
      %sign3A_231 = arith.cmpi sgt, %jit3A_221, %sign3A_230 : i32
      %sign3A_232 = arith.extui %sign3A_231 : i1 to i32
      %sign3A_233 = arith.constant 0 : i32
      %sign3A_234 = arith.cmpi slt, %jit3A_221, %sign3A_233 : i32
      %sign3A_235 = arith.extui %sign3A_234 : i1 to i32
      %sign3A_236 = arith.subi %sign3A_232, %sign3A_235 : i32
      %ne3A_237 = arith.cmpi ne, %sign3A_229, %sign3A_236 : i32
      %rem3A_238 = arith.remsi %scan3A_219, %jit3A_221 : i32
      %ne3A_239 = arith.constant 0 : i32
      %ne3A_240 = arith.cmpi ne, %rem3A_238, %ne3A_239 : i32
      %and3A_241 = arith.andi %ne3A_237, %ne3A_240 : i1
      %sub3A_242 = arith.constant 1 : i32
      %sub3A_243 = arith.subi %div3A_222, %sub3A_242 : i32
      %select_n3A_244 = arith.select %and3A_241, %sub3A_243, %div3A_222 : i32
      %jit3A_245 = arith.constant 8 : i32
      %eq3A_246 = arith.constant 0 : i32
      %eq3A_247 = arith.cmpi eq, %jit3A_245, %eq3A_246 : i32
      %jit3A_248 = arith.constant 1 : i32
      %select_n3A_249 = arith.select %eq3A_247, %jit3A_248, %jit3A_245 : i32
      %rem3A_250 = arith.remsi %scan3A_219, %select_n3A_249 : i32
      %ne3A_251 = arith.constant 0 : i32
      %ne3A_252 = arith.cmpi ne, %rem3A_250, %ne3A_251 : i32
      %lt3A_253 = arith.constant 0 : i32
      %lt3A_254 = arith.cmpi slt, %rem3A_250, %lt3A_253 : i32
      %lt3A_255 = arith.constant 0 : i32
      %lt3A_256 = arith.cmpi slt, %select_n3A_249, %lt3A_255 : i32
      %ne3A_257 = arith.xori %lt3A_254, %lt3A_256 : i1
      %and3A_258 = arith.andi %ne3A_257, %ne3A_252 : i1
      %add3A_259 = arith.addi %rem3A_250, %select_n3A_249 : i32
      %select_n3A_260 = arith.select %and3A_258, %add3A_259, %rem3A_250 : i32
      %gather3A_261 = tpu.vector_load_idx %arg7[%add3A_10, %broadcast_in_dim3A_220] : memref<128x72xf32, #tpu.memory_space<vmem>>[vector<16xi32>, vector<16xi32>], vector<16xf32>,
      %gather3A_262 = tpu.vector_load_idx %arg7[%add3A_13, %broadcast_in_dim3A_220] : memref<128x72xf32, #tpu.memory_space<vmem>>[vector<16xi32>, vector<16xi32>], vector<16xf32>,
      %gather3A_263 = tpu.vector_load_idx %arg7[%add3A_16, %broadcast_in_dim3A_220] : memref<128x72xf32, #tpu.memory_space<vmem>>[vector<16xi32>, vector<16xi32>], vector<16xf32>,
      %gather3A_264 = tpu.vector_load_idx %arg7[%add3A_19, %broadcast_in_dim3A_220] : memref<128x72xf32, #tpu.memory_space<vmem>>[vector<16xi32>, vector<16xi32>], vector<16xf32>,
      %gather3A_265 = tpu.vector_load_idx %arg7[%add3A_22, %broadcast_in_dim3A_220] : memref<128x72xf32, #tpu.memory_space<vmem>>[vector<16xi32>, vector<16xi32>], vector<16xf32>,
      %gather3A_266 = tpu.vector_load_idx %arg7[%add3A_25, %broadcast_in_dim3A_220] : memref<128x72xf32, #tpu.memory_space<vmem>>[vector<16xi32>, vector<16xi32>], vector<16xf32>,
      %gather3A_267 = tpu.vector_load_idx %arg7[%add3A_28, %broadcast_in_dim3A_220] : memref<128x72xf32, #tpu.memory_space<vmem>>[vector<16xi32>, vector<16xi32>], vector<16xf32>,
      %gather3A_268 = tpu.vector_load_idx %arg7[%add3A_31, %broadcast_in_dim3A_220] : memref<128x72xf32, #tpu.memory_space<vmem>>[vector<16xi32>, vector<16xi32>], vector<16xf32>,
      %swap3A_269 = arith.index_cast %select_n3A_244 : i32 to index
      %swap3A_270 = arith.index_cast %select_n3A_260 : i32 to index
      %swap3A_271 = arith.constant 0 : index
      %swap3A_272 = tpu.vector_load %arg11[%swap3A_269, %swap3A_270, %swap3A_271] {strides = array<i32>} : memref<8x8x128xf32, #tpu.memory_space<vmem>>, vector<16xf32>,
      tpu.vector_store %arg11[%swap3A_269, %swap3A_270, %swap3A_271], %gather3A_261 {strides = array<i32>} : memref<8x8x128xf32, #tpu.memory_space<vmem>>, vector<16xf32>,
      %swap3A_273 = arith.index_cast %select_n3A_244 : i32 to index
      %swap3A_274 = arith.index_cast %select_n3A_260 : i32 to index
      %swap3A_275 = arith.constant 16 : index
      %swap3A_276 = tpu.vector_load %arg11[%swap3A_273, %swap3A_274, %swap3A_275] {strides = array<i32>} : memref<8x8x128xf32, #tpu.memory_space<vmem>>, vector<16xf32>,
      tpu.vector_store %arg11[%swap3A_273, %swap3A_274, %swap3A_275], %gather3A_262 {strides = array<i32>} : memref<8x8x128xf32, #tpu.memory_space<vmem>>, vector<16xf32>,
      %swap3A_277 = arith.index_cast %select_n3A_244 : i32 to index
      %swap3A_278 = arith.index_cast %select_n3A_260 : i32 to index
      %swap3A_279 = arith.constant 32 : index
      %swap3A_280 = tpu.vector_load %arg11[%swap3A_277, %swap3A_278, %swap3A_279] {strides = array<i32>} : memref<8x8x128xf32, #tpu.memory_space<vmem>>, vector<16xf32>,
      tpu.vector_store %arg11[%swap3A_277, %swap3A_278, %swap3A_279], %gather3A_263 {strides = array<i32>} : memref<8x8x128xf32, #tpu.memory_space<vmem>>, vector<16xf32>,
      %swap3A_281 = arith.index_cast %select_n3A_244 : i32 to index
      %swap3A_282 = arith.index_cast %select_n3A_260 : i32 to index
      %swap3A_283 = arith.constant 48 : index
      %swap3A_284 = tpu.vector_load %arg11[%swap3A_281, %swap3A_282, %swap3A_283] {strides = array<i32>} : memref<8x8x128xf32, #tpu.memory_space<vmem>>, vector<16xf32>,
      tpu.vector_store %arg11[%swap3A_281, %swap3A_282, %swap3A_283], %gather3A_264 {strides = array<i32>} : memref<8x8x128xf32, #tpu.memory_space<vmem>>, vector<16xf32>,
      %swap3A_285 = arith.index_cast %select_n3A_244 : i32 to index
      %swap3A_286 = arith.index_cast %select_n3A_260 : i32 to index
      %swap3A_287 = arith.constant 64 : index
      %swap3A_288 = tpu.vector_load %arg11[%swap3A_285, %swap3A_286, %swap3A_287] {strides = array<i32>} : memref<8x8x128xf32, #tpu.memory_space<vmem>>, vector<16xf32>,
      tpu.vector_store %arg11[%swap3A_285, %swap3A_286, %swap3A_287], %gather3A_265 {strides = array<i32>} : memref<8x8x128xf32, #tpu.memory_space<vmem>>, vector<16xf32>,
      %swap3A_289 = arith.index_cast %select_n3A_244 : i32 to index
      %swap3A_290 = arith.index_cast %select_n3A_260 : i32 to index
      %swap3A_291 = arith.constant 80 : index
      %swap3A_292 = tpu.vector_load %arg11[%swap3A_289, %swap3A_290, %swap3A_291] {strides = array<i32>} : memref<8x8x128xf32, #tpu.memory_space<vmem>>, vector<16xf32>,
      tpu.vector_store %arg11[%swap3A_289, %swap3A_290, %swap3A_291], %gather3A_266 {strides = array<i32>} : memref<8x8x128xf32, #tpu.memory_space<vmem>>, vector<16xf32>,
      %swap3A_293 = arith.index_cast %select_n3A_244 : i32 to index
      %swap3A_294 = arith.index_cast %select_n3A_260 : i32 to index
      %swap3A_295 = arith.constant 96 : index
      %swap3A_296 = tpu.vector_load %arg11[%swap3A_293, %swap3A_294, %swap3A_295] {strides = array<i32>} : memref<8x8x128xf32, #tpu.memory_space<vmem>>, vector<16xf32>,
      tpu.vector_store %arg11[%swap3A_293, %swap3A_294, %swap3A_295], %gather3A_267 {strides = array<i32>} : memref<8x8x128xf32, #tpu.memory_space<vmem>>, vector<16xf32>,
      %swap3A_297 = arith.index_cast %select_n3A_244 : i32 to index
      %swap3A_298 = arith.index_cast %select_n3A_260 : i32 to index
      %swap3A_299 = arith.constant 112 : index
      %swap3A_300 = tpu.vector_load %arg11[%swap3A_297, %swap3A_298, %swap3A_299] {strides = array<i32>} : memref<8x8x128xf32, #tpu.memory_space<vmem>>, vector<16xf32>,
      tpu.vector_store %arg11[%swap3A_297, %swap3A_298, %swap3A_299], %gather3A_268 {strides = array<i32>} : memref<8x8x128xf32, #tpu.memory_space<vmem>>, vector<16xf32>,
      %scan3A_301 = arith.constant 2 : i32
      %scan3A_302 = arith.addi %scan3A_149, %scan3A_301 : i32
      %broadcast_in_dim3A_303 = vector.broadcast %scan3A_302 : i32 to vector<16xi32>
      %jit3A_304 = arith.constant 8 : i32
      %div3A_305 = arith.divsi %scan3A_302, %jit3A_304 : i32
      %sign3A_306 = arith.constant 0 : i32
      %sign3A_307 = arith.cmpi sgt, %scan3A_302, %sign3A_306 : i32
      %sign3A_308 = arith.extui %sign3A_307 : i1 to i32
      %sign3A_309 = arith.constant 0 : i32
      %sign3A_310 = arith.cmpi slt, %scan3A_302, %sign3A_309 : i32
      %sign3A_311 = arith.extui %sign3A_310 : i1 to i32
      %sign3A_312 = arith.subi %sign3A_308, %sign3A_311 : i32
      %sign3A_313 = arith.constant 0 : i32
      %sign3A_314 = arith.cmpi sgt, %jit3A_304, %sign3A_313 : i32
      %sign3A_315 = arith.extui %sign3A_314 : i1 to i32
      %sign3A_316 = arith.constant 0 : i32
      %sign3A_317 = arith.cmpi slt, %jit3A_304, %sign3A_316 : i32
      %sign3A_318 = arith.extui %sign3A_317 : i1 to i32
      %sign3A_319 = arith.subi %sign3A_315, %sign3A_318 : i32
      %ne3A_320 = arith.cmpi ne, %sign3A_312, %sign3A_319 : i32
      %rem3A_321 = arith.remsi %scan3A_302, %jit3A_304 : i32
      %ne3A_322 = arith.constant 0 : i32
      %ne3A_323 = arith.cmpi ne, %rem3A_321, %ne3A_322 : i32
      %and3A_324 = arith.andi %ne3A_320, %ne3A_323 : i1
      %sub3A_325 = arith.constant 1 : i32
      %sub3A_326 = arith.subi %div3A_305, %sub3A_325 : i32
      %select_n3A_327 = arith.select %and3A_324, %sub3A_326, %div3A_305 : i32
      %jit3A_328 = arith.constant 8 : i32
      %eq3A_329 = arith.constant 0 : i32
      %eq3A_330 = arith.cmpi eq, %jit3A_328, %eq3A_329 : i32
      %jit3A_331 = arith.constant 1 : i32
      %select_n3A_332 = arith.select %eq3A_330, %jit3A_331, %jit3A_328 : i32
      %rem3A_333 = arith.remsi %scan3A_302, %select_n3A_332 : i32
      %ne3A_334 = arith.constant 0 : i32
      %ne3A_335 = arith.cmpi ne, %rem3A_333, %ne3A_334 : i32
      %lt3A_336 = arith.constant 0 : i32
      %lt3A_337 = arith.cmpi slt, %rem3A_333, %lt3A_336 : i32
      %lt3A_338 = arith.constant 0 : i32
      %lt3A_339 = arith.cmpi slt, %select_n3A_332, %lt3A_338 : i32
      %ne3A_340 = arith.xori %lt3A_337, %lt3A_339 : i1
      %and3A_341 = arith.andi %ne3A_340, %ne3A_335 : i1
      %add3A_342 = arith.addi %rem3A_333, %select_n3A_332 : i32
      %select_n3A_343 = arith.select %and3A_341, %add3A_342, %rem3A_333 : i32
      %gather3A_344 = tpu.vector_load_idx %arg7[%add3A_10, %broadcast_in_dim3A_303] : memref<128x72xf32, #tpu.memory_space<vmem>>[vector<16xi32>, vector<16xi32>], vector<16xf32>,
      %gather3A_345 = tpu.vector_load_idx %arg7[%add3A_13, %broadcast_in_dim3A_303] : memref<128x72xf32, #tpu.memory_space<vmem>>[vector<16xi32>, vector<16xi32>], vector<16xf32>,
      %gather3A_346 = tpu.vector_load_idx %arg7[%add3A_16, %broadcast_in_dim3A_303] : memref<128x72xf32, #tpu.memory_space<vmem>>[vector<16xi32>, vector<16xi32>], vector<16xf32>,
      %gather3A_347 = tpu.vector_load_idx %arg7[%add3A_19, %broadcast_in_dim3A_303] : memref<128x72xf32, #tpu.memory_space<vmem>>[vector<16xi32>, vector<16xi32>], vector<16xf32>,
      %gather3A_348 = tpu.vector_load_idx %arg7[%add3A_22, %broadcast_in_dim3A_303] : memref<128x72xf32, #tpu.memory_space<vmem>>[vector<16xi32>, vector<16xi32>], vector<16xf32>,
      %gather3A_349 = tpu.vector_load_idx %arg7[%add3A_25, %broadcast_in_dim3A_303] : memref<128x72xf32, #tpu.memory_space<vmem>>[vector<16xi32>, vector<16xi32>], vector<16xf32>,
      %gather3A_350 = tpu.vector_load_idx %arg7[%add3A_28, %broadcast_in_dim3A_303] : memref<128x72xf32, #tpu.memory_space<vmem>>[vector<16xi32>, vector<16xi32>], vector<16xf32>,
      %gather3A_351 = tpu.vector_load_idx %arg7[%add3A_31, %broadcast_in_dim3A_303] : memref<128x72xf32, #tpu.memory_space<vmem>>[vector<16xi32>, vector<16xi32>], vector<16xf32>,
      %swap3A_352 = arith.index_cast %select_n3A_327 : i32 to index
      %swap3A_353 = arith.index_cast %select_n3A_343 : i32 to index
      %swap3A_354 = arith.constant 0 : index
      %swap3A_355 = tpu.vector_load %arg11[%swap3A_352, %swap3A_353, %swap3A_354] {strides = array<i32>} : memref<8x8x128xf32, #tpu.memory_space<vmem>>, vector<16xf32>,
      tpu.vector_store %arg11[%swap3A_352, %swap3A_353, %swap3A_354], %gather3A_344 {strides = array<i32>} : memref<8x8x128xf32, #tpu.memory_space<vmem>>, vector<16xf32>,
      %swap3A_356 = arith.index_cast %select_n3A_327 : i32 to index
      %swap3A_357 = arith.index_cast %select_n3A_343 : i32 to index
      %swap3A_358 = arith.constant 16 : index
      %swap3A_359 = tpu.vector_load %arg11[%swap3A_356, %swap3A_357, %swap3A_358] {strides = array<i32>} : memref<8x8x128xf32, #tpu.memory_space<vmem>>, vector<16xf32>,
      tpu.vector_store %arg11[%swap3A_356, %swap3A_357, %swap3A_358], %gather3A_345 {strides = array<i32>} : memref<8x8x128xf32, #tpu.memory_space<vmem>>, vector<16xf32>,
      %swap3A_360 = arith.index_cast %select_n3A_327 : i32 to index
      %swap3A_361 = arith.index_cast %select_n3A_343 : i32 to index
      %swap3A_362 = arith.constant 32 : index
      %swap3A_363 = tpu.vector_load %arg11[%swap3A_360, %swap3A_361, %swap3A_362] {strides = array<i32>} : memref<8x8x128xf32, #tpu.memory_space<vmem>>, vector<16xf32>,
      tpu.vector_store %arg11[%swap3A_360, %swap3A_361, %swap3A_362], %gather3A_346 {strides = array<i32>} : memref<8x8x128xf32, #tpu.memory_space<vmem>>, vector<16xf32>,
      %swap3A_364 = arith.index_cast %select_n3A_327 : i32 to index
      %swap3A_365 = arith.index_cast %select_n3A_343 : i32 to index
      %swap3A_366 = arith.constant 48 : index
      %swap3A_367 = tpu.vector_load %arg11[%swap3A_364, %swap3A_365, %swap3A_366] {strides = array<i32>} : memref<8x8x128xf32, #tpu.memory_space<vmem>>, vector<16xf32>,
      tpu.vector_store %arg11[%swap3A_364, %swap3A_365, %swap3A_366], %gather3A_347 {strides = array<i32>} : memref<8x8x128xf32, #tpu.memory_space<vmem>>, vector<16xf32>,
      %swap3A_368 = arith.index_cast %select_n3A_327 : i32 to index
      %swap3A_369 = arith.index_cast %select_n3A_343 : i32 to index
      %swap3A_370 = arith.constant 64 : index
      %swap3A_371 = tpu.vector_load %arg11[%swap3A_368, %swap3A_369, %swap3A_370] {strides = array<i32>} : memref<8x8x128xf32, #tpu.memory_space<vmem>>, vector<16xf32>,
      tpu.vector_store %arg11[%swap3A_368, %swap3A_369, %swap3A_370], %gather3A_348 {strides = array<i32>} : memref<8x8x128xf32, #tpu.memory_space<vmem>>, vector<16xf32>,
      %swap3A_372 = arith.index_cast %select_n3A_327 : i32 to index
      %swap3A_373 = arith.index_cast %select_n3A_343 : i32 to index
      %swap3A_374 = arith.constant 80 : index
      %swap3A_375 = tpu.vector_load %arg11[%swap3A_372, %swap3A_373, %swap3A_374] {strides = array<i32>} : memref<8x8x128xf32, #tpu.memory_space<vmem>>, vector<16xf32>,
      tpu.vector_store %arg11[%swap3A_372, %swap3A_373, %swap3A_374], %gather3A_349 {strides = array<i32>} : memref<8x8x128xf32, #tpu.memory_space<vmem>>, vector<16xf32>,
      %swap3A_376 = arith.index_cast %select_n3A_327 : i32 to index
      %swap3A_377 = arith.index_cast %select_n3A_343 : i32 to index
      %swap3A_378 = arith.constant 96 : index
      %swap3A_379 = tpu.vector_load %arg11[%swap3A_376, %swap3A_377, %swap3A_378] {strides = array<i32>} : memref<8x8x128xf32, #tpu.memory_space<vmem>>, vector<16xf32>,
      tpu.vector_store %arg11[%swap3A_376, %swap3A_377, %swap3A_378], %gather3A_350 {strides = array<i32>} : memref<8x8x128xf32, #tpu.memory_space<vmem>>, vector<16xf32>,
      %swap3A_380 = arith.index_cast %select_n3A_327 : i32 to index
      %swap3A_381 = arith.index_cast %select_n3A_343 : i32 to index
      %swap3A_382 = arith.constant 112 : index
      %swap3A_383 = tpu.vector_load %arg11[%swap3A_380, %swap3A_381, %swap3A_382] {strides = array<i32>} : memref<8x8x128xf32, #tpu.memory_space<vmem>>, vector<16xf32>,
      tpu.vector_store %arg11[%swap3A_380, %swap3A_381, %swap3A_382], %gather3A_351 {strides = array<i32>} : memref<8x8x128xf32, #tpu.memory_space<vmem>>, vector<16xf32>,
      %scan3A_384 = arith.constant 3 : i32
      %scan3A_385 = arith.addi %scan3A_149, %scan3A_384 : i32
      %broadcast_in_dim3A_386 = vector.broadcast %scan3A_385 : i32 to vector<16xi32>
      %jit3A_387 = arith.constant 8 : i32
      %div3A_388 = arith.divsi %scan3A_385, %jit3A_387 : i32
      %sign3A_389 = arith.constant 0 : i32
      %sign3A_390 = arith.cmpi sgt, %scan3A_385, %sign3A_389 : i32
      %sign3A_391 = arith.extui %sign3A_390 : i1 to i32
      %sign3A_392 = arith.constant 0 : i32
      %sign3A_393 = arith.cmpi slt, %scan3A_385, %sign3A_392 : i32
      %sign3A_394 = arith.extui %sign3A_393 : i1 to i32
      %sign3A_395 = arith.subi %sign3A_391, %sign3A_394 : i32
      %sign3A_396 = arith.constant 0 : i32
      %sign3A_397 = arith.cmpi sgt, %jit3A_387, %sign3A_396 : i32
      %sign3A_398 = arith.extui %sign3A_397 : i1 to i32
      %sign3A_399 = arith.constant 0 : i32
      %sign3A_400 = arith.cmpi slt, %jit3A_387, %sign3A_399 : i32
      %sign3A_401 = arith.extui %sign3A_400 : i1 to i32
      %sign3A_402 = arith.subi %sign3A_398, %sign3A_401 : i32
      %ne3A_403 = arith.cmpi ne, %sign3A_395, %sign3A_402 : i32
      %rem3A_404 = arith.remsi %scan3A_385, %jit3A_387 : i32
      %ne3A_405 = arith.constant 0 : i32
      %ne3A_406 = arith.cmpi ne, %rem3A_404, %ne3A_405 : i32
      %and3A_407 = arith.andi %ne3A_403, %ne3A_406 : i1
      %sub3A_408 = arith.constant 1 : i32
      %sub3A_409 = arith.subi %div3A_388, %sub3A_408 : i32
      %select_n3A_410 = arith.select %and3A_407, %sub3A_409, %div3A_388 : i32
      %jit3A_411 = arith.constant 8 : i32
      %eq3A_412 = arith.constant 0 : i32
      %eq3A_413 = arith.cmpi eq, %jit3A_411, %eq3A_412 : i32
      %jit3A_414 = arith.constant 1 : i32
      %select_n3A_415 = arith.select %eq3A_413, %jit3A_414, %jit3A_411 : i32
      %rem3A_416 = arith.remsi %scan3A_385, %select_n3A_415 : i32
      %ne3A_417 = arith.constant 0 : i32
      %ne3A_418 = arith.cmpi ne, %rem3A_416, %ne3A_417 : i32
      %lt3A_419 = arith.constant 0 : i32
      %lt3A_420 = arith.cmpi slt, %rem3A_416, %lt3A_419 : i32
      %lt3A_421 = arith.constant 0 : i32
      %lt3A_422 = arith.cmpi slt, %select_n3A_415, %lt3A_421 : i32
      %ne3A_423 = arith.xori %lt3A_420, %lt3A_422 : i1
      %and3A_424 = arith.andi %ne3A_423, %ne3A_418 : i1
      %add3A_425 = arith.addi %rem3A_416, %select_n3A_415 : i32
      %select_n3A_426 = arith.select %and3A_424, %add3A_425, %rem3A_416 : i32
      %gather3A_427 = tpu.vector_load_idx %arg7[%add3A_10, %broadcast_in_dim3A_386] : memref<128x72xf32, #tpu.memory_space<vmem>>[vector<16xi32>, vector<16xi32>], vector<16xf32>,
      %gather3A_428 = tpu.vector_load_idx %arg7[%add3A_13, %broadcast_in_dim3A_386] : memref<128x72xf32, #tpu.memory_space<vmem>>[vector<16xi32>, vector<16xi32>], vector<16xf32>,
      %gather3A_429 = tpu.vector_load_idx %arg7[%add3A_16, %broadcast_in_dim3A_386] : memref<128x72xf32, #tpu.memory_space<vmem>>[vector<16xi32>, vector<16xi32>], vector<16xf32>,
      %gather3A_430 = tpu.vector_load_idx %arg7[%add3A_19, %broadcast_in_dim3A_386] : memref<128x72xf32, #tpu.memory_space<vmem>>[vector<16xi32>, vector<16xi32>], vector<16xf32>,
      %gather3A_431 = tpu.vector_load_idx %arg7[%add3A_22, %broadcast_in_dim3A_386] : memref<128x72xf32, #tpu.memory_space<vmem>>[vector<16xi32>, vector<16xi32>], vector<16xf32>,
      %gather3A_432 = tpu.vector_load_idx %arg7[%add3A_25, %broadcast_in_dim3A_386] : memref<128x72xf32, #tpu.memory_space<vmem>>[vector<16xi32>, vector<16xi32>], vector<16xf32>,
      %gather3A_433 = tpu.vector_load_idx %arg7[%add3A_28, %broadcast_in_dim3A_386] : memref<128x72xf32, #tpu.memory_space<vmem>>[vector<16xi32>, vector<16xi32>], vector<16xf32>,
      %gather3A_434 = tpu.vector_load_idx %arg7[%add3A_31, %broadcast_in_dim3A_386] : memref<128x72xf32, #tpu.memory_space<vmem>>[vector<16xi32>, vector<16xi32>], vector<16xf32>,
      %swap3A_435 = arith.index_cast %select_n3A_410 : i32 to index
      %swap3A_436 = arith.index_cast %select_n3A_426 : i32 to index
      %swap3A_437 = arith.constant 0 : index
      %swap3A_438 = tpu.vector_load %arg11[%swap3A_435, %swap3A_436, %swap3A_437] {strides = array<i32>} : memref<8x8x128xf32, #tpu.memory_space<vmem>>, vector<16xf32>,
      tpu.vector_store %arg11[%swap3A_435, %swap3A_436, %swap3A_437], %gather3A_427 {strides = array<i32>} : memref<8x8x128xf32, #tpu.memory_space<vmem>>, vector<16xf32>,
      %swap3A_439 = arith.index_cast %select_n3A_410 : i32 to index
      %swap3A_440 = arith.index_cast %select_n3A_426 : i32 to index
      %swap3A_441 = arith.constant 16 : index
      %swap3A_442 = tpu.vector_load %arg11[%swap3A_439, %swap3A_440, %swap3A_441] {strides = array<i32>} : memref<8x8x128xf32, #tpu.memory_space<vmem>>, vector<16xf32>,
      tpu.vector_store %arg11[%swap3A_439, %swap3A_440, %swap3A_441], %gather3A_428 {strides = array<i32>} : memref<8x8x128xf32, #tpu.memory_space<vmem>>, vector<16xf32>,
      %swap3A_443 = arith.index_cast %select_n3A_410 : i32 to index
      %swap3A_444 = arith.index_cast %select_n3A_426 : i32 to index
      %swap3A_445 = arith.constant 32 : index
      %swap3A_446 = tpu.vector_load %arg11[%swap3A_443, %swap3A_444, %swap3A_445] {strides = array<i32>} : memref<8x8x128xf32, #tpu.memory_space<vmem>>, vector<16xf32>,
      tpu.vector_store %arg11[%swap3A_443, %swap3A_444, %swap3A_445], %gather3A_429 {strides = array<i32>} : memref<8x8x128xf32, #tpu.memory_space<vmem>>, vector<16xf32>,
      %swap3A_447 = arith.index_cast %select_n3A_410 : i32 to index
      %swap3A_448 = arith.index_cast %select_n3A_426 : i32 to index
      %swap3A_449 = arith.constant 48 : index
      %swap3A_450 = tpu.vector_load %arg11[%swap3A_447, %swap3A_448, %swap3A_449] {strides = array<i32>} : memref<8x8x128xf32, #tpu.memory_space<vmem>>, vector<16xf32>,
      tpu.vector_store %arg11[%swap3A_447, %swap3A_448, %swap3A_449], %gather3A_430 {strides = array<i32>} : memref<8x8x128xf32, #tpu.memory_space<vmem>>, vector<16xf32>,
      %swap3A_451 = arith.index_cast %select_n3A_410 : i32 to index
      %swap3A_452 = arith.index_cast %select_n3A_426 : i32 to index
      %swap3A_453 = arith.constant 64 : index
      %swap3A_454 = tpu.vector_load %arg11[%swap3A_451, %swap3A_452, %swap3A_453] {strides = array<i32>} : memref<8x8x128xf32, #tpu.memory_space<vmem>>, vector<16xf32>,
      tpu.vector_store %arg11[%swap3A_451, %swap3A_452, %swap3A_453], %gather3A_431 {strides = array<i32>} : memref<8x8x128xf32, #tpu.memory_space<vmem>>, vector<16xf32>,
      %swap3A_455 = arith.index_cast %select_n3A_410 : i32 to index
      %swap3A_456 = arith.index_cast %select_n3A_426 : i32 to index
      %swap3A_457 = arith.constant 80 : index
      %swap3A_458 = tpu.vector_load %arg11[%swap3A_455, %swap3A_456, %swap3A_457] {strides = array<i32>} : memref<8x8x128xf32, #tpu.memory_space<vmem>>, vector<16xf32>,
      tpu.vector_store %arg11[%swap3A_455, %swap3A_456, %swap3A_457], %gather3A_432 {strides = array<i32>} : memref<8x8x128xf32, #tpu.memory_space<vmem>>, vector<16xf32>,
      %swap3A_459 = arith.index_cast %select_n3A_410 : i32 to index
      %swap3A_460 = arith.index_cast %select_n3A_426 : i32 to index
      %swap3A_461 = arith.constant 96 : index
      %swap3A_462 = tpu.vector_load %arg11[%swap3A_459, %swap3A_460, %swap3A_461] {strides = array<i32>} : memref<8x8x128xf32, #tpu.memory_space<vmem>>, vector<16xf32>,
      tpu.vector_store %arg11[%swap3A_459, %swap3A_460, %swap3A_461], %gather3A_433 {strides = array<i32>} : memref<8x8x128xf32, #tpu.memory_space<vmem>>, vector<16xf32>,
      %swap3A_463 = arith.index_cast %select_n3A_410 : i32 to index
      %swap3A_464 = arith.index_cast %select_n3A_426 : i32 to index
      %swap3A_465 = arith.constant 112 : index
      %swap3A_466 = tpu.vector_load %arg11[%swap3A_463, %swap3A_464, %swap3A_465] {strides = array<i32>} : memref<8x8x128xf32, #tpu.memory_space<vmem>>, vector<16xf32>,
      tpu.vector_store %arg11[%swap3A_463, %swap3A_464, %swap3A_465], %gather3A_434 {strides = array<i32>} : memref<8x8x128xf32, #tpu.memory_space<vmem>>, vector<16xf32>,
    }
    %scan3A_115 = arith.constant 64 : i32
    %dma_start3A_116 = arith.constant 25 : i32
    %dma_start3A_117 = arith.constant 0 : i32
    %dma_start3A_118 = arith.constant 0 : i32
    %dma_start3A_119 = arith.constant 0 : i32
    %dma_start3A_120 = tpu.memref_slice %arg4[%dma_start3A_116, %dma_start3A_117, %add3A, %dma_start3A_118, %dma_start3A_119] : memref<26x8x32x8x128xf32, #tpu.memory_space<hbm>> -> memref<1x8x1x8x128xf32, #tpu.memory_space<hbm>>
    %dma_start3A_121 = tpu.memref_squeeze %dma_start3A_120 : memref<1x8x1x8x128xf32, #tpu.memory_space<hbm>> -> memref<8x8x128xf32, #tpu.memory_space<hbm>>
    %dma_start3A_122 = arith.constant 0 : i32
    %dma_start3A_123 = arith.constant 0 : i32
    %dma_start3A_124 = arith.constant 0 : i32
    %dma_start3A_125 = tpu.memref_slice %arg4[%dma_start3A_116, %dma_start3A_122, %add3A, %dma_start3A_123, %dma_start3A_124] : memref<26x8x32x8x128xf32, #tpu.memory_space<hbm>> -> memref<1x8x1x8x128xf32, #tpu.memory_space<hbm>>
    %dma_start3A_126 = tpu.memref_squeeze %dma_start3A_125 : memref<1x8x1x8x128xf32, #tpu.memory_space<hbm>> -> memref<8x8x128xf32, #tpu.memory_space<hbm>>
    tpu.enqueue_dma source(%arg11 : memref<8x8x128xf32, #tpu.memory_space<vmem>>) target(%dma_start3A_126 : memref<8x8x128xf32, #tpu.memory_space<hbm>>) target_semaphore(%arg17 : memref<!tpu.dma_semaphore, #tpu.memory_space<semaphore_mem>>)
    %dma_wait3A_127 = arith.constant 0 : i32
    %dma_wait3A_128 = arith.constant 0 : i32
    %dma_wait3A_129 = arith.constant 0 : i32
    %dma_wait3A_130 = arith.constant 0 : i32
    %dma_wait3A_131 = tpu.memref_slice %arg4[%dma_wait3A_127, %dma_wait3A_128, %add3A, %dma_wait3A_129, %dma_wait3A_130] : memref<26x8x32x8x128xf32, #tpu.memory_space<hbm>> -> memref<1x8x1x8x128xf32, #tpu.memory_space<hbm>>
    %dma_wait3A_132 = tpu.memref_squeeze %dma_wait3A_131 : memref<1x8x1x8x128xf32, #tpu.memory_space<hbm>> -> memref<8x8x128xf32, #tpu.memory_space<hbm>>
    %dma_wait3A_133 = arith.constant 0 : i32
    %dma_wait3A_134 = arith.constant 0 : i32
    %dma_wait3A_135 = arith.constant 0 : i32
    %dma_wait3A_136 = tpu.memref_slice %arg4[%dma_wait3A_127, %dma_wait3A_133, %add3A, %dma_wait3A_134, %dma_wait3A_135] : memref<26x8x32x8x128xf32, #tpu.memory_space<hbm>> -> memref<1x8x1x8x128xf32, #tpu.memory_space<hbm>>
    %dma_wait3A_137 = tpu.memref_squeeze %dma_wait3A_136 : memref<1x8x1x8x128xf32, #tpu.memory_space<hbm>> -> memref<8x8x128xf32, #tpu.memory_space<hbm>>
    tpu.wait_dma2 semaphore(%arg16 : memref<!tpu.dma_semaphore, #tpu.memory_space<semaphore_mem>>) src(%arg10 : memref<8x8x128xf32, #tpu.memory_space<vmem>>) dst(%dma_wait3A_137 : memref<8x8x128xf32, #tpu.memory_space<hbm>>)
    %dma_wait3A_138 = arith.constant 0 : i32
    %dma_wait3A_139 = arith.constant 0 : i32
    %dma_wait3A_140 = arith.constant 0 : i32
    %dma_wait3A_141 = arith.constant 0 : i32
    %dma_wait3A_142 = tpu.memref_slice %arg4[%dma_wait3A_138, %dma_wait3A_139, %add3A, %dma_wait3A_140, %dma_wait3A_141] : memref<26x8x32x8x128xf32, #tpu.memory_space<hbm>> -> memref<1x8x1x8x128xf32, #tpu.memory_space<hbm>>
    %dma_wait3A_143 = tpu.memref_squeeze %dma_wait3A_142 : memref<1x8x1x8x128xf32, #tpu.memory_space<hbm>> -> memref<8x8x128xf32, #tpu.memory_space<hbm>>
    %dma_wait3A_144 = arith.constant 0 : i32
    %dma_wait3A_145 = arith.constant 0 : i32
    %dma_wait3A_146 = arith.constant 0 : i32
    %dma_wait3A_147 = tpu.memref_slice %arg4[%dma_wait3A_138, %dma_wait3A_144, %add3A, %dma_wait3A_145, %dma_wait3A_146] : memref<26x8x32x8x128xf32, #tpu.memory_space<hbm>> -> memref<1x8x1x8x128xf32, #tpu.memory_space<hbm>>
    %dma_wait3A_148 = tpu.memref_squeeze %dma_wait3A_147 : memref<1x8x1x8x128xf32, #tpu.memory_space<hbm>> -> memref<8x8x128xf32, #tpu.memory_space<hbm>>
    tpu.wait_dma2 semaphore(%arg17 : memref<!tpu.dma_semaphore, #tpu.memory_space<semaphore_mem>>) src(%arg11 : memref<8x8x128xf32, #tpu.memory_space<vmem>>) dst(%dma_wait3A_148 : memref<8x8x128xf32, #tpu.memory_space<hbm>>)
    return
  }
}

</mosaic_0001>

<sc_bundles>
// kernel: _embed.3.cloned.1.call-start
scs
__scs_entry_jumppad:
0x0: {  	(pc) =	sbr.rel $0x88, $3  }
0x1: {  	(tag) =	ssettag $0x0;
	lr =	simm.s32 $0x1  }
0x2: {  	[smem:$0x3F9F] =	sst lr;
	_ =	strace $0xD0000000  }
0x3: {  	_ = 	snop  }
0x4: {  	_ = 	snop  }
0x5: {  	_ = 	snop  }
0x6: {  	_ = 	snop  }
0x7: {  	_ = 	snop  }
__scs_overlays_trampoline_lowered:
0x8: {  	[smem:$0x3FAE] =	sst s0  }
0x9: {  	[smem:$0x3FAF] =	sst s1  }
0xa: {  	[smem:$0x3FB0] =	sst s2  }
0xb: {  	[smem:$0x3FB1] =	sst s3  }
0xc: {  	[smem:$0x3FB2] =	sst s4  }
0xd: {  	[smem:$0x3FB3] =	sst s5  }
0xe: {  	[smem:$0x3FB4] =	sst s6  }
0xf: {  	[smem:$0x3FB5] =	sst s7  }
0x10: {  	[smem:$0x3FB6] =	sst s8  }
0x11: {  	[smem:$0x3FB7] =	sst s9;
	s0 =	simm.s32 @!p0 $0x0  }
0x12: {  	s1 =	sld [smem:$0x3F9D];
	s0 =	simm.s32 @p0 $0x1  }
0x13: {  	[smem:$0x3FB8] =	sst s0;
	s0 =	simm.s32 @!p1 $0x0  }
0x14: {  	s2 =	sld [smem:$0x3F9C];
	s0 =	simm.s32 @p1 $0x1  }
0x15: {  	[smem:$0x3FB9] =	sst s0;
	s0 =	simm.s32 @!p2 $0x0  }
0x16: {  	s3 =	sld [smem:$0x3FDB];
	s0 =	simm.s32 @p2 $0x1  }
0x17: {  	s4 =	simm.s32 $0x1BF5;
	[smem:$0x3FBB] =	sst s0  }
0x18: {  	s0 =	sld [smem:$0x3F9E];
	_ =	swait.ge [sflag:s4], $0x0  }
0x19: {  	s7 =	sld [smem:$0x3F9F]  }
0x1a: {  	s8 =	sadd.s32 $0xFFFFE003, lr  }
0x1b: {  	s9 =	sadd.s32 $0xFFFFFEF7, lr;
	s5 =	simm.s32 $0xFFFFFFFF;
	p2 =	slt.u32 s8, $0xFFFFF086  }
0x1c: {  	p1 =	slt.u32 s9, $0xF7A;
	s5 =	simm.s32 @!p2 $0x0  }
0x1d: {  	s5 =	simm.s32 @p1 $0x1;
	p0 =	seq.s32 s7, s2  }
0x1e: {  	s7 =	smul.u32 @!p0 $0xF7A, s2;
	p2 =	seq.s32 @!p0 s5, $0x0  }
0x1f: {  	s9 =	smul.u32 $0xF7A, s1;
	s8 =	simm.s32 @!p0 $0x1BF5;
	p2 =	por !p2, p0  }
0x20: {  	[sflag:s8] =	ssyncset.s32 @!p0 $0xFFFFF086;
	s6 =	sadd.s32 @!p0 s3, s7;
	s7 =	simm.s32 @!p0 $0x108  }
0x21: {  	s3 =	sadd.s32 s3, s9;
	s6 =	sadd.s32 @!p0 $0x88, s6;
	s7 =	simm.s32 @p2 $0x1082  }
0x22: {  	[simem:s7], [sflag:s8] =	dma.local @!p0 [hbm:s6], $0xF7A  }
0x23: {  	s9 =	sor.u32 $0xD0000000, s2;
	s6 =	simm.s32 $0x108;
	_ =	swait.ge @!p0 [sflag:s8], $0x0  }
0x24: {  	s3 =	sadd.s32 $0x88, s3;
	s6 =	simm.s32 @!p1 $0x1082;
	[sflag:s4] =	ssyncset.s32 $0xFFFFF086  }
0x25: {  	[simem:s6], [sflag:s4] =	dma.local [hbm:s3], $0xF7A  }
0x26: {  	[smem:$0x3F9F] =	sst s1;
	(tag) =	ssettag s2;
	_ =	strace s9  }
0x27: {  	s1 =	sld [smem:$0x3FAF]  }
0x28: {  	s2 =	sld [smem:$0x3FB0]  }
0x29: {  	s4 =	sld [smem:$0x3FB2]  }
0x2a: {  	p0 =	seq.s32 s5, $0x0;
	s5 =	sld [smem:$0x3FB3]  }
0x2b: {  	s6 =	sld [smem:$0x3FB4]  }
0x2c: {  	s7 =	sld [smem:$0x3FB5]  }
0x2d: {  	s3 =	simm.s32 $0x108;
	s8 =	sld [smem:$0x3FB6]  }
0x2e: {  	s3 =	simm.s32 @!p0 $0x1082;
	s9 =	sld [smem:$0x3FB7]  }
0x2f: {  	lr =	sadd.s32 s0, s3;
	s0 =	sld [smem:$0x3FAE]  }
0x30: {  	s3 =	sld [smem:$0x3FB1]  }
0x31: {  	[smem:$0x3FBA] =	sst s10  }
0x32: {  	s10 =	sld [smem:$0x3FB8];
	_ =	sdelay $0x3  }
0x33: {  	p0 =	seq.s32 s10, $0x1;
	s10 =	sld [smem:$0x3FBA];
	_ =	sdelay $0x3  }
0x34: {  	[smem:$0x3FBA] =	sst s10  }
0x35: {  	s10 =	sld [smem:$0x3FB9];
	_ =	sdelay $0x3  }
0x36: {  	p1 =	seq.s32 s10, $0x1;
	s10 =	sld [smem:$0x3FBA];
	_ =	sdelay $0x3  }
0x37: {  	[smem:$0x3FBA] =	sst s10  }
0x38: {  	s10 =	sld [smem:$0x3FBB]  }
0x39: {  	_ = 	snop;
	(pc) =	sbr.ind lr, $3  }
0x3a: {  	_ = 	snop  }
0x3b: {  	_ = 	snop  }
0x3c: {  	p2 =	seq.s32 s10, $0x1;
	s10 =	sld [smem:$0x3FBA]  }
0x3d: {  	_ =	shalt  }
0x3e: {  	_ =	shalt  }
0x3f: {  	_ =	shalt  }
0x40: {  	_ =	shalt  }
0x41: {  	_ =	shalt  }
0x42: {  	_ =	shalt  }
0x43: {  	_ =	shalt  }
0x44: {  	_ =	shalt  }
0x45: {  	_ =	shalt  }
0x46: {  	_ =	shalt  }
0x47: {  	_ =	shalt  }
0x48: {  	_ =	shalt  }
0x49: {  	_ =	shalt  }
0x4a: {  	_ =	shalt  }
0x4b: {  	_ =	shalt  }
0x4c: {  	_ =	shalt  }
0x4d: {  	_ =	shalt  }
0x4e: {  	_ =	shalt  }
0x4f: {  	_ =	shalt  }
0x50: {  	_ =	shalt  }
0x51: {  	_ =	shalt  }
0x52: {  	_ =	shalt  }
0x53: {  	_ =	shalt  }
0x54: {  	_ =	shalt  }
0x55: {  	_ =	shalt  }
0x56: {  	_ =	shalt  }
0x57: {  	_ =	shalt  }
0x58: {  	_ =	shalt  }
0x59: {  	_ =	shalt  }
0x5a: {  	_ =	shalt  }
0x5b: {  	_ =	shalt  }
0x5c: {  	_ =	shalt  }
0x5d: {  	_ =	shalt  }
0x5e: {  	_ =	shalt  }
0x5f: {  	_ =	shalt  }
0x60: {  	_ =	shalt  }
0x61: {  	_ =	shalt  }
0x62: {  	_ =	shalt  }
0x63: {  	_ =	shalt  }
0x64: {  	_ =	shalt  }
0x65: {  	_ =	shalt  }
0x66: {  	_ =	shalt  }
0x67: {  	_ =	shalt  }
0x68: {  	_ =	shalt  }
0x69: {  	_ =	shalt  }
0x6a: {  	_ =	shalt  }
0x6b: {  	_ =	shalt  }
0x6c: {  	_ =	shalt  }
0x6d: {  	_ =	shalt  }
0x6e: {  	_ =	shalt  }
0x6f: {  	_ =	shalt  }
0x70: {  	_ =	shalt  }
0x71: {  	_ =	shalt  }
0x72: {  	_ =	shalt  }
0x73: {  	_ =	shalt  }
0x74: {  	_ =	shalt  }
0x75: {  	_ =	shalt  }
0x76: {  	_ =	shalt  }
0x77: {  	_ =	shalt  }
0x78: {  	_ =	shalt  }
0x79: {  	_ =	shalt  }
0x7a: {  	_ =	shalt  }
0x7b: {  	_ =	shalt  }
0x7c: {  	_ =	shalt  }
0x7d: {  	_ =	shalt  }
0x7e: {  	_ =	shalt  }
0x7f: {  	_ =	shalt  }
0x80: {  	_ =	shalt  }
0x81: {  	_ =	shalt  }
0x82: {  	_ =	shalt  }
0x83: {  	_ =	shalt  }
0x84: {  	_ =	shalt  }
0x85: {  	_ =	shalt  }
0x86: {  	_ =	shalt  }
0x87: {  	_ =	shalt  }
.Lfunc_end0:
.L_simem_size_0:
called_computation_lowered:
.L_overlay_start_0:
0x88: {  	s2 =	sld [smem:$0x3FD9]  }
0x89: {  	s3 =	sld [smem:$0x3FFE];
	_ =	sdelay $0x1  }
0x8a: {  	s1 =	srdreg.scid  }
0x8b: {  	s0 =	sand.u32 $0x1, s1  }
0x8c: {  	s17 =	sshll.u32 s0, $0xA;
	s2 =	sadd.s32 s3, s2  }
0x8d: {  	s2 =	sadd.s32 s2, s17  }
0x8e: {  	[smem:$0x3FC6] =	sst s2  }
0x8f: {  	_ = 	snop  }
0x90: {  	s2 =	sld [smem:$0x3FD0];
	(tm) =	ssettm $0x1  }
0x91: {  	s18 =	sld [smem:$0x3FFB];
	_ =	sdelay $0x3  }
0x92: {  	_ =	strace s18  }
0x93: {  	s3 =	sld [smem:$0x3FFC];
	_ =	sdelay $0x3  }
0x94: {  	_ =	strace s3  }
0x95: {  	s3 =	sld [smem:$0x3FFD];
	_ =	sdelay $0x3  }
0x96: {  	_ =	strace s3  }
0x97: {  	_ =	strace $0x8FFFFFFF  }
0x98: {  	s19 =	sld [smem:$0x3FDB];
	_ =	sdelay $0x1  }
0x99: {  	s4 =	simm.s32 $_scs_section_size  }
0x9a: {  	s5 =	simm.s32 $_size__tile_overlayer_lowered;
	s6 =	simm.s32 $_tile_overlayer_lowered  }
0x9b: {  	s22 =	simm.s32 $0x1BFF;
	s21 =	sshll.u32 s6, $0x1;
	s3 =	sadd.s32 s4, s19  }
0x9c: {  	s7 =	simm.s32 $0x0;
	s20 =	sshll.u32 s5, $0x1;
	s5 =	sadd.s32 s21, s3  }
0x9d: {  	[timem:s7], [sflag:s22] =	dma.local [hbm:s5], s20  }
0x9e: {  	_ =	swait.ge [sflag:s22], s20  }
0x9f: {  	s4 =	ssub.s32 $0x0, s20;
	[sflag:s22] =	ssyncset.done $0x0  }
0xa0: {  	[sflag:s22] =	ssyncadd.s32 s4;
	_ =	sdelay $0x1  }
0xa1: {  	s23 =	simm.s32 $0x1B8B  }
0xa2: {  	_ =	swait.ge [sflag:s23], $0x1  }
0xa3: {  	[sflag:s23] =	ssyncset.done $0x0  }
0xa4: {  	s25 =	simm.s32 $0x1B8E;
	s24 =	sld [smem:$0x3FFE];
	[sflag:s23] =	ssyncadd.s32 $0xFFFFFFFF  }
0xa5: {  	s26 =	simm.s32 $execute0_lowered;
	[smem:$0x3FD2] =	sst s25  }
0xa6: {  	s5 =	sshll.u32 s26, $0x1;
	_ =	strace $0x80000046;
	[dreg:$0x1] =	wrdreg $0xFFFFFFFF  }
0xa7: {  	s28 =	simm.s32 $_size_execute0_lowered;
	s3 =	sadd.s32 s3, s5;
	[dreg:$0x0] =	wrdreg $0x0  }
0xa8: {  	s5 =	sshll.u32 s28, $0x1;
	[dreg:$0x2] =	wrdreg s3  }
0xa9: {  	[dreg:$0x3] =	wrdreg s5  }
0xaa: {  	[dreg:$0x4] =	wrdreg $0xC0  }
0xab: {  	_ =	task [dreg:s7], $0x5FFFF  }
0xac: {  	[dreg:$0x1] =	wrdreg $0xFFFFFFFF  }
0xad: {  	[dreg:$0x0] =	wrdreg $0x60  }
0xae: {  	[dreg:$0x2] =	wrdreg s24  }
0xaf: {  	[dreg:$0x3] =	wrdreg s2  }
0xb0: {  	[dreg:$0x4] =	wrdreg $0x9  }
0xb1: {  	_ =	task.clear_ibuf [dreg:s7], $0x5FFFF;
	_ =	strace $0x90000046  }
0xb2: {  	s29 =	simm.s32 $0x9;
	_ =	strace $0x80000048  }
0xb3: {  	_ =	swait.ge [sflag:s29], $0x1  }
0xb4: {  	[sflag:s29] =	ssyncadd.s32 $0xFFFFFFFF  }
0xb5: {  	_ =	strace $0x90000048  }
0xb6: {  	_ =	sfence  }
0xb7: {  	s30 =	sld [smem:$0x0];
	_ =	sdelay $0x2  }
0xb8: {  	s31 =	sshll.u32 s1, $0xD;
	s1 =	sshrl.u32 s1, $0x2  }
0xb9: {  	s3 =	sand.u32 $0x4000, s31;
	s1 =	sadd.s32 s1, s30  }
0xba: {  	s0 =	sor.u32 s3, s0;
	s1 =	sshll.u32 s1, $0x11  }
0xbb: {  	s0 =	sor.u32 s1, s0  }
0xbc: {  	s0 =	sadd.s32 $0x8F2B, s0  }
0xbd: {  	[sflag:s0] =	ssyncadd.remote.s32 $0x1  }
0xbe: {  	_ =	sfence.sel $0xFFFF  }
0xbf: {  	[dreg:$0x0] =	wrdreg $0xFFFFFFFF;
	(pc) =	sbr.abs _section_cstart, $3  }
0xc0: {  	[dreg:$0x1] =	wrdreg $0xFFFFFFFF  }
0xc1: {  	_ =	task.clear_ibuf [dreg:s7], $0x2FFFF;
	_ =	strace $0x9FFFFFFF  }
0xc2: {  	(tm) =	ssettm $0x7FFFFFFF  }
0xc3: {  	_ =	shalt  }
tec
execute0_lowered:
.L_overlay_start_1:
0x0: {  	(tag) =	ssettag $0x1  }
0x1: {  	s0 =	rddreg [dreg:$0x0];
	s1 =	srdreg.scid  }
0x2: {  	s2 =	stileid.u32;
	s7 =	rddreg [dreg:$0x1];
	s3 =	simm.s32 $0x0  }
0x3: {  	s12 =	simm.s32 $0x80;
	s15 =	simm.s32 $0xD00;
	s16 =	simm.s32 $0x3100  }
0x4: {  	s18 =	simm.s32 $0x5500;
	s19 =	simm.s32 $0x7900;
	s20 =	simm.s32 $0x1  }
0x5: {  	s21 =	simm.s32 $0x400;
	s28 =	simm.s32 $0x5;
	s29 =	simm.s32 $0x4  }
0x6: {  	s30 =	simm.s32 $0x6;
	s1 =	sand.u32 $0x1, s1;
	s2 =	sshll.u32 s2, $0x1  }
0x7: {  	[smem:$0x7FF] =	sst s3;
	s4 =	sadd.s32 $0x3800, s0;
	s25 =	sadd.s32 $0x8000, s7  }
0x8: {  	s26 =	sadd.s32 $0x10000, s7;
	_ =	strace $0x80000047;
	[dreg:$0x4] =	wrdreg s25  }
0x9: {  	s2 =	sor.u32 s1, s2;
	s1 =	ssub.s32 $0x2, s1;
	[dreg:$0x5] =	wrdreg s26  }
0xa: {  	s25 =	simm.s32 $0xBD00;
	s26 =	simm.s32 $0x3;
	s22 =	sshll.u32 s2, $0x4  }
0xb: {  	v0 =	vlaneseq.u32;
	s5 =	sshrl.u32 s1, $0x1;
	s24 =	sshll.u32 s2, $0x7;
	s3 =	sadd.s32 s22, s0  }
0xc: {  	v0 =	vmul.u32 $0x48, v0;
	s23 =	ssub.s32 s1, s5;
	s1 =	sadd.s32 s24, s7;
	s3 =	sadd.s32 $0x400, s3  }
0xd: {  	s6 =	sshll.u32 s2, $0xA;
	s31 =	sadd.s32 $0xC0000, s1;
	[dreg:$0x3] =	wrdreg s3  }
0xe: {  	v1 =	vadd.s32 $0x480, v0;
	s22 =	simm.s32 $0x8000;
	s1 =	sadd.s32 $0xC8000, s1;
	[dreg:$0x6] =	wrdreg s31  }
0xf: {  	v2 =	vadd.s32 $0x900, v0;
	v3 =	vadd.s32 $0xD80, v0;
	v4 =	vadd.s32 $0x1200, v0;
	s24 =	simm.s32 $0x2;
	s0 =	smax.u32 s23, $0x1;
	[dreg:$0x7] =	wrdreg s1  }
0x10: {  	v5 =	vadd.s32 $0x1680, v0;
	v6 =	vadd.s32 $0x1B00, v0;
	v7 =	vadd.s32 $0x1F80, v0;
	s23 =	simm.s32 $0x9D00;
	[dreg:$0x8] =	wrdreg s0;
	s1 =	simm.s32 $0x0  }
.LBB2_1:
0x11: {  	[dreg:$0x9] =	wrdreg s1;
	s17 =	simm.s32 $0x0  }
0x12: {  	s0 =	rddreg [dreg:$0x3];
	s2 =	simm.s32 $0x1000;
	s31 =	simm.s32 $0x7  }
0x13: {  	[tilespmem:s17], [sflag:$0x7] =	stream.strided.gather [hbm4b:s0+s12], $0xD00, s2, s12, $0x38;
	[tilespmem:$0xDD00] =	vst v63  }
0x14: {  	_ =	swait.ge [sflag:s31], $0xD00  }
0x15: {  	[sflag:s31] =	ssyncset.done $0x0  }
0x16: {  	s0 =	simm.s32 $0x40;
	[sflag:s31] =	ssyncadd.s32 $0xFFFFF300  }
0x17: {  	v10 =	vld [tilespmem:s0+$0xFFFFFFC0]  }
0x18: {  	v12 =	vld [tilespmem:s0+$0xFFFFFFD0]  }
0x19: {  	v11 =	vld [tilespmem:s0+$0xFFFFFFE0]  }
0x1a: {  	v9 =	vld [tilespmem:s0+$0x0]  }
0x1b: {  	v8 =	vld [tilespmem:s0+$0x10]  }
0x1c: {  	v13 =	vadd.s32 s17, v10;
	v10 =	vld [tilespmem:s0+$0x20]  }
0x1d: {  	s1 =	simm.s32 $0x0;
	s3 =	simm.s32 $0x40;
	s2 =	simm.s32 $0x3E8;
	[tilespmem:s0+$0xFFFFFFC0] =	vst v13;
	v13 =	vadd.s32 s17, v12;
	v12 =	vld [tilespmem:s0+$0x30]  }
.LBB2_2:
0x1e: {  	p0 =	sne.s32 s2, $0x61A8;
	[tilespmem:s0+$0xFFFFFFD0] =	vst v13;
	v11 =	vadd.s32 s1, v11;
	v13 =	vld [tilespmem:s0+$0xFFFFFFF0];
	s3 =	sadd.s32 $0x80, s3  }
0x1f: {  	v14 =	vld [tilespmem:s3+$0xFFFFFFC0];
	[tilespmem:s0+$0xFFFFFFE0] =	vst v11;
	v9 =	vadd.s32 s1, v9  }
0x20: {  	v15 =	vld [tilespmem:s3+$0xFFFFFFD0];
	[tilespmem:s0+$0x0] =	vst v9;
	v8 =	vadd.s32 s1, v8  }
.Ltmp0:
0x21: {  	v11 =	vld [tilespmem:s3+$0xFFFFFFE0];
	[tilespmem:s0+$0x10] =	vst v8;
	v8 =	vadd.s32 s1, v10;
	(pc) =	sbr.rel @p0 .LBB2_2-.Ltmp0, $4  }
0x22: {  	v9 =	vld [tilespmem:s3+$0x0];
	[tilespmem:s0+$0x20] =	vst v8;
	v10 =	vadd.s32 s1, v12  }
0x23: {  	v8 =	vld [tilespmem:s3+$0x10];
	v12 =	vadd.s32 s1, v13;
	[tilespmem:s0+$0x30] =	vst v10;
	s1 =	smov.u32 s2  }
0x24: {  	v13 =	vadd.s32 s2, v14;
	v10 =	vld [tilespmem:s3+$0x20];
	[tilespmem:s0+$0xFFFFFFF0] =	vst v12;
	s0 =	smov.u32 s3  }
0x25: {  	s2 =	sadd.s32 $0x3E8, s2;
	[tilespmem:s3+$0xFFFFFFC0] =	vst v13;
	v13 =	vadd.s32 s1, v15;
	v12 =	vld [tilespmem:s3+$0x30]  }
0x26: {  	[tilespmem:s0+$0xFFFFFFD0] =	vst v13;
	v11 =	vadd.s32 s1, v11;
	v62 =	vld [tilespmem:s0+$0xFFFFFFF0]  }
0x27: {  	[tilespmem:s0+$0xFFFFFFE0] =	vst v11;
	v9 =	vadd.s32 s1, v9  }
0x28: {  	[tilespmem:s0+$0x0] =	vst v9;
	v8 =	vadd.s32 s1, v8  }
0x29: {  	[tilespmem:s0+$0x10] =	vst v8;
	v8 =	vadd.s32 s1, v10  }
0x2a: {  	[tilespmem:s0+$0x20] =	vst v8;
	v8 =	vadd.s32 s1, v12  }
0x2b: {  	v63 =	vadd.s32 s1, v62;
	[tilespmem:s0+$0x30] =	vst v8  }
0x2c: {  	s17 =	simm.s32 $0x0;
	[tilespmem:s0+$0xFFFFFFF0] =	vst v63  }
0x2d: {  	[tilespmem:s15], [sflag:$0x1] =	stream.indirect.gather [hbm4b:s4+s12], $0x48, s17, s12, $0xb8;
	[tilespmem:$0xDD00] =	vst v63  }
0x2e: {  	_ = 	snop  }
0x2f: {  	[tilespmem:s16], [sflag:$0x2] =	stream.indirect.gather [hbm4b:s4+s12], $0x48, s12, s12, $0xb8;
	[tilespmem:$0xDD00] =	vst v63  }
0x30: {  	s31 =	simm.s32 $0x100;
	s0 =	simm.s32 $0x0  }
0x31: {  	[tilespmem:s18], [sflag:$0x3] =	stream.indirect.gather [hbm4b:s4+s12], $0x48, s31, s12, $0xb8;
	[tilespmem:$0xDD00] =	vst v63  }
.LBB2_4:
0x32: {  	s13 =	sshllo.u32 s0, $0x2  }
0x33: {  	s1 =	sshll.u32 s13, $0x7  }
0x34: {  	s11 =	simm.s32 $0x0;
	s1 =	sand.u32 $0x3FFFFF80, s1  }
0x35: {  	v8 =	vmov s11;
	[tilespmem:s19], [sflag:$0x4] =	stream.indirect.gather [hbm4b:s4+s12], $0x48, s1, s12, $0xb8;
	[tilespmem:$0xDD00] =	vst v63  }
0x36: {  	v8 =	vand.u32 $0x3C, v8;
	_ =	swait.ge [sflag:s20], $0x2400  }
0x37: {  	p0 =	seq.s32 s0, $0x0;
	v9 =	vadd.s32 v1, v8;
	[sflag:s20] =	ssyncset.done $0x0  }
0x38: {  	s1 =	simm.s32 @!p0 $0x5;
	v10 =	vadd.s32 v7, v8;
	[sflag:s20] =	ssyncadd.s32 $0xFFFFDC00  }
0x39: {  	v11 =	vadd.s32 v6, v8;
	_ =	swait.ge @!p0 [sflag:s1], $0x2000  }
0x3a: {  	v12 =	vadd.s32 v5, v8;
	[sflag:s1] =	ssyncset.done @!p0 $0x0  }
0x3b: {  	v13 =	vadd.s32 v3, v8;
	[sflag:s1] =	ssyncadd.s32 @!p0 $0xFFFFE000  }
0x3c: {  	v14 =	vadd.s32 v4, v8;
	v9 =	vld.idx.msk [tilespmem:v9+s15+$0x0], $0xffff  }
0x3d: {  	v15 =	vadd.s32 v2, v8;
	v10 =	vld.idx.msk [tilespmem:v10+s15+$0x0], $0xffff  }
0x3e: {  	v8 =	vadd.s32 v0, v8;
	v11 =	vld.idx.msk [tilespmem:v11+s15+$0x0], $0xffff  }
0x3f: {  	v12 =	vld.idx.msk [tilespmem:v12+s15+$0x0], $0xffff  }
0x40: {  	v13 =	vld.idx.msk [tilespmem:v13+s15+$0x0], $0xffff  }
0x41: {  	v14 =	vld.idx.msk [tilespmem:v14+s15+$0x0], $0xffff  }
0x42: {  	s9 =	simm.s32 $0x9D40;
	v15 =	vld.idx.msk [tilespmem:v15+s15+$0x0], $0xffff  }
0x43: {  	s14 =	simm.s32 $0x1;
	v8 =	vld.idx.msk [tilespmem:v8+s15+$0x0], $0xffff;
	[tilespmem:s9+$0xFFFFFFD0] =	vst v9  }
0x44: {  	[tilespmem:s9+$0x20] =	vst v11;
	v9 =	vmov s14  }
0x45: {  	[tilespmem:s9+$0x10] =	vst v12;
	v11 =	vand.u32 $0x3D, v9  }
0x46: {  	[tilespmem:s9+$0x0] =	vst v14;
	v9 =	vadd.s32 v2, v11  }
0x47: {  	[tilespmem:s9+$0xFFFFFFE0] =	vst v15;
	v12 =	vadd.s32 v3, v11  }
0x48: {  	[tilespmem:s9+$0xFFFFFFF0] =	vst v13;
	v13 =	vadd.s32 v7, v11  }
0x49: {  	[tilespmem:s9+$0x30] =	vst v10;
	v10 =	vadd.s32 v1, v11  }
0x4a: {  	[tilespmem:s9+$0xFFFFFFC0] =	vst v8;
	v14 =	vadd.s32 v4, v11  }
0x4b: {  	v15 =	vadd.s32 v5, v11;
	v9 =	vld.idx.msk [tilespmem:v9+s15+$0x0], $0xffff  }
0x4c: {  	v16 =	vadd.s32 v6, v11;
	v8 =	vld.idx.msk [tilespmem:v12+s15+$0x0], $0xffff  }
0x4d: {  	v17 =	vadd.s32 v0, v11;
	v18 =	vld.idx.msk [tilespmem:v13+s15+$0x0], $0xffff  }
0x4e: {  	s17 =	simm.s32 $0x0;
	v19 =	vld.idx.msk [tilespmem:v10+s15+$0x0], $0xffff  }
0x4f: {  	s2 =	simm.s32 $0x80;
	s1 =	sand.u32 $0x1C00, s17;
	v12 =	vld.idx.msk [tilespmem:v14+s15+$0x0], $0xffff  }
0x50: {  	s2 =	sand.u32 $0x280, s2;
	s17 =	sadd.s32 $0x9D00, s1;
	v11 =	vld.idx.msk [tilespmem:v15+s15+$0x0], $0xffff  }
0x51: {  	s1 =	sor.u32 s2, s17;
	v10 =	vld.idx.msk [tilespmem:v16+s15+$0x0], $0xffff  }
0x52: {  	s10 =	simm.s32 $0x100;
	s31 =	simm.s32 $0x2;
	s3 =	simm.s32 $0x4;
	v13 =	vld.idx.msk [tilespmem:v17+s15+$0x0], $0xffff;
	[tilespmem:s1+$0x70] =	vst v18  }
0x53: {  	s5 =	simm.s32 $0x180;
	s11 =	simm.s32 $0x0;
	s14 =	simm.s32 $0x180;
	v14 =	vmov s31;
	[tilespmem:s1+$0x10] =	vst v19  }
.LBB2_5:
0x54: {  	p1 =	slt.u32 s3, $0x3C;
	[tilespmem:s1+$0x20] =	vst v9;
	v9 =	vand.u32 $0x3E, v14;
	s14 =	sadd.s32 $0x200, s14;
	s9 =	sadd.s32 $0x200, s9  }
0x55: {  	s31 =	smov.u32 s3;
	s3 =	sadd.s32 $0x4, s3;
	s2 =	sadd.s32 $0xFFFFFF80, s14;
	[tilespmem:s1+$0x40] =	vst v12;
	v12 =	vadd.s32 v0, v9  }
0x56: {  	[tilespmem:s1+$0x50] =	vst v11;
	v11 =	vadd.s32 v1, v9  }
0x57: {  	[tilespmem:s1+$0x0] =	vst v13;
	v13 =	vadd.s32 v2, v9  }
0x58: {  	[tilespmem:s1+$0x30] =	vst v8;
	v8 =	vadd.s32 v5, v9  }
0x59: {  	[tilespmem:s1+$0x60] =	vst v10;
	v10 =	vadd.s32 v6, v9  }
0x5a: {  	v14 =	vadd.s32 v7, v9;
	v12 =	vld.idx.msk [tilespmem:v12+s15+$0x0], $0xffff  }
0x5b: {  	v15 =	vadd.s32 v3, v9;
	v11 =	vld.idx.msk [tilespmem:v11+s15+$0x0], $0xffff  }
0x5c: {  	v9 =	vadd.s32 v4, v9;
	v13 =	vld.idx.msk [tilespmem:v13+s15+$0x0], $0xffff  }
0x5d: {  	v8 =	vld.idx.msk [tilespmem:v8+s15+$0x0], $0xffff  }
0x5e: {  	v10 =	vld.idx.msk [tilespmem:v10+s15+$0x0], $0xffff  }
0x5f: {  	v14 =	vld.idx.msk [tilespmem:v14+s15+$0x0], $0xffff  }
0x60: {  	s1 =	sand.u32 $0x300, s10;
	s10 =	smov.u32 s2;
	v15 =	vld.idx.msk [tilespmem:v15+s15+$0x0], $0xffff  }
0x61: {  	s1 =	sadd.s32 s1, s17;
	v9 =	vld.idx.msk [tilespmem:v9+s15+$0x0], $0xffff  }
0x62: {  	s2 =	sadd.s32 $0x3, s11;
	s11 =	smov.u32 s31;
	[tilespmem:s1+$0x0] =	vst v12  }
0x63: {  	[tilespmem:s1+$0x50] =	vst v8;
	v8 =	vmov s2  }
0x64: {  	[tilespmem:s1+$0x60] =	vst v10;
	v8 =	vand.u32 $0x3F, v8  }
0x65: {  	[tilespmem:s1+$0x70] =	vst v14;
	v10 =	vadd.s32 v0, v8  }
0x66: {  	v12 =	vadd.s32 v1, v8;
	[tilespmem:s1+$0x20] =	vst v13  }
0x67: {  	[tilespmem:s1+$0x40] =	vst v9;
	v9 =	vadd.s32 v2, v8  }
0x68: {  	v13 =	vadd.s32 v3, v8;
	[tilespmem:s1+$0x30] =	vst v15  }
0x69: {  	[tilespmem:s1+$0x10] =	vst v11;
	v11 =	vadd.s32 v4, v8  }
0x6a: {  	v14 =	vadd.s32 v5, v8;
	v10 =	vld.idx.msk [tilespmem:v10+s15+$0x0], $0xffff  }
0x6b: {  	v15 =	vadd.s32 v6, v8;
	v12 =	vld.idx.msk [tilespmem:v12+s15+$0x0], $0xffff  }
0x6c: {  	v8 =	vadd.s32 v7, v8;
	v9 =	vld.idx.msk [tilespmem:v9+s15+$0x0], $0xffff  }
0x6d: {  	v13 =	vld.idx.msk [tilespmem:v13+s15+$0x0], $0xffff  }
0x6e: {  	v11 =	vld.idx.msk [tilespmem:v11+s15+$0x0], $0xffff  }
0x6f: {  	v14 =	vld.idx.msk [tilespmem:v14+s15+$0x0], $0xffff  }
0x70: {  	s1 =	sand.u32 $0x380, s5;
	s5 =	smov.u32 s14;
	v15 =	vld.idx.msk [tilespmem:v15+s15+$0x0], $0xffff  }
0x71: {  	s1 =	sadd.s32 s1, s17;
	v8 =	vld.idx.msk [tilespmem:v8+s15+$0x0], $0xffff  }
0x72: {  	[tilespmem:s1+$0x0] =	vst v10  }
0x73: {  	v10 =	vmov s11;
	[tilespmem:s1+$0x30] =	vst v13  }
0x74: {  	v10 =	vand.u32 $0x3C, v10;
	[tilespmem:s1+$0x40] =	vst v11  }
0x75: {  	v11 =	vadd.s32 v0, v10;
	v13 =	vadd.s32 v1, v10;
	v16 =	vadd.s32 v7, v10;
	[tilespmem:s1+$0x50] =	vst v14  }
0x76: {  	v17 =	vadd.s32 v3, v10;
	v18 =	vadd.s32 v6, v10;
	v14 =	vadd.s32 v2, v10;
	[tilespmem:s1+$0x60] =	vst v15  }
0x77: {  	v15 =	vadd.s32 v4, v10;
	v10 =	vadd.s32 v5, v10;
	[tilespmem:s1+$0x70] =	vst v8  }
0x78: {  	[tilespmem:s1+$0x10] =	vst v12  }
0x79: {  	[tilespmem:s1+$0x20] =	vst v9  }
0x7a: {  	v8 =	vld.idx.msk [tilespmem:v13+s15+$0x0], $0xffff  }
0x7b: {  	v9 =	vld.idx.msk [tilespmem:v16+s15+$0x0], $0xffff  }
0x7c: {  	v12 =	vld.idx.msk [tilespmem:v18+s15+$0x0], $0xffff  }
0x7d: {  	v10 =	vld.idx.msk [tilespmem:v10+s15+$0x0], $0xffff  }
0x7e: {  	v13 =	vld.idx.msk [tilespmem:v17+s15+$0x0], $0xffff  }
0x7f: {  	v15 =	vld.idx.msk [tilespmem:v15+s15+$0x0], $0xffff  }
0x80: {  	v14 =	vld.idx.msk [tilespmem:v14+s15+$0x0], $0xffff  }
0x81: {  	v11 =	vld.idx.msk [tilespmem:v11+s15+$0x0], $0xffff  }
0x82: {  	[tilespmem:s9+$0xFFFFFFD0] =	vst v8  }
0x83: {  	s1 =	sadd.s32 $0x1, s11;
	[tilespmem:s9+$0x20] =	vst v12  }
0x84: {  	v8 =	vmov s1;
	[tilespmem:s9+$0x10] =	vst v10  }
0x85: {  	v10 =	vand.u32 $0x3D, v8;
	[tilespmem:s9+$0x0] =	vst v15  }
0x86: {  	v8 =	vadd.s32 v2, v10;
	[tilespmem:s9+$0xFFFFFFE0] =	vst v14  }
0x87: {  	v12 =	vadd.s32 v3, v10;
	[tilespmem:s9+$0xFFFFFFF0] =	vst v13  }
0x88: {  	v13 =	vadd.s32 v7, v10;
	[tilespmem:s9+$0x30] =	vst v9  }
0x89: {  	v14 =	vadd.s32 v1, v10  }
0x8a: {  	[tilespmem:s9+$0xFFFFFFC0] =	vst v11;
	v11 =	vadd.s32 v4, v10  }
0x8b: {  	v15 =	vadd.s32 v5, v10;
	v9 =	vld.idx.msk [tilespmem:v8+s15+$0x0], $0xffff  }
0x8c: {  	v16 =	vadd.s32 v6, v10;
	v8 =	vld.idx.msk [tilespmem:v12+s15+$0x0], $0xffff  }
0x8d: {  	v17 =	vadd.s32 v0, v10;
	v18 =	vld.idx.msk [tilespmem:v13+s15+$0x0], $0xffff  }
0x8e: {  	v14 =	vld.idx.msk [tilespmem:v14+s15+$0x0], $0xffff  }
0x8f: {  	s1 =	sadd.s32 $0xFFFFFE80, s14;
	v12 =	vld.idx.msk [tilespmem:v11+s15+$0x0], $0xffff  }
.Ltmp1:
0x90: {  	s2 =	sadd.s32 $0xFFFFFF00, s14;
	s1 =	sand.u32 $0x1C00, s1;
	v11 =	vld.idx.msk [tilespmem:v15+s15+$0x0], $0xffff;
	(pc) =	sbr.rel @p1 .LBB2_5-.Ltmp1, $4  }
0x91: {  	s2 =	sand.u32 $0x280, s2;
	s17 =	sadd.s32 $0x9D00, s1;
	v10 =	vld.idx.msk [tilespmem:v16+s15+$0x0], $0xffff  }
0x92: {  	s1 =	sor.u32 s2, s17;
	v13 =	vld.idx.msk [tilespmem:v17+s15+$0x0], $0xffff  }
0x93: {  	s2 =	sadd.s32 $0x2, s11;
	[tilespmem:s1+$0x70] =	vst v18  }
0x94: {  	[tilespmem:s1+$0x10] =	vst v14;
	v14 =	vmov s2  }
0x95: {  	[tilespmem:s1+$0x20] =	vst v9;
	v9 =	vand.u32 $0x3E, v14  }
0x96: {  	[tilespmem:s1+$0x40] =	vst v12;
	v12 =	vadd.s32 v0, v9  }
0x97: {  	[tilespmem:s1+$0x50] =	vst v11;
	v11 =	vadd.s32 v1, v9  }
0x98: {  	[tilespmem:s1+$0x30] =	vst v8;
	v8 =	vadd.s32 v5, v9  }
0x99: {  	[tilespmem:s1+$0x60] =	vst v10;
	v10 =	vadd.s32 v6, v9  }
0x9a: {  	v14 =	vadd.s32 v7, v9;
	[tilespmem:s1+$0x0] =	vst v13  }
0x9b: {  	v15 =	vadd.s32 v3, v9;
	v12 =	vld.idx.msk [tilespmem:v12+s15+$0x0], $0xffff  }
0x9c: {  	v13 =	vadd.s32 v2, v9;
	v11 =	vld.idx.msk [tilespmem:v11+s15+$0x0], $0xffff  }
0x9d: {  	v9 =	vadd.s32 v4, v9;
	v8 =	vld.idx.msk [tilespmem:v8+s15+$0x0], $0xffff  }
0x9e: {  	v10 =	vld.idx.msk [tilespmem:v10+s15+$0x0], $0xffff  }
0x9f: {  	v14 =	vld.idx.msk [tilespmem:v14+s15+$0x0], $0xffff  }
0xa0: {  	s8 =	sand.u32 $0x300, s10;
	v15 =	vld.idx.msk [tilespmem:v15+s15+$0x0], $0xffff  }
0xa1: {  	s1 =	sadd.s32 s8, s17;
	v13 =	vld.idx.msk [tilespmem:v13+s15+$0x0], $0xffff  }
0xa2: {  	s2 =	sadd.s32 $0x3, s11;
	v9 =	vld.idx.msk [tilespmem:v9+s15+$0x0], $0xffff;
	[tilespmem:s1+$0x0] =	vst v12  }
0xa3: {  	[tilespmem:s1+$0x50] =	vst v8;
	v8 =	vmov s2  }
0xa4: {  	[tilespmem:s1+$0x60] =	vst v10;
	v8 =	vand.u32 $0x3F, v8  }
0xa5: {  	[tilespmem:s1+$0x70] =	vst v14;
	v10 =	vadd.s32 v0, v8  }
0xa6: {  	[tilespmem:s1+$0x30] =	vst v15;
	v12 =	vadd.s32 v1, v8  }
0xa7: {  	[tilespmem:s1+$0x40] =	vst v9;
	v9 =	vadd.s32 v2, v8  }
0xa8: {  	[tilespmem:s1+$0x20] =	vst v13;
	v13 =	vadd.s32 v3, v8  }
0xa9: {  	[tilespmem:s1+$0x10] =	vst v11;
	v11 =	vadd.s32 v4, v8  }
0xaa: {  	v14 =	vadd.s32 v5, v8;
	v10 =	vld.idx.msk [tilespmem:v10+s15+$0x0], $0xffff  }
0xab: {  	v15 =	vadd.s32 v6, v8;
	v12 =	vld.idx.msk [tilespmem:v12+s15+$0x0], $0xffff  }
0xac: {  	v8 =	vadd.s32 v7, v8;
	v9 =	vld.idx.msk [tilespmem:v9+s15+$0x0], $0xffff  }
0xad: {  	v13 =	vld.idx.msk [tilespmem:v13+s15+$0x0], $0xffff  }
0xae: {  	v11 =	vld.idx.msk [tilespmem:v11+s15+$0x0], $0xffff  }
0xaf: {  	s9 =	sand.u32 $0x380, s5;
	v14 =	vld.idx.msk [tilespmem:v14+s15+$0x0], $0xffff  }
0xb0: {  	s1 =	sadd.s32 s9, s17;
	v15 =	vld.idx.msk [tilespmem:v15+s15+$0x0], $0xffff  }
0xb1: {  	v8 =	vld.idx.msk [tilespmem:v8+s15+$0x0], $0xffff;
	[tilespmem:s1+$0x0] =	vst v10  }
0xb2: {  	[tilespmem:s1+$0x30] =	vst v13  }
0xb3: {  	[tilespmem:s1+$0x40] =	vst v11  }
0xb4: {  	[tilespmem:s1+$0x50] =	vst v14  }
0xb5: {  	s10 =	sshll.u32 s0, $0x14;
	[tilespmem:s1+$0x60] =	vst v15  }
0xb6: {  	s2 =	sor.u32 s6, s10;
	[tilespmem:s1+$0x70] =	vst v8  }
0xb7: {  	s11 =	rddreg [dreg:$0x1];
	s14 =	sshll.u32 s0, $0x9;
	s17 =	sshrl.u32 s2, $0x3;
	[tilespmem:s1+$0x10] =	vst v12  }
0xb8: {  	s5 =	sand.u32 $0x3FFFFE00, s14;
	[tilespmem:s1+$0x20] =	vst v9;
	s1 =	sadd.s32 s11, s17  }
0xb9: {  	[hbm4b:s1+s21] =	stream.strided.scatter [tilespmem:s23], [sflag:$0x5], $0x2000, s22, s21, $0x38;
	[tilespmem:$0xDD00] =	vst v63  }
0xba: {  	s9 =	simm.s32 $0x0;
	s1 =	sadd.s32 $0x200, s5  }
0xbb: {  	v8 =	vmov s9;
	[tilespmem:s15], [sflag:$0x1] =	stream.indirect.gather [hbm4b:s4+s12], $0x48, s1, s12, $0xb8;
	[tilespmem:$0xDD00] =	vst v63  }
0xbc: {  	v8 =	vand.u32 $0x3C, v8;
	_ =	swait.ge [sflag:s24], $0x2400  }
0xbd: {  	v9 =	vadd.s32 v1, v8;
	[sflag:s24] =	ssyncset.done $0x0  }
0xbe: {  	v10 =	vadd.s32 v7, v8;
	s1 =	simm.s32 @!p0 $0x6;
	[sflag:s24] =	ssyncadd.s32 $0xFFFFDC00  }
0xbf: {  	v11 =	vadd.s32 v6, v8;
	_ =	swait.ge @!p0 [sflag:s1], $0x2000  }
0xc0: {  	v12 =	vadd.s32 v5, v8;
	[sflag:s1] =	ssyncset.done @!p0 $0x0  }
0xc1: {  	v13 =	vadd.s32 v3, v8;
	[sflag:s1] =	ssyncadd.s32 @!p0 $0xFFFFE000  }
0xc2: {  	v14 =	vadd.s32 v4, v8;
	v9 =	vld.idx.msk [tilespmem:v9+s16+$0x0], $0xffff  }
0xc3: {  	v15 =	vadd.s32 v2, v8;
	v10 =	vld.idx.msk [tilespmem:v10+s16+$0x0], $0xffff  }
0xc4: {  	v8 =	vadd.s32 v0, v8;
	v11 =	vld.idx.msk [tilespmem:v11+s16+$0x0], $0xffff  }
0xc5: {  	v12 =	vld.idx.msk [tilespmem:v12+s16+$0x0], $0xffff  }
0xc6: {  	v13 =	vld.idx.msk [tilespmem:v13+s16+$0x0], $0xffff  }
0xc7: {  	v14 =	vld.idx.msk [tilespmem:v14+s16+$0x0], $0xffff  }
0xc8: {  	s11 =	simm.s32 $0xBD40;
	v15 =	vld.idx.msk [tilespmem:v15+s16+$0x0], $0xffff  }
0xc9: {  	s2 =	simm.s32 $0x1;
	v8 =	vld.idx.msk [tilespmem:v8+s16+$0x0], $0xffff;
	[tilespmem:s11+$0xFFFFFFD0] =	vst v9  }
0xca: {  	[tilespmem:s11+$0x20] =	vst v11;
	v9 =	vmov s2  }
0xcb: {  	[tilespmem:s11+$0x10] =	vst v12;
	v11 =	vand.u32 $0x3D, v9  }
0xcc: {  	[tilespmem:s11+$0x0] =	vst v14;
	v9 =	vadd.s32 v2, v11  }
0xcd: {  	[tilespmem:s11+$0xFFFFFFE0] =	vst v15;
	v12 =	vadd.s32 v3, v11  }
0xce: {  	[tilespmem:s11+$0xFFFFFFF0] =	vst v13;
	v13 =	vadd.s32 v7, v11  }
0xcf: {  	[tilespmem:s11+$0x30] =	vst v10;
	v10 =	vadd.s32 v1, v11  }
0xd0: {  	[tilespmem:s11+$0xFFFFFFC0] =	vst v8;
	v14 =	vadd.s32 v4, v11  }
0xd1: {  	v15 =	vadd.s32 v5, v11;
	v9 =	vld.idx.msk [tilespmem:v9+s16+$0x0], $0xffff  }
0xd2: {  	v16 =	vadd.s32 v6, v11;
	v8 =	vld.idx.msk [tilespmem:v12+s16+$0x0], $0xffff  }
0xd3: {  	v17 =	vadd.s32 v0, v11;
	v18 =	vld.idx.msk [tilespmem:v13+s16+$0x0], $0xffff  }
0xd4: {  	s3 =	simm.s32 $0x0;
	v19 =	vld.idx.msk [tilespmem:v10+s16+$0x0], $0xffff  }
0xd5: {  	s7 =	simm.s32 $0x80;
	s1 =	sand.u32 $0x1C00, s3;
	v12 =	vld.idx.msk [tilespmem:v14+s16+$0x0], $0xffff  }
0xd6: {  	s1 =	sadd.s32 $0xBD00, s1;
	s2 =	sand.u32 $0x280, s7;
	v11 =	vld.idx.msk [tilespmem:v15+s16+$0x0], $0xffff  }
0xd7: {  	s2 =	sor.u32 s2, s1;
	v10 =	vld.idx.msk [tilespmem:v16+s16+$0x0], $0xffff  }
0xd8: {  	s31 =	simm.s32 $0x4;
	s8 =	simm.s32 $0x2;
	v13 =	vld.idx.msk [tilespmem:v17+s16+$0x0], $0xffff;
	[tilespmem:s2+$0x70] =	vst v18  }
0xd9: {  	s14 =	simm.s32 $0x100;
	s10 =	simm.s32 $0x180;
	s3 =	simm.s32 $0x180;
	v14 =	vmov s8;
	[tilespmem:s2+$0x10] =	vst v19  }
.LBB2_7:
0xda: {  	p0 =	slt.u32 s31, $0x3C;
	[tilespmem:s2+$0x20] =	vst v9;
	v9 =	vand.u32 $0x3E, v14;
	s3 =	sadd.s32 $0x200, s3;
	s11 =	sadd.s32 $0x200, s11  }
0xdb: {  	s8 =	smov.u32 s31;
	s31 =	sadd.s32 $0x4, s31;
	s7 =	sadd.s32 $0xFFFFFF80, s3;
	[tilespmem:s2+$0x40] =	vst v12;
	v12 =	vadd.s32 v0, v9  }
0xdc: {  	[tilespmem:s2+$0x50] =	vst v11;
	v11 =	vadd.s32 v1, v9  }
0xdd: {  	[tilespmem:s2+$0x0] =	vst v13;
	v13 =	vadd.s32 v2, v9  }
0xde: {  	[tilespmem:s2+$0x30] =	vst v8;
	v8 =	vadd.s32 v5, v9  }
0xdf: {  	[tilespmem:s2+$0x60] =	vst v10;
	v10 =	vadd.s32 v6, v9  }
0xe0: {  	v14 =	vadd.s32 v7, v9;
	v12 =	vld.idx.msk [tilespmem:v12+s16+$0x0], $0xffff  }
0xe1: {  	v15 =	vadd.s32 v3, v9;
	v11 =	vld.idx.msk [tilespmem:v11+s16+$0x0], $0xffff  }
0xe2: {  	v9 =	vadd.s32 v4, v9;
	v13 =	vld.idx.msk [tilespmem:v13+s16+$0x0], $0xffff  }
0xe3: {  	v8 =	vld.idx.msk [tilespmem:v8+s16+$0x0], $0xffff  }
0xe4: {  	v10 =	vld.idx.msk [tilespmem:v10+s16+$0x0], $0xffff  }
0xe5: {  	v14 =	vld.idx.msk [tilespmem:v14+s16+$0x0], $0xffff  }
0xe6: {  	s2 =	sand.u32 $0x300, s14;
	s14 =	smov.u32 s7;
	v15 =	vld.idx.msk [tilespmem:v15+s16+$0x0], $0xffff  }
0xe7: {  	s2 =	sadd.s32 s2, s1;
	v9 =	vld.idx.msk [tilespmem:v9+s16+$0x0], $0xffff  }
0xe8: {  	s7 =	sadd.s32 $0x3, s9;
	s9 =	smov.u32 s8;
	[tilespmem:s2+$0x0] =	vst v12  }
0xe9: {  	[tilespmem:s2+$0x50] =	vst v8;
	v8 =	vmov s7  }
0xea: {  	[tilespmem:s2+$0x60] =	vst v10;
	v8 =	vand.u32 $0x3F, v8  }
0xeb: {  	[tilespmem:s2+$0x70] =	vst v14;
	v10 =	vadd.s32 v0, v8  }
0xec: {  	v12 =	vadd.s32 v1, v8;
	[tilespmem:s2+$0x20] =	vst v13  }
0xed: {  	[tilespmem:s2+$0x40] =	vst v9;
	v9 =	vadd.s32 v2, v8  }
0xee: {  	v13 =	vadd.s32 v3, v8;
	[tilespmem:s2+$0x30] =	vst v15  }
0xef: {  	[tilespmem:s2+$0x10] =	vst v11;
	v11 =	vadd.s32 v4, v8  }
0xf0: {  	v14 =	vadd.s32 v5, v8;
	v10 =	vld.idx.msk [tilespmem:v10+s16+$0x0], $0xffff  }
0xf1: {  	v15 =	vadd.s32 v6, v8;
	v12 =	vld.idx.msk [tilespmem:v12+s16+$0x0], $0xffff  }
0xf2: {  	v8 =	vadd.s32 v7, v8;
	v9 =	vld.idx.msk [tilespmem:v9+s16+$0x0], $0xffff  }
0xf3: {  	v13 =	vld.idx.msk [tilespmem:v13+s16+$0x0], $0xffff  }
0xf4: {  	v11 =	vld.idx.msk [tilespmem:v11+s16+$0x0], $0xffff  }
0xf5: {  	v14 =	vld.idx.msk [tilespmem:v14+s16+$0x0], $0xffff  }
0xf6: {  	s2 =	sand.u32 $0x380, s10;
	s10 =	smov.u32 s3;
	v15 =	vld.idx.msk [tilespmem:v15+s16+$0x0], $0xffff  }
0xf7: {  	s1 =	sadd.s32 s2, s1;
	v8 =	vld.idx.msk [tilespmem:v8+s16+$0x0], $0xffff  }
0xf8: {  	[tilespmem:s1+$0x0] =	vst v10  }
0xf9: {  	v10 =	vmov s9;
	[tilespmem:s1+$0x30] =	vst v13  }
0xfa: {  	v10 =	vand.u32 $0x3C, v10;
	[tilespmem:s1+$0x40] =	vst v11  }
0xfb: {  	v11 =	vadd.s32 v0, v10;
	v13 =	vadd.s32 v1, v10;
	v16 =	vadd.s32 v7, v10;
	[tilespmem:s1+$0x50] =	vst v14  }
0xfc: {  	v17 =	vadd.s32 v3, v10;
	v18 =	vadd.s32 v6, v10;
	v14 =	vadd.s32 v2, v10;
	[tilespmem:s1+$0x60] =	vst v15  }
0xfd: {  	v15 =	vadd.s32 v4, v10;
	v10 =	vadd.s32 v5, v10;
	[tilespmem:s1+$0x70] =	vst v8  }
0xfe: {  	[tilespmem:s1+$0x10] =	vst v12  }
0xff: {  	[tilespmem:s1+$0x20] =	vst v9  }
0x100: {  	v8 =	vld.idx.msk [tilespmem:v13+s16+$0x0], $0xffff  }
0x101: {  	v9 =	vld.idx.msk [tilespmem:v16+s16+$0x0], $0xffff  }
0x102: {  	v12 =	vld.idx.msk [tilespmem:v18+s16+$0x0], $0xffff  }
0x103: {  	v10 =	vld.idx.msk [tilespmem:v10+s16+$0x0], $0xffff  }
0x104: {  	v13 =	vld.idx.msk [tilespmem:v17+s16+$0x0], $0xffff  }
0x105: {  	v15 =	vld.idx.msk [tilespmem:v15+s16+$0x0], $0xffff  }
0x106: {  	v14 =	vld.idx.msk [tilespmem:v14+s16+$0x0], $0xffff  }
0x107: {  	v11 =	vld.idx.msk [tilespmem:v11+s16+$0x0], $0xffff  }
0x108: {  	[tilespmem:s11+$0xFFFFFFD0] =	vst v8  }
0x109: {  	s1 =	sadd.s32 $0x1, s9;
	[tilespmem:s11+$0x20] =	vst v12  }
0x10a: {  	v8 =	vmov s1;
	[tilespmem:s11+$0x10] =	vst v10  }
0x10b: {  	v10 =	vand.u32 $0x3D, v8;
	[tilespmem:s11+$0x0] =	vst v15  }
0x10c: {  	v8 =	vadd.s32 v2, v10;
	[tilespmem:s11+$0xFFFFFFE0] =	vst v14  }
0x10d: {  	v12 =	vadd.s32 v3, v10;
	[tilespmem:s11+$0xFFFFFFF0] =	vst v13  }
0x10e: {  	v13 =	vadd.s32 v7, v10;
	[tilespmem:s11+$0x30] =	vst v9  }
0x10f: {  	v14 =	vadd.s32 v1, v10  }
0x110: {  	[tilespmem:s11+$0xFFFFFFC0] =	vst v11;
	v11 =	vadd.s32 v4, v10  }
0x111: {  	v15 =	vadd.s32 v5, v10;
	v9 =	vld.idx.msk [tilespmem:v8+s16+$0x0], $0xffff  }
0x112: {  	v16 =	vadd.s32 v6, v10;
	v8 =	vld.idx.msk [tilespmem:v12+s16+$0x0], $0xffff  }
0x113: {  	v17 =	vadd.s32 v0, v10;
	v18 =	vld.idx.msk [tilespmem:v13+s16+$0x0], $0xffff  }
0x114: {  	v14 =	vld.idx.msk [tilespmem:v14+s16+$0x0], $0xffff  }
0x115: {  	s1 =	sadd.s32 $0xFFFFFE80, s3;
	v12 =	vld.idx.msk [tilespmem:v11+s16+$0x0], $0xffff  }
.Ltmp2:
0x116: {  	s2 =	sadd.s32 $0xFFFFFF00, s3;
	s1 =	sand.u32 $0x1C00, s1;
	v11 =	vld.idx.msk [tilespmem:v15+s16+$0x0], $0xffff;
	(pc) =	sbr.rel @p0 .LBB2_7-.Ltmp2, $4  }
0x117: {  	s2 =	sand.u32 $0x280, s2;
	s1 =	sadd.s32 $0xBD00, s1;
	v10 =	vld.idx.msk [tilespmem:v16+s16+$0x0], $0xffff  }
0x118: {  	s2 =	sor.u32 s2, s1;
	v13 =	vld.idx.msk [tilespmem:v17+s16+$0x0], $0xffff  }
0x119: {  	s7 =	sadd.s32 $0x2, s9;
	[tilespmem:s2+$0x70] =	vst v18  }
0x11a: {  	[tilespmem:s2+$0x10] =	vst v14;
	v14 =	vmov s7  }
0x11b: {  	[tilespmem:s2+$0x20] =	vst v9;
	v9 =	vand.u32 $0x3E, v14  }
0x11c: {  	[tilespmem:s2+$0x40] =	vst v12;
	v12 =	vadd.s32 v0, v9  }
0x11d: {  	[tilespmem:s2+$0x50] =	vst v11;
	v11 =	vadd.s32 v1, v9  }
0x11e: {  	[tilespmem:s2+$0x30] =	vst v8;
	v8 =	vadd.s32 v5, v9  }
0x11f: {  	[tilespmem:s2+$0x60] =	vst v10;
	v10 =	vadd.s32 v6, v9  }
0x120: {  	v14 =	vadd.s32 v7, v9;
	[tilespmem:s2+$0x0] =	vst v13  }
0x121: {  	v15 =	vadd.s32 v3, v9;
	v12 =	vld.idx.msk [tilespmem:v12+s16+$0x0], $0xffff  }
0x122: {  	v13 =	vadd.s32 v2, v9;
	v11 =	vld.idx.msk [tilespmem:v11+s16+$0x0], $0xffff  }
0x123: {  	v9 =	vadd.s32 v4, v9;
	v8 =	vld.idx.msk [tilespmem:v8+s16+$0x0], $0xffff  }
0x124: {  	v10 =	vld.idx.msk [tilespmem:v10+s16+$0x0], $0xffff  }
0x125: {  	v14 =	vld.idx.msk [tilespmem:v14+s16+$0x0], $0xffff  }
0x126: {  	s11 =	sand.u32 $0x300, s14;
	v15 =	vld.idx.msk [tilespmem:v15+s16+$0x0], $0xffff  }
0x127: {  	s2 =	sadd.s32 s11, s1;
	v13 =	vld.idx.msk [tilespmem:v13+s16+$0x0], $0xffff  }
0x128: {  	s3 =	sadd.s32 $0x3, s9;
	v9 =	vld.idx.msk [tilespmem:v9+s16+$0x0], $0xffff;
	[tilespmem:s2+$0x0] =	vst v12  }
0x129: {  	[tilespmem:s2+$0x50] =	vst v8;
	v8 =	vmov s3  }
0x12a: {  	[tilespmem:s2+$0x60] =	vst v10;
	v8 =	vand.u32 $0x3F, v8  }
0x12b: {  	[tilespmem:s2+$0x70] =	vst v14;
	v10 =	vadd.s32 v0, v8  }
0x12c: {  	[tilespmem:s2+$0x30] =	vst v15;
	v12 =	vadd.s32 v1, v8  }
0x12d: {  	[tilespmem:s2+$0x40] =	vst v9;
	v9 =	vadd.s32 v2, v8  }
0x12e: {  	[tilespmem:s2+$0x20] =	vst v13;
	v13 =	vadd.s32 v3, v8  }
0x12f: {  	[tilespmem:s2+$0x10] =	vst v11;
	v11 =	vadd.s32 v4, v8  }
0x130: {  	v14 =	vadd.s32 v5, v8;
	v10 =	vld.idx.msk [tilespmem:v10+s16+$0x0], $0xffff  }
0x131: {  	v15 =	vadd.s32 v6, v8;
	v12 =	vld.idx.msk [tilespmem:v12+s16+$0x0], $0xffff  }
0x132: {  	v8 =	vadd.s32 v7, v8;
	v9 =	vld.idx.msk [tilespmem:v9+s16+$0x0], $0xffff  }
0x133: {  	v13 =	vld.idx.msk [tilespmem:v13+s16+$0x0], $0xffff  }
0x134: {  	v11 =	vld.idx.msk [tilespmem:v11+s16+$0x0], $0xffff  }
0x135: {  	s14 =	sand.u32 $0x380, s10;
	v14 =	vld.idx.msk [tilespmem:v14+s16+$0x0], $0xffff  }
0x136: {  	s2 =	sadd.s32 s14, s1;
	v15 =	vld.idx.msk [tilespmem:v15+s16+$0x0], $0xffff  }
0x137: {  	v8 =	vld.idx.msk [tilespmem:v8+s16+$0x0], $0xffff;
	[tilespmem:s2+$0x0] =	vst v10  }
0x138: {  	[tilespmem:s2+$0x30] =	vst v13  }
0x139: {  	[tilespmem:s2+$0x40] =	vst v11  }
0x13a: {  	[tilespmem:s2+$0x50] =	vst v14  }
0x13b: {  	[tilespmem:s2+$0x60] =	vst v15  }
0x13c: {  	[tilespmem:s2+$0x70] =	vst v8  }
0x13d: {  	s3 =	rddreg [dreg:$0x4];
	[tilespmem:s2+$0x10] =	vst v12  }
0x13e: {  	s1 =	sadd.s32 s17, s3;
	[tilespmem:s2+$0x20] =	vst v9  }
0x13f: {  	[hbm4b:s1+s21] =	stream.strided.scatter [tilespmem:s25], [sflag:$0x6], $0x2000, s22, s21, $0x38;
	[tilespmem:$0xDD00] =	vst v63  }
0x140: {  	s7 =	sadd.s32 $0x280, s5;
	s9 =	simm.s32 $0x0  }
0x141: {  	v8 =	vmov s9;
	[tilespmem:s16], [sflag:$0x2] =	stream.indirect.gather [hbm4b:s4+s12], $0x48, s7, s12, $0xb8;
	[tilespmem:$0xDD00] =	vst v63  }
0x142: {  	v8 =	vand.u32 $0x3C, v8;
	_ =	swait.ge [sflag:s26], $0x2400  }
0x143: {  	v9 =	vadd.s32 v1, v8;
	[sflag:s26] =	ssyncset.done $0x0  }
0x144: {  	v10 =	vadd.s32 v7, v8;
	[sflag:s26] =	ssyncadd.s32 $0xFFFFDC00  }
0x145: {  	v11 =	vadd.s32 v6, v8;
	_ =	swait.ge [sflag:s28], $0x2000  }
0x146: {  	v12 =	vadd.s32 v5, v8;
	[sflag:s28] =	ssyncset.done $0x0  }
0x147: {  	v13 =	vadd.s32 v3, v8;
	[sflag:s28] =	ssyncadd.s32 $0xFFFFE000  }
0x148: {  	v14 =	vadd.s32 v4, v8;
	v9 =	vld.idx.msk [tilespmem:v9+s18+$0x0], $0xffff  }
0x149: {  	v15 =	vadd.s32 v2, v8;
	v10 =	vld.idx.msk [tilespmem:v10+s18+$0x0], $0xffff  }
0x14a: {  	v8 =	vadd.s32 v0, v8;
	v11 =	vld.idx.msk [tilespmem:v11+s18+$0x0], $0xffff  }
0x14b: {  	v12 =	vld.idx.msk [tilespmem:v12+s18+$0x0], $0xffff  }
0x14c: {  	v13 =	vld.idx.msk [tilespmem:v13+s18+$0x0], $0xffff  }
0x14d: {  	v14 =	vld.idx.msk [tilespmem:v14+s18+$0x0], $0xffff  }
0x14e: {  	s11 =	simm.s32 $0x9D40;
	v15 =	vld.idx.msk [tilespmem:v15+s18+$0x0], $0xffff  }
0x14f: {  	s8 =	simm.s32 $0x1;
	v8 =	vld.idx.msk [tilespmem:v8+s18+$0x0], $0xffff;
	[tilespmem:s11+$0xFFFFFFD0] =	vst v9  }
0x150: {  	[tilespmem:s11+$0x20] =	vst v11;
	v9 =	vmov s8  }
0x151: {  	[tilespmem:s11+$0x10] =	vst v12;
	v11 =	vand.u32 $0x3D, v9  }
0x152: {  	[tilespmem:s11+$0x0] =	vst v14;
	v9 =	vadd.s32 v2, v11  }
0x153: {  	[tilespmem:s11+$0xFFFFFFE0] =	vst v15;
	v12 =	vadd.s32 v3, v11  }
0x154: {  	[tilespmem:s11+$0xFFFFFFF0] =	vst v13;
	v13 =	vadd.s32 v7, v11  }
0x155: {  	[tilespmem:s11+$0x30] =	vst v10;
	v10 =	vadd.s32 v1, v11  }
0x156: {  	[tilespmem:s11+$0xFFFFFFC0] =	vst v8;
	v14 =	vadd.s32 v4, v11  }
0x157: {  	v15 =	vadd.s32 v5, v11;
	v9 =	vld.idx.msk [tilespmem:v9+s18+$0x0], $0xffff  }
0x158: {  	v16 =	vadd.s32 v6, v11;
	v8 =	vld.idx.msk [tilespmem:v12+s18+$0x0], $0xffff  }
0x159: {  	v17 =	vadd.s32 v0, v11;
	v18 =	vld.idx.msk [tilespmem:v13+s18+$0x0], $0xffff  }
0x15a: {  	s10 =	simm.s32 $0x0;
	v19 =	vld.idx.msk [tilespmem:v10+s18+$0x0], $0xffff  }
0x15b: {  	s14 =	simm.s32 $0x80;
	s1 =	sand.u32 $0x1C00, s10;
	v12 =	vld.idx.msk [tilespmem:v14+s18+$0x0], $0xffff  }
0x15c: {  	s2 =	sand.u32 $0x280, s14;
	s1 =	sadd.s32 $0x9D00, s1;
	v11 =	vld.idx.msk [tilespmem:v15+s18+$0x0], $0xffff  }
0x15d: {  	s2 =	sor.u32 s2, s1;
	v10 =	vld.idx.msk [tilespmem:v16+s18+$0x0], $0xffff  }
0x15e: {  	s31 =	simm.s32 $0x4;
	s7 =	simm.s32 $0x2;
	v13 =	vld.idx.msk [tilespmem:v17+s18+$0x0], $0xffff;
	[tilespmem:s2+$0x70] =	vst v18  }
0x15f: {  	s3 =	simm.s32 $0x180;
	s14 =	simm.s32 $0x100;
	s10 =	simm.s32 $0x180;
	v14 =	vmov s7;
	[tilespmem:s2+$0x10] =	vst v19  }
.LBB2_9:
0x160: {  	p0 =	slt.u32 s31, $0x3C;
	[tilespmem:s2+$0x20] =	vst v9;
	v9 =	vand.u32 $0x3E, v14;
	s3 =	sadd.s32 $0x200, s3;
	s11 =	sadd.s32 $0x200, s11  }
0x161: {  	s8 =	smov.u32 s31;
	s31 =	sadd.s32 $0x4, s31;
	s7 =	sadd.s32 $0xFFFFFF80, s3;
	[tilespmem:s2+$0x40] =	vst v12;
	v12 =	vadd.s32 v0, v9  }
0x162: {  	[tilespmem:s2+$0x50] =	vst v11;
	v11 =	vadd.s32 v1, v9  }
0x163: {  	[tilespmem:s2+$0x0] =	vst v13;
	v13 =	vadd.s32 v2, v9  }
0x164: {  	[tilespmem:s2+$0x30] =	vst v8;
	v8 =	vadd.s32 v5, v9  }
0x165: {  	[tilespmem:s2+$0x60] =	vst v10;
	v10 =	vadd.s32 v6, v9  }
0x166: {  	v14 =	vadd.s32 v7, v9;
	v12 =	vld.idx.msk [tilespmem:v12+s18+$0x0], $0xffff  }
0x167: {  	v15 =	vadd.s32 v3, v9;
	v11 =	vld.idx.msk [tilespmem:v11+s18+$0x0], $0xffff  }
0x168: {  	v9 =	vadd.s32 v4, v9;
	v13 =	vld.idx.msk [tilespmem:v13+s18+$0x0], $0xffff  }
0x169: {  	v8 =	vld.idx.msk [tilespmem:v8+s18+$0x0], $0xffff  }
0x16a: {  	v10 =	vld.idx.msk [tilespmem:v10+s18+$0x0], $0xffff  }
0x16b: {  	v14 =	vld.idx.msk [tilespmem:v14+s18+$0x0], $0xffff  }
0x16c: {  	s2 =	sand.u32 $0x300, s14;
	s14 =	smov.u32 s7;
	v15 =	vld.idx.msk [tilespmem:v15+s18+$0x0], $0xffff  }
0x16d: {  	s2 =	sadd.s32 s2, s1;
	v9 =	vld.idx.msk [tilespmem:v9+s18+$0x0], $0xffff  }
0x16e: {  	s7 =	sadd.s32 $0x3, s9;
	s9 =	smov.u32 s8;
	[tilespmem:s2+$0x0] =	vst v12  }
0x16f: {  	[tilespmem:s2+$0x50] =	vst v8;
	v8 =	vmov s7  }
0x170: {  	[tilespmem:s2+$0x60] =	vst v10;
	v8 =	vand.u32 $0x3F, v8  }
0x171: {  	[tilespmem:s2+$0x70] =	vst v14;
	v10 =	vadd.s32 v0, v8  }
0x172: {  	v12 =	vadd.s32 v1, v8;
	[tilespmem:s2+$0x20] =	vst v13  }
0x173: {  	[tilespmem:s2+$0x40] =	vst v9;
	v9 =	vadd.s32 v2, v8  }
0x174: {  	v13 =	vadd.s32 v3, v8;
	[tilespmem:s2+$0x30] =	vst v15  }
0x175: {  	[tilespmem:s2+$0x10] =	vst v11;
	v11 =	vadd.s32 v4, v8  }
0x176: {  	v14 =	vadd.s32 v5, v8;
	v10 =	vld.idx.msk [tilespmem:v10+s18+$0x0], $0xffff  }
0x177: {  	v15 =	vadd.s32 v6, v8;
	v12 =	vld.idx.msk [tilespmem:v12+s18+$0x0], $0xffff  }
0x178: {  	v8 =	vadd.s32 v7, v8;
	v9 =	vld.idx.msk [tilespmem:v9+s18+$0x0], $0xffff  }
0x179: {  	v13 =	vld.idx.msk [tilespmem:v13+s18+$0x0], $0xffff  }
0x17a: {  	v11 =	vld.idx.msk [tilespmem:v11+s18+$0x0], $0xffff  }
0x17b: {  	v14 =	vld.idx.msk [tilespmem:v14+s18+$0x0], $0xffff  }
0x17c: {  	s2 =	sand.u32 $0x380, s10;
	s10 =	smov.u32 s3;
	v15 =	vld.idx.msk [tilespmem:v15+s18+$0x0], $0xffff  }
0x17d: {  	s1 =	sadd.s32 s2, s1;
	v8 =	vld.idx.msk [tilespmem:v8+s18+$0x0], $0xffff  }
0x17e: {  	[tilespmem:s1+$0x0] =	vst v10  }
0x17f: {  	v10 =	vmov s9;
	[tilespmem:s1+$0x30] =	vst v13  }
0x180: {  	v10 =	vand.u32 $0x3C, v10;
	[tilespmem:s1+$0x40] =	vst v11  }
0x181: {  	v11 =	vadd.s32 v0, v10;
	v13 =	vadd.s32 v1, v10;
	v16 =	vadd.s32 v7, v10;
	[tilespmem:s1+$0x50] =	vst v14  }
0x182: {  	v17 =	vadd.s32 v3, v10;
	v18 =	vadd.s32 v6, v10;
	v14 =	vadd.s32 v2, v10;
	[tilespmem:s1+$0x60] =	vst v15  }
0x183: {  	v15 =	vadd.s32 v4, v10;
	v10 =	vadd.s32 v5, v10;
	[tilespmem:s1+$0x70] =	vst v8  }
0x184: {  	[tilespmem:s1+$0x10] =	vst v12  }
0x185: {  	[tilespmem:s1+$0x20] =	vst v9  }
0x186: {  	v8 =	vld.idx.msk [tilespmem:v13+s18+$0x0], $0xffff  }
0x187: {  	v9 =	vld.idx.msk [tilespmem:v16+s18+$0x0], $0xffff  }
0x188: {  	v12 =	vld.idx.msk [tilespmem:v18+s18+$0x0], $0xffff  }
0x189: {  	v10 =	vld.idx.msk [tilespmem:v10+s18+$0x0], $0xffff  }
0x18a: {  	v13 =	vld.idx.msk [tilespmem:v17+s18+$0x0], $0xffff  }
0x18b: {  	v15 =	vld.idx.msk [tilespmem:v15+s18+$0x0], $0xffff  }
0x18c: {  	v14 =	vld.idx.msk [tilespmem:v14+s18+$0x0], $0xffff  }
0x18d: {  	v11 =	vld.idx.msk [tilespmem:v11+s18+$0x0], $0xffff  }
0x18e: {  	[tilespmem:s11+$0xFFFFFFD0] =	vst v8  }
0x18f: {  	s1 =	sadd.s32 $0x1, s9;
	[tilespmem:s11+$0x20] =	vst v12  }
0x190: {  	v8 =	vmov s1;
	[tilespmem:s11+$0x10] =	vst v10  }
0x191: {  	v10 =	vand.u32 $0x3D, v8;
	[tilespmem:s11+$0x0] =	vst v15  }
0x192: {  	v8 =	vadd.s32 v2, v10;
	[tilespmem:s11+$0xFFFFFFE0] =	vst v14  }
0x193: {  	v12 =	vadd.s32 v3, v10;
	[tilespmem:s11+$0xFFFFFFF0] =	vst v13  }
0x194: {  	v13 =	vadd.s32 v7, v10;
	[tilespmem:s11+$0x30] =	vst v9  }
0x195: {  	v14 =	vadd.s32 v1, v10  }
0x196: {  	[tilespmem:s11+$0xFFFFFFC0] =	vst v11;
	v11 =	vadd.s32 v4, v10  }
0x197: {  	v15 =	vadd.s32 v5, v10;
	v9 =	vld.idx.msk [tilespmem:v8+s18+$0x0], $0xffff  }
0x198: {  	v16 =	vadd.s32 v6, v10;
	v8 =	vld.idx.msk [tilespmem:v12+s18+$0x0], $0xffff  }
0x199: {  	v17 =	vadd.s32 v0, v10;
	v18 =	vld.idx.msk [tilespmem:v13+s18+$0x0], $0xffff  }
0x19a: {  	v14 =	vld.idx.msk [tilespmem:v14+s18+$0x0], $0xffff  }
0x19b: {  	s1 =	sadd.s32 $0xFFFFFE80, s3;
	v12 =	vld.idx.msk [tilespmem:v11+s18+$0x0], $0xffff  }
.Ltmp3:
0x19c: {  	s2 =	sadd.s32 $0xFFFFFF00, s3;
	s1 =	sand.u32 $0x1C00, s1;
	v11 =	vld.idx.msk [tilespmem:v15+s18+$0x0], $0xffff;
	(pc) =	sbr.rel @p0 .LBB2_9-.Ltmp3, $4  }
0x19d: {  	s2 =	sand.u32 $0x280, s2;
	s1 =	sadd.s32 $0x9D00, s1;
	v10 =	vld.idx.msk [tilespmem:v16+s18+$0x0], $0xffff  }
0x19e: {  	s2 =	sor.u32 s2, s1;
	v13 =	vld.idx.msk [tilespmem:v17+s18+$0x0], $0xffff  }
0x19f: {  	s7 =	sadd.s32 $0x2, s9;
	[tilespmem:s2+$0x70] =	vst v18  }
0x1a0: {  	[tilespmem:s2+$0x10] =	vst v14;
	v14 =	vmov s7  }
0x1a1: {  	[tilespmem:s2+$0x20] =	vst v9;
	v9 =	vand.u32 $0x3E, v14  }
0x1a2: {  	[tilespmem:s2+$0x40] =	vst v12;
	v12 =	vadd.s32 v0, v9  }
0x1a3: {  	[tilespmem:s2+$0x50] =	vst v11;
	v11 =	vadd.s32 v1, v9  }
0x1a4: {  	[tilespmem:s2+$0x30] =	vst v8;
	v8 =	vadd.s32 v5, v9  }
0x1a5: {  	[tilespmem:s2+$0x60] =	vst v10;
	v10 =	vadd.s32 v6, v9  }
0x1a6: {  	v14 =	vadd.s32 v7, v9;
	[tilespmem:s2+$0x0] =	vst v13  }
0x1a7: {  	v15 =	vadd.s32 v3, v9;
	v12 =	vld.idx.msk [tilespmem:v12+s18+$0x0], $0xffff  }
0x1a8: {  	v13 =	vadd.s32 v2, v9;
	v11 =	vld.idx.msk [tilespmem:v11+s18+$0x0], $0xffff  }
0x1a9: {  	v9 =	vadd.s32 v4, v9;
	v8 =	vld.idx.msk [tilespmem:v8+s18+$0x0], $0xffff  }
0x1aa: {  	v10 =	vld.idx.msk [tilespmem:v10+s18+$0x0], $0xffff  }
0x1ab: {  	v14 =	vld.idx.msk [tilespmem:v14+s18+$0x0], $0xffff  }
0x1ac: {  	s8 =	sand.u32 $0x300, s14;
	v15 =	vld.idx.msk [tilespmem:v15+s18+$0x0], $0xffff  }
0x1ad: {  	s2 =	sadd.s32 s8, s1;
	v13 =	vld.idx.msk [tilespmem:v13+s18+$0x0], $0xffff  }
0x1ae: {  	s3 =	sadd.s32 $0x3, s9;
	v9 =	vld.idx.msk [tilespmem:v9+s18+$0x0], $0xffff;
	[tilespmem:s2+$0x0] =	vst v12  }
0x1af: {  	[tilespmem:s2+$0x50] =	vst v8;
	v8 =	vmov s3  }
0x1b0: {  	[tilespmem:s2+$0x60] =	vst v10;
	v8 =	vand.u32 $0x3F, v8  }
0x1b1: {  	[tilespmem:s2+$0x70] =	vst v14;
	v10 =	vadd.s32 v0, v8  }
0x1b2: {  	[tilespmem:s2+$0x30] =	vst v15;
	v12 =	vadd.s32 v1, v8  }
0x1b3: {  	[tilespmem:s2+$0x40] =	vst v9;
	v9 =	vadd.s32 v2, v8  }
0x1b4: {  	[tilespmem:s2+$0x20] =	vst v13;
	v13 =	vadd.s32 v3, v8  }
0x1b5: {  	[tilespmem:s2+$0x10] =	vst v11;
	v11 =	vadd.s32 v4, v8  }
0x1b6: {  	v14 =	vadd.s32 v5, v8;
	v10 =	vld.idx.msk [tilespmem:v10+s18+$0x0], $0xffff  }
0x1b7: {  	v15 =	vadd.s32 v6, v8;
	v12 =	vld.idx.msk [tilespmem:v12+s18+$0x0], $0xffff  }
0x1b8: {  	v8 =	vadd.s32 v7, v8;
	v9 =	vld.idx.msk [tilespmem:v9+s18+$0x0], $0xffff  }
0x1b9: {  	v13 =	vld.idx.msk [tilespmem:v13+s18+$0x0], $0xffff  }
0x1ba: {  	v11 =	vld.idx.msk [tilespmem:v11+s18+$0x0], $0xffff  }
0x1bb: {  	s9 =	sand.u32 $0x380, s10;
	v14 =	vld.idx.msk [tilespmem:v14+s18+$0x0], $0xffff  }
0x1bc: {  	s10 =	sadd.s32 s9, s1;
	v15 =	vld.idx.msk [tilespmem:v15+s18+$0x0], $0xffff  }
0x1bd: {  	v8 =	vld.idx.msk [tilespmem:v8+s18+$0x0], $0xffff;
	[tilespmem:s10+$0x0] =	vst v10  }
0x1be: {  	[tilespmem:s10+$0x30] =	vst v13  }
0x1bf: {  	[tilespmem:s10+$0x40] =	vst v11  }
0x1c0: {  	[tilespmem:s10+$0x50] =	vst v14  }
0x1c1: {  	[tilespmem:s10+$0x60] =	vst v15  }
0x1c2: {  	[tilespmem:s10+$0x70] =	vst v8  }
0x1c3: {  	s11 =	rddreg [dreg:$0x5];
	p0 =	seq.s32 s0, $0x5;
	[tilespmem:s10+$0x10] =	vst v12  }
0x1c4: {  	s1 =	sadd.s32 s17, s11;
	s3 =	simm.s32 @!p0 $0x5500;
	[tilespmem:s10+$0x20] =	vst v9  }
0x1c5: {  	[hbm4b:s1+s21] =	stream.strided.scatter [tilespmem:s23], [sflag:$0x5], $0x2000, s22, s21, $0x38;
	[tilespmem:$0xDD00] =	vst v63  }
0x1c6: {  	s2 =	simm.s32 @!p0 $0x80;
	s1 =	sadd.s32 @!p0 $0x300, s5;
	s5 =	simm.s32 $0x0  }
0x1c7: {  	v8 =	vmov s5;
	[tilespmem:s3], [sflag:$0x3] =	stream.indirect.gather @!p0 [hbm4b:s4+s2], $0x48, s1, s2, $0xb8;
	[tilespmem:$0xDD00] =	vst v63  }
0x1c8: {  	v8 =	vand.u32 $0x3C, v8;
	_ =	swait.ge [sflag:s29], $0x2400  }
0x1c9: {  	v9 =	vadd.s32 v1, v8;
	[sflag:s29] =	ssyncset.done $0x0  }
0x1ca: {  	v10 =	vadd.s32 v7, v8;
	[sflag:s29] =	ssyncadd.s32 $0xFFFFDC00  }
0x1cb: {  	v11 =	vadd.s32 v6, v8;
	_ =	swait.ge [sflag:s30], $0x2000  }
0x1cc: {  	v12 =	vadd.s32 v5, v8;
	[sflag:s30] =	ssyncset.done $0x0  }
0x1cd: {  	v13 =	vadd.s32 v3, v8;
	[sflag:s30] =	ssyncadd.s32 $0xFFFFE000  }
0x1ce: {  	v14 =	vadd.s32 v4, v8;
	v9 =	vld.idx.msk [tilespmem:v9+s19+$0x0], $0xffff  }
0x1cf: {  	v15 =	vadd.s32 v2, v8;
	v10 =	vld.idx.msk [tilespmem:v10+s19+$0x0], $0xffff  }
0x1d0: {  	v8 =	vadd.s32 v0, v8;
	v11 =	vld.idx.msk [tilespmem:v11+s19+$0x0], $0xffff  }
0x1d1: {  	v12 =	vld.idx.msk [tilespmem:v12+s19+$0x0], $0xffff  }
0x1d2: {  	v13 =	vld.idx.msk [tilespmem:v13+s19+$0x0], $0xffff  }
0x1d3: {  	v14 =	vld.idx.msk [tilespmem:v14+s19+$0x0], $0xffff  }
0x1d4: {  	s10 =	simm.s32 $0xBD40;
	v15 =	vld.idx.msk [tilespmem:v15+s19+$0x0], $0xffff  }
0x1d5: {  	s14 =	simm.s32 $0x1;
	v8 =	vld.idx.msk [tilespmem:v8+s19+$0x0], $0xffff;
	[tilespmem:s10+$0xFFFFFFD0] =	vst v9  }
0x1d6: {  	[tilespmem:s10+$0x20] =	vst v11;
	v9 =	vmov s14  }
0x1d7: {  	[tilespmem:s10+$0x10] =	vst v12;
	v11 =	vand.u32 $0x3D, v9  }
0x1d8: {  	[tilespmem:s10+$0x0] =	vst v14;
	v9 =	vadd.s32 v2, v11  }
0x1d9: {  	[tilespmem:s10+$0xFFFFFFE0] =	vst v15;
	v12 =	vadd.s32 v3, v11  }
0x1da: {  	[tilespmem:s10+$0xFFFFFFF0] =	vst v13;
	v13 =	vadd.s32 v7, v11  }
0x1db: {  	[tilespmem:s10+$0x30] =	vst v10;
	v10 =	vadd.s32 v1, v11  }
0x1dc: {  	[tilespmem:s10+$0xFFFFFFC0] =	vst v8;
	v14 =	vadd.s32 v4, v11  }
0x1dd: {  	v15 =	vadd.s32 v5, v11;
	v9 =	vld.idx.msk [tilespmem:v9+s19+$0x0], $0xffff  }
0x1de: {  	v16 =	vadd.s32 v6, v11;
	v8 =	vld.idx.msk [tilespmem:v12+s19+$0x0], $0xffff  }
0x1df: {  	v17 =	vadd.s32 v0, v11;
	v18 =	vld.idx.msk [tilespmem:v13+s19+$0x0], $0xffff  }
0x1e0: {  	s17 =	simm.s32 $0x0;
	v19 =	vld.idx.msk [tilespmem:v10+s19+$0x0], $0xffff  }
0x1e1: {  	s31 =	simm.s32 $0x80;
	s1 =	sand.u32 $0x1C00, s17;
	v12 =	vld.idx.msk [tilespmem:v14+s19+$0x0], $0xffff  }
0x1e2: {  	s2 =	sand.u32 $0x280, s31;
	s1 =	sadd.s32 $0xBD00, s1;
	v11 =	vld.idx.msk [tilespmem:v15+s19+$0x0], $0xffff  }
0x1e3: {  	s2 =	sor.u32 s2, s1;
	v10 =	vld.idx.msk [tilespmem:v16+s19+$0x0], $0xffff  }
0x1e4: {  	s7 =	simm.s32 $0x2;
	s9 =	simm.s32 $0x180;
	v13 =	vld.idx.msk [tilespmem:v17+s19+$0x0], $0xffff;
	[tilespmem:s2+$0x70] =	vst v18  }
0x1e5: {  	s11 =	simm.s32 $0x100;
	s3 =	simm.s32 $0x180;
	s14 =	simm.s32 $0x4;
	v14 =	vmov s7;
	[tilespmem:s2+$0x10] =	vst v19  }
.LBB2_11:
0x1e6: {  	p0 =	slt.u32 s14, $0x3C;
	[tilespmem:s2+$0x20] =	vst v9;
	v9 =	vand.u32 $0x3E, v14;
	s3 =	sadd.s32 $0x200, s3;
	s10 =	sadd.s32 $0x200, s10  }
0x1e7: {  	s8 =	smov.u32 s14;
	s14 =	sadd.s32 $0x4, s14;
	s7 =	sadd.s32 $0xFFFFFF80, s3;
	[tilespmem:s2+$0x40] =	vst v12;
	v12 =	vadd.s32 v0, v9  }
0x1e8: {  	[tilespmem:s2+$0x50] =	vst v11;
	v11 =	vadd.s32 v1, v9  }
0x1e9: {  	[tilespmem:s2+$0x0] =	vst v13;
	v13 =	vadd.s32 v2, v9  }
0x1ea: {  	[tilespmem:s2+$0x30] =	vst v8;
	v8 =	vadd.s32 v5, v9  }
0x1eb: {  	[tilespmem:s2+$0x60] =	vst v10;
	v10 =	vadd.s32 v6, v9  }
0x1ec: {  	v14 =	vadd.s32 v7, v9;
	v12 =	vld.idx.msk [tilespmem:v12+s19+$0x0], $0xffff  }
0x1ed: {  	v15 =	vadd.s32 v3, v9;
	v11 =	vld.idx.msk [tilespmem:v11+s19+$0x0], $0xffff  }
0x1ee: {  	v9 =	vadd.s32 v4, v9;
	v13 =	vld.idx.msk [tilespmem:v13+s19+$0x0], $0xffff  }
0x1ef: {  	v8 =	vld.idx.msk [tilespmem:v8+s19+$0x0], $0xffff  }
0x1f0: {  	v10 =	vld.idx.msk [tilespmem:v10+s19+$0x0], $0xffff  }
0x1f1: {  	v14 =	vld.idx.msk [tilespmem:v14+s19+$0x0], $0xffff  }
0x1f2: {  	s2 =	sand.u32 $0x300, s11;
	s11 =	smov.u32 s7;
	v15 =	vld.idx.msk [tilespmem:v15+s19+$0x0], $0xffff  }
0x1f3: {  	s2 =	sadd.s32 s2, s1;
	v9 =	vld.idx.msk [tilespmem:v9+s19+$0x0], $0xffff  }
0x1f4: {  	s7 =	sadd.s32 $0x3, s5;
	s5 =	smov.u32 s8;
	[tilespmem:s2+$0x0] =	vst v12  }
0x1f5: {  	[tilespmem:s2+$0x50] =	vst v8;
	v8 =	vmov s7  }
0x1f6: {  	[tilespmem:s2+$0x60] =	vst v10;
	v8 =	vand.u32 $0x3F, v8  }
0x1f7: {  	[tilespmem:s2+$0x70] =	vst v14;
	v10 =	vadd.s32 v0, v8  }
0x1f8: {  	v12 =	vadd.s32 v1, v8;
	[tilespmem:s2+$0x20] =	vst v13  }
0x1f9: {  	[tilespmem:s2+$0x40] =	vst v9;
	v9 =	vadd.s32 v2, v8  }
0x1fa: {  	v13 =	vadd.s32 v3, v8;
	[tilespmem:s2+$0x30] =	vst v15  }
0x1fb: {  	[tilespmem:s2+$0x10] =	vst v11;
	v11 =	vadd.s32 v4, v8  }
0x1fc: {  	v14 =	vadd.s32 v5, v8;
	v10 =	vld.idx.msk [tilespmem:v10+s19+$0x0], $0xffff  }
0x1fd: {  	v15 =	vadd.s32 v6, v8;
	v12 =	vld.idx.msk [tilespmem:v12+s19+$0x0], $0xffff  }
0x1fe: {  	v8 =	vadd.s32 v7, v8;
	v9 =	vld.idx.msk [tilespmem:v9+s19+$0x0], $0xffff  }
0x1ff: {  	v13 =	vld.idx.msk [tilespmem:v13+s19+$0x0], $0xffff  }
0x200: {  	v11 =	vld.idx.msk [tilespmem:v11+s19+$0x0], $0xffff  }
0x201: {  	v14 =	vld.idx.msk [tilespmem:v14+s19+$0x0], $0xffff  }
0x202: {  	s2 =	sand.u32 $0x380, s9;
	s9 =	smov.u32 s3;
	v15 =	vld.idx.msk [tilespmem:v15+s19+$0x0], $0xffff  }
0x203: {  	s1 =	sadd.s32 s2, s1;
	v8 =	vld.idx.msk [tilespmem:v8+s19+$0x0], $0xffff  }
0x204: {  	[tilespmem:s1+$0x0] =	vst v10  }
0x205: {  	v10 =	vmov s5;
	[tilespmem:s1+$0x30] =	vst v13  }
0x206: {  	v10 =	vand.u32 $0x3C, v10;
	[tilespmem:s1+$0x40] =	vst v11  }
0x207: {  	v11 =	vadd.s32 v0, v10;
	v13 =	vadd.s32 v1, v10;
	v16 =	vadd.s32 v7, v10;
	[tilespmem:s1+$0x50] =	vst v14  }
0x208: {  	v17 =	vadd.s32 v3, v10;
	v18 =	vadd.s32 v6, v10;
	v14 =	vadd.s32 v2, v10;
	[tilespmem:s1+$0x60] =	vst v15  }
0x209: {  	v15 =	vadd.s32 v4, v10;
	v10 =	vadd.s32 v5, v10;
	[tilespmem:s1+$0x70] =	vst v8  }
0x20a: {  	[tilespmem:s1+$0x10] =	vst v12  }
0x20b: {  	[tilespmem:s1+$0x20] =	vst v9  }
0x20c: {  	v8 =	vld.idx.msk [tilespmem:v13+s19+$0x0], $0xffff  }
0x20d: {  	v9 =	vld.idx.msk [tilespmem:v16+s19+$0x0], $0xffff  }
0x20e: {  	v12 =	vld.idx.msk [tilespmem:v18+s19+$0x0], $0xffff  }
0x20f: {  	v10 =	vld.idx.msk [tilespmem:v10+s19+$0x0], $0xffff  }
0x210: {  	v13 =	vld.idx.msk [tilespmem:v17+s19+$0x0], $0xffff  }
0x211: {  	v15 =	vld.idx.msk [tilespmem:v15+s19+$0x0], $0xffff  }
0x212: {  	v14 =	vld.idx.msk [tilespmem:v14+s19+$0x0], $0xffff  }
0x213: {  	v11 =	vld.idx.msk [tilespmem:v11+s19+$0x0], $0xffff  }
0x214: {  	[tilespmem:s10+$0xFFFFFFD0] =	vst v8  }
0x215: {  	s1 =	sadd.s32 $0x1, s5;
	[tilespmem:s10+$0x20] =	vst v12  }
0x216: {  	v8 =	vmov s1;
	[tilespmem:s10+$0x10] =	vst v10  }
0x217: {  	v10 =	vand.u32 $0x3D, v8;
	[tilespmem:s10+$0x0] =	vst v15  }
0x218: {  	v8 =	vadd.s32 v2, v10;
	[tilespmem:s10+$0xFFFFFFE0] =	vst v14  }
0x219: {  	v12 =	vadd.s32 v3, v10;
	[tilespmem:s10+$0xFFFFFFF0] =	vst v13  }
0x21a: {  	v13 =	vadd.s32 v7, v10;
	[tilespmem:s10+$0x30] =	vst v9  }
0x21b: {  	v14 =	vadd.s32 v1, v10  }
0x21c: {  	[tilespmem:s10+$0xFFFFFFC0] =	vst v11;
	v11 =	vadd.s32 v4, v10  }
0x21d: {  	v15 =	vadd.s32 v5, v10;
	v9 =	vld.idx.msk [tilespmem:v8+s19+$0x0], $0xffff  }
0x21e: {  	v16 =	vadd.s32 v6, v10;
	v8 =	vld.idx.msk [tilespmem:v12+s19+$0x0], $0xffff  }
0x21f: {  	v17 =	vadd.s32 v0, v10;
	v18 =	vld.idx.msk [tilespmem:v13+s19+$0x0], $0xffff  }
0x220: {  	v14 =	vld.idx.msk [tilespmem:v14+s19+$0x0], $0xffff  }
0x221: {  	s1 =	sadd.s32 $0xFFFFFE80, s3;
	v12 =	vld.idx.msk [tilespmem:v11+s19+$0x0], $0xffff  }
.Ltmp4:
0x222: {  	s2 =	sadd.s32 $0xFFFFFF00, s3;
	s1 =	sand.u32 $0x1C00, s1;
	v11 =	vld.idx.msk [tilespmem:v15+s19+$0x0], $0xffff;
	(pc) =	sbr.rel @p0 .LBB2_11-.Ltmp4, $4  }
0x223: {  	s2 =	sand.u32 $0x280, s2;
	s1 =	sadd.s32 $0xBD00, s1;
	v10 =	vld.idx.msk [tilespmem:v16+s19+$0x0], $0xffff  }
0x224: {  	s2 =	sor.u32 s2, s1;
	v13 =	vld.idx.msk [tilespmem:v17+s19+$0x0], $0xffff  }
0x225: {  	s7 =	sadd.s32 $0x2, s5;
	[tilespmem:s2+$0x70] =	vst v18  }
0x226: {  	[tilespmem:s2+$0x10] =	vst v14;
	v14 =	vmov s7  }
0x227: {  	[tilespmem:s2+$0x20] =	vst v9;
	v52 =	vand.u32 $0x3E, v14  }
0x228: {  	[tilespmem:s2+$0x40] =	vst v12;
	v53 =	vadd.s32 v0, v52  }
0x229: {  	[tilespmem:s2+$0x50] =	vst v11;
	v54 =	vadd.s32 v1, v52  }
0x22a: {  	[tilespmem:s2+$0x30] =	vst v8;
	v55 =	vadd.s32 v2, v52  }
0x22b: {  	v8 =	vadd.s32 v5, v52;
	[tilespmem:s2+$0x60] =	vst v10  }
0x22c: {  	v56 =	vadd.s32 v6, v52;
	[tilespmem:s2+$0x0] =	vst v13  }
0x22d: {  	v14 =	vadd.s32 v7, v52;
	v12 =	vld.idx.msk [tilespmem:v53+s19+$0x0], $0xffff  }
0x22e: {  	v15 =	vadd.s32 v3, v52;
	v11 =	vld.idx.msk [tilespmem:v54+s19+$0x0], $0xffff  }
0x22f: {  	v9 =	vadd.s32 v4, v52;
	v13 =	vld.idx.msk [tilespmem:v55+s19+$0x0], $0xffff  }
0x230: {  	v8 =	vld.idx.msk [tilespmem:v8+s19+$0x0], $0xffff  }
0x231: {  	v10 =	vld.idx.msk [tilespmem:v56+s19+$0x0], $0xffff  }
0x232: {  	s10 =	sand.u32 $0x300, s11;
	v14 =	vld.idx.msk [tilespmem:v14+s19+$0x0], $0xffff  }
0x233: {  	s2 =	sadd.s32 s10, s1;
	v15 =	vld.idx.msk [tilespmem:v15+s19+$0x0], $0xffff  }
0x234: {  	s3 =	sadd.s32 $0x3, s5;
	v9 =	vld.idx.msk [tilespmem:v9+s19+$0x0], $0xffff;
	[tilespmem:s2+$0x0] =	vst v12  }
0x235: {  	[tilespmem:s2+$0x50] =	vst v8;
	v8 =	vmov s3  }
0x236: {  	[tilespmem:s2+$0x60] =	vst v10;
	v8 =	vand.u32 $0x3F, v8  }
0x237: {  	[tilespmem:s2+$0x70] =	vst v14;
	v57 =	vadd.s32 v0, v8  }
0x238: {  	[tilespmem:s2+$0x20] =	vst v13;
	v58 =	vadd.s32 v1, v8  }
0x239: {  	[tilespmem:s2+$0x40] =	vst v9;
	v59 =	vadd.s32 v2, v8  }
0x23a: {  	[tilespmem:s2+$0x30] =	vst v15;
	v60 =	vadd.s32 v3, v8  }
0x23b: {  	[tilespmem:s2+$0x10] =	vst v11;
	v61 =	vadd.s32 v4, v8  }
0x23c: {  	v62 =	vadd.s32 v5, v8;
	v10 =	vld.idx.msk [tilespmem:v57+s19+$0x0], $0xffff  }
0x23d: {  	v63 =	vadd.s32 v6, v8;
	v12 =	vld.idx.msk [tilespmem:v58+s19+$0x0], $0xffff  }
0x23e: {  	v8 =	vadd.s32 v7, v8;
	v9 =	vld.idx.msk [tilespmem:v59+s19+$0x0], $0xffff  }
0x23f: {  	v13 =	vld.idx.msk [tilespmem:v60+s19+$0x0], $0xffff  }
0x240: {  	v11 =	vld.idx.msk [tilespmem:v61+s19+$0x0], $0xffff  }
0x241: {  	s11 =	sand.u32 $0x380, s9;
	v14 =	vld.idx.msk [tilespmem:v62+s19+$0x0], $0xffff  }
0x242: {  	s14 =	sadd.s32 s11, s1;
	v15 =	vld.idx.msk [tilespmem:v63+s19+$0x0], $0xffff  }
0x243: {  	v8 =	vld.idx.msk [tilespmem:v8+s19+$0x0], $0xffff;
	[tilespmem:s14+$0x0] =	vst v10  }
0x244: {  	[tilespmem:s14+$0x30] =	vst v13  }
0x245: {  	s0 =	sadd.s32 $0x1, s0;
	[tilespmem:s14+$0x40] =	vst v11  }
0x246: {  	p0 =	sne.s32 s0, $0x6;
	[tilespmem:s14+$0x50] =	vst v14  }
.Ltmp5:
0x247: {  	s17 =	sshll.u32 s13, $0x12;
	[tilespmem:s14+$0x60] =	vst v15;
	(pc) =	sbr.rel @p0 .LBB2_4-.Ltmp5, $4  }
0x248: {  	s2 =	sor.u32 s6, s17;
	[tilespmem:s14+$0x70] =	vst v8  }
0x249: {  	s31 =	rddreg [dreg:$0x1];
	s2 =	sshrl.u32 s2, $0x3;
	[tilespmem:s14+$0x10] =	vst v12  }
0x24a: {  	s1 =	sadd.s32 s31, s2;
	[tilespmem:s14+$0x20] =	vst v9  }
0x24b: {  	[hbm4b:s1+s21] =	stream.strided.scatter [tilespmem:s25], [sflag:$0x6], $0x2000, s22, s21, $0x38;
	[tilespmem:$0xDD00] =	vst v63  }
0x24c: {  	s0 =	simm.s32 $0x0  }
0x24d: {  	v8 =	vmov s0  }
0x24e: {  	_ =	swait.ge [sflag:s20], $0x2400;
	v8 =	vand.u32 $0x3C, v8  }
0x24f: {  	[sflag:s20] =	ssyncset.done $0x0;
	v9 =	vadd.s32 v1, v8  }
0x250: {  	[sflag:s20] =	ssyncadd.s32 $0xFFFFDC00;
	v10 =	vadd.s32 v7, v8  }
0x251: {  	_ =	swait.ge [sflag:s28], $0x2000;
	v11 =	vadd.s32 v6, v8  }
0x252: {  	v12 =	vadd.s32 v5, v8;
	[sflag:s28] =	ssyncset.done $0x0  }
0x253: {  	v13 =	vadd.s32 v3, v8;
	[sflag:s28] =	ssyncadd.s32 $0xFFFFE000  }
0x254: {  	v14 =	vadd.s32 v4, v8;
	v9 =	vld.idx.msk [tilespmem:v9+s15+$0x0], $0xffff  }
0x255: {  	v15 =	vadd.s32 v2, v8;
	v10 =	vld.idx.msk [tilespmem:v10+s15+$0x0], $0xffff  }
0x256: {  	v8 =	vadd.s32 v0, v8;
	v11 =	vld.idx.msk [tilespmem:v11+s15+$0x0], $0xffff  }
0x257: {  	v12 =	vld.idx.msk [tilespmem:v12+s15+$0x0], $0xffff  }
0x258: {  	v13 =	vld.idx.msk [tilespmem:v13+s15+$0x0], $0xffff  }
0x259: {  	v14 =	vld.idx.msk [tilespmem:v14+s15+$0x0], $0xffff  }
0x25a: {  	s5 =	simm.s32 $0x9D40;
	v15 =	vld.idx.msk [tilespmem:v15+s15+$0x0], $0xffff  }
0x25b: {  	s1 =	simm.s32 $0x1;
	v8 =	vld.idx.msk [tilespmem:v8+s15+$0x0], $0xffff;
	[tilespmem:s5+$0xFFFFFFD0] =	vst v9  }
0x25c: {  	[tilespmem:s5+$0x20] =	vst v11;
	v9 =	vmov s1  }
0x25d: {  	[tilespmem:s5+$0x10] =	vst v12;
	v11 =	vand.u32 $0x3D, v9  }
0x25e: {  	[tilespmem:s5+$0x0] =	vst v14;
	v9 =	vadd.s32 v2, v11  }
0x25f: {  	[tilespmem:s5+$0xFFFFFFE0] =	vst v15;
	v12 =	vadd.s32 v3, v11  }
0x260: {  	[tilespmem:s5+$0xFFFFFFF0] =	vst v13;
	v13 =	vadd.s32 v7, v11  }
0x261: {  	[tilespmem:s5+$0x30] =	vst v10;
	v10 =	vadd.s32 v1, v11  }
0x262: {  	[tilespmem:s5+$0xFFFFFFC0] =	vst v8;
	v14 =	vadd.s32 v4, v11  }
0x263: {  	v15 =	vadd.s32 v5, v11;
	v9 =	vld.idx.msk [tilespmem:v9+s15+$0x0], $0xffff  }
0x264: {  	v16 =	vadd.s32 v6, v11;
	v8 =	vld.idx.msk [tilespmem:v12+s15+$0x0], $0xffff  }
0x265: {  	v17 =	vadd.s32 v0, v11;
	v18 =	vld.idx.msk [tilespmem:v13+s15+$0x0], $0xffff  }
0x266: {  	s17 =	simm.s32 $0x0;
	v19 =	vld.idx.msk [tilespmem:v10+s15+$0x0], $0xffff  }
0x267: {  	s2 =	simm.s32 $0x80;
	s1 =	sand.u32 $0x1C00, s17;
	v12 =	vld.idx.msk [tilespmem:v14+s15+$0x0], $0xffff  }
0x268: {  	s2 =	sand.u32 $0x280, s2;
	s11 =	sadd.s32 $0x9D00, s1;
	v11 =	vld.idx.msk [tilespmem:v15+s15+$0x0], $0xffff  }
0x269: {  	s2 =	sor.u32 s2, s11;
	v10 =	vld.idx.msk [tilespmem:v16+s15+$0x0], $0xffff  }
0x26a: {  	s3 =	simm.s32 $0x180;
	s31 =	simm.s32 $0x2;
	v13 =	vld.idx.msk [tilespmem:v17+s15+$0x0], $0xffff;
	[tilespmem:s2+$0x70] =	vst v18  }
0x26b: {  	s9 =	simm.s32 $0x100;
	s10 =	simm.s32 $0x4;
	s1 =	simm.s32 $0x180;
	v14 =	vmov s31;
	[tilespmem:s2+$0x10] =	vst v19  }
.LBB2_14:
0x26c: {  	p0 =	slt.u32 s10, $0x3C;
	[tilespmem:s2+$0x20] =	vst v9;
	v9 =	vand.u32 $0x3E, v14;
	s3 =	sadd.s32 $0x200, s3;
	s5 =	sadd.s32 $0x200, s5  }
0x26d: {  	s8 =	smov.u32 s10;
	s10 =	sadd.s32 $0x4, s10;
	s7 =	sadd.s32 $0xFFFFFF80, s3;
	[tilespmem:s2+$0x40] =	vst v12;
	v12 =	vadd.s32 v0, v9  }
0x26e: {  	[tilespmem:s2+$0x50] =	vst v11;
	v11 =	vadd.s32 v1, v9  }
0x26f: {  	[tilespmem:s2+$0x0] =	vst v13;
	v13 =	vadd.s32 v2, v9  }
0x270: {  	[tilespmem:s2+$0x30] =	vst v8;
	v8 =	vadd.s32 v5, v9  }
0x271: {  	[tilespmem:s2+$0x60] =	vst v10;
	v10 =	vadd.s32 v6, v9  }
0x272: {  	v14 =	vadd.s32 v7, v9;
	v12 =	vld.idx.msk [tilespmem:v12+s15+$0x0], $0xffff  }
0x273: {  	v15 =	vadd.s32 v3, v9;
	v11 =	vld.idx.msk [tilespmem:v11+s15+$0x0], $0xffff  }
0x274: {  	v9 =	vadd.s32 v4, v9;
	v13 =	vld.idx.msk [tilespmem:v13+s15+$0x0], $0xffff  }
0x275: {  	v8 =	vld.idx.msk [tilespmem:v8+s15+$0x0], $0xffff  }
0x276: {  	v10 =	vld.idx.msk [tilespmem:v10+s15+$0x0], $0xffff  }
0x277: {  	v14 =	vld.idx.msk [tilespmem:v14+s15+$0x0], $0xffff  }
0x278: {  	s2 =	sand.u32 $0x300, s9;
	s9 =	smov.u32 s7;
	v15 =	vld.idx.msk [tilespmem:v15+s15+$0x0], $0xffff  }
0x279: {  	s2 =	sadd.s32 s2, s11;
	v9 =	vld.idx.msk [tilespmem:v9+s15+$0x0], $0xffff  }
0x27a: {  	s7 =	sadd.s32 $0x3, s0;
	s0 =	smov.u32 s8;
	[tilespmem:s2+$0x0] =	vst v12  }
0x27b: {  	[tilespmem:s2+$0x50] =	vst v8;
	v8 =	vmov s7  }
0x27c: {  	[tilespmem:s2+$0x60] =	vst v10;
	v8 =	vand.u32 $0x3F, v8  }
0x27d: {  	[tilespmem:s2+$0x70] =	vst v14;
	v10 =	vadd.s32 v0, v8  }
0x27e: {  	v12 =	vadd.s32 v1, v8;
	[tilespmem:s2+$0x20] =	vst v13  }
0x27f: {  	[tilespmem:s2+$0x40] =	vst v9;
	v9 =	vadd.s32 v2, v8  }
0x280: {  	v13 =	vadd.s32 v3, v8;
	[tilespmem:s2+$0x30] =	vst v15  }
0x281: {  	[tilespmem:s2+$0x10] =	vst v11;
	v11 =	vadd.s32 v4, v8  }
0x282: {  	v14 =	vadd.s32 v5, v8;
	v10 =	vld.idx.msk [tilespmem:v10+s15+$0x0], $0xffff  }
0x283: {  	v15 =	vadd.s32 v6, v8;
	v12 =	vld.idx.msk [tilespmem:v12+s15+$0x0], $0xffff  }
0x284: {  	v8 =	vadd.s32 v7, v8;
	v9 =	vld.idx.msk [tilespmem:v9+s15+$0x0], $0xffff  }
0x285: {  	v13 =	vld.idx.msk [tilespmem:v13+s15+$0x0], $0xffff  }
0x286: {  	v11 =	vld.idx.msk [tilespmem:v11+s15+$0x0], $0xffff  }
0x287: {  	v14 =	vld.idx.msk [tilespmem:v14+s15+$0x0], $0xffff  }
0x288: {  	s2 =	sand.u32 $0x380, s1;
	s1 =	smov.u32 s3;
	v15 =	vld.idx.msk [tilespmem:v15+s15+$0x0], $0xffff  }
0x289: {  	s2 =	sadd.s32 s2, s11;
	v8 =	vld.idx.msk [tilespmem:v8+s15+$0x0], $0xffff  }
0x28a: {  	[tilespmem:s2+$0x0] =	vst v10  }
0x28b: {  	v10 =	vmov s0;
	[tilespmem:s2+$0x30] =	vst v13  }
0x28c: {  	v10 =	vand.u32 $0x3C, v10;
	[tilespmem:s2+$0x40] =	vst v11  }
0x28d: {  	v11 =	vadd.s32 v0, v10;
	v13 =	vadd.s32 v1, v10;
	v16 =	vadd.s32 v7, v10;
	[tilespmem:s2+$0x50] =	vst v14  }
0x28e: {  	v17 =	vadd.s32 v3, v10;
	v18 =	vadd.s32 v6, v10;
	v14 =	vadd.s32 v2, v10;
	[tilespmem:s2+$0x60] =	vst v15  }
0x28f: {  	v15 =	vadd.s32 v4, v10;
	v10 =	vadd.s32 v5, v10;
	[tilespmem:s2+$0x70] =	vst v8  }
0x290: {  	[tilespmem:s2+$0x10] =	vst v12  }
0x291: {  	[tilespmem:s2+$0x20] =	vst v9  }
0x292: {  	v8 =	vld.idx.msk [tilespmem:v13+s15+$0x0], $0xffff  }
0x293: {  	v9 =	vld.idx.msk [tilespmem:v16+s15+$0x0], $0xffff  }
0x294: {  	v12 =	vld.idx.msk [tilespmem:v18+s15+$0x0], $0xffff  }
0x295: {  	v10 =	vld.idx.msk [tilespmem:v10+s15+$0x0], $0xffff  }
0x296: {  	v13 =	vld.idx.msk [tilespmem:v17+s15+$0x0], $0xffff  }
0x297: {  	v15 =	vld.idx.msk [tilespmem:v15+s15+$0x0], $0xffff  }
0x298: {  	v14 =	vld.idx.msk [tilespmem:v14+s15+$0x0], $0xffff  }
0x299: {  	v11 =	vld.idx.msk [tilespmem:v11+s15+$0x0], $0xffff  }
0x29a: {  	[tilespmem:s5+$0xFFFFFFD0] =	vst v8  }
0x29b: {  	s2 =	sadd.s32 $0x1, s0;
	[tilespmem:s5+$0x20] =	vst v12  }
0x29c: {  	v8 =	vmov s2;
	[tilespmem:s5+$0x10] =	vst v10  }
0x29d: {  	v10 =	vand.u32 $0x3D, v8;
	[tilespmem:s5+$0x0] =	vst v15  }
0x29e: {  	v8 =	vadd.s32 v2, v10;
	[tilespmem:s5+$0xFFFFFFE0] =	vst v14  }
0x29f: {  	v12 =	vadd.s32 v3, v10;
	[tilespmem:s5+$0xFFFFFFF0] =	vst v13  }
0x2a0: {  	v13 =	vadd.s32 v7, v10;
	[tilespmem:s5+$0x30] =	vst v9  }
0x2a1: {  	v14 =	vadd.s32 v1, v10  }
0x2a2: {  	[tilespmem:s5+$0xFFFFFFC0] =	vst v11;
	v11 =	vadd.s32 v4, v10  }
0x2a3: {  	v15 =	vadd.s32 v5, v10;
	v9 =	vld.idx.msk [tilespmem:v8+s15+$0x0], $0xffff  }
0x2a4: {  	v16 =	vadd.s32 v6, v10;
	v8 =	vld.idx.msk [tilespmem:v12+s15+$0x0], $0xffff  }
0x2a5: {  	v17 =	vadd.s32 v0, v10;
	v18 =	vld.idx.msk [tilespmem:v13+s15+$0x0], $0xffff  }
0x2a6: {  	v14 =	vld.idx.msk [tilespmem:v14+s15+$0x0], $0xffff  }
0x2a7: {  	s2 =	sadd.s32 $0xFFFFFE80, s3;
	v12 =	vld.idx.msk [tilespmem:v11+s15+$0x0], $0xffff  }
.Ltmp6:
0x2a8: {  	s7 =	sadd.s32 $0xFFFFFF00, s3;
	s2 =	sand.u32 $0x1C00, s2;
	v11 =	vld.idx.msk [tilespmem:v15+s15+$0x0], $0xffff;
	(pc) =	sbr.rel @p0 .LBB2_14-.Ltmp6, $4  }
0x2a9: {  	s7 =	sand.u32 $0x280, s7;
	s11 =	sadd.s32 $0x9D00, s2;
	v10 =	vld.idx.msk [tilespmem:v16+s15+$0x0], $0xffff  }
0x2aa: {  	s2 =	sor.u32 s7, s11;
	v13 =	vld.idx.msk [tilespmem:v17+s15+$0x0], $0xffff  }
0x2ab: {  	s7 =	sadd.s32 $0x2, s0;
	[tilespmem:s2+$0x70] =	vst v18  }
0x2ac: {  	[tilespmem:s2+$0x10] =	vst v14;
	v14 =	vmov s7  }
0x2ad: {  	[tilespmem:s2+$0x20] =	vst v9;
	v9 =	vand.u32 $0x3E, v14  }
0x2ae: {  	[tilespmem:s2+$0x40] =	vst v12;
	v12 =	vadd.s32 v0, v9  }
0x2af: {  	[tilespmem:s2+$0x50] =	vst v11;
	v11 =	vadd.s32 v1, v9  }
0x2b0: {  	[tilespmem:s2+$0x30] =	vst v8;
	v8 =	vadd.s32 v5, v9  }
0x2b1: {  	[tilespmem:s2+$0x60] =	vst v10;
	v10 =	vadd.s32 v6, v9  }
0x2b2: {  	v14 =	vadd.s32 v7, v9;
	[tilespmem:s2+$0x0] =	vst v13  }
0x2b3: {  	v15 =	vadd.s32 v3, v9;
	v12 =	vld.idx.msk [tilespmem:v12+s15+$0x0], $0xffff  }
0x2b4: {  	v13 =	vadd.s32 v2, v9;
	v11 =	vld.idx.msk [tilespmem:v11+s15+$0x0], $0xffff  }
0x2b5: {  	v9 =	vadd.s32 v4, v9;
	v8 =	vld.idx.msk [tilespmem:v8+s15+$0x0], $0xffff  }
0x2b6: {  	v10 =	vld.idx.msk [tilespmem:v10+s15+$0x0], $0xffff  }
0x2b7: {  	v14 =	vld.idx.msk [tilespmem:v14+s15+$0x0], $0xffff  }
0x2b8: {  	s9 =	sand.u32 $0x300, s9;
	v15 =	vld.idx.msk [tilespmem:v15+s15+$0x0], $0xffff  }
0x2b9: {  	s2 =	sadd.s32 s9, s11;
	v13 =	vld.idx.msk [tilespmem:v13+s15+$0x0], $0xffff  }
0x2ba: {  	s0 =	sadd.s32 $0x3, s0;
	v9 =	vld.idx.msk [tilespmem:v9+s15+$0x0], $0xffff;
	[tilespmem:s2+$0x0] =	vst v12  }
0x2bb: {  	[tilespmem:s2+$0x50] =	vst v8;
	v8 =	vmov s0  }
0x2bc: {  	[tilespmem:s2+$0x60] =	vst v10;
	v8 =	vand.u32 $0x3F, v8  }
0x2bd: {  	[tilespmem:s2+$0x70] =	vst v14;
	v10 =	vadd.s32 v0, v8  }
0x2be: {  	[tilespmem:s2+$0x30] =	vst v15;
	v12 =	vadd.s32 v1, v8  }
0x2bf: {  	[tilespmem:s2+$0x40] =	vst v9;
	v9 =	vadd.s32 v2, v8  }
0x2c0: {  	[tilespmem:s2+$0x20] =	vst v13;
	v13 =	vadd.s32 v3, v8  }
0x2c1: {  	[tilespmem:s2+$0x10] =	vst v11;
	v11 =	vadd.s32 v4, v8  }
0x2c2: {  	v14 =	vadd.s32 v5, v8;
	v10 =	vld.idx.msk [tilespmem:v10+s15+$0x0], $0xffff  }
0x2c3: {  	v15 =	vadd.s32 v6, v8;
	v12 =	vld.idx.msk [tilespmem:v12+s15+$0x0], $0xffff  }
0x2c4: {  	v8 =	vadd.s32 v7, v8;
	v9 =	vld.idx.msk [tilespmem:v9+s15+$0x0], $0xffff  }
0x2c5: {  	v13 =	vld.idx.msk [tilespmem:v13+s15+$0x0], $0xffff  }
0x2c6: {  	v11 =	vld.idx.msk [tilespmem:v11+s15+$0x0], $0xffff  }
0x2c7: {  	s10 =	sand.u32 $0x380, s1;
	v14 =	vld.idx.msk [tilespmem:v14+s15+$0x0], $0xffff  }
0x2c8: {  	s0 =	sadd.s32 s10, s11;
	v15 =	vld.idx.msk [tilespmem:v15+s15+$0x0], $0xffff  }
0x2c9: {  	v8 =	vld.idx.msk [tilespmem:v8+s15+$0x0], $0xffff;
	[tilespmem:s0+$0x0] =	vst v10  }
0x2ca: {  	[tilespmem:s0+$0x30] =	vst v13  }
0x2cb: {  	[tilespmem:s0+$0x40] =	vst v11  }
0x2cc: {  	[tilespmem:s0+$0x50] =	vst v14  }
0x2cd: {  	[tilespmem:s0+$0x60] =	vst v15  }
0x2ce: {  	[tilespmem:s0+$0x70] =	vst v8  }
0x2cf: {  	[tilespmem:s0+$0x10] =	vst v12  }
0x2d0: {  	s11 =	rddreg [dreg:$0x6];
	[tilespmem:s0+$0x20] =	vst v9;
	s0 =	simm.s32 $0x0  }
0x2d1: {  	[hbm4b:s11+s21] =	stream.strided.scatter [tilespmem:s23], [sflag:$0x5], $0x2000, s22, s21, $0x38;
	v8 =	vmov s0;
	[tilespmem:$0xDD00] =	vst v63  }
0x2d2: {  	_ =	swait.ge [sflag:s24], $0x2400;
	v8 =	vand.u32 $0x3C, v8  }
0x2d3: {  	[sflag:s24] =	ssyncset.done $0x0;
	v9 =	vadd.s32 v1, v8  }
0x2d4: {  	v10 =	vadd.s32 v7, v8;
	[sflag:s24] =	ssyncadd.s32 $0xFFFFDC00  }
0x2d5: {  	v11 =	vadd.s32 v6, v8;
	_ =	swait.ge [sflag:s30], $0x2000  }
0x2d6: {  	v12 =	vadd.s32 v5, v8;
	[sflag:s30] =	ssyncset.done $0x0  }
0x2d7: {  	v13 =	vadd.s32 v3, v8;
	[sflag:s30] =	ssyncadd.s32 $0xFFFFE000  }
0x2d8: {  	v14 =	vadd.s32 v4, v8;
	v9 =	vld.idx.msk [tilespmem:v9+s16+$0x0], $0xffff  }
0x2d9: {  	v15 =	vadd.s32 v2, v8;
	v10 =	vld.idx.msk [tilespmem:v10+s16+$0x0], $0xffff  }
0x2da: {  	v8 =	vadd.s32 v0, v8;
	v11 =	vld.idx.msk [tilespmem:v11+s16+$0x0], $0xffff  }
0x2db: {  	v12 =	vld.idx.msk [tilespmem:v12+s16+$0x0], $0xffff  }
0x2dc: {  	v13 =	vld.idx.msk [tilespmem:v13+s16+$0x0], $0xffff  }
0x2dd: {  	v14 =	vld.idx.msk [tilespmem:v14+s16+$0x0], $0xffff  }
0x2de: {  	s5 =	simm.s32 $0xBD40;
	v15 =	vld.idx.msk [tilespmem:v15+s16+$0x0], $0xffff  }
0x2df: {  	s13 =	simm.s32 $0x1;
	v8 =	vld.idx.msk [tilespmem:v8+s16+$0x0], $0xffff;
	[tilespmem:s5+$0xFFFFFFD0] =	vst v9  }
0x2e0: {  	[tilespmem:s5+$0x20] =	vst v11;
	v9 =	vmov s13  }
0x2e1: {  	[tilespmem:s5+$0x10] =	vst v12;
	v11 =	vand.u32 $0x3D, v9  }
0x2e2: {  	[tilespmem:s5+$0x0] =	vst v14;
	v9 =	vadd.s32 v2, v11  }
0x2e3: {  	[tilespmem:s5+$0xFFFFFFE0] =	vst v15;
	v12 =	vadd.s32 v3, v11  }
0x2e4: {  	[tilespmem:s5+$0xFFFFFFF0] =	vst v13;
	v13 =	vadd.s32 v7, v11  }
0x2e5: {  	[tilespmem:s5+$0x30] =	vst v10;
	v10 =	vadd.s32 v1, v11  }
0x2e6: {  	[tilespmem:s5+$0xFFFFFFC0] =	vst v8;
	v14 =	vadd.s32 v4, v11  }
0x2e7: {  	v15 =	vadd.s32 v5, v11;
	v9 =	vld.idx.msk [tilespmem:v9+s16+$0x0], $0xffff  }
0x2e8: {  	v16 =	vadd.s32 v6, v11;
	v8 =	vld.idx.msk [tilespmem:v12+s16+$0x0], $0xffff  }
0x2e9: {  	v17 =	vadd.s32 v0, v11;
	v18 =	vld.idx.msk [tilespmem:v13+s16+$0x0], $0xffff  }
0x2ea: {  	s14 =	simm.s32 $0x0;
	v19 =	vld.idx.msk [tilespmem:v10+s16+$0x0], $0xffff  }
0x2eb: {  	s17 =	simm.s32 $0x80;
	s1 =	sand.u32 $0x1C00, s14;
	v12 =	vld.idx.msk [tilespmem:v14+s16+$0x0], $0xffff  }
0x2ec: {  	s2 =	sand.u32 $0x280, s17;
	s11 =	sadd.s32 $0xBD00, s1;
	v11 =	vld.idx.msk [tilespmem:v15+s16+$0x0], $0xffff  }
0x2ed: {  	s2 =	sor.u32 s2, s11;
	v10 =	vld.idx.msk [tilespmem:v16+s16+$0x0], $0xffff  }
0x2ee: {  	s3 =	simm.s32 $0x180;
	s31 =	simm.s32 $0x2;
	v13 =	vld.idx.msk [tilespmem:v17+s16+$0x0], $0xffff;
	[tilespmem:s2+$0x70] =	vst v18  }
0x2ef: {  	s9 =	simm.s32 $0x100;
	s10 =	simm.s32 $0x4;
	s1 =	simm.s32 $0x180;
	v14 =	vmov s31;
	[tilespmem:s2+$0x10] =	vst v19  }
.LBB2_16:
0x2f0: {  	p0 =	slt.u32 s10, $0x3C;
	[tilespmem:s2+$0x20] =	vst v9;
	v9 =	vand.u32 $0x3E, v14;
	s3 =	sadd.s32 $0x200, s3;
	s5 =	sadd.s32 $0x200, s5  }
0x2f1: {  	s8 =	smov.u32 s10;
	s10 =	sadd.s32 $0x4, s10;
	s7 =	sadd.s32 $0xFFFFFF80, s3;
	[tilespmem:s2+$0x40] =	vst v12;
	v12 =	vadd.s32 v0, v9  }
0x2f2: {  	[tilespmem:s2+$0x50] =	vst v11;
	v11 =	vadd.s32 v1, v9  }
0x2f3: {  	[tilespmem:s2+$0x0] =	vst v13;
	v13 =	vadd.s32 v2, v9  }
0x2f4: {  	[tilespmem:s2+$0x30] =	vst v8;
	v8 =	vadd.s32 v5, v9  }
0x2f5: {  	[tilespmem:s2+$0x60] =	vst v10;
	v10 =	vadd.s32 v6, v9  }
0x2f6: {  	v14 =	vadd.s32 v7, v9;
	v12 =	vld.idx.msk [tilespmem:v12+s16+$0x0], $0xffff  }
0x2f7: {  	v15 =	vadd.s32 v3, v9;
	v11 =	vld.idx.msk [tilespmem:v11+s16+$0x0], $0xffff  }
0x2f8: {  	v9 =	vadd.s32 v4, v9;
	v13 =	vld.idx.msk [tilespmem:v13+s16+$0x0], $0xffff  }
0x2f9: {  	v8 =	vld.idx.msk [tilespmem:v8+s16+$0x0], $0xffff  }
0x2fa: {  	v10 =	vld.idx.msk [tilespmem:v10+s16+$0x0], $0xffff  }
0x2fb: {  	v14 =	vld.idx.msk [tilespmem:v14+s16+$0x0], $0xffff  }
0x2fc: {  	s2 =	sand.u32 $0x300, s9;
	s9 =	smov.u32 s7;
	v15 =	vld.idx.msk [tilespmem:v15+s16+$0x0], $0xffff  }
0x2fd: {  	s2 =	sadd.s32 s2, s11;
	v9 =	vld.idx.msk [tilespmem:v9+s16+$0x0], $0xffff  }
0x2fe: {  	s7 =	sadd.s32 $0x3, s0;
	s0 =	smov.u32 s8;
	[tilespmem:s2+$0x0] =	vst v12  }
0x2ff: {  	[tilespmem:s2+$0x50] =	vst v8;
	v8 =	vmov s7  }
0x300: {  	[tilespmem:s2+$0x60] =	vst v10;
	v8 =	vand.u32 $0x3F, v8  }
0x301: {  	[tilespmem:s2+$0x70] =	vst v14;
	v10 =	vadd.s32 v0, v8  }
0x302: {  	v12 =	vadd.s32 v1, v8;
	[tilespmem:s2+$0x20] =	vst v13  }
0x303: {  	[tilespmem:s2+$0x40] =	vst v9;
	v9 =	vadd.s32 v2, v8  }
0x304: {  	v13 =	vadd.s32 v3, v8;
	[tilespmem:s2+$0x30] =	vst v15  }
0x305: {  	[tilespmem:s2+$0x10] =	vst v11;
	v11 =	vadd.s32 v4, v8  }
0x306: {  	v14 =	vadd.s32 v5, v8;
	v10 =	vld.idx.msk [tilespmem:v10+s16+$0x0], $0xffff  }
0x307: {  	v15 =	vadd.s32 v6, v8;
	v12 =	vld.idx.msk [tilespmem:v12+s16+$0x0], $0xffff  }
0x308: {  	v8 =	vadd.s32 v7, v8;
	v9 =	vld.idx.msk [tilespmem:v9+s16+$0x0], $0xffff  }
0x309: {  	v13 =	vld.idx.msk [tilespmem:v13+s16+$0x0], $0xffff  }
0x30a: {  	v11 =	vld.idx.msk [tilespmem:v11+s16+$0x0], $0xffff  }
0x30b: {  	v14 =	vld.idx.msk [tilespmem:v14+s16+$0x0], $0xffff  }
0x30c: {  	s2 =	sand.u32 $0x380, s1;
	s1 =	smov.u32 s3;
	v15 =	vld.idx.msk [tilespmem:v15+s16+$0x0], $0xffff  }
0x30d: {  	s2 =	sadd.s32 s2, s11;
	v8 =	vld.idx.msk [tilespmem:v8+s16+$0x0], $0xffff  }
0x30e: {  	[tilespmem:s2+$0x0] =	vst v10  }
0x30f: {  	v10 =	vmov s0;
	[tilespmem:s2+$0x30] =	vst v13  }
0x310: {  	v10 =	vand.u32 $0x3C, v10;
	[tilespmem:s2+$0x40] =	vst v11  }
0x311: {  	v11 =	vadd.s32 v0, v10;
	v13 =	vadd.s32 v1, v10;
	v16 =	vadd.s32 v7, v10;
	[tilespmem:s2+$0x50] =	vst v14  }
0x312: {  	v17 =	vadd.s32 v3, v10;
	v18 =	vadd.s32 v6, v10;
	v14 =	vadd.s32 v2, v10;
	[tilespmem:s2+$0x60] =	vst v15  }
0x313: {  	v15 =	vadd.s32 v4, v10;
	v10 =	vadd.s32 v5, v10;
	[tilespmem:s2+$0x70] =	vst v8  }
0x314: {  	[tilespmem:s2+$0x10] =	vst v12  }
0x315: {  	[tilespmem:s2+$0x20] =	vst v9  }
0x316: {  	v8 =	vld.idx.msk [tilespmem:v13+s16+$0x0], $0xffff  }
0x317: {  	v9 =	vld.idx.msk [tilespmem:v16+s16+$0x0], $0xffff  }
0x318: {  	v12 =	vld.idx.msk [tilespmem:v18+s16+$0x0], $0xffff  }
0x319: {  	v10 =	vld.idx.msk [tilespmem:v10+s16+$0x0], $0xffff  }
0x31a: {  	v13 =	vld.idx.msk [tilespmem:v17+s16+$0x0], $0xffff  }
0x31b: {  	v15 =	vld.idx.msk [tilespmem:v15+s16+$0x0], $0xffff  }
0x31c: {  	v14 =	vld.idx.msk [tilespmem:v14+s16+$0x0], $0xffff  }
0x31d: {  	v11 =	vld.idx.msk [tilespmem:v11+s16+$0x0], $0xffff  }
0x31e: {  	[tilespmem:s5+$0xFFFFFFD0] =	vst v8  }
0x31f: {  	s2 =	sadd.s32 $0x1, s0;
	[tilespmem:s5+$0x20] =	vst v12  }
0x320: {  	v8 =	vmov s2;
	[tilespmem:s5+$0x10] =	vst v10  }
0x321: {  	v10 =	vand.u32 $0x3D, v8;
	[tilespmem:s5+$0x0] =	vst v15  }
0x322: {  	v8 =	vadd.s32 v2, v10;
	[tilespmem:s5+$0xFFFFFFE0] =	vst v14  }
0x323: {  	v12 =	vadd.s32 v3, v10;
	[tilespmem:s5+$0xFFFFFFF0] =	vst v13  }
0x324: {  	v13 =	vadd.s32 v7, v10;
	[tilespmem:s5+$0x30] =	vst v9  }
0x325: {  	v14 =	vadd.s32 v1, v10  }
0x326: {  	[tilespmem:s5+$0xFFFFFFC0] =	vst v11;
	v11 =	vadd.s32 v4, v10  }
0x327: {  	v15 =	vadd.s32 v5, v10;
	v9 =	vld.idx.msk [tilespmem:v8+s16+$0x0], $0xffff  }
0x328: {  	v16 =	vadd.s32 v6, v10;
	v8 =	vld.idx.msk [tilespmem:v12+s16+$0x0], $0xffff  }
0x329: {  	v17 =	vadd.s32 v0, v10;
	v18 =	vld.idx.msk [tilespmem:v13+s16+$0x0], $0xffff  }
0x32a: {  	v14 =	vld.idx.msk [tilespmem:v14+s16+$0x0], $0xffff  }
0x32b: {  	s2 =	sadd.s32 $0xFFFFFE80, s3;
	v12 =	vld.idx.msk [tilespmem:v11+s16+$0x0], $0xffff  }
.Ltmp7:
0x32c: {  	s7 =	sadd.s32 $0xFFFFFF00, s3;
	s2 =	sand.u32 $0x1C00, s2;
	v11 =	vld.idx.msk [tilespmem:v15+s16+$0x0], $0xffff;
	(pc) =	sbr.rel @p0 .LBB2_16-.Ltmp7, $4  }
0x32d: {  	s7 =	sand.u32 $0x280, s7;
	s11 =	sadd.s32 $0xBD00, s2;
	v10 =	vld.idx.msk [tilespmem:v16+s16+$0x0], $0xffff  }
0x32e: {  	s2 =	sor.u32 s7, s11;
	v13 =	vld.idx.msk [tilespmem:v17+s16+$0x0], $0xffff  }
0x32f: {  	s7 =	sadd.s32 $0x2, s0;
	[tilespmem:s2+$0x70] =	vst v18  }
0x330: {  	[tilespmem:s2+$0x10] =	vst v14;
	v14 =	vmov s7  }
0x331: {  	[tilespmem:s2+$0x20] =	vst v9;
	v52 =	vand.u32 $0x3E, v14  }
0x332: {  	[tilespmem:s2+$0x40] =	vst v12;
	v53 =	vadd.s32 v0, v52  }
0x333: {  	[tilespmem:s2+$0x50] =	vst v11;
	v54 =	vadd.s32 v1, v52  }
0x334: {  	[tilespmem:s2+$0x30] =	vst v8;
	v55 =	vadd.s32 v2, v52  }
0x335: {  	v8 =	vadd.s32 v5, v52;
	[tilespmem:s2+$0x60] =	vst v10  }
0x336: {  	v56 =	vadd.s32 v6, v52;
	[tilespmem:s2+$0x0] =	vst v13  }
0x337: {  	v14 =	vadd.s32 v7, v52;
	v12 =	vld.idx.msk [tilespmem:v53+s16+$0x0], $0xffff  }
0x338: {  	v15 =	vadd.s32 v3, v52;
	v11 =	vld.idx.msk [tilespmem:v54+s16+$0x0], $0xffff  }
0x339: {  	v9 =	vadd.s32 v4, v52;
	v13 =	vld.idx.msk [tilespmem:v55+s16+$0x0], $0xffff  }
0x33a: {  	v8 =	vld.idx.msk [tilespmem:v8+s16+$0x0], $0xffff  }
0x33b: {  	v10 =	vld.idx.msk [tilespmem:v56+s16+$0x0], $0xffff  }
0x33c: {  	s10 =	sand.u32 $0x300, s9;
	v14 =	vld.idx.msk [tilespmem:v14+s16+$0x0], $0xffff  }
0x33d: {  	s2 =	sadd.s32 s10, s11;
	v15 =	vld.idx.msk [tilespmem:v15+s16+$0x0], $0xffff  }
0x33e: {  	s0 =	sadd.s32 $0x3, s0;
	v9 =	vld.idx.msk [tilespmem:v9+s16+$0x0], $0xffff;
	[tilespmem:s2+$0x0] =	vst v12  }
0x33f: {  	[tilespmem:s2+$0x50] =	vst v8;
	v8 =	vmov s0  }
0x340: {  	[tilespmem:s2+$0x60] =	vst v10;
	v8 =	vand.u32 $0x3F, v8  }
0x341: {  	[tilespmem:s2+$0x70] =	vst v14;
	v57 =	vadd.s32 v0, v8  }
0x342: {  	[tilespmem:s2+$0x20] =	vst v13;
	v58 =	vadd.s32 v1, v8  }
0x343: {  	[tilespmem:s2+$0x40] =	vst v9;
	v59 =	vadd.s32 v2, v8  }
0x344: {  	[tilespmem:s2+$0x30] =	vst v15;
	v60 =	vadd.s32 v3, v8  }
0x345: {  	[tilespmem:s2+$0x10] =	vst v11;
	v61 =	vadd.s32 v4, v8  }
0x346: {  	v62 =	vadd.s32 v5, v8;
	v10 =	vld.idx.msk [tilespmem:v57+s16+$0x0], $0xffff  }
0x347: {  	v63 =	vadd.s32 v6, v8;
	v12 =	vld.idx.msk [tilespmem:v58+s16+$0x0], $0xffff  }
0x348: {  	v8 =	vadd.s32 v7, v8;
	v9 =	vld.idx.msk [tilespmem:v59+s16+$0x0], $0xffff  }
0x349: {  	v13 =	vld.idx.msk [tilespmem:v60+s16+$0x0], $0xffff  }
0x34a: {  	v11 =	vld.idx.msk [tilespmem:v61+s16+$0x0], $0xffff  }
0x34b: {  	s13 =	sand.u32 $0x380, s1;
	v14 =	vld.idx.msk [tilespmem:v62+s16+$0x0], $0xffff  }
0x34c: {  	s0 =	sadd.s32 s13, s11;
	v15 =	vld.idx.msk [tilespmem:v63+s16+$0x0], $0xffff  }
0x34d: {  	v8 =	vld.idx.msk [tilespmem:v8+s16+$0x0], $0xffff;
	[tilespmem:s0+$0x0] =	vst v10  }
0x34e: {  	[tilespmem:s0+$0x30] =	vst v13  }
0x34f: {  	[tilespmem:s0+$0x40] =	vst v11  }
0x350: {  	[tilespmem:s0+$0x50] =	vst v14  }
0x351: {  	[tilespmem:s0+$0x60] =	vst v15  }
0x352: {  	[tilespmem:s0+$0x70] =	vst v8  }
0x353: {  	[tilespmem:s0+$0x10] =	vst v12  }
0x354: {  	s14 =	rddreg [dreg:$0x7];
	[tilespmem:s0+$0x20] =	vst v9  }
0x355: {  	[hbm4b:s14+s21] =	stream.strided.scatter [tilespmem:s25], [sflag:$0x6], $0x2000, s22, s21, $0x38;
	[tilespmem:$0xDD00] =	vst v63  }
0x356: {  	_ =	swait.ge [sflag:s28], $0x2000  }
0x357: {  	[sflag:s28] =	ssyncset.done $0x0  }
0x358: {  	[sflag:s28] =	ssyncadd.s32 $0xFFFFE000  }
0x359: {  	_ =	swait.ge [sflag:s30], $0x2000  }
0x35a: {  	s17 =	rddreg [dreg:$0x9]  }
0x35b: {  	s31 =	rddreg [dreg:$0x8];
	s1 =	sadd.s32 $0x1, s17  }
0x35c: {  	p0 =	sne.s32 s1, s31  }
.Ltmp8:
0x35d: {  	_ = 	snop;
	(pc) =	sbr.rel @p0 .LBB2_1-.Ltmp8, $3  }
0x35e: {  	_ =	sdelay $0x1  }
0x35f: {  	[sflag:s30] =	ssyncset.done $0x0  }
0x360: {  	[sflag:s30] =	ssyncadd.s32 $0xFFFFE000  }
0x361: {  	_ =	sfence.sel $0x180000  }
0x362: {  	[bflag:$0x0] =	sbarrier.arrive $0xFFFF  }
0x363: {  	_ =	strace $0x90000047  }
0x364: {  	s0 =	stileid.u32;
	[bflag:$0x2] =	sbarrier.arrive $0xFFFF  }
0x365: {  	p0 =	sne.s32 s0, $0x0;
	s0 =	rddreg [dreg:$0x2]  }
0x366: {  	s0 =	sadd.s32 @!p0 $0x100000, s0  }
0x367: {  	[sflag:s0] =	ssyncadd.tile.s32 @!p0 $0x1;
	_ =	shalt  }
.Lfunc_end2:
_tile_overlayer_lowered:
.L_overlay_start_2:
0x368: {  	(tag) =	ssettag $0x2  }
0x369: {  	s0 =	rddreg [dreg:$0x0];
	s2 =	stileid.u32  }
0x36a: {  	s1 =	rddreg [dreg:$0x1];
	p0 =	sne.s32 s2, $0x0  }
0x36b: {  	s3 =	rddreg [dreg:$0x2];
	[bflag:$0x3] =	sbarrier.arrive $0xFFFF;
	s2 =	simm.s32 @!p0 $0x1C07  }
0x36c: {  	[timem:s3], [sflag:s2] =	dma.local @!p0 [hbm:s0], s1  }
0x36d: {  	s0 =	simm.s32 @!p0 $0x7  }
0x36e: {  	_ =	swait.ge @!p0 [sflag:s0], s1  }
0x36f: {  	s1 =	ssub.s32 @!p0 $0x0, s1;
	[sflag:s0] =	ssyncset.done @!p0 $0x0  }
0x370: {  	[sflag:s0] =	ssyncadd.s32 @!p0 s1  }
0x371: {  	[bflag:$0x3] =	sbarrier.arrive $0xFFFF  }
0x372: {  	_ =	shalt  }

</sc_bundles>
